<compile_context>
chip_gen: v7x
topology: tpu7x:2x2x1
jax: 0.10.2.dev20260603
libtpu: 0.0.44.dev20260713+nightly
codegen_flags: <defaults>
</compile_context>

<pallas_src>
import jax
import jax.numpy as jnp
from jax import lax
from jax.experimental import pallas as pl
from jax.experimental.pallas import tpu as pltpu
from jax.experimental.pallas import tpu_sc as plsc

_NC = 2
_NS = 16
_NW = _NC * _NS
_V = 1000000
_D = 32
_B = 4096
_H = 200
_FULL_TC = _V // 128
_TAIL_V = _FULL_TC * 128
_NG = _FULL_TC // 4


def _transpose_body(tabT_hbm, scratch_hbm,
                    blk0, blk1, tbk0, tbk1, isem0, isem1, osem0, osem1):
    c = lax.axis_index("c")
    s = lax.axis_index("s")
    wid = s * _NC + c
    iota = lax.iota(jnp.int32, 16)
    iotas = (iota, iota + 16)

    def fire_in(j, blk, isem):
        g = j * _NW + wid

        @pl.when(g < _NG)
        def _():
            pltpu.async_copy(tabT_hbm.at[:, pl.ds(g * 512, 512)], blk, isem)

    iota32 = iota * 32

    def transpose(blk, tbk):
        def vchunk(vc, _):
            v0 = vc * 16
            cols = jnp.zeros((16,), jnp.int32) + v0 + iota
            base = jnp.zeros((16,), jnp.int32) + (v0 * 32) + iota32
            xs = []
            dvs = []
            for s in range(0, 32, 1):
                dv = (iota + s) & 31
                dvs.append(dv)
                xs.append(plsc.load_gather(blk, [dv, cols]))
                if s % 8 == 7:
                    for q in range(8):
                        plsc.store_scatter(tbk, [base + dvs[q]], xs[q])
                    xs = []
                    dvs = []
            return ()

        lax.fori_loop(0, 32, vchunk, (), unroll=False)

    def step(j, blk, tbk, isem, osem):
        g = j * _NW + wid
        gp = (j - 2) * _NW + wid

        @pl.when(g < _NG)
        def _():
            pltpu.make_async_copy(
                tabT_hbm.at[:, pl.ds(0, 512)], blk, isem).wait()

        @pl.when((j >= 2) & (gp < _NG))
        def _():
            pltpu.make_async_copy(
                tbk, scratch_hbm.at[pl.ds(0, 16384)], osem).wait()

        @pl.when(g < _NG)
        def _():
            transpose(blk, tbk)
            pltpu.async_copy(tbk, scratch_hbm.at[pl.ds(g * 16384, 16384)], osem)

        fire_in(j + 2, blk, isem)

    fire_in(0, blk0, isem0)
    fire_in(1, blk1, isem1)

    def pair(p, _):
        step(p * 2, blk0, tbk0, isem0, osem0)
        step(p * 2 + 1, blk1, tbk1, isem1, osem1)
        return ()

    lax.fori_loop(0, 31, pair, (), unroll=False)

    @pl.when(60 * _NW + wid < _NG)
    def _():
        pltpu.make_async_copy(tbk0, scratch_hbm.at[pl.ds(0, 16384)], osem0).wait()

    @pl.when(61 * _NW + wid < _NG)
    def _():
        pltpu.make_async_copy(tbk1, scratch_hbm.at[pl.ds(0, 16384)], osem1).wait()


def _gather_body(idx_hbm, table_hbm, out_hbm, idx_v,
                 rows0, rows1, rows2, rows3, tbk0, tbk1,
                 gsem0, gsem1, gsem2, gsem3, wsem0, wsem1):
    c = lax.axis_index("c")
    s = lax.axis_index("s")
    wid = s * _NC + c
    iota = lax.iota(jnp.int32, 16)

    pltpu.sync_copy(idx_hbm.at[wid], idx_v)
    rows = (rows0, rows1, rows2, rows3)
    gsems = (gsem0, gsem1, gsem2, gsem3)
    tbks = (tbk0, tbk1)
    wsems = (wsem0, wsem1)

    def fire(t, rv, gs):
        pltpu.async_copy(table_hbm.at[idx_v.at[2 * t]],
                         rv.at[pl.ds(0, 128)], gs)
        pltpu.async_copy(table_hbm.at[idx_v.at[2 * t + 1]],
                         rv.at[pl.ds(128, 128)], gs)

    for b in range(4):
        fire(b, rows[b], gsems[b])

    def quad(p, _):
        for b in range(4):
            t = p * 4 + b
            h0 = 2 * t
            rv, gs = rows[b], gsems[b]
            tb, ws = tbks[b % 2], wsems[b % 2]
            pltpu.make_async_copy(table_hbm.at[pl.ds(0, 256)], rv, gs).wait()
            if b >= 2:
                pltpu.make_async_copy(tb.at[:, :, :, pl.ds(0, 128)],
                                      out_hbm.at[pl.ds(0, 2), :, 0],
                                      ws).wait()
            else:
                @pl.when(p > 0)
                def _():
                    pltpu.make_async_copy(tb.at[:, :, :, pl.ds(0, 128)],
                                          out_hbm.at[pl.ds(0, 2), :, 0],
                                          ws).wait()

            def bl4(bb, _):
                for bj in range(4):
                    bl = bb * 4 + bj
                    blsplat = jnp.zeros((16,), jnp.int32) + bl
                    for u in range(2):
                        row = u * 128 + bl
                        for d0 in (0, 16):
                            x = rv[row, pl.ds(d0, 16)]
                            dc = u * 32 + d0 + iota
                            plsc.store_scatter(
                                tb, [dc >> 5, (dc >> 3) & 3, dc & 7, blsplat],
                                x)
                return ()

            lax.fori_loop(0, 32, bl4, (), unroll=False)
            pltpu.async_copy(tb.at[:, :, :, pl.ds(0, 128)],
                             out_hbm.at[pl.ds(h0, 2), :, wid], ws)

            @pl.when(t + 4 < _H // 2)
            def _():
                fire(t + 4, rv, gs)
        return ()

    lax.fori_loop(0, _H // 8, quad, (), unroll=False)
    pltpu.make_async_copy(tbk0.at[:, :, :, pl.ds(0, 128)],
                          out_hbm.at[pl.ds(0, 2), :, 0], wsem0).wait()
    pltpu.make_async_copy(tbk1.at[:, :, :, pl.ds(0, 128)],
                          out_hbm.at[pl.ds(0, 2), :, 0], wsem1).wait()


@jax.jit
def _emb(x, table):
    mesh = plsc.VectorSubcoreMesh(core_axis_name="c", subcore_axis_name="s",
                                  num_cores=_NC, num_subcores=_NS)

    f_tr = pl.kernel(
        _transpose_body,
        out_type=jax.ShapeDtypeStruct((_V * _D,), jnp.float32),
        mesh=mesh,
        scratch_types=[
            pltpu.VMEM((32, 512), jnp.float32),
            pltpu.VMEM((32, 512), jnp.float32),
            pltpu.VMEM((16384,), jnp.float32),
            pltpu.VMEM((16384,), jnp.float32),
            pltpu.SemaphoreType.DMA,
            pltpu.SemaphoreType.DMA,
            pltpu.SemaphoreType.DMA,
            pltpu.SemaphoreType.DMA,
        ],
        compiler_params=pltpu.CompilerParams(needs_layout_passes=False,
                                             disable_bounds_checks=True),
    )
    scratchA = f_tr(table.T).reshape(_V, _D)
    scratch = lax.dynamic_update_slice(scratchA, table[_TAIL_V:], (_TAIL_V, 0))

    idx3 = x.reshape(_NW, _B // _NW, _H).transpose(0, 2, 1)

    f_g = pl.kernel(
        _gather_body,
        out_type=jax.ShapeDtypeStruct((_H, 4, _NW, 8, 128), jnp.float32),
        mesh=mesh,
        scratch_types=[
            pltpu.VMEM((_H, 128), jnp.int32),
            pltpu.VMEM((256, _D), jnp.float32),
            pltpu.VMEM((256, _D), jnp.float32),
            pltpu.VMEM((256, _D), jnp.float32),
            pltpu.VMEM((256, _D), jnp.float32),
            pltpu.VMEM((2, 4, 8, 129), jnp.float32),
            pltpu.VMEM((2, 4, 8, 129), jnp.float32),
            pltpu.SemaphoreType.DMA,
            pltpu.SemaphoreType.DMA,
            pltpu.SemaphoreType.DMA,
            pltpu.SemaphoreType.DMA,
            pltpu.SemaphoreType.DMA,
            pltpu.SemaphoreType.DMA,
        ],
        compiler_params=pltpu.CompilerParams(use_tc_tiling_on_sc=False,
                                             needs_layout_passes=False,
                                             disable_bounds_checks=True),
    )
    out5 = f_g(idx3, scratch)
    return out5.transpose(2, 4, 0, 1, 3).reshape(_B, _H, _D)


def kernel(x, table):
    return _emb(x.astype(jnp.int32), table)

# --- scband reference (transcript-rebuilt; emitter-appended) ---
"""Pipeline reference for scband-embedding-module-41798621725081 (READ-ONLY COPY).

The authoritative reference and input builder live on the scoring server;
editing this copy changes nothing except your own understanding.
"""

import jax, jax.numpy as jnp
import numpy as np

NUM_VOCAB = 1000000
EMBED_DIM = 32
BATCH = 4096
HIST = 200


def setup_inputs(seed: int = 0) -> dict:
    key = jax.random.key(seed)
    k1, k2 = jax.random.split(key)
    x = jax.random.randint(k1, (BATCH, HIST), 0, NUM_VOCAB, dtype=jnp.int64) if jax.config.jax_enable_x64 else jax.random.randint(k1, (BATCH, HIST), 0, NUM_VOCAB, dtype=jnp.int32)
    table = jax.random.normal(k2, (NUM_VOCAB, EMBED_DIM), dtype=jnp.float32)
    # nn.Embedding(padding_idx=0) initializes the padding row to zeros
    table = table.at[0].set(0.0)
    return {"x": x, "table": table}


def reference(x, table):
    # forward: self.emb(x.view(x.size(0), -1))
    x2 = x.reshape(x.shape[0], -1)
    out = jnp.take(table, x2, axis=0)
    return out

if __name__ == "__main__":
    import jax
    _d = setup_inputs()
    print(jax.jit(kernel)(*tuple(_d.values())))

</pallas_src>

<mosaic_0001>
#map = affine_map<(d0, d1) -> (0, 0)>
#map1 = affine_map<(d0, d1) -> (0)>
module attributes {stable_mosaic.version = 14 : i64} {
  func.func @_transpose_body(%arg0: i32, %arg1: i32, %arg2: memref<32x1000000xf32, #tpu.memory_space<hbm>>, %arg3: memref<32000000xf32, #tpu.memory_space<hbm>>, %arg4: memref<32x512xf32, #tpu.memory_space<vmem>>, %arg5: memref<32x512xf32, #tpu.memory_space<vmem>>, %arg6: memref<16384xf32, #tpu.memory_space<vmem>>, %arg7: memref<16384xf32, #tpu.memory_space<vmem>>, %arg8: memref<!tpu.dma_semaphore, #tpu.memory_space<semaphore_mem>>, %arg9: memref<!tpu.dma_semaphore, #tpu.memory_space<semaphore_mem>>, %arg10: memref<!tpu.dma_semaphore, #tpu.memory_space<semaphore_mem>>, %arg11: memref<!tpu.dma_semaphore, #tpu.memory_space<semaphore_mem>>) attributes {dimension_semantics = [#tpu.dimension_semantics<core_parallel>, #tpu.dimension_semantics<subcore_parallel>], iteration_bounds = array<i64: 2, 16>, scalar_prefetch = 0 : i64, scratch_operands = 8 : i64, tpu.core_type = #tpu.core_type<sc_vector_subcore>, window_params = [{transform_indices = #map}, {transform_indices = #map1}]} {
    %mul3A = arith.constant 2 : i32
    %mul3A_0 = arith.muli %arg1, %mul3A : i32
    %add3A = arith.addi %mul3A_0, %arg0 : i32
    %iota3A = tpu.iota {dimensions = array<i32: 0>} : vector<16xi32>
    %add3A_1 = arith.constant 16 : i32
    %add3A_2 = vector.broadcast %add3A_1 : i32 to vector<16xi32>
    %add3A_3 = arith.addi %iota3A, %add3A_2 : vector<16xi32>
    %mul3A_4 = arith.constant 32 : i32
    %mul3A_5 = vector.broadcast %mul3A_4 : i32 to vector<16xi32>
    %mul3A_6 = arith.muli %iota3A, %mul3A_5 : vector<16xi32>
    %add3A_7 = arith.constant 0 : i32
    %add3A_8 = arith.addi %add3A_7, %add3A : i32
    %lt3A = arith.constant 1953 : i32
    %lt3A_9 = arith.cmpi slt, %add3A_8, %lt3A : i32
    %convert_element_type3A = arith.extui %lt3A_9 : i1 to i32
    %cond3A = arith.constant 0 : i32
    %cond3A_10 = arith.cmpi ne, %convert_element_type3A, %cond3A : i32
    scf.if %cond3A_10 {
      %mul3A_36 = arith.constant 512 : i32
      %mul3A_37 = arith.muli %add3A_8, %mul3A_36 : i32
      %dma_start3A = arith.constant 0 : i32
      %dma_start3A_38 = tpu.memref_slice %arg2[%dma_start3A, %mul3A_37] : memref<32x1000000xf32, #tpu.memory_space<hbm>> -> memref<32x512xf32, #tpu.memory_space<hbm>>
      %dma_start3A_39 = arith.constant 0 : i32
      %dma_start3A_40 = tpu.memref_slice %arg2[%dma_start3A_39, %mul3A_37] : memref<32x1000000xf32, #tpu.memory_space<hbm>> -> memref<32x512xf32, #tpu.memory_space<hbm>>
      tpu.enqueue_dma source(%dma_start3A_40 : memref<32x512xf32, #tpu.memory_space<hbm>>) target(%arg4 : memref<32x512xf32, #tpu.memory_space<vmem>>) target_semaphore(%arg8 : memref<!tpu.dma_semaphore, #tpu.memory_space<semaphore_mem>>)
    } else {
    }
    %add3A_11 = arith.constant 32 : i32
    %add3A_12 = arith.addi %add3A_11, %add3A : i32
    %lt3A_13 = arith.constant 1953 : i32
    %lt3A_14 = arith.cmpi slt, %add3A_12, %lt3A_13 : i32
    %convert_element_type3A_15 = arith.extui %lt3A_14 : i1 to i32
    %cond3A_16 = arith.constant 0 : i32
    %cond3A_17 = arith.cmpi ne, %convert_element_type3A_15, %cond3A_16 : i32
    scf.if %cond3A_17 {
      %mul3A_36 = arith.constant 512 : i32
      %mul3A_37 = arith.muli %add3A_12, %mul3A_36 : i32
      %dma_start3A = arith.constant 0 : i32
      %dma_start3A_38 = tpu.memref_slice %arg2[%dma_start3A, %mul3A_37] : memref<32x1000000xf32, #tpu.memory_space<hbm>> -> memref<32x512xf32, #tpu.memory_space<hbm>>
      %dma_start3A_39 = arith.constant 0 : i32
      %dma_start3A_40 = tpu.memref_slice %arg2[%dma_start3A_39, %mul3A_37] : memref<32x1000000xf32, #tpu.memory_space<hbm>> -> memref<32x512xf32, #tpu.memory_space<hbm>>
      tpu.enqueue_dma source(%dma_start3A_40 : memref<32x512xf32, #tpu.memory_space<hbm>>) target(%arg5 : memref<32x512xf32, #tpu.memory_space<vmem>>) target_semaphore(%arg9 : memref<!tpu.dma_semaphore, #tpu.memory_space<semaphore_mem>>)
    } else {
    }
    %scan3A = arith.constant 0 : i32
    %scan3A_18 = arith.constant 31 : i32
    %scan3A_19 = arith.addi %scan3A, %scan3A_18 : i32
    %scan3A_20 = arith.constant 1 : i32
    scf.for %scan3A_36 = %scan3A to %scan3A_19 step %scan3A_20  : i32 {
      %mul3A_37 = arith.constant 2 : i32
      %mul3A_38 = arith.muli %scan3A_36, %mul3A_37 : i32
      %mul3A_39 = arith.constant 32 : i32
      %mul3A_40 = arith.muli %mul3A_38, %mul3A_39 : i32
      %add3A_41 = arith.addi %mul3A_40, %add3A : i32
      %sub3A = arith.constant 2 : i32
      %sub3A_42 = arith.subi %mul3A_38, %sub3A : i32
      %mul3A_43 = arith.constant 32 : i32
      %mul3A_44 = arith.muli %sub3A_42, %mul3A_43 : i32
      %add3A_45 = arith.addi %mul3A_44, %add3A : i32
      %lt3A_46 = arith.constant 1953 : i32
      %lt3A_47 = arith.cmpi slt, %add3A_41, %lt3A_46 : i32
      %convert_element_type3A_48 = arith.extui %lt3A_47 : i1 to i32
      %cond3A_49 = arith.constant 0 : i32
      %cond3A_50 = arith.cmpi ne, %convert_element_type3A_48, %cond3A_49 : i32
      scf.if %cond3A_50 {
        %dma_wait3A = arith.constant 0 : i32
        %dma_wait3A_112 = arith.constant 0 : i32
        %dma_wait3A_113 = tpu.memref_slice %arg2[%dma_wait3A, %dma_wait3A_112] : memref<32x1000000xf32, #tpu.memory_space<hbm>> -> memref<32x512xf32, #tpu.memory_space<hbm>>
        %dma_wait3A_114 = arith.constant 0 : i32
        %dma_wait3A_115 = arith.constant 0 : i32
        %dma_wait3A_116 = tpu.memref_slice %arg2[%dma_wait3A_114, %dma_wait3A_115] : memref<32x1000000xf32, #tpu.memory_space<hbm>> -> memref<32x512xf32, #tpu.memory_space<hbm>>
        tpu.wait_dma2 semaphore(%arg8 : memref<!tpu.dma_semaphore, #tpu.memory_space<semaphore_mem>>) src(%dma_wait3A_116 : memref<32x512xf32, #tpu.memory_space<hbm>>) dst(%arg4 : memref<32x512xf32, #tpu.memory_space<vmem>>)
      } else {
      }
      %ge3A = arith.constant 2 : i32
      %ge3A_51 = arith.cmpi sge, %mul3A_38, %ge3A : i32
      %lt3A_52 = arith.constant 1953 : i32
      %lt3A_53 = arith.cmpi slt, %add3A_45, %lt3A_52 : i32
      %and3A = arith.andi %ge3A_51, %lt3A_53 : i1
      %convert_element_type3A_54 = arith.extui %and3A : i1 to i32
      %cond3A_55 = arith.constant 0 : i32
      %cond3A_56 = arith.cmpi ne, %convert_element_type3A_54, %cond3A_55 : i32
      scf.if %cond3A_56 {
        %dma_wait3A = arith.constant 0 : i32
        %dma_wait3A_112 = tpu.memref_slice %arg3[%dma_wait3A] : memref<32000000xf32, #tpu.memory_space<hbm>> -> memref<16384xf32, #tpu.memory_space<hbm>>
        %dma_wait3A_113 = arith.constant 0 : i32
        %dma_wait3A_114 = tpu.memref_slice %arg3[%dma_wait3A_113] : memref<32000000xf32, #tpu.memory_space<hbm>> -> memref<16384xf32, #tpu.memory_space<hbm>>
        tpu.wait_dma2 semaphore(%arg10 : memref<!tpu.dma_semaphore, #tpu.memory_space<semaphore_mem>>) src(%arg6 : memref<16384xf32, #tpu.memory_space<vmem>>) dst(%dma_wait3A_114 : memref<16384xf32, #tpu.memory_space<hbm>>)
      } else {
      }
      %lt3A_57 = arith.constant 1953 : i32
      %lt3A_58 = arith.cmpi slt, %add3A_41, %lt3A_57 : i32
      %convert_element_type3A_59 = arith.extui %lt3A_58 : i1 to i32
      %cond3A_60 = arith.constant 0 : i32
      %cond3A_61 = arith.cmpi ne, %convert_element_type3A_59, %cond3A_60 : i32
      scf.if %cond3A_61 {
        %scan3A_112 = arith.constant 0 : i32
        %scan3A_113 = arith.constant 32 : i32
        %scan3A_114 = arith.addi %scan3A_112, %scan3A_113 : i32
        %scan3A_115 = arith.constant 1 : i32
        scf.for %scan3A_120 = %scan3A_112 to %scan3A_114 step %scan3A_115  : i32 {
          %mul3A_121 = arith.constant 16 : i32
          %mul3A_122 = arith.muli %scan3A_120, %mul3A_121 : i32
          %broadcast_in_dim3A = arith.constant 0 : i32
          %broadcast_in_dim3A_123 = vector.broadcast %broadcast_in_dim3A : i32 to vector<16xi32>
          %add3A_124 = vector.broadcast %mul3A_122 : i32 to vector<16xi32>
          %add3A_125 = arith.addi %broadcast_in_dim3A_123, %add3A_124 : vector<16xi32>
          %add3A_126 = arith.addi %add3A_125, %iota3A : vector<16xi32>
          %broadcast_in_dim3A_127 = arith.constant 0 : i32
          %broadcast_in_dim3A_128 = vector.broadcast %broadcast_in_dim3A_127 : i32 to vector<16xi32>
          %mul3A_129 = arith.constant 32 : i32
          %mul3A_130 = arith.muli %mul3A_122, %mul3A_129 : i32
          %add3A_131 = vector.broadcast %mul3A_130 : i32 to vector<16xi32>
          %add3A_132 = arith.addi %broadcast_in_dim3A_128, %add3A_131 : vector<16xi32>
          %add3A_133 = arith.addi %add3A_132, %mul3A_6 : vector<16xi32>
          %add3A_134 = arith.constant 0 : i32
          %add3A_135 = vector.broadcast %add3A_134 : i32 to vector<16xi32>
          %add3A_136 = arith.addi %iota3A, %add3A_135 : vector<16xi32>
          %and3A_137 = arith.constant 31 : i32
          %and3A_138 = vector.broadcast %and3A_137 : i32 to vector<16xi32>
          %and3A_139 = arith.andi %add3A_136, %and3A_138 : vector<16xi32>
          %gather3A = tpu.vector_load_idx %arg4[%and3A_139, %add3A_126] : memref<32x512xf32, #tpu.memory_space<vmem>>[vector<16xi32>, vector<16xi32>], vector<16xf32>,
          %add3A_140 = arith.constant 1 : i32
          %add3A_141 = vector.broadcast %add3A_140 : i32 to vector<16xi32>
          %add3A_142 = arith.addi %iota3A, %add3A_141 : vector<16xi32>
          %and3A_143 = arith.constant 31 : i32
          %and3A_144 = vector.broadcast %and3A_143 : i32 to vector<16xi32>
          %and3A_145 = arith.andi %add3A_142, %and3A_144 : vector<16xi32>
          %gather3A_146 = tpu.vector_load_idx %arg4[%and3A_145, %add3A_126] : memref<32x512xf32, #tpu.memory_space<vmem>>[vector<16xi32>, vector<16xi32>], vector<16xf32>,
          %add3A_147 = arith.constant 2 : i32
          %add3A_148 = vector.broadcast %add3A_147 : i32 to vector<16xi32>
          %add3A_149 = arith.addi %iota3A, %add3A_148 : vector<16xi32>
          %and3A_150 = arith.constant 31 : i32
          %and3A_151 = vector.broadcast %and3A_150 : i32 to vector<16xi32>
          %and3A_152 = arith.andi %add3A_149, %and3A_151 : vector<16xi32>
          %gather3A_153 = tpu.vector_load_idx %arg4[%and3A_152, %add3A_126] : memref<32x512xf32, #tpu.memory_space<vmem>>[vector<16xi32>, vector<16xi32>], vector<16xf32>,
          %add3A_154 = arith.constant 3 : i32
          %add3A_155 = vector.broadcast %add3A_154 : i32 to vector<16xi32>
          %add3A_156 = arith.addi %iota3A, %add3A_155 : vector<16xi32>
          %and3A_157 = arith.constant 31 : i32
          %and3A_158 = vector.broadcast %and3A_157 : i32 to vector<16xi32>
          %and3A_159 = arith.andi %add3A_156, %and3A_158 : vector<16xi32>
          %gather3A_160 = tpu.vector_load_idx %arg4[%and3A_159, %add3A_126] : memref<32x512xf32, #tpu.memory_space<vmem>>[vector<16xi32>, vector<16xi32>], vector<16xf32>,
          %add3A_161 = arith.constant 4 : i32
          %add3A_162 = vector.broadcast %add3A_161 : i32 to vector<16xi32>
          %add3A_163 = arith.addi %iota3A, %add3A_162 : vector<16xi32>
          %and3A_164 = arith.constant 31 : i32
          %and3A_165 = vector.broadcast %and3A_164 : i32 to vector<16xi32>
          %and3A_166 = arith.andi %add3A_163, %and3A_165 : vector<16xi32>
          %gather3A_167 = tpu.vector_load_idx %arg4[%and3A_166, %add3A_126] : memref<32x512xf32, #tpu.memory_space<vmem>>[vector<16xi32>, vector<16xi32>], vector<16xf32>,
          %add3A_168 = arith.constant 5 : i32
          %add3A_169 = vector.broadcast %add3A_168 : i32 to vector<16xi32>
          %add3A_170 = arith.addi %iota3A, %add3A_169 : vector<16xi32>
          %and3A_171 = arith.constant 31 : i32
          %and3A_172 = vector.broadcast %and3A_171 : i32 to vector<16xi32>
          %and3A_173 = arith.andi %add3A_170, %and3A_172 : vector<16xi32>
          %gather3A_174 = tpu.vector_load_idx %arg4[%and3A_173, %add3A_126] : memref<32x512xf32, #tpu.memory_space<vmem>>[vector<16xi32>, vector<16xi32>], vector<16xf32>,
          %add3A_175 = arith.constant 6 : i32
          %add3A_176 = vector.broadcast %add3A_175 : i32 to vector<16xi32>
          %add3A_177 = arith.addi %iota3A, %add3A_176 : vector<16xi32>
          %and3A_178 = arith.constant 31 : i32
          %and3A_179 = vector.broadcast %and3A_178 : i32 to vector<16xi32>
          %and3A_180 = arith.andi %add3A_177, %and3A_179 : vector<16xi32>
          %gather3A_181 = tpu.vector_load_idx %arg4[%and3A_180, %add3A_126] : memref<32x512xf32, #tpu.memory_space<vmem>>[vector<16xi32>, vector<16xi32>], vector<16xf32>,
          %add3A_182 = arith.constant 7 : i32
          %add3A_183 = vector.broadcast %add3A_182 : i32 to vector<16xi32>
          %add3A_184 = arith.addi %iota3A, %add3A_183 : vector<16xi32>
          %and3A_185 = arith.constant 31 : i32
          %and3A_186 = vector.broadcast %and3A_185 : i32 to vector<16xi32>
          %and3A_187 = arith.andi %add3A_184, %and3A_186 : vector<16xi32>
          %gather3A_188 = tpu.vector_load_idx %arg4[%and3A_187, %add3A_126] : memref<32x512xf32, #tpu.memory_space<vmem>>[vector<16xi32>, vector<16xi32>], vector<16xf32>,
          %add3A_189 = arith.addi %add3A_133, %and3A_139 : vector<16xi32>
          tpu.vector_store_idx %arg6[%add3A_189], %gather3A : memref<16384xf32, #tpu.memory_space<vmem>>[vector<16xi32>], vector<16xf32>,
          %add3A_190 = arith.addi %add3A_133, %and3A_145 : vector<16xi32>
          tpu.vector_store_idx %arg6[%add3A_190], %gather3A_146 : memref<16384xf32, #tpu.memory_space<vmem>>[vector<16xi32>], vector<16xf32>,
          %add3A_191 = arith.addi %add3A_133, %and3A_152 : vector<16xi32>
          tpu.vector_store_idx %arg6[%add3A_191], %gather3A_153 : memref<16384xf32, #tpu.memory_space<vmem>>[vector<16xi32>], vector<16xf32>,
          %add3A_192 = arith.addi %add3A_133, %and3A_159 : vector<16xi32>
          tpu.vector_store_idx %arg6[%add3A_192], %gather3A_160 : memref<16384xf32, #tpu.memory_space<vmem>>[vector<16xi32>], vector<16xf32>,
          %add3A_193 = arith.addi %add3A_133, %and3A_166 : vector<16xi32>
          tpu.vector_store_idx %arg6[%add3A_193], %gather3A_167 : memref<16384xf32, #tpu.memory_space<vmem>>[vector<16xi32>], vector<16xf32>,
          %add3A_194 = arith.addi %add3A_133, %and3A_173 : vector<16xi32>
          tpu.vector_store_idx %arg6[%add3A_194], %gather3A_174 : memref<16384xf32, #tpu.memory_space<vmem>>[vector<16xi32>], vector<16xf32>,
          %add3A_195 = arith.addi %add3A_133, %and3A_180 : vector<16xi32>
          tpu.vector_store_idx %arg6[%add3A_195], %gather3A_181 : memref<16384xf32, #tpu.memory_space<vmem>>[vector<16xi32>], vector<16xf32>,
          %add3A_196 = arith.addi %add3A_133, %and3A_187 : vector<16xi32>
          tpu.vector_store_idx %arg6[%add3A_196], %gather3A_188 : memref<16384xf32, #tpu.memory_space<vmem>>[vector<16xi32>], vector<16xf32>,
          %add3A_197 = arith.constant 8 : i32
          %add3A_198 = vector.broadcast %add3A_197 : i32 to vector<16xi32>
          %add3A_199 = arith.addi %iota3A, %add3A_198 : vector<16xi32>
          %and3A_200 = arith.constant 31 : i32
          %and3A_201 = vector.broadcast %and3A_200 : i32 to vector<16xi32>
          %and3A_202 = arith.andi %add3A_199, %and3A_201 : vector<16xi32>
          %gather3A_203 = tpu.vector_load_idx %arg4[%and3A_202, %add3A_126] : memref<32x512xf32, #tpu.memory_space<vmem>>[vector<16xi32>, vector<16xi32>], vector<16xf32>,
          %add3A_204 = arith.constant 9 : i32
          %add3A_205 = vector.broadcast %add3A_204 : i32 to vector<16xi32>
          %add3A_206 = arith.addi %iota3A, %add3A_205 : vector<16xi32>
          %and3A_207 = arith.constant 31 : i32
          %and3A_208 = vector.broadcast %and3A_207 : i32 to vector<16xi32>
          %and3A_209 = arith.andi %add3A_206, %and3A_208 : vector<16xi32>
          %gather3A_210 = tpu.vector_load_idx %arg4[%and3A_209, %add3A_126] : memref<32x512xf32, #tpu.memory_space<vmem>>[vector<16xi32>, vector<16xi32>], vector<16xf32>,
          %add3A_211 = arith.constant 10 : i32
          %add3A_212 = vector.broadcast %add3A_211 : i32 to vector<16xi32>
          %add3A_213 = arith.addi %iota3A, %add3A_212 : vector<16xi32>
          %and3A_214 = arith.constant 31 : i32
          %and3A_215 = vector.broadcast %and3A_214 : i32 to vector<16xi32>
          %and3A_216 = arith.andi %add3A_213, %and3A_215 : vector<16xi32>
          %gather3A_217 = tpu.vector_load_idx %arg4[%and3A_216, %add3A_126] : memref<32x512xf32, #tpu.memory_space<vmem>>[vector<16xi32>, vector<16xi32>], vector<16xf32>,
          %add3A_218 = arith.constant 11 : i32
          %add3A_219 = vector.broadcast %add3A_218 : i32 to vector<16xi32>
          %add3A_220 = arith.addi %iota3A, %add3A_219 : vector<16xi32>
          %and3A_221 = arith.constant 31 : i32
          %and3A_222 = vector.broadcast %and3A_221 : i32 to vector<16xi32>
          %and3A_223 = arith.andi %add3A_220, %and3A_222 : vector<16xi32>
          %gather3A_224 = tpu.vector_load_idx %arg4[%and3A_223, %add3A_126] : memref<32x512xf32, #tpu.memory_space<vmem>>[vector<16xi32>, vector<16xi32>], vector<16xf32>,
          %add3A_225 = arith.constant 12 : i32
          %add3A_226 = vector.broadcast %add3A_225 : i32 to vector<16xi32>
          %add3A_227 = arith.addi %iota3A, %add3A_226 : vector<16xi32>
          %and3A_228 = arith.constant 31 : i32
          %and3A_229 = vector.broadcast %and3A_228 : i32 to vector<16xi32>
          %and3A_230 = arith.andi %add3A_227, %and3A_229 : vector<16xi32>
          %gather3A_231 = tpu.vector_load_idx %arg4[%and3A_230, %add3A_126] : memref<32x512xf32, #tpu.memory_space<vmem>>[vector<16xi32>, vector<16xi32>], vector<16xf32>,
          %add3A_232 = arith.constant 13 : i32
          %add3A_233 = vector.broadcast %add3A_232 : i32 to vector<16xi32>
          %add3A_234 = arith.addi %iota3A, %add3A_233 : vector<16xi32>
          %and3A_235 = arith.constant 31 : i32
          %and3A_236 = vector.broadcast %and3A_235 : i32 to vector<16xi32>
          %and3A_237 = arith.andi %add3A_234, %and3A_236 : vector<16xi32>
          %gather3A_238 = tpu.vector_load_idx %arg4[%and3A_237, %add3A_126] : memref<32x512xf32, #tpu.memory_space<vmem>>[vector<16xi32>, vector<16xi32>], vector<16xf32>,
          %add3A_239 = arith.constant 14 : i32
          %add3A_240 = vector.broadcast %add3A_239 : i32 to vector<16xi32>
          %add3A_241 = arith.addi %iota3A, %add3A_240 : vector<16xi32>
          %and3A_242 = arith.constant 31 : i32
          %and3A_243 = vector.broadcast %and3A_242 : i32 to vector<16xi32>
          %and3A_244 = arith.andi %add3A_241, %and3A_243 : vector<16xi32>
          %gather3A_245 = tpu.vector_load_idx %arg4[%and3A_244, %add3A_126] : memref<32x512xf32, #tpu.memory_space<vmem>>[vector<16xi32>, vector<16xi32>], vector<16xf32>,
          %add3A_246 = arith.constant 15 : i32
          %add3A_247 = vector.broadcast %add3A_246 : i32 to vector<16xi32>
          %add3A_248 = arith.addi %iota3A, %add3A_247 : vector<16xi32>
          %and3A_249 = arith.constant 31 : i32
          %and3A_250 = vector.broadcast %and3A_249 : i32 to vector<16xi32>
          %and3A_251 = arith.andi %add3A_248, %and3A_250 : vector<16xi32>
          %gather3A_252 = tpu.vector_load_idx %arg4[%and3A_251, %add3A_126] : memref<32x512xf32, #tpu.memory_space<vmem>>[vector<16xi32>, vector<16xi32>], vector<16xf32>,
          %add3A_253 = arith.addi %add3A_133, %and3A_202 : vector<16xi32>
          tpu.vector_store_idx %arg6[%add3A_253], %gather3A_203 : memref<16384xf32, #tpu.memory_space<vmem>>[vector<16xi32>], vector<16xf32>,
          %add3A_254 = arith.addi %add3A_133, %and3A_209 : vector<16xi32>
          tpu.vector_store_idx %arg6[%add3A_254], %gather3A_210 : memref<16384xf32, #tpu.memory_space<vmem>>[vector<16xi32>], vector<16xf32>,
          %add3A_255 = arith.addi %add3A_133, %and3A_216 : vector<16xi32>
          tpu.vector_store_idx %arg6[%add3A_255], %gather3A_217 : memref<16384xf32, #tpu.memory_space<vmem>>[vector<16xi32>], vector<16xf32>,
          %add3A_256 = arith.addi %add3A_133, %and3A_223 : vector<16xi32>
          tpu.vector_store_idx %arg6[%add3A_256], %gather3A_224 : memref<16384xf32, #tpu.memory_space<vmem>>[vector<16xi32>], vector<16xf32>,
          %add3A_257 = arith.addi %add3A_133, %and3A_230 : vector<16xi32>
          tpu.vector_store_idx %arg6[%add3A_257], %gather3A_231 : memref<16384xf32, #tpu.memory_space<vmem>>[vector<16xi32>], vector<16xf32>,
          %add3A_258 = arith.addi %add3A_133, %and3A_237 : vector<16xi32>
          tpu.vector_store_idx %arg6[%add3A_258], %gather3A_238 : memref<16384xf32, #tpu.memory_space<vmem>>[vector<16xi32>], vector<16xf32>,
          %add3A_259 = arith.addi %add3A_133, %and3A_244 : vector<16xi32>
          tpu.vector_store_idx %arg6[%add3A_259], %gather3A_245 : memref<16384xf32, #tpu.memory_space<vmem>>[vector<16xi32>], vector<16xf32>,
          %add3A_260 = arith.addi %add3A_133, %and3A_251 : vector<16xi32>
          tpu.vector_store_idx %arg6[%add3A_260], %gather3A_252 : memref<16384xf32, #tpu.memory_space<vmem>>[vector<16xi32>], vector<16xf32>,
          %add3A_261 = arith.constant 16 : i32
          %add3A_262 = vector.broadcast %add3A_261 : i32 to vector<16xi32>
          %add3A_263 = arith.addi %iota3A, %add3A_262 : vector<16xi32>
          %and3A_264 = arith.constant 31 : i32
          %and3A_265 = vector.broadcast %and3A_264 : i32 to vector<16xi32>
          %and3A_266 = arith.andi %add3A_263, %and3A_265 : vector<16xi32>
          %gather3A_267 = tpu.vector_load_idx %arg4[%and3A_266, %add3A_126] : memref<32x512xf32, #tpu.memory_space<vmem>>[vector<16xi32>, vector<16xi32>], vector<16xf32>,
          %add3A_268 = arith.constant 17 : i32
          %add3A_269 = vector.broadcast %add3A_268 : i32 to vector<16xi32>
          %add3A_270 = arith.addi %iota3A, %add3A_269 : vector<16xi32>
          %and3A_271 = arith.constant 31 : i32
          %and3A_272 = vector.broadcast %and3A_271 : i32 to vector<16xi32>
          %and3A_273 = arith.andi %add3A_270, %and3A_272 : vector<16xi32>
          %gather3A_274 = tpu.vector_load_idx %arg4[%and3A_273, %add3A_126] : memref<32x512xf32, #tpu.memory_space<vmem>>[vector<16xi32>, vector<16xi32>], vector<16xf32>,
          %add3A_275 = arith.constant 18 : i32
          %add3A_276 = vector.broadcast %add3A_275 : i32 to vector<16xi32>
          %add3A_277 = arith.addi %iota3A, %add3A_276 : vector<16xi32>
          %and3A_278 = arith.constant 31 : i32
          %and3A_279 = vector.broadcast %and3A_278 : i32 to vector<16xi32>
          %and3A_280 = arith.andi %add3A_277, %and3A_279 : vector<16xi32>
          %gather3A_281 = tpu.vector_load_idx %arg4[%and3A_280, %add3A_126] : memref<32x512xf32, #tpu.memory_space<vmem>>[vector<16xi32>, vector<16xi32>], vector<16xf32>,
          %add3A_282 = arith.constant 19 : i32
          %add3A_283 = vector.broadcast %add3A_282 : i32 to vector<16xi32>
          %add3A_284 = arith.addi %iota3A, %add3A_283 : vector<16xi32>
          %and3A_285 = arith.constant 31 : i32
          %and3A_286 = vector.broadcast %and3A_285 : i32 to vector<16xi32>
          %and3A_287 = arith.andi %add3A_284, %and3A_286 : vector<16xi32>
          %gather3A_288 = tpu.vector_load_idx %arg4[%and3A_287, %add3A_126] : memref<32x512xf32, #tpu.memory_space<vmem>>[vector<16xi32>, vector<16xi32>], vector<16xf32>,
          %add3A_289 = arith.constant 20 : i32
          %add3A_290 = vector.broadcast %add3A_289 : i32 to vector<16xi32>
          %add3A_291 = arith.addi %iota3A, %add3A_290 : vector<16xi32>
          %and3A_292 = arith.constant 31 : i32
          %and3A_293 = vector.broadcast %and3A_292 : i32 to vector<16xi32>
          %and3A_294 = arith.andi %add3A_291, %and3A_293 : vector<16xi32>
          %gather3A_295 = tpu.vector_load_idx %arg4[%and3A_294, %add3A_126] : memref<32x512xf32, #tpu.memory_space<vmem>>[vector<16xi32>, vector<16xi32>], vector<16xf32>,
          %add3A_296 = arith.constant 21 : i32
          %add3A_297 = vector.broadcast %add3A_296 : i32 to vector<16xi32>
          %add3A_298 = arith.addi %iota3A, %add3A_297 : vector<16xi32>
          %and3A_299 = arith.constant 31 : i32
          %and3A_300 = vector.broadcast %and3A_299 : i32 to vector<16xi32>
          %and3A_301 = arith.andi %add3A_298, %and3A_300 : vector<16xi32>
          %gather3A_302 = tpu.vector_load_idx %arg4[%and3A_301, %add3A_126] : memref<32x512xf32, #tpu.memory_space<vmem>>[vector<16xi32>, vector<16xi32>], vector<16xf32>,
          %add3A_303 = arith.constant 22 : i32
          %add3A_304 = vector.broadcast %add3A_303 : i32 to vector<16xi32>
          %add3A_305 = arith.addi %iota3A, %add3A_304 : vector<16xi32>
          %and3A_306 = arith.constant 31 : i32
          %and3A_307 = vector.broadcast %and3A_306 : i32 to vector<16xi32>
          %and3A_308 = arith.andi %add3A_305, %and3A_307 : vector<16xi32>
          %gather3A_309 = tpu.vector_load_idx %arg4[%and3A_308, %add3A_126] : memref<32x512xf32, #tpu.memory_space<vmem>>[vector<16xi32>, vector<16xi32>], vector<16xf32>,
          %add3A_310 = arith.constant 23 : i32
          %add3A_311 = vector.broadcast %add3A_310 : i32 to vector<16xi32>
          %add3A_312 = arith.addi %iota3A, %add3A_311 : vector<16xi32>
          %and3A_313 = arith.constant 31 : i32
          %and3A_314 = vector.broadcast %and3A_313 : i32 to vector<16xi32>
          %and3A_315 = arith.andi %add3A_312, %and3A_314 : vector<16xi32>
          %gather3A_316 = tpu.vector_load_idx %arg4[%and3A_315, %add3A_126] : memref<32x512xf32, #tpu.memory_space<vmem>>[vector<16xi32>, vector<16xi32>], vector<16xf32>,
          %add3A_317 = arith.addi %add3A_133, %and3A_266 : vector<16xi32>
          tpu.vector_store_idx %arg6[%add3A_317], %gather3A_267 : memref<16384xf32, #tpu.memory_space<vmem>>[vector<16xi32>], vector<16xf32>,
          %add3A_318 = arith.addi %add3A_133, %and3A_273 : vector<16xi32>
          tpu.vector_store_idx %arg6[%add3A_318], %gather3A_274 : memref<16384xf32, #tpu.memory_space<vmem>>[vector<16xi32>], vector<16xf32>,
          %add3A_319 = arith.addi %add3A_133, %and3A_280 : vector<16xi32>
          tpu.vector_store_idx %arg6[%add3A_319], %gather3A_281 : memref<16384xf32, #tpu.memory_space<vmem>>[vector<16xi32>], vector<16xf32>,
          %add3A_320 = arith.addi %add3A_133, %and3A_287 : vector<16xi32>
          tpu.vector_store_idx %arg6[%add3A_320], %gather3A_288 : memref<16384xf32, #tpu.memory_space<vmem>>[vector<16xi32>], vector<16xf32>,
          %add3A_321 = arith.addi %add3A_133, %and3A_294 : vector<16xi32>
          tpu.vector_store_idx %arg6[%add3A_321], %gather3A_295 : memref<16384xf32, #tpu.memory_space<vmem>>[vector<16xi32>], vector<16xf32>,
          %add3A_322 = arith.addi %add3A_133, %and3A_301 : vector<16xi32>
          tpu.vector_store_idx %arg6[%add3A_322], %gather3A_302 : memref<16384xf32, #tpu.memory_space<vmem>>[vector<16xi32>], vector<16xf32>,
          %add3A_323 = arith.addi %add3A_133, %and3A_308 : vector<16xi32>
          tpu.vector_store_idx %arg6[%add3A_323], %gather3A_309 : memref<16384xf32, #tpu.memory_space<vmem>>[vector<16xi32>], vector<16xf32>,
          %add3A_324 = arith.addi %add3A_133, %and3A_315 : vector<16xi32>
          tpu.vector_store_idx %arg6[%add3A_324], %gather3A_316 : memref<16384xf32, #tpu.memory_space<vmem>>[vector<16xi32>], vector<16xf32>,
          %add3A_325 = arith.constant 24 : i32
          %add3A_326 = vector.broadcast %add3A_325 : i32 to vector<16xi32>
          %add3A_327 = arith.addi %iota3A, %add3A_326 : vector<16xi32>
          %and3A_328 = arith.constant 31 : i32
          %and3A_329 = vector.broadcast %and3A_328 : i32 to vector<16xi32>
          %and3A_330 = arith.andi %add3A_327, %and3A_329 : vector<16xi32>
          %gather3A_331 = tpu.vector_load_idx %arg4[%and3A_330, %add3A_126] : memref<32x512xf32, #tpu.memory_space<vmem>>[vector<16xi32>, vector<16xi32>], vector<16xf32>,
          %add3A_332 = arith.constant 25 : i32
          %add3A_333 = vector.broadcast %add3A_332 : i32 to vector<16xi32>
          %add3A_334 = arith.addi %iota3A, %add3A_333 : vector<16xi32>
          %and3A_335 = arith.constant 31 : i32
          %and3A_336 = vector.broadcast %and3A_335 : i32 to vector<16xi32>
          %and3A_337 = arith.andi %add3A_334, %and3A_336 : vector<16xi32>
          %gather3A_338 = tpu.vector_load_idx %arg4[%and3A_337, %add3A_126] : memref<32x512xf32, #tpu.memory_space<vmem>>[vector<16xi32>, vector<16xi32>], vector<16xf32>,
          %add3A_339 = arith.constant 26 : i32
          %add3A_340 = vector.broadcast %add3A_339 : i32 to vector<16xi32>
          %add3A_341 = arith.addi %iota3A, %add3A_340 : vector<16xi32>
          %and3A_342 = arith.constant 31 : i32
          %and3A_343 = vector.broadcast %and3A_342 : i32 to vector<16xi32>
          %and3A_344 = arith.andi %add3A_341, %and3A_343 : vector<16xi32>
          %gather3A_345 = tpu.vector_load_idx %arg4[%and3A_344, %add3A_126] : memref<32x512xf32, #tpu.memory_space<vmem>>[vector<16xi32>, vector<16xi32>], vector<16xf32>,
          %add3A_346 = arith.constant 27 : i32
          %add3A_347 = vector.broadcast %add3A_346 : i32 to vector<16xi32>
          %add3A_348 = arith.addi %iota3A, %add3A_347 : vector<16xi32>
          %and3A_349 = arith.constant 31 : i32
          %and3A_350 = vector.broadcast %and3A_349 : i32 to vector<16xi32>
          %and3A_351 = arith.andi %add3A_348, %and3A_350 : vector<16xi32>
          %gather3A_352 = tpu.vector_load_idx %arg4[%and3A_351, %add3A_126] : memref<32x512xf32, #tpu.memory_space<vmem>>[vector<16xi32>, vector<16xi32>], vector<16xf32>,
          %add3A_353 = arith.constant 28 : i32
          %add3A_354 = vector.broadcast %add3A_353 : i32 to vector<16xi32>
          %add3A_355 = arith.addi %iota3A, %add3A_354 : vector<16xi32>
          %and3A_356 = arith.constant 31 : i32
          %and3A_357 = vector.broadcast %and3A_356 : i32 to vector<16xi32>
          %and3A_358 = arith.andi %add3A_355, %and3A_357 : vector<16xi32>
          %gather3A_359 = tpu.vector_load_idx %arg4[%and3A_358, %add3A_126] : memref<32x512xf32, #tpu.memory_space<vmem>>[vector<16xi32>, vector<16xi32>], vector<16xf32>,
          %add3A_360 = arith.constant 29 : i32
          %add3A_361 = vector.broadcast %add3A_360 : i32 to vector<16xi32>
          %add3A_362 = arith.addi %iota3A, %add3A_361 : vector<16xi32>
          %and3A_363 = arith.constant 31 : i32
          %and3A_364 = vector.broadcast %and3A_363 : i32 to vector<16xi32>
          %and3A_365 = arith.andi %add3A_362, %and3A_364 : vector<16xi32>
          %gather3A_366 = tpu.vector_load_idx %arg4[%and3A_365, %add3A_126] : memref<32x512xf32, #tpu.memory_space<vmem>>[vector<16xi32>, vector<16xi32>], vector<16xf32>,
          %add3A_367 = arith.constant 30 : i32
          %add3A_368 = vector.broadcast %add3A_367 : i32 to vector<16xi32>
          %add3A_369 = arith.addi %iota3A, %add3A_368 : vector<16xi32>
          %and3A_370 = arith.constant 31 : i32
          %and3A_371 = vector.broadcast %and3A_370 : i32 to vector<16xi32>
          %and3A_372 = arith.andi %add3A_369, %and3A_371 : vector<16xi32>
          %gather3A_373 = tpu.vector_load_idx %arg4[%and3A_372, %add3A_126] : memref<32x512xf32, #tpu.memory_space<vmem>>[vector<16xi32>, vector<16xi32>], vector<16xf32>,
          %add3A_374 = arith.constant 31 : i32
          %add3A_375 = vector.broadcast %add3A_374 : i32 to vector<16xi32>
          %add3A_376 = arith.addi %iota3A, %add3A_375 : vector<16xi32>
          %and3A_377 = arith.constant 31 : i32
          %and3A_378 = vector.broadcast %and3A_377 : i32 to vector<16xi32>
          %and3A_379 = arith.andi %add3A_376, %and3A_378 : vector<16xi32>
          %gather3A_380 = tpu.vector_load_idx %arg4[%and3A_379, %add3A_126] : memref<32x512xf32, #tpu.memory_space<vmem>>[vector<16xi32>, vector<16xi32>], vector<16xf32>,
          %add3A_381 = arith.addi %add3A_133, %and3A_330 : vector<16xi32>
          tpu.vector_store_idx %arg6[%add3A_381], %gather3A_331 : memref<16384xf32, #tpu.memory_space<vmem>>[vector<16xi32>], vector<16xf32>,
          %add3A_382 = arith.addi %add3A_133, %and3A_337 : vector<16xi32>
          tpu.vector_store_idx %arg6[%add3A_382], %gather3A_338 : memref<16384xf32, #tpu.memory_space<vmem>>[vector<16xi32>], vector<16xf32>,
          %add3A_383 = arith.addi %add3A_133, %and3A_344 : vector<16xi32>
          tpu.vector_store_idx %arg6[%add3A_383], %gather3A_345 : memref<16384xf32, #tpu.memory_space<vmem>>[vector<16xi32>], vector<16xf32>,
          %add3A_384 = arith.addi %add3A_133, %and3A_351 : vector<16xi32>
          tpu.vector_store_idx %arg6[%add3A_384], %gather3A_352 : memref<16384xf32, #tpu.memory_space<vmem>>[vector<16xi32>], vector<16xf32>,
          %add3A_385 = arith.addi %add3A_133, %and3A_358 : vector<16xi32>
          tpu.vector_store_idx %arg6[%add3A_385], %gather3A_359 : memref<16384xf32, #tpu.memory_space<vmem>>[vector<16xi32>], vector<16xf32>,
          %add3A_386 = arith.addi %add3A_133, %and3A_365 : vector<16xi32>
          tpu.vector_store_idx %arg6[%add3A_386], %gather3A_366 : memref<16384xf32, #tpu.memory_space<vmem>>[vector<16xi32>], vector<16xf32>,
          %add3A_387 = arith.addi %add3A_133, %and3A_372 : vector<16xi32>
          tpu.vector_store_idx %arg6[%add3A_387], %gather3A_373 : memref<16384xf32, #tpu.memory_space<vmem>>[vector<16xi32>], vector<16xf32>,
          %add3A_388 = arith.addi %add3A_133, %and3A_379 : vector<16xi32>
          tpu.vector_store_idx %arg6[%add3A_388], %gather3A_380 : memref<16384xf32, #tpu.memory_space<vmem>>[vector<16xi32>], vector<16xf32>,
        }
        %scan3A_116 = arith.constant 32 : i32
        %mul3A_117 = arith.constant 16384 : i32
        %mul3A_118 = arith.muli %add3A_41, %mul3A_117 : i32
        %dma_start3A = tpu.memref_slice %arg3[%mul3A_118] : memref<32000000xf32, #tpu.memory_space<hbm>> -> memref<16384xf32, #tpu.memory_space<hbm>>
        %dma_start3A_119 = tpu.memref_slice %arg3[%mul3A_118] : memref<32000000xf32, #tpu.memory_space<hbm>> -> memref<16384xf32, #tpu.memory_space<hbm>>
        tpu.enqueue_dma source(%arg6 : memref<16384xf32, #tpu.memory_space<vmem>>) target(%dma_start3A_119 : memref<16384xf32, #tpu.memory_space<hbm>>) target_semaphore(%arg10 : memref<!tpu.dma_semaphore, #tpu.memory_space<semaphore_mem>>)
      } else {
      }
      %add3A_62 = arith.constant 2 : i32
      %add3A_63 = arith.addi %mul3A_38, %add3A_62 : i32
      %mul3A_64 = arith.constant 32 : i32
      %mul3A_65 = arith.muli %add3A_63, %mul3A_64 : i32
      %add3A_66 = arith.addi %mul3A_65, %add3A : i32
      %lt3A_67 = arith.constant 1953 : i32
      %lt3A_68 = arith.cmpi slt, %add3A_66, %lt3A_67 : i32
      %convert_element_type3A_69 = arith.extui %lt3A_68 : i1 to i32
      %cond3A_70 = arith.constant 0 : i32
      %cond3A_71 = arith.cmpi ne, %convert_element_type3A_69, %cond3A_70 : i32
      scf.if %cond3A_71 {
        %mul3A_112 = arith.constant 512 : i32
        %mul3A_113 = arith.muli %add3A_66, %mul3A_112 : i32
        %dma_start3A = arith.constant 0 : i32
        %dma_start3A_114 = tpu.memref_slice %arg2[%dma_start3A, %mul3A_113] : memref<32x1000000xf32, #tpu.memory_space<hbm>> -> memref<32x512xf32, #tpu.memory_space<hbm>>
        %dma_start3A_115 = arith.constant 0 : i32
        %dma_start3A_116 = tpu.memref_slice %arg2[%dma_start3A_115, %mul3A_113] : memref<32x1000000xf32, #tpu.memory_space<hbm>> -> memref<32x512xf32, #tpu.memory_space<hbm>>
        tpu.enqueue_dma source(%dma_start3A_116 : memref<32x512xf32, #tpu.memory_space<hbm>>) target(%arg4 : memref<32x512xf32, #tpu.memory_space<vmem>>) target_semaphore(%arg8 : memref<!tpu.dma_semaphore, #tpu.memory_space<semaphore_mem>>)
      } else {
      }
      %mul3A_72 = arith.constant 2 : i32
      %mul3A_73 = arith.muli %scan3A_36, %mul3A_72 : i32
      %add3A_74 = arith.constant 1 : i32
      %add3A_75 = arith.addi %mul3A_73, %add3A_74 : i32
      %mul3A_76 = arith.constant 32 : i32
      %mul3A_77 = arith.muli %add3A_75, %mul3A_76 : i32
      %add3A_78 = arith.addi %mul3A_77, %add3A : i32
      %sub3A_79 = arith.constant 2 : i32
      %sub3A_80 = arith.subi %add3A_75, %sub3A_79 : i32
      %mul3A_81 = arith.constant 32 : i32
      %mul3A_82 = arith.muli %sub3A_80, %mul3A_81 : i32
      %add3A_83 = arith.addi %mul3A_82, %add3A : i32
      %lt3A_84 = arith.constant 1953 : i32
      %lt3A_85 = arith.cmpi slt, %add3A_78, %lt3A_84 : i32
      %convert_element_type3A_86 = arith.extui %lt3A_85 : i1 to i32
      %cond3A_87 = arith.constant 0 : i32
      %cond3A_88 = arith.cmpi ne, %convert_element_type3A_86, %cond3A_87 : i32
      scf.if %cond3A_88 {
        %dma_wait3A = arith.constant 0 : i32
        %dma_wait3A_112 = arith.constant 0 : i32
        %dma_wait3A_113 = tpu.memref_slice %arg2[%dma_wait3A, %dma_wait3A_112] : memref<32x1000000xf32, #tpu.memory_space<hbm>> -> memref<32x512xf32, #tpu.memory_space<hbm>>
        %dma_wait3A_114 = arith.constant 0 : i32
        %dma_wait3A_115 = arith.constant 0 : i32
        %dma_wait3A_116 = tpu.memref_slice %arg2[%dma_wait3A_114, %dma_wait3A_115] : memref<32x1000000xf32, #tpu.memory_space<hbm>> -> memref<32x512xf32, #tpu.memory_space<hbm>>
        tpu.wait_dma2 semaphore(%arg9 : memref<!tpu.dma_semaphore, #tpu.memory_space<semaphore_mem>>) src(%dma_wait3A_116 : memref<32x512xf32, #tpu.memory_space<hbm>>) dst(%arg5 : memref<32x512xf32, #tpu.memory_space<vmem>>)
      } else {
      }
      %ge3A_89 = arith.constant 2 : i32
      %ge3A_90 = arith.cmpi sge, %add3A_75, %ge3A_89 : i32
      %lt3A_91 = arith.constant 1953 : i32
      %lt3A_92 = arith.cmpi slt, %add3A_83, %lt3A_91 : i32
      %and3A_93 = arith.andi %ge3A_90, %lt3A_92 : i1
      %convert_element_type3A_94 = arith.extui %and3A_93 : i1 to i32
      %cond3A_95 = arith.constant 0 : i32
      %cond3A_96 = arith.cmpi ne, %convert_element_type3A_94, %cond3A_95 : i32
      scf.if %cond3A_96 {
        %dma_wait3A = arith.constant 0 : i32
        %dma_wait3A_112 = tpu.memref_slice %arg3[%dma_wait3A] : memref<32000000xf32, #tpu.memory_space<hbm>> -> memref<16384xf32, #tpu.memory_space<hbm>>
        %dma_wait3A_113 = arith.constant 0 : i32
        %dma_wait3A_114 = tpu.memref_slice %arg3[%dma_wait3A_113] : memref<32000000xf32, #tpu.memory_space<hbm>> -> memref<16384xf32, #tpu.memory_space<hbm>>
        tpu.wait_dma2 semaphore(%arg11 : memref<!tpu.dma_semaphore, #tpu.memory_space<semaphore_mem>>) src(%arg7 : memref<16384xf32, #tpu.memory_space<vmem>>) dst(%dma_wait3A_114 : memref<16384xf32, #tpu.memory_space<hbm>>)
      } else {
      }
      %lt3A_97 = arith.constant 1953 : i32
      %lt3A_98 = arith.cmpi slt, %add3A_78, %lt3A_97 : i32
      %convert_element_type3A_99 = arith.extui %lt3A_98 : i1 to i32
      %cond3A_100 = arith.constant 0 : i32
      %cond3A_101 = arith.cmpi ne, %convert_element_type3A_99, %cond3A_100 : i32
      scf.if %cond3A_101 {
        %scan3A_112 = arith.constant 0 : i32
        %scan3A_113 = arith.constant 32 : i32
        %scan3A_114 = arith.addi %scan3A_112, %scan3A_113 : i32
        %scan3A_115 = arith.constant 1 : i32
        scf.for %scan3A_120 = %scan3A_112 to %scan3A_114 step %scan3A_115  : i32 {
          %mul3A_121 = arith.constant 16 : i32
          %mul3A_122 = arith.muli %scan3A_120, %mul3A_121 : i32
          %broadcast_in_dim3A = arith.constant 0 : i32
          %broadcast_in_dim3A_123 = vector.broadcast %broadcast_in_dim3A : i32 to vector<16xi32>
          %add3A_124 = vector.broadcast %mul3A_122 : i32 to vector<16xi32>
          %add3A_125 = arith.addi %broadcast_in_dim3A_123, %add3A_124 : vector<16xi32>
          %add3A_126 = arith.addi %add3A_125, %iota3A : vector<16xi32>
          %broadcast_in_dim3A_127 = arith.constant 0 : i32
          %broadcast_in_dim3A_128 = vector.broadcast %broadcast_in_dim3A_127 : i32 to vector<16xi32>
          %mul3A_129 = arith.constant 32 : i32
          %mul3A_130 = arith.muli %mul3A_122, %mul3A_129 : i32
          %add3A_131 = vector.broadcast %mul3A_130 : i32 to vector<16xi32>
          %add3A_132 = arith.addi %broadcast_in_dim3A_128, %add3A_131 : vector<16xi32>
          %add3A_133 = arith.addi %add3A_132, %mul3A_6 : vector<16xi32>
          %add3A_134 = arith.constant 0 : i32
          %add3A_135 = vector.broadcast %add3A_134 : i32 to vector<16xi32>
          %add3A_136 = arith.addi %iota3A, %add3A_135 : vector<16xi32>
          %and3A_137 = arith.constant 31 : i32
          %and3A_138 = vector.broadcast %and3A_137 : i32 to vector<16xi32>
          %and3A_139 = arith.andi %add3A_136, %and3A_138 : vector<16xi32>
          %gather3A = tpu.vector_load_idx %arg5[%and3A_139, %add3A_126] : memref<32x512xf32, #tpu.memory_space<vmem>>[vector<16xi32>, vector<16xi32>], vector<16xf32>,
          %add3A_140 = arith.constant 1 : i32
          %add3A_141 = vector.broadcast %add3A_140 : i32 to vector<16xi32>
          %add3A_142 = arith.addi %iota3A, %add3A_141 : vector<16xi32>
          %and3A_143 = arith.constant 31 : i32
          %and3A_144 = vector.broadcast %and3A_143 : i32 to vector<16xi32>
          %and3A_145 = arith.andi %add3A_142, %and3A_144 : vector<16xi32>
          %gather3A_146 = tpu.vector_load_idx %arg5[%and3A_145, %add3A_126] : memref<32x512xf32, #tpu.memory_space<vmem>>[vector<16xi32>, vector<16xi32>], vector<16xf32>,
          %add3A_147 = arith.constant 2 : i32
          %add3A_148 = vector.broadcast %add3A_147 : i32 to vector<16xi32>
          %add3A_149 = arith.addi %iota3A, %add3A_148 : vector<16xi32>
          %and3A_150 = arith.constant 31 : i32
          %and3A_151 = vector.broadcast %and3A_150 : i32 to vector<16xi32>
          %and3A_152 = arith.andi %add3A_149, %and3A_151 : vector<16xi32>
          %gather3A_153 = tpu.vector_load_idx %arg5[%and3A_152, %add3A_126] : memref<32x512xf32, #tpu.memory_space<vmem>>[vector<16xi32>, vector<16xi32>], vector<16xf32>,
          %add3A_154 = arith.constant 3 : i32
          %add3A_155 = vector.broadcast %add3A_154 : i32 to vector<16xi32>
          %add3A_156 = arith.addi %iota3A, %add3A_155 : vector<16xi32>
          %and3A_157 = arith.constant 31 : i32
          %and3A_158 = vector.broadcast %and3A_157 : i32 to vector<16xi32>
          %and3A_159 = arith.andi %add3A_156, %and3A_158 : vector<16xi32>
          %gather3A_160 = tpu.vector_load_idx %arg5[%and3A_159, %add3A_126] : memref<32x512xf32, #tpu.memory_space<vmem>>[vector<16xi32>, vector<16xi32>], vector<16xf32>,
          %add3A_161 = arith.constant 4 : i32
          %add3A_162 = vector.broadcast %add3A_161 : i32 to vector<16xi32>
          %add3A_163 = arith.addi %iota3A, %add3A_162 : vector<16xi32>
          %and3A_164 = arith.constant 31 : i32
          %and3A_165 = vector.broadcast %and3A_164 : i32 to vector<16xi32>
          %and3A_166 = arith.andi %add3A_163, %and3A_165 : vector<16xi32>
          %gather3A_167 = tpu.vector_load_idx %arg5[%and3A_166, %add3A_126] : memref<32x512xf32, #tpu.memory_space<vmem>>[vector<16xi32>, vector<16xi32>], vector<16xf32>,
          %add3A_168 = arith.constant 5 : i32
          %add3A_169 = vector.broadcast %add3A_168 : i32 to vector<16xi32>
          %add3A_170 = arith.addi %iota3A, %add3A_169 : vector<16xi32>
          %and3A_171 = arith.constant 31 : i32
          %and3A_172 = vector.broadcast %and3A_171 : i32 to vector<16xi32>
          %and3A_173 = arith.andi %add3A_170, %and3A_172 : vector<16xi32>
          %gather3A_174 = tpu.vector_load_idx %arg5[%and3A_173, %add3A_126] : memref<32x512xf32, #tpu.memory_space<vmem>>[vector<16xi32>, vector<16xi32>], vector<16xf32>,
          %add3A_175 = arith.constant 6 : i32
          %add3A_176 = vector.broadcast %add3A_175 : i32 to vector<16xi32>
          %add3A_177 = arith.addi %iota3A, %add3A_176 : vector<16xi32>
          %and3A_178 = arith.constant 31 : i32
          %and3A_179 = vector.broadcast %and3A_178 : i32 to vector<16xi32>
          %and3A_180 = arith.andi %add3A_177, %and3A_179 : vector<16xi32>
          %gather3A_181 = tpu.vector_load_idx %arg5[%and3A_180, %add3A_126] : memref<32x512xf32, #tpu.memory_space<vmem>>[vector<16xi32>, vector<16xi32>], vector<16xf32>,
          %add3A_182 = arith.constant 7 : i32
          %add3A_183 = vector.broadcast %add3A_182 : i32 to vector<16xi32>
          %add3A_184 = arith.addi %iota3A, %add3A_183 : vector<16xi32>
          %and3A_185 = arith.constant 31 : i32
          %and3A_186 = vector.broadcast %and3A_185 : i32 to vector<16xi32>
          %and3A_187 = arith.andi %add3A_184, %and3A_186 : vector<16xi32>
          %gather3A_188 = tpu.vector_load_idx %arg5[%and3A_187, %add3A_126] : memref<32x512xf32, #tpu.memory_space<vmem>>[vector<16xi32>, vector<16xi32>], vector<16xf32>,
          %add3A_189 = arith.addi %add3A_133, %and3A_139 : vector<16xi32>
          tpu.vector_store_idx %arg7[%add3A_189], %gather3A : memref<16384xf32, #tpu.memory_space<vmem>>[vector<16xi32>], vector<16xf32>,
          %add3A_190 = arith.addi %add3A_133, %and3A_145 : vector<16xi32>
          tpu.vector_store_idx %arg7[%add3A_190], %gather3A_146 : memref<16384xf32, #tpu.memory_space<vmem>>[vector<16xi32>], vector<16xf32>,
          %add3A_191 = arith.addi %add3A_133, %and3A_152 : vector<16xi32>
          tpu.vector_store_idx %arg7[%add3A_191], %gather3A_153 : memref<16384xf32, #tpu.memory_space<vmem>>[vector<16xi32>], vector<16xf32>,
          %add3A_192 = arith.addi %add3A_133, %and3A_159 : vector<16xi32>
          tpu.vector_store_idx %arg7[%add3A_192], %gather3A_160 : memref<16384xf32, #tpu.memory_space<vmem>>[vector<16xi32>], vector<16xf32>,
          %add3A_193 = arith.addi %add3A_133, %and3A_166 : vector<16xi32>
          tpu.vector_store_idx %arg7[%add3A_193], %gather3A_167 : memref<16384xf32, #tpu.memory_space<vmem>>[vector<16xi32>], vector<16xf32>,
          %add3A_194 = arith.addi %add3A_133, %and3A_173 : vector<16xi32>
          tpu.vector_store_idx %arg7[%add3A_194], %gather3A_174 : memref<16384xf32, #tpu.memory_space<vmem>>[vector<16xi32>], vector<16xf32>,
          %add3A_195 = arith.addi %add3A_133, %and3A_180 : vector<16xi32>
          tpu.vector_store_idx %arg7[%add3A_195], %gather3A_181 : memref<16384xf32, #tpu.memory_space<vmem>>[vector<16xi32>], vector<16xf32>,
          %add3A_196 = arith.addi %add3A_133, %and3A_187 : vector<16xi32>
          tpu.vector_store_idx %arg7[%add3A_196], %gather3A_188 : memref<16384xf32, #tpu.memory_space<vmem>>[vector<16xi32>], vector<16xf32>,
          %add3A_197 = arith.constant 8 : i32
          %add3A_198 = vector.broadcast %add3A_197 : i32 to vector<16xi32>
          %add3A_199 = arith.addi %iota3A, %add3A_198 : vector<16xi32>
          %and3A_200 = arith.constant 31 : i32
          %and3A_201 = vector.broadcast %and3A_200 : i32 to vector<16xi32>
          %and3A_202 = arith.andi %add3A_199, %and3A_201 : vector<16xi32>
          %gather3A_203 = tpu.vector_load_idx %arg5[%and3A_202, %add3A_126] : memref<32x512xf32, #tpu.memory_space<vmem>>[vector<16xi32>, vector<16xi32>], vector<16xf32>,
          %add3A_204 = arith.constant 9 : i32
          %add3A_205 = vector.broadcast %add3A_204 : i32 to vector<16xi32>
          %add3A_206 = arith.addi %iota3A, %add3A_205 : vector<16xi32>
          %and3A_207 = arith.constant 31 : i32
          %and3A_208 = vector.broadcast %and3A_207 : i32 to vector<16xi32>
          %and3A_209 = arith.andi %add3A_206, %and3A_208 : vector<16xi32>
          %gather3A_210 = tpu.vector_load_idx %arg5[%and3A_209, %add3A_126] : memref<32x512xf32, #tpu.memory_space<vmem>>[vector<16xi32>, vector<16xi32>], vector<16xf32>,
          %add3A_211 = arith.constant 10 : i32
          %add3A_212 = vector.broadcast %add3A_211 : i32 to vector<16xi32>
          %add3A_213 = arith.addi %iota3A, %add3A_212 : vector<16xi32>
          %and3A_214 = arith.constant 31 : i32
          %and3A_215 = vector.broadcast %and3A_214 : i32 to vector<16xi32>
          %and3A_216 = arith.andi %add3A_213, %and3A_215 : vector<16xi32>
          %gather3A_217 = tpu.vector_load_idx %arg5[%and3A_216, %add3A_126] : memref<32x512xf32, #tpu.memory_space<vmem>>[vector<16xi32>, vector<16xi32>], vector<16xf32>,
          %add3A_218 = arith.constant 11 : i32
          %add3A_219 = vector.broadcast %add3A_218 : i32 to vector<16xi32>
          %add3A_220 = arith.addi %iota3A, %add3A_219 : vector<16xi32>
          %and3A_221 = arith.constant 31 : i32
          %and3A_222 = vector.broadcast %and3A_221 : i32 to vector<16xi32>
          %and3A_223 = arith.andi %add3A_220, %and3A_222 : vector<16xi32>
          %gather3A_224 = tpu.vector_load_idx %arg5[%and3A_223, %add3A_126] : memref<32x512xf32, #tpu.memory_space<vmem>>[vector<16xi32>, vector<16xi32>], vector<16xf32>,
          %add3A_225 = arith.constant 12 : i32
          %add3A_226 = vector.broadcast %add3A_225 : i32 to vector<16xi32>
          %add3A_227 = arith.addi %iota3A, %add3A_226 : vector<16xi32>
          %and3A_228 = arith.constant 31 : i32
          %and3A_229 = vector.broadcast %and3A_228 : i32 to vector<16xi32>
          %and3A_230 = arith.andi %add3A_227, %and3A_229 : vector<16xi32>
          %gather3A_231 = tpu.vector_load_idx %arg5[%and3A_230, %add3A_126] : memref<32x512xf32, #tpu.memory_space<vmem>>[vector<16xi32>, vector<16xi32>], vector<16xf32>,
          %add3A_232 = arith.constant 13 : i32
          %add3A_233 = vector.broadcast %add3A_232 : i32 to vector<16xi32>
          %add3A_234 = arith.addi %iota3A, %add3A_233 : vector<16xi32>
          %and3A_235 = arith.constant 31 : i32
          %and3A_236 = vector.broadcast %and3A_235 : i32 to vector<16xi32>
          %and3A_237 = arith.andi %add3A_234, %and3A_236 : vector<16xi32>
          %gather3A_238 = tpu.vector_load_idx %arg5[%and3A_237, %add3A_126] : memref<32x512xf32, #tpu.memory_space<vmem>>[vector<16xi32>, vector<16xi32>], vector<16xf32>,
          %add3A_239 = arith.constant 14 : i32
          %add3A_240 = vector.broadcast %add3A_239 : i32 to vector<16xi32>
          %add3A_241 = arith.addi %iota3A, %add3A_240 : vector<16xi32>
          %and3A_242 = arith.constant 31 : i32
          %and3A_243 = vector.broadcast %and3A_242 : i32 to vector<16xi32>
          %and3A_244 = arith.andi %add3A_241, %and3A_243 : vector<16xi32>
          %gather3A_245 = tpu.vector_load_idx %arg5[%and3A_244, %add3A_126] : memref<32x512xf32, #tpu.memory_space<vmem>>[vector<16xi32>, vector<16xi32>], vector<16xf32>,
          %add3A_246 = arith.constant 15 : i32
          %add3A_247 = vector.broadcast %add3A_246 : i32 to vector<16xi32>
          %add3A_248 = arith.addi %iota3A, %add3A_247 : vector<16xi32>
          %and3A_249 = arith.constant 31 : i32
          %and3A_250 = vector.broadcast %and3A_249 : i32 to vector<16xi32>
          %and3A_251 = arith.andi %add3A_248, %and3A_250 : vector<16xi32>
          %gather3A_252 = tpu.vector_load_idx %arg5[%and3A_251, %add3A_126] : memref<32x512xf32, #tpu.memory_space<vmem>>[vector<16xi32>, vector<16xi32>], vector<16xf32>,
          %add3A_253 = arith.addi %add3A_133, %and3A_202 : vector<16xi32>
          tpu.vector_store_idx %arg7[%add3A_253], %gather3A_203 : memref<16384xf32, #tpu.memory_space<vmem>>[vector<16xi32>], vector<16xf32>,
          %add3A_254 = arith.addi %add3A_133, %and3A_209 : vector<16xi32>
          tpu.vector_store_idx %arg7[%add3A_254], %gather3A_210 : memref<16384xf32, #tpu.memory_space<vmem>>[vector<16xi32>], vector<16xf32>,
          %add3A_255 = arith.addi %add3A_133, %and3A_216 : vector<16xi32>
          tpu.vector_store_idx %arg7[%add3A_255], %gather3A_217 : memref<16384xf32, #tpu.memory_space<vmem>>[vector<16xi32>], vector<16xf32>,
          %add3A_256 = arith.addi %add3A_133, %and3A_223 : vector<16xi32>
          tpu.vector_store_idx %arg7[%add3A_256], %gather3A_224 : memref<16384xf32, #tpu.memory_space<vmem>>[vector<16xi32>], vector<16xf32>,
          %add3A_257 = arith.addi %add3A_133, %and3A_230 : vector<16xi32>
          tpu.vector_store_idx %arg7[%add3A_257], %gather3A_231 : memref<16384xf32, #tpu.memory_space<vmem>>[vector<16xi32>], vector<16xf32>,
          %add3A_258 = arith.addi %add3A_133, %and3A_237 : vector<16xi32>
          tpu.vector_store_idx %arg7[%add3A_258], %gather3A_238 : memref<16384xf32, #tpu.memory_space<vmem>>[vector<16xi32>], vector<16xf32>,
          %add3A_259 = arith.addi %add3A_133, %and3A_244 : vector<16xi32>
          tpu.vector_store_idx %arg7[%add3A_259], %gather3A_245 : memref<16384xf32, #tpu.memory_space<vmem>>[vector<16xi32>], vector<16xf32>,
          %add3A_260 = arith.addi %add3A_133, %and3A_251 : vector<16xi32>
          tpu.vector_store_idx %arg7[%add3A_260], %gather3A_252 : memref<16384xf32, #tpu.memory_space<vmem>>[vector<16xi32>], vector<16xf32>,
          %add3A_261 = arith.constant 16 : i32
          %add3A_262 = vector.broadcast %add3A_261 : i32 to vector<16xi32>
          %add3A_263 = arith.addi %iota3A, %add3A_262 : vector<16xi32>
          %and3A_264 = arith.constant 31 : i32
          %and3A_265 = vector.broadcast %and3A_264 : i32 to vector<16xi32>
          %and3A_266 = arith.andi %add3A_263, %and3A_265 : vector<16xi32>
          %gather3A_267 = tpu.vector_load_idx %arg5[%and3A_266, %add3A_126] : memref<32x512xf32, #tpu.memory_space<vmem>>[vector<16xi32>, vector<16xi32>], vector<16xf32>,
          %add3A_268 = arith.constant 17 : i32
          %add3A_269 = vector.broadcast %add3A_268 : i32 to vector<16xi32>
          %add3A_270 = arith.addi %iota3A, %add3A_269 : vector<16xi32>
          %and3A_271 = arith.constant 31 : i32
          %and3A_272 = vector.broadcast %and3A_271 : i32 to vector<16xi32>
          %and3A_273 = arith.andi %add3A_270, %and3A_272 : vector<16xi32>
          %gather3A_274 = tpu.vector_load_idx %arg5[%and3A_273, %add3A_126] : memref<32x512xf32, #tpu.memory_space<vmem>>[vector<16xi32>, vector<16xi32>], vector<16xf32>,
          %add3A_275 = arith.constant 18 : i32
          %add3A_276 = vector.broadcast %add3A_275 : i32 to vector<16xi32>
          %add3A_277 = arith.addi %iota3A, %add3A_276 : vector<16xi32>
          %and3A_278 = arith.constant 31 : i32
          %and3A_279 = vector.broadcast %and3A_278 : i32 to vector<16xi32>
          %and3A_280 = arith.andi %add3A_277, %and3A_279 : vector<16xi32>
          %gather3A_281 = tpu.vector_load_idx %arg5[%and3A_280, %add3A_126] : memref<32x512xf32, #tpu.memory_space<vmem>>[vector<16xi32>, vector<16xi32>], vector<16xf32>,
          %add3A_282 = arith.constant 19 : i32
          %add3A_283 = vector.broadcast %add3A_282 : i32 to vector<16xi32>
          %add3A_284 = arith.addi %iota3A, %add3A_283 : vector<16xi32>
          %and3A_285 = arith.constant 31 : i32
          %and3A_286 = vector.broadcast %and3A_285 : i32 to vector<16xi32>
          %and3A_287 = arith.andi %add3A_284, %and3A_286 : vector<16xi32>
          %gather3A_288 = tpu.vector_load_idx %arg5[%and3A_287, %add3A_126] : memref<32x512xf32, #tpu.memory_space<vmem>>[vector<16xi32>, vector<16xi32>], vector<16xf32>,
          %add3A_289 = arith.constant 20 : i32
          %add3A_290 = vector.broadcast %add3A_289 : i32 to vector<16xi32>
          %add3A_291 = arith.addi %iota3A, %add3A_290 : vector<16xi32>
          %and3A_292 = arith.constant 31 : i32
          %and3A_293 = vector.broadcast %and3A_292 : i32 to vector<16xi32>
          %and3A_294 = arith.andi %add3A_291, %and3A_293 : vector<16xi32>
          %gather3A_295 = tpu.vector_load_idx %arg5[%and3A_294, %add3A_126] : memref<32x512xf32, #tpu.memory_space<vmem>>[vector<16xi32>, vector<16xi32>], vector<16xf32>,
          %add3A_296 = arith.constant 21 : i32
          %add3A_297 = vector.broadcast %add3A_296 : i32 to vector<16xi32>
          %add3A_298 = arith.addi %iota3A, %add3A_297 : vector<16xi32>
          %and3A_299 = arith.constant 31 : i32
          %and3A_300 = vector.broadcast %and3A_299 : i32 to vector<16xi32>
          %and3A_301 = arith.andi %add3A_298, %and3A_300 : vector<16xi32>
          %gather3A_302 = tpu.vector_load_idx %arg5[%and3A_301, %add3A_126] : memref<32x512xf32, #tpu.memory_space<vmem>>[vector<16xi32>, vector<16xi32>], vector<16xf32>,
          %add3A_303 = arith.constant 22 : i32
          %add3A_304 = vector.broadcast %add3A_303 : i32 to vector<16xi32>
          %add3A_305 = arith.addi %iota3A, %add3A_304 : vector<16xi32>
          %and3A_306 = arith.constant 31 : i32
          %and3A_307 = vector.broadcast %and3A_306 : i32 to vector<16xi32>
          %and3A_308 = arith.andi %add3A_305, %and3A_307 : vector<16xi32>
          %gather3A_309 = tpu.vector_load_idx %arg5[%and3A_308, %add3A_126] : memref<32x512xf32, #tpu.memory_space<vmem>>[vector<16xi32>, vector<16xi32>], vector<16xf32>,
          %add3A_310 = arith.constant 23 : i32
          %add3A_311 = vector.broadcast %add3A_310 : i32 to vector<16xi32>
          %add3A_312 = arith.addi %iota3A, %add3A_311 : vector<16xi32>
          %and3A_313 = arith.constant 31 : i32
          %and3A_314 = vector.broadcast %and3A_313 : i32 to vector<16xi32>
          %and3A_315 = arith.andi %add3A_312, %and3A_314 : vector<16xi32>
          %gather3A_316 = tpu.vector_load_idx %arg5[%and3A_315, %add3A_126] : memref<32x512xf32, #tpu.memory_space<vmem>>[vector<16xi32>, vector<16xi32>], vector<16xf32>,
          %add3A_317 = arith.addi %add3A_133, %and3A_266 : vector<16xi32>
          tpu.vector_store_idx %arg7[%add3A_317], %gather3A_267 : memref<16384xf32, #tpu.memory_space<vmem>>[vector<16xi32>], vector<16xf32>,
          %add3A_318 = arith.addi %add3A_133, %and3A_273 : vector<16xi32>
          tpu.vector_store_idx %arg7[%add3A_318], %gather3A_274 : memref<16384xf32, #tpu.memory_space<vmem>>[vector<16xi32>], vector<16xf32>,
          %add3A_319 = arith.addi %add3A_133, %and3A_280 : vector<16xi32>
          tpu.vector_store_idx %arg7[%add3A_319], %gather3A_281 : memref<16384xf32, #tpu.memory_space<vmem>>[vector<16xi32>], vector<16xf32>,
          %add3A_320 = arith.addi %add3A_133, %and3A_287 : vector<16xi32>
          tpu.vector_store_idx %arg7[%add3A_320], %gather3A_288 : memref<16384xf32, #tpu.memory_space<vmem>>[vector<16xi32>], vector<16xf32>,
          %add3A_321 = arith.addi %add3A_133, %and3A_294 : vector<16xi32>
          tpu.vector_store_idx %arg7[%add3A_321], %gather3A_295 : memref<16384xf32, #tpu.memory_space<vmem>>[vector<16xi32>], vector<16xf32>,
          %add3A_322 = arith.addi %add3A_133, %and3A_301 : vector<16xi32>
          tpu.vector_store_idx %arg7[%add3A_322], %gather3A_302 : memref<16384xf32, #tpu.memory_space<vmem>>[vector<16xi32>], vector<16xf32>,
          %add3A_323 = arith.addi %add3A_133, %and3A_308 : vector<16xi32>
          tpu.vector_store_idx %arg7[%add3A_323], %gather3A_309 : memref<16384xf32, #tpu.memory_space<vmem>>[vector<16xi32>], vector<16xf32>,
          %add3A_324 = arith.addi %add3A_133, %and3A_315 : vector<16xi32>
          tpu.vector_store_idx %arg7[%add3A_324], %gather3A_316 : memref<16384xf32, #tpu.memory_space<vmem>>[vector<16xi32>], vector<16xf32>,
          %add3A_325 = arith.constant 24 : i32
          %add3A_326 = vector.broadcast %add3A_325 : i32 to vector<16xi32>
          %add3A_327 = arith.addi %iota3A, %add3A_326 : vector<16xi32>
          %and3A_328 = arith.constant 31 : i32
          %and3A_329 = vector.broadcast %and3A_328 : i32 to vector<16xi32>
          %and3A_330 = arith.andi %add3A_327, %and3A_329 : vector<16xi32>
          %gather3A_331 = tpu.vector_load_idx %arg5[%and3A_330, %add3A_126] : memref<32x512xf32, #tpu.memory_space<vmem>>[vector<16xi32>, vector<16xi32>], vector<16xf32>,
          %add3A_332 = arith.constant 25 : i32
          %add3A_333 = vector.broadcast %add3A_332 : i32 to vector<16xi32>
          %add3A_334 = arith.addi %iota3A, %add3A_333 : vector<16xi32>
          %and3A_335 = arith.constant 31 : i32
          %and3A_336 = vector.broadcast %and3A_335 : i32 to vector<16xi32>
          %and3A_337 = arith.andi %add3A_334, %and3A_336 : vector<16xi32>
          %gather3A_338 = tpu.vector_load_idx %arg5[%and3A_337, %add3A_126] : memref<32x512xf32, #tpu.memory_space<vmem>>[vector<16xi32>, vector<16xi32>], vector<16xf32>,
          %add3A_339 = arith.constant 26 : i32
          %add3A_340 = vector.broadcast %add3A_339 : i32 to vector<16xi32>
          %add3A_341 = arith.addi %iota3A, %add3A_340 : vector<16xi32>
          %and3A_342 = arith.constant 31 : i32
          %and3A_343 = vector.broadcast %and3A_342 : i32 to vector<16xi32>
          %and3A_344 = arith.andi %add3A_341, %and3A_343 : vector<16xi32>
          %gather3A_345 = tpu.vector_load_idx %arg5[%and3A_344, %add3A_126] : memref<32x512xf32, #tpu.memory_space<vmem>>[vector<16xi32>, vector<16xi32>], vector<16xf32>,
          %add3A_346 = arith.constant 27 : i32
          %add3A_347 = vector.broadcast %add3A_346 : i32 to vector<16xi32>
          %add3A_348 = arith.addi %iota3A, %add3A_347 : vector<16xi32>
          %and3A_349 = arith.constant 31 : i32
          %and3A_350 = vector.broadcast %and3A_349 : i32 to vector<16xi32>
          %and3A_351 = arith.andi %add3A_348, %and3A_350 : vector<16xi32>
          %gather3A_352 = tpu.vector_load_idx %arg5[%and3A_351, %add3A_126] : memref<32x512xf32, #tpu.memory_space<vmem>>[vector<16xi32>, vector<16xi32>], vector<16xf32>,
          %add3A_353 = arith.constant 28 : i32
          %add3A_354 = vector.broadcast %add3A_353 : i32 to vector<16xi32>
          %add3A_355 = arith.addi %iota3A, %add3A_354 : vector<16xi32>
          %and3A_356 = arith.constant 31 : i32
          %and3A_357 = vector.broadcast %and3A_356 : i32 to vector<16xi32>
          %and3A_358 = arith.andi %add3A_355, %and3A_357 : vector<16xi32>
          %gather3A_359 = tpu.vector_load_idx %arg5[%and3A_358, %add3A_126] : memref<32x512xf32, #tpu.memory_space<vmem>>[vector<16xi32>, vector<16xi32>], vector<16xf32>,
          %add3A_360 = arith.constant 29 : i32
          %add3A_361 = vector.broadcast %add3A_360 : i32 to vector<16xi32>
          %add3A_362 = arith.addi %iota3A, %add3A_361 : vector<16xi32>
          %and3A_363 = arith.constant 31 : i32
          %and3A_364 = vector.broadcast %and3A_363 : i32 to vector<16xi32>
          %and3A_365 = arith.andi %add3A_362, %and3A_364 : vector<16xi32>
          %gather3A_366 = tpu.vector_load_idx %arg5[%and3A_365, %add3A_126] : memref<32x512xf32, #tpu.memory_space<vmem>>[vector<16xi32>, vector<16xi32>], vector<16xf32>,
          %add3A_367 = arith.constant 30 : i32
          %add3A_368 = vector.broadcast %add3A_367 : i32 to vector<16xi32>
          %add3A_369 = arith.addi %iota3A, %add3A_368 : vector<16xi32>
          %and3A_370 = arith.constant 31 : i32
          %and3A_371 = vector.broadcast %and3A_370 : i32 to vector<16xi32>
          %and3A_372 = arith.andi %add3A_369, %and3A_371 : vector<16xi32>
          %gather3A_373 = tpu.vector_load_idx %arg5[%and3A_372, %add3A_126] : memref<32x512xf32, #tpu.memory_space<vmem>>[vector<16xi32>, vector<16xi32>], vector<16xf32>,
          %add3A_374 = arith.constant 31 : i32
          %add3A_375 = vector.broadcast %add3A_374 : i32 to vector<16xi32>
          %add3A_376 = arith.addi %iota3A, %add3A_375 : vector<16xi32>
          %and3A_377 = arith.constant 31 : i32
          %and3A_378 = vector.broadcast %and3A_377 : i32 to vector<16xi32>
          %and3A_379 = arith.andi %add3A_376, %and3A_378 : vector<16xi32>
          %gather3A_380 = tpu.vector_load_idx %arg5[%and3A_379, %add3A_126] : memref<32x512xf32, #tpu.memory_space<vmem>>[vector<16xi32>, vector<16xi32>], vector<16xf32>,
          %add3A_381 = arith.addi %add3A_133, %and3A_330 : vector<16xi32>
          tpu.vector_store_idx %arg7[%add3A_381], %gather3A_331 : memref<16384xf32, #tpu.memory_space<vmem>>[vector<16xi32>], vector<16xf32>,
          %add3A_382 = arith.addi %add3A_133, %and3A_337 : vector<16xi32>
          tpu.vector_store_idx %arg7[%add3A_382], %gather3A_338 : memref<16384xf32, #tpu.memory_space<vmem>>[vector<16xi32>], vector<16xf32>,
          %add3A_383 = arith.addi %add3A_133, %and3A_344 : vector<16xi32>
          tpu.vector_store_idx %arg7[%add3A_383], %gather3A_345 : memref<16384xf32, #tpu.memory_space<vmem>>[vector<16xi32>], vector<16xf32>,
          %add3A_384 = arith.addi %add3A_133, %and3A_351 : vector<16xi32>
          tpu.vector_store_idx %arg7[%add3A_384], %gather3A_352 : memref<16384xf32, #tpu.memory_space<vmem>>[vector<16xi32>], vector<16xf32>,
          %add3A_385 = arith.addi %add3A_133, %and3A_358 : vector<16xi32>
          tpu.vector_store_idx %arg7[%add3A_385], %gather3A_359 : memref<16384xf32, #tpu.memory_space<vmem>>[vector<16xi32>], vector<16xf32>,
          %add3A_386 = arith.addi %add3A_133, %and3A_365 : vector<16xi32>
          tpu.vector_store_idx %arg7[%add3A_386], %gather3A_366 : memref<16384xf32, #tpu.memory_space<vmem>>[vector<16xi32>], vector<16xf32>,
          %add3A_387 = arith.addi %add3A_133, %and3A_372 : vector<16xi32>
          tpu.vector_store_idx %arg7[%add3A_387], %gather3A_373 : memref<16384xf32, #tpu.memory_space<vmem>>[vector<16xi32>], vector<16xf32>,
          %add3A_388 = arith.addi %add3A_133, %and3A_379 : vector<16xi32>
          tpu.vector_store_idx %arg7[%add3A_388], %gather3A_380 : memref<16384xf32, #tpu.memory_space<vmem>>[vector<16xi32>], vector<16xf32>,
        }
        %scan3A_116 = arith.constant 32 : i32
        %mul3A_117 = arith.constant 16384 : i32
        %mul3A_118 = arith.muli %add3A_78, %mul3A_117 : i32
        %dma_start3A = tpu.memref_slice %arg3[%mul3A_118] : memref<32000000xf32, #tpu.memory_space<hbm>> -> memref<16384xf32, #tpu.memory_space<hbm>>
        %dma_start3A_119 = tpu.memref_slice %arg3[%mul3A_118] : memref<32000000xf32, #tpu.memory_space<hbm>> -> memref<16384xf32, #tpu.memory_space<hbm>>
        tpu.enqueue_dma source(%arg7 : memref<16384xf32, #tpu.memory_space<vmem>>) target(%dma_start3A_119 : memref<16384xf32, #tpu.memory_space<hbm>>) target_semaphore(%arg11 : memref<!tpu.dma_semaphore, #tpu.memory_space<semaphore_mem>>)
      } else {
      }
      %add3A_102 = arith.constant 2 : i32
      %add3A_103 = arith.addi %add3A_75, %add3A_102 : i32
      %mul3A_104 = arith.constant 32 : i32
      %mul3A_105 = arith.muli %add3A_103, %mul3A_104 : i32
      %add3A_106 = arith.addi %mul3A_105, %add3A : i32
      %lt3A_107 = arith.constant 1953 : i32
      %lt3A_108 = arith.cmpi slt, %add3A_106, %lt3A_107 : i32
      %convert_element_type3A_109 = arith.extui %lt3A_108 : i1 to i32
      %cond3A_110 = arith.constant 0 : i32
      %cond3A_111 = arith.cmpi ne, %convert_element_type3A_109, %cond3A_110 : i32
      scf.if %cond3A_111 {
        %mul3A_112 = arith.constant 512 : i32
        %mul3A_113 = arith.muli %add3A_106, %mul3A_112 : i32
        %dma_start3A = arith.constant 0 : i32
        %dma_start3A_114 = tpu.memref_slice %arg2[%dma_start3A, %mul3A_113] : memref<32x1000000xf32, #tpu.memory_space<hbm>> -> memref<32x512xf32, #tpu.memory_space<hbm>>
        %dma_start3A_115 = arith.constant 0 : i32
        %dma_start3A_116 = tpu.memref_slice %arg2[%dma_start3A_115, %mul3A_113] : memref<32x1000000xf32, #tpu.memory_space<hbm>> -> memref<32x512xf32, #tpu.memory_space<hbm>>
        tpu.enqueue_dma source(%dma_start3A_116 : memref<32x512xf32, #tpu.memory_space<hbm>>) target(%arg5 : memref<32x512xf32, #tpu.memory_space<vmem>>) target_semaphore(%arg9 : memref<!tpu.dma_semaphore, #tpu.memory_space<semaphore_mem>>)
      } else {
      }
    }
    %scan3A_21 = arith.constant 31 : i32
    %add3A_22 = arith.constant 1920 : i32
    %add3A_23 = arith.addi %add3A_22, %add3A : i32
    %lt3A_24 = arith.constant 1953 : i32
    %lt3A_25 = arith.cmpi slt, %add3A_23, %lt3A_24 : i32
    %convert_element_type3A_26 = arith.extui %lt3A_25 : i1 to i32
    %cond3A_27 = arith.constant 0 : i32
    %cond3A_28 = arith.cmpi ne, %convert_element_type3A_26, %cond3A_27 : i32
    scf.if %cond3A_28 {
      %dma_wait3A = arith.constant 0 : i32
      %dma_wait3A_36 = tpu.memref_slice %arg3[%dma_wait3A] : memref<32000000xf32, #tpu.memory_space<hbm>> -> memref<16384xf32, #tpu.memory_space<hbm>>
      %dma_wait3A_37 = arith.constant 0 : i32
      %dma_wait3A_38 = tpu.memref_slice %arg3[%dma_wait3A_37] : memref<32000000xf32, #tpu.memory_space<hbm>> -> memref<16384xf32, #tpu.memory_space<hbm>>
      tpu.wait_dma2 semaphore(%arg10 : memref<!tpu.dma_semaphore, #tpu.memory_space<semaphore_mem>>) src(%arg6 : memref<16384xf32, #tpu.memory_space<vmem>>) dst(%dma_wait3A_38 : memref<16384xf32, #tpu.memory_space<hbm>>)
    } else {
    }
    %add3A_29 = arith.constant 1952 : i32
    %add3A_30 = arith.addi %add3A_29, %add3A : i32
    %lt3A_31 = arith.constant 1953 : i32
    %lt3A_32 = arith.cmpi slt, %add3A_30, %lt3A_31 : i32
    %convert_element_type3A_33 = arith.extui %lt3A_32 : i1 to i32
    %cond3A_34 = arith.constant 0 : i32
    %cond3A_35 = arith.cmpi ne, %convert_element_type3A_33, %cond3A_34 : i32
    scf.if %cond3A_35 {
      %dma_wait3A = arith.constant 0 : i32
      %dma_wait3A_36 = tpu.memref_slice %arg3[%dma_wait3A] : memref<32000000xf32, #tpu.memory_space<hbm>> -> memref<16384xf32, #tpu.memory_space<hbm>>
      %dma_wait3A_37 = arith.constant 0 : i32
      %dma_wait3A_38 = tpu.memref_slice %arg3[%dma_wait3A_37] : memref<32000000xf32, #tpu.memory_space<hbm>> -> memref<16384xf32, #tpu.memory_space<hbm>>
      tpu.wait_dma2 semaphore(%arg11 : memref<!tpu.dma_semaphore, #tpu.memory_space<semaphore_mem>>) src(%arg7 : memref<16384xf32, #tpu.memory_space<vmem>>) dst(%dma_wait3A_38 : memref<16384xf32, #tpu.memory_space<hbm>>)
    } else {
    }
    return
  }
}

#map = affine_map<(d0, d1) -> (0, 0, 0)>
#map1 = affine_map<(d0, d1) -> (0, 0)>
#map2 = affine_map<(d0, d1) -> (0, 0, 0, 0, 0)>
module attributes {stable_mosaic.version = 14 : i64} {
  func.func @_gather_body(%arg0: i32, %arg1: i32, %arg2: memref<32x200x128xi32, #tpu.memory_space<hbm>>, %arg3: memref<1000000x32xf32, #tpu.memory_space<hbm>>, %arg4: memref<200x4x32x8x128xf32, #tpu.memory_space<hbm>>, %arg5: memref<200x128xi32, #tpu.memory_space<vmem>>, %arg6: memref<256x32xf32, #tpu.memory_space<vmem>>, %arg7: memref<256x32xf32, #tpu.memory_space<vmem>>, %arg8: memref<256x32xf32, #tpu.memory_space<vmem>>, %arg9: memref<256x32xf32, #tpu.memory_space<vmem>>, %arg10: memref<2x4x8x129xf32, #tpu.memory_space<vmem>>, %arg11: memref<2x4x8x129xf32, #tpu.memory_space<vmem>>, %arg12: memref<!tpu.dma_semaphore, #tpu.memory_space<semaphore_mem>>, %arg13: memref<!tpu.dma_semaphore, #tpu.memory_space<semaphore_mem>>, %arg14: memref<!tpu.dma_semaphore, #tpu.memory_space<semaphore_mem>>, %arg15: memref<!tpu.dma_semaphore, #tpu.memory_space<semaphore_mem>>, %arg16: memref<!tpu.dma_semaphore, #tpu.memory_space<semaphore_mem>>, %arg17: memref<!tpu.dma_semaphore, #tpu.memory_space<semaphore_mem>>) attributes {dimension_semantics = [#tpu.dimension_semantics<core_parallel>, #tpu.dimension_semantics<subcore_parallel>], iteration_bounds = array<i64: 2, 16>, scalar_prefetch = 0 : i64, scratch_operands = 13 : i64, tpu.core_type = #tpu.core_type<sc_vector_subcore>, window_params = [{transform_indices = #map}, {transform_indices = #map1}, {transform_indices = #map2}]} {
    %mul3A = arith.constant 2 : i32
    %mul3A_0 = arith.muli %arg1, %mul3A : i32
    %add3A = arith.addi %mul3A_0, %arg0 : i32
    %iota3A = tpu.iota {dimensions = array<i32: 0>} : vector<16xi32>
    "tpu.region"() ({
      %run_scoped3A = tpu.sem_alloc : memref<!tpu.dma_semaphore, #tpu.memory_space<semaphore_mem>>
      %dma_start3A_129 = arith.constant 0 : i32
      %dma_start3A_130 = arith.constant 0 : i32
      %dma_start3A_131 = tpu.memref_slice %arg2[%add3A, %dma_start3A_129, %dma_start3A_130] : memref<32x200x128xi32, #tpu.memory_space<hbm>> -> memref<1x200x128xi32, #tpu.memory_space<hbm>>
      %dma_start3A_132 = tpu.memref_squeeze %dma_start3A_131 : memref<1x200x128xi32, #tpu.memory_space<hbm>> -> memref<200x128xi32, #tpu.memory_space<hbm>>
      %dma_start3A_133 = arith.constant 0 : i32
      %dma_start3A_134 = arith.constant 0 : i32
      %dma_start3A_135 = tpu.memref_slice %arg2[%add3A, %dma_start3A_133, %dma_start3A_134] : memref<32x200x128xi32, #tpu.memory_space<hbm>> -> memref<1x200x128xi32, #tpu.memory_space<hbm>>
      %dma_start3A_136 = tpu.memref_squeeze %dma_start3A_135 : memref<1x200x128xi32, #tpu.memory_space<hbm>> -> memref<200x128xi32, #tpu.memory_space<hbm>>
      tpu.enqueue_dma source(%dma_start3A_136 : memref<200x128xi32, #tpu.memory_space<hbm>>) target(%arg5 : memref<200x128xi32, #tpu.memory_space<vmem>>) target_semaphore(%run_scoped3A : memref<!tpu.dma_semaphore, #tpu.memory_space<semaphore_mem>>)
      %dma_wait3A_137 = arith.constant 0 : i32
      %dma_wait3A_138 = arith.constant 0 : i32
      %dma_wait3A_139 = tpu.memref_slice %arg2[%add3A, %dma_wait3A_137, %dma_wait3A_138] : memref<32x200x128xi32, #tpu.memory_space<hbm>> -> memref<1x200x128xi32, #tpu.memory_space<hbm>>
      %dma_wait3A_140 = tpu.memref_squeeze %dma_wait3A_139 : memref<1x200x128xi32, #tpu.memory_space<hbm>> -> memref<200x128xi32, #tpu.memory_space<hbm>>
      %dma_wait3A_141 = arith.constant 0 : i32
      %dma_wait3A_142 = arith.constant 0 : i32
      %dma_wait3A_143 = tpu.memref_slice %arg2[%add3A, %dma_wait3A_141, %dma_wait3A_142] : memref<32x200x128xi32, #tpu.memory_space<hbm>> -> memref<1x200x128xi32, #tpu.memory_space<hbm>>
      %dma_wait3A_144 = tpu.memref_squeeze %dma_wait3A_143 : memref<1x200x128xi32, #tpu.memory_space<hbm>> -> memref<200x128xi32, #tpu.memory_space<hbm>>
      tpu.wait_dma2 semaphore(%run_scoped3A : memref<!tpu.dma_semaphore, #tpu.memory_space<semaphore_mem>>) src(%dma_wait3A_144 : memref<200x128xi32, #tpu.memory_space<hbm>>) dst(%arg5 : memref<200x128xi32, #tpu.memory_space<vmem>>)
      tpu.yield
    }) : () -> ()
    %dma_start3A = arith.constant 0 : i32
    %dma_start3A_1 = arith.constant 0 : i32
    %dma_start3A_2 = arith.constant 0 : i32
    %dma_start3A_3 = tpu.memref_slice %arg6[%dma_start3A_1, %dma_start3A_2] : memref<256x32xf32, #tpu.memory_space<vmem>> -> memref<128x32xf32, #tpu.memory_space<vmem>>
    %dma_start3A_4 = arith.constant 0 : i32
    %dma_start3A_5 = tpu.memref_slice %arg5[%dma_start3A, %dma_start3A_4] : memref<200x128xi32, #tpu.memory_space<vmem>> -> memref<1x128xi32, #tpu.memory_space<vmem>>
    %dma_start3A_6 = tpu.memref_squeeze %dma_start3A_5 : memref<1x128xi32, #tpu.memory_space<vmem>> -> memref<128xi32, #tpu.memory_space<vmem>>
    %dma_start3A_7 = arith.constant 0 : i32
    %dma_start3A_8 = arith.constant 0 : i32
    %dma_start3A_9 = tpu.memref_slice %arg3[%dma_start3A_7, %dma_start3A_8] : memref<1000000x32xf32, #tpu.memory_space<hbm>> -> memref<1000000x32xf32, #tpu.memory_space<hbm>>
    tpu.enqueue_indirect_dma source(%dma_start3A_9 : memref<1000000x32xf32, #tpu.memory_space<hbm>>) target(%dma_start3A_3 : memref<128x32xf32, #tpu.memory_space<vmem>>) offsets(%dma_start3A_6 : memref<128xi32, #tpu.memory_space<vmem>>) semaphore(%arg12 : memref<!tpu.dma_semaphore, #tpu.memory_space<semaphore_mem>>)
    %dma_start3A_10 = arith.constant 1 : i32
    %dma_start3A_11 = arith.constant 128 : i32
    %dma_start3A_12 = arith.constant 0 : i32
    %dma_start3A_13 = tpu.memref_slice %arg6[%dma_start3A_11, %dma_start3A_12] : memref<256x32xf32, #tpu.memory_space<vmem>> -> memref<128x32xf32, #tpu.memory_space<vmem>>
    %dma_start3A_14 = arith.constant 0 : i32
    %dma_start3A_15 = tpu.memref_slice %arg5[%dma_start3A_10, %dma_start3A_14] : memref<200x128xi32, #tpu.memory_space<vmem>> -> memref<1x128xi32, #tpu.memory_space<vmem>>
    %dma_start3A_16 = tpu.memref_squeeze %dma_start3A_15 : memref<1x128xi32, #tpu.memory_space<vmem>> -> memref<128xi32, #tpu.memory_space<vmem>>
    %dma_start3A_17 = arith.constant 0 : i32
    %dma_start3A_18 = arith.constant 0 : i32
    %dma_start3A_19 = tpu.memref_slice %arg3[%dma_start3A_17, %dma_start3A_18] : memref<1000000x32xf32, #tpu.memory_space<hbm>> -> memref<1000000x32xf32, #tpu.memory_space<hbm>>
    tpu.enqueue_indirect_dma source(%dma_start3A_19 : memref<1000000x32xf32, #tpu.memory_space<hbm>>) target(%dma_start3A_13 : memref<128x32xf32, #tpu.memory_space<vmem>>) offsets(%dma_start3A_16 : memref<128xi32, #tpu.memory_space<vmem>>) semaphore(%arg12 : memref<!tpu.dma_semaphore, #tpu.memory_space<semaphore_mem>>)
    %dma_start3A_20 = arith.constant 2 : i32
    %dma_start3A_21 = arith.constant 0 : i32
    %dma_start3A_22 = arith.constant 0 : i32
    %dma_start3A_23 = tpu.memref_slice %arg7[%dma_start3A_21, %dma_start3A_22] : memref<256x32xf32, #tpu.memory_space<vmem>> -> memref<128x32xf32, #tpu.memory_space<vmem>>
    %dma_start3A_24 = arith.constant 0 : i32
    %dma_start3A_25 = tpu.memref_slice %arg5[%dma_start3A_20, %dma_start3A_24] : memref<200x128xi32, #tpu.memory_space<vmem>> -> memref<1x128xi32, #tpu.memory_space<vmem>>
    %dma_start3A_26 = tpu.memref_squeeze %dma_start3A_25 : memref<1x128xi32, #tpu.memory_space<vmem>> -> memref<128xi32, #tpu.memory_space<vmem>>
    %dma_start3A_27 = arith.constant 0 : i32
    %dma_start3A_28 = arith.constant 0 : i32
    %dma_start3A_29 = tpu.memref_slice %arg3[%dma_start3A_27, %dma_start3A_28] : memref<1000000x32xf32, #tpu.memory_space<hbm>> -> memref<1000000x32xf32, #tpu.memory_space<hbm>>
    tpu.enqueue_indirect_dma source(%dma_start3A_29 : memref<1000000x32xf32, #tpu.memory_space<hbm>>) target(%dma_start3A_23 : memref<128x32xf32, #tpu.memory_space<vmem>>) offsets(%dma_start3A_26 : memref<128xi32, #tpu.memory_space<vmem>>) semaphore(%arg13 : memref<!tpu.dma_semaphore, #tpu.memory_space<semaphore_mem>>)
    %dma_start3A_30 = arith.constant 3 : i32
    %dma_start3A_31 = arith.constant 128 : i32
    %dma_start3A_32 = arith.constant 0 : i32
    %dma_start3A_33 = tpu.memref_slice %arg7[%dma_start3A_31, %dma_start3A_32] : memref<256x32xf32, #tpu.memory_space<vmem>> -> memref<128x32xf32, #tpu.memory_space<vmem>>
    %dma_start3A_34 = arith.constant 0 : i32
    %dma_start3A_35 = tpu.memref_slice %arg5[%dma_start3A_30, %dma_start3A_34] : memref<200x128xi32, #tpu.memory_space<vmem>> -> memref<1x128xi32, #tpu.memory_space<vmem>>
    %dma_start3A_36 = tpu.memref_squeeze %dma_start3A_35 : memref<1x128xi32, #tpu.memory_space<vmem>> -> memref<128xi32, #tpu.memory_space<vmem>>
    %dma_start3A_37 = arith.constant 0 : i32
    %dma_start3A_38 = arith.constant 0 : i32
    %dma_start3A_39 = tpu.memref_slice %arg3[%dma_start3A_37, %dma_start3A_38] : memref<1000000x32xf32, #tpu.memory_space<hbm>> -> memref<1000000x32xf32, #tpu.memory_space<hbm>>
    tpu.enqueue_indirect_dma source(%dma_start3A_39 : memref<1000000x32xf32, #tpu.memory_space<hbm>>) target(%dma_start3A_33 : memref<128x32xf32, #tpu.memory_space<vmem>>) offsets(%dma_start3A_36 : memref<128xi32, #tpu.memory_space<vmem>>) semaphore(%arg13 : memref<!tpu.dma_semaphore, #tpu.memory_space<semaphore_mem>>)
    %dma_start3A_40 = arith.constant 4 : i32
    %dma_start3A_41 = arith.constant 0 : i32
    %dma_start3A_42 = arith.constant 0 : i32
    %dma_start3A_43 = tpu.memref_slice %arg8[%dma_start3A_41, %dma_start3A_42] : memref<256x32xf32, #tpu.memory_space<vmem>> -> memref<128x32xf32, #tpu.memory_space<vmem>>
    %dma_start3A_44 = arith.constant 0 : i32
    %dma_start3A_45 = tpu.memref_slice %arg5[%dma_start3A_40, %dma_start3A_44] : memref<200x128xi32, #tpu.memory_space<vmem>> -> memref<1x128xi32, #tpu.memory_space<vmem>>
    %dma_start3A_46 = tpu.memref_squeeze %dma_start3A_45 : memref<1x128xi32, #tpu.memory_space<vmem>> -> memref<128xi32, #tpu.memory_space<vmem>>
    %dma_start3A_47 = arith.constant 0 : i32
    %dma_start3A_48 = arith.constant 0 : i32
    %dma_start3A_49 = tpu.memref_slice %arg3[%dma_start3A_47, %dma_start3A_48] : memref<1000000x32xf32, #tpu.memory_space<hbm>> -> memref<1000000x32xf32, #tpu.memory_space<hbm>>
    tpu.enqueue_indirect_dma source(%dma_start3A_49 : memref<1000000x32xf32, #tpu.memory_space<hbm>>) target(%dma_start3A_43 : memref<128x32xf32, #tpu.memory_space<vmem>>) offsets(%dma_start3A_46 : memref<128xi32, #tpu.memory_space<vmem>>) semaphore(%arg14 : memref<!tpu.dma_semaphore, #tpu.memory_space<semaphore_mem>>)
    %dma_start3A_50 = arith.constant 5 : i32
    %dma_start3A_51 = arith.constant 128 : i32
    %dma_start3A_52 = arith.constant 0 : i32
    %dma_start3A_53 = tpu.memref_slice %arg8[%dma_start3A_51, %dma_start3A_52] : memref<256x32xf32, #tpu.memory_space<vmem>> -> memref<128x32xf32, #tpu.memory_space<vmem>>
    %dma_start3A_54 = arith.constant 0 : i32
    %dma_start3A_55 = tpu.memref_slice %arg5[%dma_start3A_50, %dma_start3A_54] : memref<200x128xi32, #tpu.memory_space<vmem>> -> memref<1x128xi32, #tpu.memory_space<vmem>>
    %dma_start3A_56 = tpu.memref_squeeze %dma_start3A_55 : memref<1x128xi32, #tpu.memory_space<vmem>> -> memref<128xi32, #tpu.memory_space<vmem>>
    %dma_start3A_57 = arith.constant 0 : i32
    %dma_start3A_58 = arith.constant 0 : i32
    %dma_start3A_59 = tpu.memref_slice %arg3[%dma_start3A_57, %dma_start3A_58] : memref<1000000x32xf32, #tpu.memory_space<hbm>> -> memref<1000000x32xf32, #tpu.memory_space<hbm>>
    tpu.enqueue_indirect_dma source(%dma_start3A_59 : memref<1000000x32xf32, #tpu.memory_space<hbm>>) target(%dma_start3A_53 : memref<128x32xf32, #tpu.memory_space<vmem>>) offsets(%dma_start3A_56 : memref<128xi32, #tpu.memory_space<vmem>>) semaphore(%arg14 : memref<!tpu.dma_semaphore, #tpu.memory_space<semaphore_mem>>)
    %dma_start3A_60 = arith.constant 6 : i32
    %dma_start3A_61 = arith.constant 0 : i32
    %dma_start3A_62 = arith.constant 0 : i32
    %dma_start3A_63 = tpu.memref_slice %arg9[%dma_start3A_61, %dma_start3A_62] : memref<256x32xf32, #tpu.memory_space<vmem>> -> memref<128x32xf32, #tpu.memory_space<vmem>>
    %dma_start3A_64 = arith.constant 0 : i32
    %dma_start3A_65 = tpu.memref_slice %arg5[%dma_start3A_60, %dma_start3A_64] : memref<200x128xi32, #tpu.memory_space<vmem>> -> memref<1x128xi32, #tpu.memory_space<vmem>>
    %dma_start3A_66 = tpu.memref_squeeze %dma_start3A_65 : memref<1x128xi32, #tpu.memory_space<vmem>> -> memref<128xi32, #tpu.memory_space<vmem>>
    %dma_start3A_67 = arith.constant 0 : i32
    %dma_start3A_68 = arith.constant 0 : i32
    %dma_start3A_69 = tpu.memref_slice %arg3[%dma_start3A_67, %dma_start3A_68] : memref<1000000x32xf32, #tpu.memory_space<hbm>> -> memref<1000000x32xf32, #tpu.memory_space<hbm>>
    tpu.enqueue_indirect_dma source(%dma_start3A_69 : memref<1000000x32xf32, #tpu.memory_space<hbm>>) target(%dma_start3A_63 : memref<128x32xf32, #tpu.memory_space<vmem>>) offsets(%dma_start3A_66 : memref<128xi32, #tpu.memory_space<vmem>>) semaphore(%arg15 : memref<!tpu.dma_semaphore, #tpu.memory_space<semaphore_mem>>)
    %dma_start3A_70 = arith.constant 7 : i32
    %dma_start3A_71 = arith.constant 128 : i32
    %dma_start3A_72 = arith.constant 0 : i32
    %dma_start3A_73 = tpu.memref_slice %arg9[%dma_start3A_71, %dma_start3A_72] : memref<256x32xf32, #tpu.memory_space<vmem>> -> memref<128x32xf32, #tpu.memory_space<vmem>>
    %dma_start3A_74 = arith.constant 0 : i32
    %dma_start3A_75 = tpu.memref_slice %arg5[%dma_start3A_70, %dma_start3A_74] : memref<200x128xi32, #tpu.memory_space<vmem>> -> memref<1x128xi32, #tpu.memory_space<vmem>>
    %dma_start3A_76 = tpu.memref_squeeze %dma_start3A_75 : memref<1x128xi32, #tpu.memory_space<vmem>> -> memref<128xi32, #tpu.memory_space<vmem>>
    %dma_start3A_77 = arith.constant 0 : i32
    %dma_start3A_78 = arith.constant 0 : i32
    %dma_start3A_79 = tpu.memref_slice %arg3[%dma_start3A_77, %dma_start3A_78] : memref<1000000x32xf32, #tpu.memory_space<hbm>> -> memref<1000000x32xf32, #tpu.memory_space<hbm>>
    tpu.enqueue_indirect_dma source(%dma_start3A_79 : memref<1000000x32xf32, #tpu.memory_space<hbm>>) target(%dma_start3A_73 : memref<128x32xf32, #tpu.memory_space<vmem>>) offsets(%dma_start3A_76 : memref<128xi32, #tpu.memory_space<vmem>>) semaphore(%arg15 : memref<!tpu.dma_semaphore, #tpu.memory_space<semaphore_mem>>)
    %scan3A = arith.constant 0 : i32
    %scan3A_80 = arith.constant 25 : i32
    %scan3A_81 = arith.addi %scan3A, %scan3A_80 : i32
    %scan3A_82 = arith.constant 1 : i32
    scf.for %scan3A_129 = %scan3A to %scan3A_81 step %scan3A_82  : i32 {
      %mul3A_130 = arith.constant 4 : i32
      %mul3A_131 = arith.muli %scan3A_129, %mul3A_130 : i32
      %add3A_132 = arith.constant 0 : i32
      %add3A_133 = arith.addi %mul3A_131, %add3A_132 : i32
      %mul3A_134 = arith.constant 2 : i32
      %mul3A_135 = arith.muli %mul3A_134, %add3A_133 : i32
      %dma_wait3A_136 = arith.constant 0 : i32
      %dma_wait3A_137 = arith.constant 0 : i32
      %dma_wait3A_138 = tpu.memref_slice %arg3[%dma_wait3A_136, %dma_wait3A_137] : memref<1000000x32xf32, #tpu.memory_space<hbm>> -> memref<256x32xf32, #tpu.memory_space<hbm>>
      %dma_wait3A_139 = arith.constant 0 : i32
      %dma_wait3A_140 = arith.constant 0 : i32
      %dma_wait3A_141 = tpu.memref_slice %arg3[%dma_wait3A_139, %dma_wait3A_140] : memref<1000000x32xf32, #tpu.memory_space<hbm>> -> memref<256x32xf32, #tpu.memory_space<hbm>>
      tpu.wait_dma2 semaphore(%arg12 : memref<!tpu.dma_semaphore, #tpu.memory_space<semaphore_mem>>) src(%dma_wait3A_141 : memref<256x32xf32, #tpu.memory_space<hbm>>) dst(%arg6 : memref<256x32xf32, #tpu.memory_space<vmem>>)
      %gt3A = arith.constant 0 : i32
      %gt3A_142 = arith.cmpi sgt, %scan3A_129, %gt3A : i32
      %convert_element_type3A = arith.extui %gt3A_142 : i1 to i32
      %cond3A = arith.constant 0 : i32
      %cond3A_143 = arith.cmpi ne, %convert_element_type3A, %cond3A : i32
      scf.if %cond3A_143 {
        %dma_wait3A_358 = arith.constant 0 : i32
        %dma_wait3A_359 = arith.constant 0 : i32
        %dma_wait3A_360 = arith.constant 0 : i32
        %dma_wait3A_361 = arith.constant 0 : i32
        %dma_wait3A_362 = arith.constant 0 : i32
        %dma_wait3A_363 = tpu.memref_slice %arg10[%dma_wait3A_359, %dma_wait3A_360, %dma_wait3A_361, %dma_wait3A_362] : memref<2x4x8x129xf32, #tpu.memory_space<vmem>> -> memref<2x4x8x128xf32, #tpu.memory_space<vmem>>
        %dma_wait3A_364 = arith.constant 0 : i32
        %dma_wait3A_365 = arith.constant 0 : i32
        %dma_wait3A_366 = arith.constant 0 : i32
        %dma_wait3A_367 = arith.constant 0 : i32
        %dma_wait3A_368 = tpu.memref_slice %arg4[%dma_wait3A_364, %dma_wait3A_365, %dma_wait3A_358, %dma_wait3A_366, %dma_wait3A_367] : memref<200x4x32x8x128xf32, #tpu.memory_space<hbm>> -> memref<2x4x1x8x128xf32, #tpu.memory_space<hbm>>
        %dma_wait3A_369 = tpu.memref_squeeze %dma_wait3A_368 : memref<2x4x1x8x128xf32, #tpu.memory_space<hbm>> -> memref<2x4x8x128xf32, #tpu.memory_space<hbm>>
        %dma_wait3A_370 = arith.constant 0 : i32
        %dma_wait3A_371 = arith.constant 0 : i32
        %dma_wait3A_372 = arith.constant 0 : i32
        %dma_wait3A_373 = arith.constant 0 : i32
        %dma_wait3A_374 = tpu.memref_slice %arg4[%dma_wait3A_370, %dma_wait3A_371, %dma_wait3A_358, %dma_wait3A_372, %dma_wait3A_373] : memref<200x4x32x8x128xf32, #tpu.memory_space<hbm>> -> memref<2x4x1x8x128xf32, #tpu.memory_space<hbm>>
        %dma_wait3A_375 = tpu.memref_squeeze %dma_wait3A_374 : memref<2x4x1x8x128xf32, #tpu.memory_space<hbm>> -> memref<2x4x8x128xf32, #tpu.memory_space<hbm>>
        %dma_wait3A_376 = arith.constant 0 : i32
        %dma_wait3A_377 = arith.constant 0 : i32
        %dma_wait3A_378 = arith.constant 0 : i32
        %dma_wait3A_379 = arith.constant 0 : i32
        %dma_wait3A_380 = tpu.memref_slice %arg10[%dma_wait3A_376, %dma_wait3A_377, %dma_wait3A_378, %dma_wait3A_379] : memref<2x4x8x129xf32, #tpu.memory_space<vmem>> -> memref<2x4x8x128xf32, #tpu.memory_space<vmem>>
        tpu.wait_dma2 semaphore(%arg16 : memref<!tpu.dma_semaphore, #tpu.memory_space<semaphore_mem>>) src(%dma_wait3A_380 : memref<2x4x8x128xf32, #tpu.memory_space<vmem>>) dst(%dma_wait3A_375 : memref<2x4x8x128xf32, #tpu.memory_space<hbm>>)
      } else {
      }
      %scan3A_144 = arith.constant 0 : i32
      %scan3A_145 = arith.constant 32 : i32
      %scan3A_146 = arith.addi %scan3A_144, %scan3A_145 : i32
      %scan3A_147 = arith.constant 1 : i32
      scf.for %scan3A_358 = %scan3A_144 to %scan3A_146 step %scan3A_147  : i32 {
        %mul3A_359 = arith.constant 4 : i32
        %mul3A_360 = arith.muli %scan3A_358, %mul3A_359 : i32
        %add3A_361 = arith.constant 0 : i32
        %add3A_362 = arith.addi %mul3A_360, %add3A_361 : i32
        %broadcast_in_dim3A = arith.constant 0 : i32
        %broadcast_in_dim3A_363 = vector.broadcast %broadcast_in_dim3A : i32 to vector<16xi32>
        %add3A_364 = vector.broadcast %add3A_362 : i32 to vector<16xi32>
        %add3A_365 = arith.addi %broadcast_in_dim3A_363, %add3A_364 : vector<16xi32>
        %add3A_366 = arith.constant 0 : i32
        %add3A_367 = arith.addi %add3A_366, %add3A_362 : i32
        %get3A = arith.index_cast %add3A_367 : i32 to index
        %get3A_368 = arith.constant 0 : index
        %get3A_369 = tpu.vector_load %arg6[%get3A, %get3A_368] {strides = array<i32>} : memref<256x32xf32, #tpu.memory_space<vmem>>, vector<16xf32>,
        %add3A_370 = arith.constant 0 : i32
        %add3A_371 = vector.broadcast %add3A_370 : i32 to vector<16xi32>
        %add3A_372 = arith.addi %add3A_371, %iota3A : vector<16xi32>
        %shift_right_arithmetic3A = arith.constant 5 : i32
        %shift_right_arithmetic3A_373 = vector.broadcast %shift_right_arithmetic3A : i32 to vector<16xi32>
        %shift_right_arithmetic3A_374 = arith.shrsi %add3A_372, %shift_right_arithmetic3A_373 : vector<16xi32>
        %shift_right_arithmetic3A_375 = arith.constant 3 : i32
        %shift_right_arithmetic3A_376 = vector.broadcast %shift_right_arithmetic3A_375 : i32 to vector<16xi32>
        %shift_right_arithmetic3A_377 = arith.shrsi %add3A_372, %shift_right_arithmetic3A_376 : vector<16xi32>
        %and3A = arith.constant 3 : i32
        %and3A_378 = vector.broadcast %and3A : i32 to vector<16xi32>
        %and3A_379 = arith.andi %shift_right_arithmetic3A_377, %and3A_378 : vector<16xi32>
        %and3A_380 = arith.constant 7 : i32
        %and3A_381 = vector.broadcast %and3A_380 : i32 to vector<16xi32>
        %and3A_382 = arith.andi %add3A_372, %and3A_381 : vector<16xi32>
        tpu.vector_store_idx %arg10[%shift_right_arithmetic3A_374, %and3A_379, %and3A_382, %add3A_365], %get3A_369 : memref<2x4x8x129xf32, #tpu.memory_space<vmem>>[vector<16xi32>, vector<16xi32>, vector<16xi32>, vector<16xi32>], vector<16xf32>,
        %get3A_383 = arith.index_cast %add3A_367 : i32 to index
        %get3A_384 = arith.constant 16 : index
        %get3A_385 = tpu.vector_load %arg6[%get3A_383, %get3A_384] {strides = array<i32>} : memref<256x32xf32, #tpu.memory_space<vmem>>, vector<16xf32>,
        %add3A_386 = arith.constant 16 : i32
        %add3A_387 = vector.broadcast %add3A_386 : i32 to vector<16xi32>
        %add3A_388 = arith.addi %add3A_387, %iota3A : vector<16xi32>
        %shift_right_arithmetic3A_389 = arith.constant 5 : i32
        %shift_right_arithmetic3A_390 = vector.broadcast %shift_right_arithmetic3A_389 : i32 to vector<16xi32>
        %shift_right_arithmetic3A_391 = arith.shrsi %add3A_388, %shift_right_arithmetic3A_390 : vector<16xi32>
        %shift_right_arithmetic3A_392 = arith.constant 3 : i32
        %shift_right_arithmetic3A_393 = vector.broadcast %shift_right_arithmetic3A_392 : i32 to vector<16xi32>
        %shift_right_arithmetic3A_394 = arith.shrsi %add3A_388, %shift_right_arithmetic3A_393 : vector<16xi32>
        %and3A_395 = arith.constant 3 : i32
        %and3A_396 = vector.broadcast %and3A_395 : i32 to vector<16xi32>
        %and3A_397 = arith.andi %shift_right_arithmetic3A_394, %and3A_396 : vector<16xi32>
        %and3A_398 = arith.constant 7 : i32
        %and3A_399 = vector.broadcast %and3A_398 : i32 to vector<16xi32>
        %and3A_400 = arith.andi %add3A_388, %and3A_399 : vector<16xi32>
        tpu.vector_store_idx %arg10[%shift_right_arithmetic3A_391, %and3A_397, %and3A_400, %add3A_365], %get3A_385 : memref<2x4x8x129xf32, #tpu.memory_space<vmem>>[vector<16xi32>, vector<16xi32>, vector<16xi32>, vector<16xi32>], vector<16xf32>,
        %add3A_401 = arith.constant 128 : i32
        %add3A_402 = arith.addi %add3A_401, %add3A_362 : i32
        %get3A_403 = arith.index_cast %add3A_402 : i32 to index
        %get3A_404 = arith.constant 0 : index
        %get3A_405 = tpu.vector_load %arg6[%get3A_403, %get3A_404] {strides = array<i32>} : memref<256x32xf32, #tpu.memory_space<vmem>>, vector<16xf32>,
        %add3A_406 = arith.constant 32 : i32
        %add3A_407 = vector.broadcast %add3A_406 : i32 to vector<16xi32>
        %add3A_408 = arith.addi %add3A_407, %iota3A : vector<16xi32>
        %shift_right_arithmetic3A_409 = arith.constant 5 : i32
        %shift_right_arithmetic3A_410 = vector.broadcast %shift_right_arithmetic3A_409 : i32 to vector<16xi32>
        %shift_right_arithmetic3A_411 = arith.shrsi %add3A_408, %shift_right_arithmetic3A_410 : vector<16xi32>
        %shift_right_arithmetic3A_412 = arith.constant 3 : i32
        %shift_right_arithmetic3A_413 = vector.broadcast %shift_right_arithmetic3A_412 : i32 to vector<16xi32>
        %shift_right_arithmetic3A_414 = arith.shrsi %add3A_408, %shift_right_arithmetic3A_413 : vector<16xi32>
        %and3A_415 = arith.constant 3 : i32
        %and3A_416 = vector.broadcast %and3A_415 : i32 to vector<16xi32>
        %and3A_417 = arith.andi %shift_right_arithmetic3A_414, %and3A_416 : vector<16xi32>
        %and3A_418 = arith.constant 7 : i32
        %and3A_419 = vector.broadcast %and3A_418 : i32 to vector<16xi32>
        %and3A_420 = arith.andi %add3A_408, %and3A_419 : vector<16xi32>
        tpu.vector_store_idx %arg10[%shift_right_arithmetic3A_411, %and3A_417, %and3A_420, %add3A_365], %get3A_405 : memref<2x4x8x129xf32, #tpu.memory_space<vmem>>[vector<16xi32>, vector<16xi32>, vector<16xi32>, vector<16xi32>], vector<16xf32>,
        %get3A_421 = arith.index_cast %add3A_402 : i32 to index
        %get3A_422 = arith.constant 16 : index
        %get3A_423 = tpu.vector_load %arg6[%get3A_421, %get3A_422] {strides = array<i32>} : memref<256x32xf32, #tpu.memory_space<vmem>>, vector<16xf32>,
        %add3A_424 = arith.constant 48 : i32
        %add3A_425 = vector.broadcast %add3A_424 : i32 to vector<16xi32>
        %add3A_426 = arith.addi %add3A_425, %iota3A : vector<16xi32>
        %shift_right_arithmetic3A_427 = arith.constant 5 : i32
        %shift_right_arithmetic3A_428 = vector.broadcast %shift_right_arithmetic3A_427 : i32 to vector<16xi32>
        %shift_right_arithmetic3A_429 = arith.shrsi %add3A_426, %shift_right_arithmetic3A_428 : vector<16xi32>
        %shift_right_arithmetic3A_430 = arith.constant 3 : i32
        %shift_right_arithmetic3A_431 = vector.broadcast %shift_right_arithmetic3A_430 : i32 to vector<16xi32>
        %shift_right_arithmetic3A_432 = arith.shrsi %add3A_426, %shift_right_arithmetic3A_431 : vector<16xi32>
        %and3A_433 = arith.constant 3 : i32
        %and3A_434 = vector.broadcast %and3A_433 : i32 to vector<16xi32>
        %and3A_435 = arith.andi %shift_right_arithmetic3A_432, %and3A_434 : vector<16xi32>
        %and3A_436 = arith.constant 7 : i32
        %and3A_437 = vector.broadcast %and3A_436 : i32 to vector<16xi32>
        %and3A_438 = arith.andi %add3A_426, %and3A_437 : vector<16xi32>
        tpu.vector_store_idx %arg10[%shift_right_arithmetic3A_429, %and3A_435, %and3A_438, %add3A_365], %get3A_423 : memref<2x4x8x129xf32, #tpu.memory_space<vmem>>[vector<16xi32>, vector<16xi32>, vector<16xi32>, vector<16xi32>], vector<16xf32>,
        %mul3A_439 = arith.constant 4 : i32
        %mul3A_440 = arith.muli %scan3A_358, %mul3A_439 : i32
        %add3A_441 = arith.constant 1 : i32
        %add3A_442 = arith.addi %mul3A_440, %add3A_441 : i32
        %broadcast_in_dim3A_443 = arith.constant 0 : i32
        %broadcast_in_dim3A_444 = vector.broadcast %broadcast_in_dim3A_443 : i32 to vector<16xi32>
        %add3A_445 = vector.broadcast %add3A_442 : i32 to vector<16xi32>
        %add3A_446 = arith.addi %broadcast_in_dim3A_444, %add3A_445 : vector<16xi32>
        %add3A_447 = arith.constant 0 : i32
        %add3A_448 = arith.addi %add3A_447, %add3A_442 : i32
        %get3A_449 = arith.index_cast %add3A_448 : i32 to index
        %get3A_450 = arith.constant 0 : index
        %get3A_451 = tpu.vector_load %arg6[%get3A_449, %get3A_450] {strides = array<i32>} : memref<256x32xf32, #tpu.memory_space<vmem>>, vector<16xf32>,
        %add3A_452 = arith.constant 0 : i32
        %add3A_453 = vector.broadcast %add3A_452 : i32 to vector<16xi32>
        %add3A_454 = arith.addi %add3A_453, %iota3A : vector<16xi32>
        %shift_right_arithmetic3A_455 = arith.constant 5 : i32
        %shift_right_arithmetic3A_456 = vector.broadcast %shift_right_arithmetic3A_455 : i32 to vector<16xi32>
        %shift_right_arithmetic3A_457 = arith.shrsi %add3A_454, %shift_right_arithmetic3A_456 : vector<16xi32>
        %shift_right_arithmetic3A_458 = arith.constant 3 : i32
        %shift_right_arithmetic3A_459 = vector.broadcast %shift_right_arithmetic3A_458 : i32 to vector<16xi32>
        %shift_right_arithmetic3A_460 = arith.shrsi %add3A_454, %shift_right_arithmetic3A_459 : vector<16xi32>
        %and3A_461 = arith.constant 3 : i32
        %and3A_462 = vector.broadcast %and3A_461 : i32 to vector<16xi32>
        %and3A_463 = arith.andi %shift_right_arithmetic3A_460, %and3A_462 : vector<16xi32>
        %and3A_464 = arith.constant 7 : i32
        %and3A_465 = vector.broadcast %and3A_464 : i32 to vector<16xi32>
        %and3A_466 = arith.andi %add3A_454, %and3A_465 : vector<16xi32>
        tpu.vector_store_idx %arg10[%shift_right_arithmetic3A_457, %and3A_463, %and3A_466, %add3A_446], %get3A_451 : memref<2x4x8x129xf32, #tpu.memory_space<vmem>>[vector<16xi32>, vector<16xi32>, vector<16xi32>, vector<16xi32>], vector<16xf32>,
        %get3A_467 = arith.index_cast %add3A_448 : i32 to index
        %get3A_468 = arith.constant 16 : index
        %get3A_469 = tpu.vector_load %arg6[%get3A_467, %get3A_468] {strides = array<i32>} : memref<256x32xf32, #tpu.memory_space<vmem>>, vector<16xf32>,
        %add3A_470 = arith.constant 16 : i32
        %add3A_471 = vector.broadcast %add3A_470 : i32 to vector<16xi32>
        %add3A_472 = arith.addi %add3A_471, %iota3A : vector<16xi32>
        %shift_right_arithmetic3A_473 = arith.constant 5 : i32
        %shift_right_arithmetic3A_474 = vector.broadcast %shift_right_arithmetic3A_473 : i32 to vector<16xi32>
        %shift_right_arithmetic3A_475 = arith.shrsi %add3A_472, %shift_right_arithmetic3A_474 : vector<16xi32>
        %shift_right_arithmetic3A_476 = arith.constant 3 : i32
        %shift_right_arithmetic3A_477 = vector.broadcast %shift_right_arithmetic3A_476 : i32 to vector<16xi32>
        %shift_right_arithmetic3A_478 = arith.shrsi %add3A_472, %shift_right_arithmetic3A_477 : vector<16xi32>
        %and3A_479 = arith.constant 3 : i32
        %and3A_480 = vector.broadcast %and3A_479 : i32 to vector<16xi32>
        %and3A_481 = arith.andi %shift_right_arithmetic3A_478, %and3A_480 : vector<16xi32>
        %and3A_482 = arith.constant 7 : i32
        %and3A_483 = vector.broadcast %and3A_482 : i32 to vector<16xi32>
        %and3A_484 = arith.andi %add3A_472, %and3A_483 : vector<16xi32>
        tpu.vector_store_idx %arg10[%shift_right_arithmetic3A_475, %and3A_481, %and3A_484, %add3A_446], %get3A_469 : memref<2x4x8x129xf32, #tpu.memory_space<vmem>>[vector<16xi32>, vector<16xi32>, vector<16xi32>, vector<16xi32>], vector<16xf32>,
        %add3A_485 = arith.constant 128 : i32
        %add3A_486 = arith.addi %add3A_485, %add3A_442 : i32
        %get3A_487 = arith.index_cast %add3A_486 : i32 to index
        %get3A_488 = arith.constant 0 : index
        %get3A_489 = tpu.vector_load %arg6[%get3A_487, %get3A_488] {strides = array<i32>} : memref<256x32xf32, #tpu.memory_space<vmem>>, vector<16xf32>,
        %add3A_490 = arith.constant 32 : i32
        %add3A_491 = vector.broadcast %add3A_490 : i32 to vector<16xi32>
        %add3A_492 = arith.addi %add3A_491, %iota3A : vector<16xi32>
        %shift_right_arithmetic3A_493 = arith.constant 5 : i32
        %shift_right_arithmetic3A_494 = vector.broadcast %shift_right_arithmetic3A_493 : i32 to vector<16xi32>
        %shift_right_arithmetic3A_495 = arith.shrsi %add3A_492, %shift_right_arithmetic3A_494 : vector<16xi32>
        %shift_right_arithmetic3A_496 = arith.constant 3 : i32
        %shift_right_arithmetic3A_497 = vector.broadcast %shift_right_arithmetic3A_496 : i32 to vector<16xi32>
        %shift_right_arithmetic3A_498 = arith.shrsi %add3A_492, %shift_right_arithmetic3A_497 : vector<16xi32>
        %and3A_499 = arith.constant 3 : i32
        %and3A_500 = vector.broadcast %and3A_499 : i32 to vector<16xi32>
        %and3A_501 = arith.andi %shift_right_arithmetic3A_498, %and3A_500 : vector<16xi32>
        %and3A_502 = arith.constant 7 : i32
        %and3A_503 = vector.broadcast %and3A_502 : i32 to vector<16xi32>
        %and3A_504 = arith.andi %add3A_492, %and3A_503 : vector<16xi32>
        tpu.vector_store_idx %arg10[%shift_right_arithmetic3A_495, %and3A_501, %and3A_504, %add3A_446], %get3A_489 : memref<2x4x8x129xf32, #tpu.memory_space<vmem>>[vector<16xi32>, vector<16xi32>, vector<16xi32>, vector<16xi32>], vector<16xf32>,
        %get3A_505 = arith.index_cast %add3A_486 : i32 to index
        %get3A_506 = arith.constant 16 : index
        %get3A_507 = tpu.vector_load %arg6[%get3A_505, %get3A_506] {strides = array<i32>} : memref<256x32xf32, #tpu.memory_space<vmem>>, vector<16xf32>,
        %add3A_508 = arith.constant 48 : i32
        %add3A_509 = vector.broadcast %add3A_508 : i32 to vector<16xi32>
        %add3A_510 = arith.addi %add3A_509, %iota3A : vector<16xi32>
        %shift_right_arithmetic3A_511 = arith.constant 5 : i32
        %shift_right_arithmetic3A_512 = vector.broadcast %shift_right_arithmetic3A_511 : i32 to vector<16xi32>
        %shift_right_arithmetic3A_513 = arith.shrsi %add3A_510, %shift_right_arithmetic3A_512 : vector<16xi32>
        %shift_right_arithmetic3A_514 = arith.constant 3 : i32
        %shift_right_arithmetic3A_515 = vector.broadcast %shift_right_arithmetic3A_514 : i32 to vector<16xi32>
        %shift_right_arithmetic3A_516 = arith.shrsi %add3A_510, %shift_right_arithmetic3A_515 : vector<16xi32>
        %and3A_517 = arith.constant 3 : i32
        %and3A_518 = vector.broadcast %and3A_517 : i32 to vector<16xi32>
        %and3A_519 = arith.andi %shift_right_arithmetic3A_516, %and3A_518 : vector<16xi32>
        %and3A_520 = arith.constant 7 : i32
        %and3A_521 = vector.broadcast %and3A_520 : i32 to vector<16xi32>
        %and3A_522 = arith.andi %add3A_510, %and3A_521 : vector<16xi32>
        tpu.vector_store_idx %arg10[%shift_right_arithmetic3A_513, %and3A_519, %and3A_522, %add3A_446], %get3A_507 : memref<2x4x8x129xf32, #tpu.memory_space<vmem>>[vector<16xi32>, vector<16xi32>, vector<16xi32>, vector<16xi32>], vector<16xf32>,
        %mul3A_523 = arith.constant 4 : i32
        %mul3A_524 = arith.muli %scan3A_358, %mul3A_523 : i32
        %add3A_525 = arith.constant 2 : i32
        %add3A_526 = arith.addi %mul3A_524, %add3A_525 : i32
        %broadcast_in_dim3A_527 = arith.constant 0 : i32
        %broadcast_in_dim3A_528 = vector.broadcast %broadcast_in_dim3A_527 : i32 to vector<16xi32>
        %add3A_529 = vector.broadcast %add3A_526 : i32 to vector<16xi32>
        %add3A_530 = arith.addi %broadcast_in_dim3A_528, %add3A_529 : vector<16xi32>
        %add3A_531 = arith.constant 0 : i32
        %add3A_532 = arith.addi %add3A_531, %add3A_526 : i32
        %get3A_533 = arith.index_cast %add3A_532 : i32 to index
        %get3A_534 = arith.constant 0 : index
        %get3A_535 = tpu.vector_load %arg6[%get3A_533, %get3A_534] {strides = array<i32>} : memref<256x32xf32, #tpu.memory_space<vmem>>, vector<16xf32>,
        %add3A_536 = arith.constant 0 : i32
        %add3A_537 = vector.broadcast %add3A_536 : i32 to vector<16xi32>
        %add3A_538 = arith.addi %add3A_537, %iota3A : vector<16xi32>
        %shift_right_arithmetic3A_539 = arith.constant 5 : i32
        %shift_right_arithmetic3A_540 = vector.broadcast %shift_right_arithmetic3A_539 : i32 to vector<16xi32>
        %shift_right_arithmetic3A_541 = arith.shrsi %add3A_538, %shift_right_arithmetic3A_540 : vector<16xi32>
        %shift_right_arithmetic3A_542 = arith.constant 3 : i32
        %shift_right_arithmetic3A_543 = vector.broadcast %shift_right_arithmetic3A_542 : i32 to vector<16xi32>
        %shift_right_arithmetic3A_544 = arith.shrsi %add3A_538, %shift_right_arithmetic3A_543 : vector<16xi32>
        %and3A_545 = arith.constant 3 : i32
        %and3A_546 = vector.broadcast %and3A_545 : i32 to vector<16xi32>
        %and3A_547 = arith.andi %shift_right_arithmetic3A_544, %and3A_546 : vector<16xi32>
        %and3A_548 = arith.constant 7 : i32
        %and3A_549 = vector.broadcast %and3A_548 : i32 to vector<16xi32>
        %and3A_550 = arith.andi %add3A_538, %and3A_549 : vector<16xi32>
        tpu.vector_store_idx %arg10[%shift_right_arithmetic3A_541, %and3A_547, %and3A_550, %add3A_530], %get3A_535 : memref<2x4x8x129xf32, #tpu.memory_space<vmem>>[vector<16xi32>, vector<16xi32>, vector<16xi32>, vector<16xi32>], vector<16xf32>,
        %get3A_551 = arith.index_cast %add3A_532 : i32 to index
        %get3A_552 = arith.constant 16 : index
        %get3A_553 = tpu.vector_load %arg6[%get3A_551, %get3A_552] {strides = array<i32>} : memref<256x32xf32, #tpu.memory_space<vmem>>, vector<16xf32>,
        %add3A_554 = arith.constant 16 : i32
        %add3A_555 = vector.broadcast %add3A_554 : i32 to vector<16xi32>
        %add3A_556 = arith.addi %add3A_555, %iota3A : vector<16xi32>
        %shift_right_arithmetic3A_557 = arith.constant 5 : i32
        %shift_right_arithmetic3A_558 = vector.broadcast %shift_right_arithmetic3A_557 : i32 to vector<16xi32>
        %shift_right_arithmetic3A_559 = arith.shrsi %add3A_556, %shift_right_arithmetic3A_558 : vector<16xi32>
        %shift_right_arithmetic3A_560 = arith.constant 3 : i32
        %shift_right_arithmetic3A_561 = vector.broadcast %shift_right_arithmetic3A_560 : i32 to vector<16xi32>
        %shift_right_arithmetic3A_562 = arith.shrsi %add3A_556, %shift_right_arithmetic3A_561 : vector<16xi32>
        %and3A_563 = arith.constant 3 : i32
        %and3A_564 = vector.broadcast %and3A_563 : i32 to vector<16xi32>
        %and3A_565 = arith.andi %shift_right_arithmetic3A_562, %and3A_564 : vector<16xi32>
        %and3A_566 = arith.constant 7 : i32
        %and3A_567 = vector.broadcast %and3A_566 : i32 to vector<16xi32>
        %and3A_568 = arith.andi %add3A_556, %and3A_567 : vector<16xi32>
        tpu.vector_store_idx %arg10[%shift_right_arithmetic3A_559, %and3A_565, %and3A_568, %add3A_530], %get3A_553 : memref<2x4x8x129xf32, #tpu.memory_space<vmem>>[vector<16xi32>, vector<16xi32>, vector<16xi32>, vector<16xi32>], vector<16xf32>,
        %add3A_569 = arith.constant 128 : i32
        %add3A_570 = arith.addi %add3A_569, %add3A_526 : i32
        %get3A_571 = arith.index_cast %add3A_570 : i32 to index
        %get3A_572 = arith.constant 0 : index
        %get3A_573 = tpu.vector_load %arg6[%get3A_571, %get3A_572] {strides = array<i32>} : memref<256x32xf32, #tpu.memory_space<vmem>>, vector<16xf32>,
        %add3A_574 = arith.constant 32 : i32
        %add3A_575 = vector.broadcast %add3A_574 : i32 to vector<16xi32>
        %add3A_576 = arith.addi %add3A_575, %iota3A : vector<16xi32>
        %shift_right_arithmetic3A_577 = arith.constant 5 : i32
        %shift_right_arithmetic3A_578 = vector.broadcast %shift_right_arithmetic3A_577 : i32 to vector<16xi32>
        %shift_right_arithmetic3A_579 = arith.shrsi %add3A_576, %shift_right_arithmetic3A_578 : vector<16xi32>
        %shift_right_arithmetic3A_580 = arith.constant 3 : i32
        %shift_right_arithmetic3A_581 = vector.broadcast %shift_right_arithmetic3A_580 : i32 to vector<16xi32>
        %shift_right_arithmetic3A_582 = arith.shrsi %add3A_576, %shift_right_arithmetic3A_581 : vector<16xi32>
        %and3A_583 = arith.constant 3 : i32
        %and3A_584 = vector.broadcast %and3A_583 : i32 to vector<16xi32>
        %and3A_585 = arith.andi %shift_right_arithmetic3A_582, %and3A_584 : vector<16xi32>
        %and3A_586 = arith.constant 7 : i32
        %and3A_587 = vector.broadcast %and3A_586 : i32 to vector<16xi32>
        %and3A_588 = arith.andi %add3A_576, %and3A_587 : vector<16xi32>
        tpu.vector_store_idx %arg10[%shift_right_arithmetic3A_579, %and3A_585, %and3A_588, %add3A_530], %get3A_573 : memref<2x4x8x129xf32, #tpu.memory_space<vmem>>[vector<16xi32>, vector<16xi32>, vector<16xi32>, vector<16xi32>], vector<16xf32>,
        %get3A_589 = arith.index_cast %add3A_570 : i32 to index
        %get3A_590 = arith.constant 16 : index
        %get3A_591 = tpu.vector_load %arg6[%get3A_589, %get3A_590] {strides = array<i32>} : memref<256x32xf32, #tpu.memory_space<vmem>>, vector<16xf32>,
        %add3A_592 = arith.constant 48 : i32
        %add3A_593 = vector.broadcast %add3A_592 : i32 to vector<16xi32>
        %add3A_594 = arith.addi %add3A_593, %iota3A : vector<16xi32>
        %shift_right_arithmetic3A_595 = arith.constant 5 : i32
        %shift_right_arithmetic3A_596 = vector.broadcast %shift_right_arithmetic3A_595 : i32 to vector<16xi32>
        %shift_right_arithmetic3A_597 = arith.shrsi %add3A_594, %shift_right_arithmetic3A_596 : vector<16xi32>
        %shift_right_arithmetic3A_598 = arith.constant 3 : i32
        %shift_right_arithmetic3A_599 = vector.broadcast %shift_right_arithmetic3A_598 : i32 to vector<16xi32>
        %shift_right_arithmetic3A_600 = arith.shrsi %add3A_594, %shift_right_arithmetic3A_599 : vector<16xi32>
        %and3A_601 = arith.constant 3 : i32
        %and3A_602 = vector.broadcast %and3A_601 : i32 to vector<16xi32>
        %and3A_603 = arith.andi %shift_right_arithmetic3A_600, %and3A_602 : vector<16xi32>
        %and3A_604 = arith.constant 7 : i32
        %and3A_605 = vector.broadcast %and3A_604 : i32 to vector<16xi32>
        %and3A_606 = arith.andi %add3A_594, %and3A_605 : vector<16xi32>
        tpu.vector_store_idx %arg10[%shift_right_arithmetic3A_597, %and3A_603, %and3A_606, %add3A_530], %get3A_591 : memref<2x4x8x129xf32, #tpu.memory_space<vmem>>[vector<16xi32>, vector<16xi32>, vector<16xi32>, vector<16xi32>], vector<16xf32>,
        %mul3A_607 = arith.constant 4 : i32
        %mul3A_608 = arith.muli %scan3A_358, %mul3A_607 : i32
        %add3A_609 = arith.constant 3 : i32
        %add3A_610 = arith.addi %mul3A_608, %add3A_609 : i32
        %broadcast_in_dim3A_611 = arith.constant 0 : i32
        %broadcast_in_dim3A_612 = vector.broadcast %broadcast_in_dim3A_611 : i32 to vector<16xi32>
        %add3A_613 = vector.broadcast %add3A_610 : i32 to vector<16xi32>
        %add3A_614 = arith.addi %broadcast_in_dim3A_612, %add3A_613 : vector<16xi32>
        %add3A_615 = arith.constant 0 : i32
        %add3A_616 = arith.addi %add3A_615, %add3A_610 : i32
        %get3A_617 = arith.index_cast %add3A_616 : i32 to index
        %get3A_618 = arith.constant 0 : index
        %get3A_619 = tpu.vector_load %arg6[%get3A_617, %get3A_618] {strides = array<i32>} : memref<256x32xf32, #tpu.memory_space<vmem>>, vector<16xf32>,
        %add3A_620 = arith.constant 0 : i32
        %add3A_621 = vector.broadcast %add3A_620 : i32 to vector<16xi32>
        %add3A_622 = arith.addi %add3A_621, %iota3A : vector<16xi32>
        %shift_right_arithmetic3A_623 = arith.constant 5 : i32
        %shift_right_arithmetic3A_624 = vector.broadcast %shift_right_arithmetic3A_623 : i32 to vector<16xi32>
        %shift_right_arithmetic3A_625 = arith.shrsi %add3A_622, %shift_right_arithmetic3A_624 : vector<16xi32>
        %shift_right_arithmetic3A_626 = arith.constant 3 : i32
        %shift_right_arithmetic3A_627 = vector.broadcast %shift_right_arithmetic3A_626 : i32 to vector<16xi32>
        %shift_right_arithmetic3A_628 = arith.shrsi %add3A_622, %shift_right_arithmetic3A_627 : vector<16xi32>
        %and3A_629 = arith.constant 3 : i32
        %and3A_630 = vector.broadcast %and3A_629 : i32 to vector<16xi32>
        %and3A_631 = arith.andi %shift_right_arithmetic3A_628, %and3A_630 : vector<16xi32>
        %and3A_632 = arith.constant 7 : i32
        %and3A_633 = vector.broadcast %and3A_632 : i32 to vector<16xi32>
        %and3A_634 = arith.andi %add3A_622, %and3A_633 : vector<16xi32>
        tpu.vector_store_idx %arg10[%shift_right_arithmetic3A_625, %and3A_631, %and3A_634, %add3A_614], %get3A_619 : memref<2x4x8x129xf32, #tpu.memory_space<vmem>>[vector<16xi32>, vector<16xi32>, vector<16xi32>, vector<16xi32>], vector<16xf32>,
        %get3A_635 = arith.index_cast %add3A_616 : i32 to index
        %get3A_636 = arith.constant 16 : index
        %get3A_637 = tpu.vector_load %arg6[%get3A_635, %get3A_636] {strides = array<i32>} : memref<256x32xf32, #tpu.memory_space<vmem>>, vector<16xf32>,
        %add3A_638 = arith.constant 16 : i32
        %add3A_639 = vector.broadcast %add3A_638 : i32 to vector<16xi32>
        %add3A_640 = arith.addi %add3A_639, %iota3A : vector<16xi32>
        %shift_right_arithmetic3A_641 = arith.constant 5 : i32
        %shift_right_arithmetic3A_642 = vector.broadcast %shift_right_arithmetic3A_641 : i32 to vector<16xi32>
        %shift_right_arithmetic3A_643 = arith.shrsi %add3A_640, %shift_right_arithmetic3A_642 : vector<16xi32>
        %shift_right_arithmetic3A_644 = arith.constant 3 : i32
        %shift_right_arithmetic3A_645 = vector.broadcast %shift_right_arithmetic3A_644 : i32 to vector<16xi32>
        %shift_right_arithmetic3A_646 = arith.shrsi %add3A_640, %shift_right_arithmetic3A_645 : vector<16xi32>
        %and3A_647 = arith.constant 3 : i32
        %and3A_648 = vector.broadcast %and3A_647 : i32 to vector<16xi32>
        %and3A_649 = arith.andi %shift_right_arithmetic3A_646, %and3A_648 : vector<16xi32>
        %and3A_650 = arith.constant 7 : i32
        %and3A_651 = vector.broadcast %and3A_650 : i32 to vector<16xi32>
        %and3A_652 = arith.andi %add3A_640, %and3A_651 : vector<16xi32>
        tpu.vector_store_idx %arg10[%shift_right_arithmetic3A_643, %and3A_649, %and3A_652, %add3A_614], %get3A_637 : memref<2x4x8x129xf32, #tpu.memory_space<vmem>>[vector<16xi32>, vector<16xi32>, vector<16xi32>, vector<16xi32>], vector<16xf32>,
        %add3A_653 = arith.constant 128 : i32
        %add3A_654 = arith.addi %add3A_653, %add3A_610 : i32
        %get3A_655 = arith.index_cast %add3A_654 : i32 to index
        %get3A_656 = arith.constant 0 : index
        %get3A_657 = tpu.vector_load %arg6[%get3A_655, %get3A_656] {strides = array<i32>} : memref<256x32xf32, #tpu.memory_space<vmem>>, vector<16xf32>,
        %add3A_658 = arith.constant 32 : i32
        %add3A_659 = vector.broadcast %add3A_658 : i32 to vector<16xi32>
        %add3A_660 = arith.addi %add3A_659, %iota3A : vector<16xi32>
        %shift_right_arithmetic3A_661 = arith.constant 5 : i32
        %shift_right_arithmetic3A_662 = vector.broadcast %shift_right_arithmetic3A_661 : i32 to vector<16xi32>
        %shift_right_arithmetic3A_663 = arith.shrsi %add3A_660, %shift_right_arithmetic3A_662 : vector<16xi32>
        %shift_right_arithmetic3A_664 = arith.constant 3 : i32
        %shift_right_arithmetic3A_665 = vector.broadcast %shift_right_arithmetic3A_664 : i32 to vector<16xi32>
        %shift_right_arithmetic3A_666 = arith.shrsi %add3A_660, %shift_right_arithmetic3A_665 : vector<16xi32>
        %and3A_667 = arith.constant 3 : i32
        %and3A_668 = vector.broadcast %and3A_667 : i32 to vector<16xi32>
        %and3A_669 = arith.andi %shift_right_arithmetic3A_666, %and3A_668 : vector<16xi32>
        %and3A_670 = arith.constant 7 : i32
        %and3A_671 = vector.broadcast %and3A_670 : i32 to vector<16xi32>
        %and3A_672 = arith.andi %add3A_660, %and3A_671 : vector<16xi32>
        tpu.vector_store_idx %arg10[%shift_right_arithmetic3A_663, %and3A_669, %and3A_672, %add3A_614], %get3A_657 : memref<2x4x8x129xf32, #tpu.memory_space<vmem>>[vector<16xi32>, vector<16xi32>, vector<16xi32>, vector<16xi32>], vector<16xf32>,
        %get3A_673 = arith.index_cast %add3A_654 : i32 to index
        %get3A_674 = arith.constant 16 : index
        %get3A_675 = tpu.vector_load %arg6[%get3A_673, %get3A_674] {strides = array<i32>} : memref<256x32xf32, #tpu.memory_space<vmem>>, vector<16xf32>,
        %add3A_676 = arith.constant 48 : i32
        %add3A_677 = vector.broadcast %add3A_676 : i32 to vector<16xi32>
        %add3A_678 = arith.addi %add3A_677, %iota3A : vector<16xi32>
        %shift_right_arithmetic3A_679 = arith.constant 5 : i32
        %shift_right_arithmetic3A_680 = vector.broadcast %shift_right_arithmetic3A_679 : i32 to vector<16xi32>
        %shift_right_arithmetic3A_681 = arith.shrsi %add3A_678, %shift_right_arithmetic3A_680 : vector<16xi32>
        %shift_right_arithmetic3A_682 = arith.constant 3 : i32
        %shift_right_arithmetic3A_683 = vector.broadcast %shift_right_arithmetic3A_682 : i32 to vector<16xi32>
        %shift_right_arithmetic3A_684 = arith.shrsi %add3A_678, %shift_right_arithmetic3A_683 : vector<16xi32>
        %and3A_685 = arith.constant 3 : i32
        %and3A_686 = vector.broadcast %and3A_685 : i32 to vector<16xi32>
        %and3A_687 = arith.andi %shift_right_arithmetic3A_684, %and3A_686 : vector<16xi32>
        %and3A_688 = arith.constant 7 : i32
        %and3A_689 = vector.broadcast %and3A_688 : i32 to vector<16xi32>
        %and3A_690 = arith.andi %add3A_678, %and3A_689 : vector<16xi32>
        tpu.vector_store_idx %arg10[%shift_right_arithmetic3A_681, %and3A_687, %and3A_690, %add3A_614], %get3A_675 : memref<2x4x8x129xf32, #tpu.memory_space<vmem>>[vector<16xi32>, vector<16xi32>, vector<16xi32>, vector<16xi32>], vector<16xf32>,
      }
      %scan3A_148 = arith.constant 32 : i32
      %dma_start3A_149 = arith.constant 0 : i32
      %dma_start3A_150 = arith.constant 0 : i32
      %dma_start3A_151 = arith.constant 0 : i32
      %dma_start3A_152 = arith.constant 0 : i32
      %dma_start3A_153 = tpu.memref_slice %arg10[%dma_start3A_149, %dma_start3A_150, %dma_start3A_151, %dma_start3A_152] : memref<2x4x8x129xf32, #tpu.memory_space<vmem>> -> memref<2x4x8x128xf32, #tpu.memory_space<vmem>>
      %dma_start3A_154 = arith.constant 0 : i32
      %dma_start3A_155 = arith.constant 0 : i32
      %dma_start3A_156 = arith.constant 0 : i32
      %dma_start3A_157 = tpu.memref_slice %arg4[%mul3A_135, %dma_start3A_154, %add3A, %dma_start3A_155, %dma_start3A_156] : memref<200x4x32x8x128xf32, #tpu.memory_space<hbm>> -> memref<2x4x1x8x128xf32, #tpu.memory_space<hbm>>
      %dma_start3A_158 = tpu.memref_squeeze %dma_start3A_157 : memref<2x4x1x8x128xf32, #tpu.memory_space<hbm>> -> memref<2x4x8x128xf32, #tpu.memory_space<hbm>>
      %dma_start3A_159 = arith.constant 0 : i32
      %dma_start3A_160 = arith.constant 0 : i32
      %dma_start3A_161 = arith.constant 0 : i32
      %dma_start3A_162 = tpu.memref_slice %arg4[%mul3A_135, %dma_start3A_159, %add3A, %dma_start3A_160, %dma_start3A_161] : memref<200x4x32x8x128xf32, #tpu.memory_space<hbm>> -> memref<2x4x1x8x128xf32, #tpu.memory_space<hbm>>
      %dma_start3A_163 = tpu.memref_squeeze %dma_start3A_162 : memref<2x4x1x8x128xf32, #tpu.memory_space<hbm>> -> memref<2x4x8x128xf32, #tpu.memory_space<hbm>>
      %dma_start3A_164 = arith.constant 0 : i32
      %dma_start3A_165 = arith.constant 0 : i32
      %dma_start3A_166 = arith.constant 0 : i32
      %dma_start3A_167 = arith.constant 0 : i32
      %dma_start3A_168 = tpu.memref_slice %arg10[%dma_start3A_164, %dma_start3A_165, %dma_start3A_166, %dma_start3A_167] : memref<2x4x8x129xf32, #tpu.memory_space<vmem>> -> memref<2x4x8x128xf32, #tpu.memory_space<vmem>>
      tpu.enqueue_dma source(%dma_start3A_168 : memref<2x4x8x128xf32, #tpu.memory_space<vmem>>) target(%dma_start3A_163 : memref<2x4x8x128xf32, #tpu.memory_space<hbm>>) target_semaphore(%arg16 : memref<!tpu.dma_semaphore, #tpu.memory_space<semaphore_mem>>)
      %add3A_169 = arith.constant 4 : i32
      %add3A_170 = arith.addi %add3A_133, %add3A_169 : i32
      %lt3A = arith.constant 100 : i32
      %lt3A_171 = arith.cmpi slt, %add3A_170, %lt3A : i32
      %convert_element_type3A_172 = arith.extui %lt3A_171 : i1 to i32
      %cond3A_173 = arith.constant 0 : i32
      %cond3A_174 = arith.cmpi ne, %convert_element_type3A_172, %cond3A_173 : i32
      scf.if %cond3A_174 {
        %add3A_358 = arith.constant 4 : i32
        %add3A_359 = arith.addi %add3A_133, %add3A_358 : i32
        %mul3A_360 = arith.constant 2 : i32
        %mul3A_361 = arith.muli %mul3A_360, %add3A_359 : i32
        %dma_start3A_362 = arith.constant 0 : i32
        %dma_start3A_363 = arith.constant 0 : i32
        %dma_start3A_364 = tpu.memref_slice %arg6[%dma_start3A_362, %dma_start3A_363] : memref<256x32xf32, #tpu.memory_space<vmem>> -> memref<128x32xf32, #tpu.memory_space<vmem>>
        %dma_start3A_365 = arith.constant 0 : i32
        %dma_start3A_366 = tpu.memref_slice %arg5[%mul3A_361, %dma_start3A_365] : memref<200x128xi32, #tpu.memory_space<vmem>> -> memref<1x128xi32, #tpu.memory_space<vmem>>
        %dma_start3A_367 = tpu.memref_squeeze %dma_start3A_366 : memref<1x128xi32, #tpu.memory_space<vmem>> -> memref<128xi32, #tpu.memory_space<vmem>>
        %dma_start3A_368 = arith.constant 0 : i32
        %dma_start3A_369 = arith.constant 0 : i32
        %dma_start3A_370 = tpu.memref_slice %arg3[%dma_start3A_368, %dma_start3A_369] : memref<1000000x32xf32, #tpu.memory_space<hbm>> -> memref<1000000x32xf32, #tpu.memory_space<hbm>>
        tpu.enqueue_indirect_dma source(%dma_start3A_370 : memref<1000000x32xf32, #tpu.memory_space<hbm>>) target(%dma_start3A_364 : memref<128x32xf32, #tpu.memory_space<vmem>>) offsets(%dma_start3A_367 : memref<128xi32, #tpu.memory_space<vmem>>) semaphore(%arg12 : memref<!tpu.dma_semaphore, #tpu.memory_space<semaphore_mem>>)
        %mul3A_371 = arith.constant 2 : i32
        %mul3A_372 = arith.muli %mul3A_371, %add3A_359 : i32
        %add3A_373 = arith.constant 1 : i32
        %add3A_374 = arith.addi %mul3A_372, %add3A_373 : i32
        %dma_start3A_375 = arith.constant 128 : i32
        %dma_start3A_376 = arith.constant 0 : i32
        %dma_start3A_377 = tpu.memref_slice %arg6[%dma_start3A_375, %dma_start3A_376] : memref<256x32xf32, #tpu.memory_space<vmem>> -> memref<128x32xf32, #tpu.memory_space<vmem>>
        %dma_start3A_378 = arith.constant 0 : i32
        %dma_start3A_379 = tpu.memref_slice %arg5[%add3A_374, %dma_start3A_378] : memref<200x128xi32, #tpu.memory_space<vmem>> -> memref<1x128xi32, #tpu.memory_space<vmem>>
        %dma_start3A_380 = tpu.memref_squeeze %dma_start3A_379 : memref<1x128xi32, #tpu.memory_space<vmem>> -> memref<128xi32, #tpu.memory_space<vmem>>
        %dma_start3A_381 = arith.constant 0 : i32
        %dma_start3A_382 = arith.constant 0 : i32
        %dma_start3A_383 = tpu.memref_slice %arg3[%dma_start3A_381, %dma_start3A_382] : memref<1000000x32xf32, #tpu.memory_space<hbm>> -> memref<1000000x32xf32, #tpu.memory_space<hbm>>
        tpu.enqueue_indirect_dma source(%dma_start3A_383 : memref<1000000x32xf32, #tpu.memory_space<hbm>>) target(%dma_start3A_377 : memref<128x32xf32, #tpu.memory_space<vmem>>) offsets(%dma_start3A_380 : memref<128xi32, #tpu.memory_space<vmem>>) semaphore(%arg12 : memref<!tpu.dma_semaphore, #tpu.memory_space<semaphore_mem>>)
      } else {
      }
      %mul3A_175 = arith.constant 4 : i32
      %mul3A_176 = arith.muli %scan3A_129, %mul3A_175 : i32
      %add3A_177 = arith.constant 1 : i32
      %add3A_178 = arith.addi %mul3A_176, %add3A_177 : i32
      %mul3A_179 = arith.constant 2 : i32
      %mul3A_180 = arith.muli %mul3A_179, %add3A_178 : i32
      %dma_wait3A_181 = arith.constant 0 : i32
      %dma_wait3A_182 = arith.constant 0 : i32
      %dma_wait3A_183 = tpu.memref_slice %arg3[%dma_wait3A_181, %dma_wait3A_182] : memref<1000000x32xf32, #tpu.memory_space<hbm>> -> memref<256x32xf32, #tpu.memory_space<hbm>>
      %dma_wait3A_184 = arith.constant 0 : i32
      %dma_wait3A_185 = arith.constant 0 : i32
      %dma_wait3A_186 = tpu.memref_slice %arg3[%dma_wait3A_184, %dma_wait3A_185] : memref<1000000x32xf32, #tpu.memory_space<hbm>> -> memref<256x32xf32, #tpu.memory_space<hbm>>
      tpu.wait_dma2 semaphore(%arg13 : memref<!tpu.dma_semaphore, #tpu.memory_space<semaphore_mem>>) src(%dma_wait3A_186 : memref<256x32xf32, #tpu.memory_space<hbm>>) dst(%arg7 : memref<256x32xf32, #tpu.memory_space<vmem>>)
      %gt3A_187 = arith.constant 0 : i32
      %gt3A_188 = arith.cmpi sgt, %scan3A_129, %gt3A_187 : i32
      %convert_element_type3A_189 = arith.extui %gt3A_188 : i1 to i32
      %cond3A_190 = arith.constant 0 : i32
      %cond3A_191 = arith.cmpi ne, %convert_element_type3A_189, %cond3A_190 : i32
      scf.if %cond3A_191 {
        %dma_wait3A_358 = arith.constant 0 : i32
        %dma_wait3A_359 = arith.constant 0 : i32
        %dma_wait3A_360 = arith.constant 0 : i32
        %dma_wait3A_361 = arith.constant 0 : i32
        %dma_wait3A_362 = arith.constant 0 : i32
        %dma_wait3A_363 = tpu.memref_slice %arg11[%dma_wait3A_359, %dma_wait3A_360, %dma_wait3A_361, %dma_wait3A_362] : memref<2x4x8x129xf32, #tpu.memory_space<vmem>> -> memref<2x4x8x128xf32, #tpu.memory_space<vmem>>
        %dma_wait3A_364 = arith.constant 0 : i32
        %dma_wait3A_365 = arith.constant 0 : i32
        %dma_wait3A_366 = arith.constant 0 : i32
        %dma_wait3A_367 = arith.constant 0 : i32
        %dma_wait3A_368 = tpu.memref_slice %arg4[%dma_wait3A_364, %dma_wait3A_365, %dma_wait3A_358, %dma_wait3A_366, %dma_wait3A_367] : memref<200x4x32x8x128xf32, #tpu.memory_space<hbm>> -> memref<2x4x1x8x128xf32, #tpu.memory_space<hbm>>
        %dma_wait3A_369 = tpu.memref_squeeze %dma_wait3A_368 : memref<2x4x1x8x128xf32, #tpu.memory_space<hbm>> -> memref<2x4x8x128xf32, #tpu.memory_space<hbm>>
        %dma_wait3A_370 = arith.constant 0 : i32
        %dma_wait3A_371 = arith.constant 0 : i32
        %dma_wait3A_372 = arith.constant 0 : i32
        %dma_wait3A_373 = arith.constant 0 : i32
        %dma_wait3A_374 = tpu.memref_slice %arg4[%dma_wait3A_370, %dma_wait3A_371, %dma_wait3A_358, %dma_wait3A_372, %dma_wait3A_373] : memref<200x4x32x8x128xf32, #tpu.memory_space<hbm>> -> memref<2x4x1x8x128xf32, #tpu.memory_space<hbm>>
        %dma_wait3A_375 = tpu.memref_squeeze %dma_wait3A_374 : memref<2x4x1x8x128xf32, #tpu.memory_space<hbm>> -> memref<2x4x8x128xf32, #tpu.memory_space<hbm>>
        %dma_wait3A_376 = arith.constant 0 : i32
        %dma_wait3A_377 = arith.constant 0 : i32
        %dma_wait3A_378 = arith.constant 0 : i32
        %dma_wait3A_379 = arith.constant 0 : i32
        %dma_wait3A_380 = tpu.memref_slice %arg11[%dma_wait3A_376, %dma_wait3A_377, %dma_wait3A_378, %dma_wait3A_379] : memref<2x4x8x129xf32, #tpu.memory_space<vmem>> -> memref<2x4x8x128xf32, #tpu.memory_space<vmem>>
        tpu.wait_dma2 semaphore(%arg17 : memref<!tpu.dma_semaphore, #tpu.memory_space<semaphore_mem>>) src(%dma_wait3A_380 : memref<2x4x8x128xf32, #tpu.memory_space<vmem>>) dst(%dma_wait3A_375 : memref<2x4x8x128xf32, #tpu.memory_space<hbm>>)
      } else {
      }
      %scan3A_192 = arith.constant 0 : i32
      %scan3A_193 = arith.constant 32 : i32
      %scan3A_194 = arith.addi %scan3A_192, %scan3A_193 : i32
      %scan3A_195 = arith.constant 1 : i32
      scf.for %scan3A_358 = %scan3A_192 to %scan3A_194 step %scan3A_195  : i32 {
        %mul3A_359 = arith.constant 4 : i32
        %mul3A_360 = arith.muli %scan3A_358, %mul3A_359 : i32
        %add3A_361 = arith.constant 0 : i32
        %add3A_362 = arith.addi %mul3A_360, %add3A_361 : i32
        %broadcast_in_dim3A = arith.constant 0 : i32
        %broadcast_in_dim3A_363 = vector.broadcast %broadcast_in_dim3A : i32 to vector<16xi32>
        %add3A_364 = vector.broadcast %add3A_362 : i32 to vector<16xi32>
        %add3A_365 = arith.addi %broadcast_in_dim3A_363, %add3A_364 : vector<16xi32>
        %add3A_366 = arith.constant 0 : i32
        %add3A_367 = arith.addi %add3A_366, %add3A_362 : i32
        %get3A = arith.index_cast %add3A_367 : i32 to index
        %get3A_368 = arith.constant 0 : index
        %get3A_369 = tpu.vector_load %arg7[%get3A, %get3A_368] {strides = array<i32>} : memref<256x32xf32, #tpu.memory_space<vmem>>, vector<16xf32>,
        %add3A_370 = arith.constant 0 : i32
        %add3A_371 = vector.broadcast %add3A_370 : i32 to vector<16xi32>
        %add3A_372 = arith.addi %add3A_371, %iota3A : vector<16xi32>
        %shift_right_arithmetic3A = arith.constant 5 : i32
        %shift_right_arithmetic3A_373 = vector.broadcast %shift_right_arithmetic3A : i32 to vector<16xi32>
        %shift_right_arithmetic3A_374 = arith.shrsi %add3A_372, %shift_right_arithmetic3A_373 : vector<16xi32>
        %shift_right_arithmetic3A_375 = arith.constant 3 : i32
        %shift_right_arithmetic3A_376 = vector.broadcast %shift_right_arithmetic3A_375 : i32 to vector<16xi32>
        %shift_right_arithmetic3A_377 = arith.shrsi %add3A_372, %shift_right_arithmetic3A_376 : vector<16xi32>
        %and3A = arith.constant 3 : i32
        %and3A_378 = vector.broadcast %and3A : i32 to vector<16xi32>
        %and3A_379 = arith.andi %shift_right_arithmetic3A_377, %and3A_378 : vector<16xi32>
        %and3A_380 = arith.constant 7 : i32
        %and3A_381 = vector.broadcast %and3A_380 : i32 to vector<16xi32>
        %and3A_382 = arith.andi %add3A_372, %and3A_381 : vector<16xi32>
        tpu.vector_store_idx %arg11[%shift_right_arithmetic3A_374, %and3A_379, %and3A_382, %add3A_365], %get3A_369 : memref<2x4x8x129xf32, #tpu.memory_space<vmem>>[vector<16xi32>, vector<16xi32>, vector<16xi32>, vector<16xi32>], vector<16xf32>,
        %get3A_383 = arith.index_cast %add3A_367 : i32 to index
        %get3A_384 = arith.constant 16 : index
        %get3A_385 = tpu.vector_load %arg7[%get3A_383, %get3A_384] {strides = array<i32>} : memref<256x32xf32, #tpu.memory_space<vmem>>, vector<16xf32>,
        %add3A_386 = arith.constant 16 : i32
        %add3A_387 = vector.broadcast %add3A_386 : i32 to vector<16xi32>
        %add3A_388 = arith.addi %add3A_387, %iota3A : vector<16xi32>
        %shift_right_arithmetic3A_389 = arith.constant 5 : i32
        %shift_right_arithmetic3A_390 = vector.broadcast %shift_right_arithmetic3A_389 : i32 to vector<16xi32>
        %shift_right_arithmetic3A_391 = arith.shrsi %add3A_388, %shift_right_arithmetic3A_390 : vector<16xi32>
        %shift_right_arithmetic3A_392 = arith.constant 3 : i32
        %shift_right_arithmetic3A_393 = vector.broadcast %shift_right_arithmetic3A_392 : i32 to vector<16xi32>
        %shift_right_arithmetic3A_394 = arith.shrsi %add3A_388, %shift_right_arithmetic3A_393 : vector<16xi32>
        %and3A_395 = arith.constant 3 : i32
        %and3A_396 = vector.broadcast %and3A_395 : i32 to vector<16xi32>
        %and3A_397 = arith.andi %shift_right_arithmetic3A_394, %and3A_396 : vector<16xi32>
        %and3A_398 = arith.constant 7 : i32
        %and3A_399 = vector.broadcast %and3A_398 : i32 to vector<16xi32>
        %and3A_400 = arith.andi %add3A_388, %and3A_399 : vector<16xi32>
        tpu.vector_store_idx %arg11[%shift_right_arithmetic3A_391, %and3A_397, %and3A_400, %add3A_365], %get3A_385 : memref<2x4x8x129xf32, #tpu.memory_space<vmem>>[vector<16xi32>, vector<16xi32>, vector<16xi32>, vector<16xi32>], vector<16xf32>,
        %add3A_401 = arith.constant 128 : i32
        %add3A_402 = arith.addi %add3A_401, %add3A_362 : i32
        %get3A_403 = arith.index_cast %add3A_402 : i32 to index
        %get3A_404 = arith.constant 0 : index
        %get3A_405 = tpu.vector_load %arg7[%get3A_403, %get3A_404] {strides = array<i32>} : memref<256x32xf32, #tpu.memory_space<vmem>>, vector<16xf32>,
        %add3A_406 = arith.constant 32 : i32
        %add3A_407 = vector.broadcast %add3A_406 : i32 to vector<16xi32>
        %add3A_408 = arith.addi %add3A_407, %iota3A : vector<16xi32>
        %shift_right_arithmetic3A_409 = arith.constant 5 : i32
        %shift_right_arithmetic3A_410 = vector.broadcast %shift_right_arithmetic3A_409 : i32 to vector<16xi32>
        %shift_right_arithmetic3A_411 = arith.shrsi %add3A_408, %shift_right_arithmetic3A_410 : vector<16xi32>
        %shift_right_arithmetic3A_412 = arith.constant 3 : i32
        %shift_right_arithmetic3A_413 = vector.broadcast %shift_right_arithmetic3A_412 : i32 to vector<16xi32>
        %shift_right_arithmetic3A_414 = arith.shrsi %add3A_408, %shift_right_arithmetic3A_413 : vector<16xi32>
        %and3A_415 = arith.constant 3 : i32
        %and3A_416 = vector.broadcast %and3A_415 : i32 to vector<16xi32>
        %and3A_417 = arith.andi %shift_right_arithmetic3A_414, %and3A_416 : vector<16xi32>
        %and3A_418 = arith.constant 7 : i32
        %and3A_419 = vector.broadcast %and3A_418 : i32 to vector<16xi32>
        %and3A_420 = arith.andi %add3A_408, %and3A_419 : vector<16xi32>
        tpu.vector_store_idx %arg11[%shift_right_arithmetic3A_411, %and3A_417, %and3A_420, %add3A_365], %get3A_405 : memref<2x4x8x129xf32, #tpu.memory_space<vmem>>[vector<16xi32>, vector<16xi32>, vector<16xi32>, vector<16xi32>], vector<16xf32>,
        %get3A_421 = arith.index_cast %add3A_402 : i32 to index
        %get3A_422 = arith.constant 16 : index
        %get3A_423 = tpu.vector_load %arg7[%get3A_421, %get3A_422] {strides = array<i32>} : memref<256x32xf32, #tpu.memory_space<vmem>>, vector<16xf32>,
        %add3A_424 = arith.constant 48 : i32
        %add3A_425 = vector.broadcast %add3A_424 : i32 to vector<16xi32>
        %add3A_426 = arith.addi %add3A_425, %iota3A : vector<16xi32>
        %shift_right_arithmetic3A_427 = arith.constant 5 : i32
        %shift_right_arithmetic3A_428 = vector.broadcast %shift_right_arithmetic3A_427 : i32 to vector<16xi32>
        %shift_right_arithmetic3A_429 = arith.shrsi %add3A_426, %shift_right_arithmetic3A_428 : vector<16xi32>
        %shift_right_arithmetic3A_430 = arith.constant 3 : i32
        %shift_right_arithmetic3A_431 = vector.broadcast %shift_right_arithmetic3A_430 : i32 to vector<16xi32>
        %shift_right_arithmetic3A_432 = arith.shrsi %add3A_426, %shift_right_arithmetic3A_431 : vector<16xi32>
        %and3A_433 = arith.constant 3 : i32
        %and3A_434 = vector.broadcast %and3A_433 : i32 to vector<16xi32>
        %and3A_435 = arith.andi %shift_right_arithmetic3A_432, %and3A_434 : vector<16xi32>
        %and3A_436 = arith.constant 7 : i32
        %and3A_437 = vector.broadcast %and3A_436 : i32 to vector<16xi32>
        %and3A_438 = arith.andi %add3A_426, %and3A_437 : vector<16xi32>
        tpu.vector_store_idx %arg11[%shift_right_arithmetic3A_429, %and3A_435, %and3A_438, %add3A_365], %get3A_423 : memref<2x4x8x129xf32, #tpu.memory_space<vmem>>[vector<16xi32>, vector<16xi32>, vector<16xi32>, vector<16xi32>], vector<16xf32>,
        %mul3A_439 = arith.constant 4 : i32
        %mul3A_440 = arith.muli %scan3A_358, %mul3A_439 : i32
        %add3A_441 = arith.constant 1 : i32
        %add3A_442 = arith.addi %mul3A_440, %add3A_441 : i32
        %broadcast_in_dim3A_443 = arith.constant 0 : i32
        %broadcast_in_dim3A_444 = vector.broadcast %broadcast_in_dim3A_443 : i32 to vector<16xi32>
        %add3A_445 = vector.broadcast %add3A_442 : i32 to vector<16xi32>
        %add3A_446 = arith.addi %broadcast_in_dim3A_444, %add3A_445 : vector<16xi32>
        %add3A_447 = arith.constant 0 : i32
        %add3A_448 = arith.addi %add3A_447, %add3A_442 : i32
        %get3A_449 = arith.index_cast %add3A_448 : i32 to index
        %get3A_450 = arith.constant 0 : index
        %get3A_451 = tpu.vector_load %arg7[%get3A_449, %get3A_450] {strides = array<i32>} : memref<256x32xf32, #tpu.memory_space<vmem>>, vector<16xf32>,
        %add3A_452 = arith.constant 0 : i32
        %add3A_453 = vector.broadcast %add3A_452 : i32 to vector<16xi32>
        %add3A_454 = arith.addi %add3A_453, %iota3A : vector<16xi32>
        %shift_right_arithmetic3A_455 = arith.constant 5 : i32
        %shift_right_arithmetic3A_456 = vector.broadcast %shift_right_arithmetic3A_455 : i32 to vector<16xi32>
        %shift_right_arithmetic3A_457 = arith.shrsi %add3A_454, %shift_right_arithmetic3A_456 : vector<16xi32>
        %shift_right_arithmetic3A_458 = arith.constant 3 : i32
        %shift_right_arithmetic3A_459 = vector.broadcast %shift_right_arithmetic3A_458 : i32 to vector<16xi32>
        %shift_right_arithmetic3A_460 = arith.shrsi %add3A_454, %shift_right_arithmetic3A_459 : vector<16xi32>
        %and3A_461 = arith.constant 3 : i32
        %and3A_462 = vector.broadcast %and3A_461 : i32 to vector<16xi32>
        %and3A_463 = arith.andi %shift_right_arithmetic3A_460, %and3A_462 : vector<16xi32>
        %and3A_464 = arith.constant 7 : i32
        %and3A_465 = vector.broadcast %and3A_464 : i32 to vector<16xi32>
        %and3A_466 = arith.andi %add3A_454, %and3A_465 : vector<16xi32>
        tpu.vector_store_idx %arg11[%shift_right_arithmetic3A_457, %and3A_463, %and3A_466, %add3A_446], %get3A_451 : memref<2x4x8x129xf32, #tpu.memory_space<vmem>>[vector<16xi32>, vector<16xi32>, vector<16xi32>, vector<16xi32>], vector<16xf32>,
        %get3A_467 = arith.index_cast %add3A_448 : i32 to index
        %get3A_468 = arith.constant 16 : index
        %get3A_469 = tpu.vector_load %arg7[%get3A_467, %get3A_468] {strides = array<i32>} : memref<256x32xf32, #tpu.memory_space<vmem>>, vector<16xf32>,
        %add3A_470 = arith.constant 16 : i32
        %add3A_471 = vector.broadcast %add3A_470 : i32 to vector<16xi32>
        %add3A_472 = arith.addi %add3A_471, %iota3A : vector<16xi32>
        %shift_right_arithmetic3A_473 = arith.constant 5 : i32
        %shift_right_arithmetic3A_474 = vector.broadcast %shift_right_arithmetic3A_473 : i32 to vector<16xi32>
        %shift_right_arithmetic3A_475 = arith.shrsi %add3A_472, %shift_right_arithmetic3A_474 : vector<16xi32>
        %shift_right_arithmetic3A_476 = arith.constant 3 : i32
        %shift_right_arithmetic3A_477 = vector.broadcast %shift_right_arithmetic3A_476 : i32 to vector<16xi32>
        %shift_right_arithmetic3A_478 = arith.shrsi %add3A_472, %shift_right_arithmetic3A_477 : vector<16xi32>
        %and3A_479 = arith.constant 3 : i32
        %and3A_480 = vector.broadcast %and3A_479 : i32 to vector<16xi32>
        %and3A_481 = arith.andi %shift_right_arithmetic3A_478, %and3A_480 : vector<16xi32>
        %and3A_482 = arith.constant 7 : i32
        %and3A_483 = vector.broadcast %and3A_482 : i32 to vector<16xi32>
        %and3A_484 = arith.andi %add3A_472, %and3A_483 : vector<16xi32>
        tpu.vector_store_idx %arg11[%shift_right_arithmetic3A_475, %and3A_481, %and3A_484, %add3A_446], %get3A_469 : memref<2x4x8x129xf32, #tpu.memory_space<vmem>>[vector<16xi32>, vector<16xi32>, vector<16xi32>, vector<16xi32>], vector<16xf32>,
        %add3A_485 = arith.constant 128 : i32
        %add3A_486 = arith.addi %add3A_485, %add3A_442 : i32
        %get3A_487 = arith.index_cast %add3A_486 : i32 to index
        %get3A_488 = arith.constant 0 : index
        %get3A_489 = tpu.vector_load %arg7[%get3A_487, %get3A_488] {strides = array<i32>} : memref<256x32xf32, #tpu.memory_space<vmem>>, vector<16xf32>,
        %add3A_490 = arith.constant 32 : i32
        %add3A_491 = vector.broadcast %add3A_490 : i32 to vector<16xi32>
        %add3A_492 = arith.addi %add3A_491, %iota3A : vector<16xi32>
        %shift_right_arithmetic3A_493 = arith.constant 5 : i32
        %shift_right_arithmetic3A_494 = vector.broadcast %shift_right_arithmetic3A_493 : i32 to vector<16xi32>
        %shift_right_arithmetic3A_495 = arith.shrsi %add3A_492, %shift_right_arithmetic3A_494 : vector<16xi32>
        %shift_right_arithmetic3A_496 = arith.constant 3 : i32
        %shift_right_arithmetic3A_497 = vector.broadcast %shift_right_arithmetic3A_496 : i32 to vector<16xi32>
        %shift_right_arithmetic3A_498 = arith.shrsi %add3A_492, %shift_right_arithmetic3A_497 : vector<16xi32>
        %and3A_499 = arith.constant 3 : i32
        %and3A_500 = vector.broadcast %and3A_499 : i32 to vector<16xi32>
        %and3A_501 = arith.andi %shift_right_arithmetic3A_498, %and3A_500 : vector<16xi32>
        %and3A_502 = arith.constant 7 : i32
        %and3A_503 = vector.broadcast %and3A_502 : i32 to vector<16xi32>
        %and3A_504 = arith.andi %add3A_492, %and3A_503 : vector<16xi32>
        tpu.vector_store_idx %arg11[%shift_right_arithmetic3A_495, %and3A_501, %and3A_504, %add3A_446], %get3A_489 : memref<2x4x8x129xf32, #tpu.memory_space<vmem>>[vector<16xi32>, vector<16xi32>, vector<16xi32>, vector<16xi32>], vector<16xf32>,
        %get3A_505 = arith.index_cast %add3A_486 : i32 to index
        %get3A_506 = arith.constant 16 : index
        %get3A_507 = tpu.vector_load %arg7[%get3A_505, %get3A_506] {strides = array<i32>} : memref<256x32xf32, #tpu.memory_space<vmem>>, vector<16xf32>,
        %add3A_508 = arith.constant 48 : i32
        %add3A_509 = vector.broadcast %add3A_508 : i32 to vector<16xi32>
        %add3A_510 = arith.addi %add3A_509, %iota3A : vector<16xi32>
        %shift_right_arithmetic3A_511 = arith.constant 5 : i32
        %shift_right_arithmetic3A_512 = vector.broadcast %shift_right_arithmetic3A_511 : i32 to vector<16xi32>
        %shift_right_arithmetic3A_513 = arith.shrsi %add3A_510, %shift_right_arithmetic3A_512 : vector<16xi32>
        %shift_right_arithmetic3A_514 = arith.constant 3 : i32
        %shift_right_arithmetic3A_515 = vector.broadcast %shift_right_arithmetic3A_514 : i32 to vector<16xi32>
        %shift_right_arithmetic3A_516 = arith.shrsi %add3A_510, %shift_right_arithmetic3A_515 : vector<16xi32>
        %and3A_517 = arith.constant 3 : i32
        %and3A_518 = vector.broadcast %and3A_517 : i32 to vector<16xi32>
        %and3A_519 = arith.andi %shift_right_arithmetic3A_516, %and3A_518 : vector<16xi32>
        %and3A_520 = arith.constant 7 : i32
        %and3A_521 = vector.broadcast %and3A_520 : i32 to vector<16xi32>
        %and3A_522 = arith.andi %add3A_510, %and3A_521 : vector<16xi32>
        tpu.vector_store_idx %arg11[%shift_right_arithmetic3A_513, %and3A_519, %and3A_522, %add3A_446], %get3A_507 : memref<2x4x8x129xf32, #tpu.memory_space<vmem>>[vector<16xi32>, vector<16xi32>, vector<16xi32>, vector<16xi32>], vector<16xf32>,
        %mul3A_523 = arith.constant 4 : i32
        %mul3A_524 = arith.muli %scan3A_358, %mul3A_523 : i32
        %add3A_525 = arith.constant 2 : i32
        %add3A_526 = arith.addi %mul3A_524, %add3A_525 : i32
        %broadcast_in_dim3A_527 = arith.constant 0 : i32
        %broadcast_in_dim3A_528 = vector.broadcast %broadcast_in_dim3A_527 : i32 to vector<16xi32>
        %add3A_529 = vector.broadcast %add3A_526 : i32 to vector<16xi32>
        %add3A_530 = arith.addi %broadcast_in_dim3A_528, %add3A_529 : vector<16xi32>
        %add3A_531 = arith.constant 0 : i32
        %add3A_532 = arith.addi %add3A_531, %add3A_526 : i32
        %get3A_533 = arith.index_cast %add3A_532 : i32 to index
        %get3A_534 = arith.constant 0 : index
        %get3A_535 = tpu.vector_load %arg7[%get3A_533, %get3A_534] {strides = array<i32>} : memref<256x32xf32, #tpu.memory_space<vmem>>, vector<16xf32>,
        %add3A_536 = arith.constant 0 : i32
        %add3A_537 = vector.broadcast %add3A_536 : i32 to vector<16xi32>
        %add3A_538 = arith.addi %add3A_537, %iota3A : vector<16xi32>
        %shift_right_arithmetic3A_539 = arith.constant 5 : i32
        %shift_right_arithmetic3A_540 = vector.broadcast %shift_right_arithmetic3A_539 : i32 to vector<16xi32>
        %shift_right_arithmetic3A_541 = arith.shrsi %add3A_538, %shift_right_arithmetic3A_540 : vector<16xi32>
        %shift_right_arithmetic3A_542 = arith.constant 3 : i32
        %shift_right_arithmetic3A_543 = vector.broadcast %shift_right_arithmetic3A_542 : i32 to vector<16xi32>
        %shift_right_arithmetic3A_544 = arith.shrsi %add3A_538, %shift_right_arithmetic3A_543 : vector<16xi32>
        %and3A_545 = arith.constant 3 : i32
        %and3A_546 = vector.broadcast %and3A_545 : i32 to vector<16xi32>
        %and3A_547 = arith.andi %shift_right_arithmetic3A_544, %and3A_546 : vector<16xi32>
        %and3A_548 = arith.constant 7 : i32
        %and3A_549 = vector.broadcast %and3A_548 : i32 to vector<16xi32>
        %and3A_550 = arith.andi %add3A_538, %and3A_549 : vector<16xi32>
        tpu.vector_store_idx %arg11[%shift_right_arithmetic3A_541, %and3A_547, %and3A_550, %add3A_530], %get3A_535 : memref<2x4x8x129xf32, #tpu.memory_space<vmem>>[vector<16xi32>, vector<16xi32>, vector<16xi32>, vector<16xi32>], vector<16xf32>,
        %get3A_551 = arith.index_cast %add3A_532 : i32 to index
        %get3A_552 = arith.constant 16 : index
        %get3A_553 = tpu.vector_load %arg7[%get3A_551, %get3A_552] {strides = array<i32>} : memref<256x32xf32, #tpu.memory_space<vmem>>, vector<16xf32>,
        %add3A_554 = arith.constant 16 : i32
        %add3A_555 = vector.broadcast %add3A_554 : i32 to vector<16xi32>
        %add3A_556 = arith.addi %add3A_555, %iota3A : vector<16xi32>
        %shift_right_arithmetic3A_557 = arith.constant 5 : i32
        %shift_right_arithmetic3A_558 = vector.broadcast %shift_right_arithmetic3A_557 : i32 to vector<16xi32>
        %shift_right_arithmetic3A_559 = arith.shrsi %add3A_556, %shift_right_arithmetic3A_558 : vector<16xi32>
        %shift_right_arithmetic3A_560 = arith.constant 3 : i32
        %shift_right_arithmetic3A_561 = vector.broadcast %shift_right_arithmetic3A_560 : i32 to vector<16xi32>
        %shift_right_arithmetic3A_562 = arith.shrsi %add3A_556, %shift_right_arithmetic3A_561 : vector<16xi32>
        %and3A_563 = arith.constant 3 : i32
        %and3A_564 = vector.broadcast %and3A_563 : i32 to vector<16xi32>
        %and3A_565 = arith.andi %shift_right_arithmetic3A_562, %and3A_564 : vector<16xi32>
        %and3A_566 = arith.constant 7 : i32
        %and3A_567 = vector.broadcast %and3A_566 : i32 to vector<16xi32>
        %and3A_568 = arith.andi %add3A_556, %and3A_567 : vector<16xi32>
        tpu.vector_store_idx %arg11[%shift_right_arithmetic3A_559, %and3A_565, %and3A_568, %add3A_530], %get3A_553 : memref<2x4x8x129xf32, #tpu.memory_space<vmem>>[vector<16xi32>, vector<16xi32>, vector<16xi32>, vector<16xi32>], vector<16xf32>,
        %add3A_569 = arith.constant 128 : i32
        %add3A_570 = arith.addi %add3A_569, %add3A_526 : i32
        %get3A_571 = arith.index_cast %add3A_570 : i32 to index
        %get3A_572 = arith.constant 0 : index
        %get3A_573 = tpu.vector_load %arg7[%get3A_571, %get3A_572] {strides = array<i32>} : memref<256x32xf32, #tpu.memory_space<vmem>>, vector<16xf32>,
        %add3A_574 = arith.constant 32 : i32
        %add3A_575 = vector.broadcast %add3A_574 : i32 to vector<16xi32>
        %add3A_576 = arith.addi %add3A_575, %iota3A : vector<16xi32>
        %shift_right_arithmetic3A_577 = arith.constant 5 : i32
        %shift_right_arithmetic3A_578 = vector.broadcast %shift_right_arithmetic3A_577 : i32 to vector<16xi32>
        %shift_right_arithmetic3A_579 = arith.shrsi %add3A_576, %shift_right_arithmetic3A_578 : vector<16xi32>
        %shift_right_arithmetic3A_580 = arith.constant 3 : i32
        %shift_right_arithmetic3A_581 = vector.broadcast %shift_right_arithmetic3A_580 : i32 to vector<16xi32>
        %shift_right_arithmetic3A_582 = arith.shrsi %add3A_576, %shift_right_arithmetic3A_581 : vector<16xi32>
        %and3A_583 = arith.constant 3 : i32
        %and3A_584 = vector.broadcast %and3A_583 : i32 to vector<16xi32>
        %and3A_585 = arith.andi %shift_right_arithmetic3A_582, %and3A_584 : vector<16xi32>
        %and3A_586 = arith.constant 7 : i32
        %and3A_587 = vector.broadcast %and3A_586 : i32 to vector<16xi32>
        %and3A_588 = arith.andi %add3A_576, %and3A_587 : vector<16xi32>
        tpu.vector_store_idx %arg11[%shift_right_arithmetic3A_579, %and3A_585, %and3A_588, %add3A_530], %get3A_573 : memref<2x4x8x129xf32, #tpu.memory_space<vmem>>[vector<16xi32>, vector<16xi32>, vector<16xi32>, vector<16xi32>], vector<16xf32>,
        %get3A_589 = arith.index_cast %add3A_570 : i32 to index
        %get3A_590 = arith.constant 16 : index
        %get3A_591 = tpu.vector_load %arg7[%get3A_589, %get3A_590] {strides = array<i32>} : memref<256x32xf32, #tpu.memory_space<vmem>>, vector<16xf32>,
        %add3A_592 = arith.constant 48 : i32
        %add3A_593 = vector.broadcast %add3A_592 : i32 to vector<16xi32>
        %add3A_594 = arith.addi %add3A_593, %iota3A : vector<16xi32>
        %shift_right_arithmetic3A_595 = arith.constant 5 : i32
        %shift_right_arithmetic3A_596 = vector.broadcast %shift_right_arithmetic3A_595 : i32 to vector<16xi32>
        %shift_right_arithmetic3A_597 = arith.shrsi %add3A_594, %shift_right_arithmetic3A_596 : vector<16xi32>
        %shift_right_arithmetic3A_598 = arith.constant 3 : i32
        %shift_right_arithmetic3A_599 = vector.broadcast %shift_right_arithmetic3A_598 : i32 to vector<16xi32>
        %shift_right_arithmetic3A_600 = arith.shrsi %add3A_594, %shift_right_arithmetic3A_599 : vector<16xi32>
        %and3A_601 = arith.constant 3 : i32
        %and3A_602 = vector.broadcast %and3A_601 : i32 to vector<16xi32>
        %and3A_603 = arith.andi %shift_right_arithmetic3A_600, %and3A_602 : vector<16xi32>
        %and3A_604 = arith.constant 7 : i32
        %and3A_605 = vector.broadcast %and3A_604 : i32 to vector<16xi32>
        %and3A_606 = arith.andi %add3A_594, %and3A_605 : vector<16xi32>
        tpu.vector_store_idx %arg11[%shift_right_arithmetic3A_597, %and3A_603, %and3A_606, %add3A_530], %get3A_591 : memref<2x4x8x129xf32, #tpu.memory_space<vmem>>[vector<16xi32>, vector<16xi32>, vector<16xi32>, vector<16xi32>], vector<16xf32>,
        %mul3A_607 = arith.constant 4 : i32
        %mul3A_608 = arith.muli %scan3A_358, %mul3A_607 : i32
        %add3A_609 = arith.constant 3 : i32
        %add3A_610 = arith.addi %mul3A_608, %add3A_609 : i32
        %broadcast_in_dim3A_611 = arith.constant 0 : i32
        %broadcast_in_dim3A_612 = vector.broadcast %broadcast_in_dim3A_611 : i32 to vector<16xi32>
        %add3A_613 = vector.broadcast %add3A_610 : i32 to vector<16xi32>
        %add3A_614 = arith.addi %broadcast_in_dim3A_612, %add3A_613 : vector<16xi32>
        %add3A_615 = arith.constant 0 : i32
        %add3A_616 = arith.addi %add3A_615, %add3A_610 : i32
        %get3A_617 = arith.index_cast %add3A_616 : i32 to index
        %get3A_618 = arith.constant 0 : index
        %get3A_619 = tpu.vector_load %arg7[%get3A_617, %get3A_618] {strides = array<i32>} : memref<256x32xf32, #tpu.memory_space<vmem>>, vector<16xf32>,
        %add3A_620 = arith.constant 0 : i32
        %add3A_621 = vector.broadcast %add3A_620 : i32 to vector<16xi32>
        %add3A_622 = arith.addi %add3A_621, %iota3A : vector<16xi32>
        %shift_right_arithmetic3A_623 = arith.constant 5 : i32
        %shift_right_arithmetic3A_624 = vector.broadcast %shift_right_arithmetic3A_623 : i32 to vector<16xi32>
        %shift_right_arithmetic3A_625 = arith.shrsi %add3A_622, %shift_right_arithmetic3A_624 : vector<16xi32>
        %shift_right_arithmetic3A_626 = arith.constant 3 : i32
        %shift_right_arithmetic3A_627 = vector.broadcast %shift_right_arithmetic3A_626 : i32 to vector<16xi32>
        %shift_right_arithmetic3A_628 = arith.shrsi %add3A_622, %shift_right_arithmetic3A_627 : vector<16xi32>
        %and3A_629 = arith.constant 3 : i32
        %and3A_630 = vector.broadcast %and3A_629 : i32 to vector<16xi32>
        %and3A_631 = arith.andi %shift_right_arithmetic3A_628, %and3A_630 : vector<16xi32>
        %and3A_632 = arith.constant 7 : i32
        %and3A_633 = vector.broadcast %and3A_632 : i32 to vector<16xi32>
        %and3A_634 = arith.andi %add3A_622, %and3A_633 : vector<16xi32>
        tpu.vector_store_idx %arg11[%shift_right_arithmetic3A_625, %and3A_631, %and3A_634, %add3A_614], %get3A_619 : memref<2x4x8x129xf32, #tpu.memory_space<vmem>>[vector<16xi32>, vector<16xi32>, vector<16xi32>, vector<16xi32>], vector<16xf32>,
        %get3A_635 = arith.index_cast %add3A_616 : i32 to index
        %get3A_636 = arith.constant 16 : index
        %get3A_637 = tpu.vector_load %arg7[%get3A_635, %get3A_636] {strides = array<i32>} : memref<256x32xf32, #tpu.memory_space<vmem>>, vector<16xf32>,
        %add3A_638 = arith.constant 16 : i32
        %add3A_639 = vector.broadcast %add3A_638 : i32 to vector<16xi32>
        %add3A_640 = arith.addi %add3A_639, %iota3A : vector<16xi32>
        %shift_right_arithmetic3A_641 = arith.constant 5 : i32
        %shift_right_arithmetic3A_642 = vector.broadcast %shift_right_arithmetic3A_641 : i32 to vector<16xi32>
        %shift_right_arithmetic3A_643 = arith.shrsi %add3A_640, %shift_right_arithmetic3A_642 : vector<16xi32>
        %shift_right_arithmetic3A_644 = arith.constant 3 : i32
        %shift_right_arithmetic3A_645 = vector.broadcast %shift_right_arithmetic3A_644 : i32 to vector<16xi32>
        %shift_right_arithmetic3A_646 = arith.shrsi %add3A_640, %shift_right_arithmetic3A_645 : vector<16xi32>
        %and3A_647 = arith.constant 3 : i32
        %and3A_648 = vector.broadcast %and3A_647 : i32 to vector<16xi32>
        %and3A_649 = arith.andi %shift_right_arithmetic3A_646, %and3A_648 : vector<16xi32>
        %and3A_650 = arith.constant 7 : i32
        %and3A_651 = vector.broadcast %and3A_650 : i32 to vector<16xi32>
        %and3A_652 = arith.andi %add3A_640, %and3A_651 : vector<16xi32>
        tpu.vector_store_idx %arg11[%shift_right_arithmetic3A_643, %and3A_649, %and3A_652, %add3A_614], %get3A_637 : memref<2x4x8x129xf32, #tpu.memory_space<vmem>>[vector<16xi32>, vector<16xi32>, vector<16xi32>, vector<16xi32>], vector<16xf32>,
        %add3A_653 = arith.constant 128 : i32
        %add3A_654 = arith.addi %add3A_653, %add3A_610 : i32
        %get3A_655 = arith.index_cast %add3A_654 : i32 to index
        %get3A_656 = arith.constant 0 : index
        %get3A_657 = tpu.vector_load %arg7[%get3A_655, %get3A_656] {strides = array<i32>} : memref<256x32xf32, #tpu.memory_space<vmem>>, vector<16xf32>,
        %add3A_658 = arith.constant 32 : i32
        %add3A_659 = vector.broadcast %add3A_658 : i32 to vector<16xi32>
        %add3A_660 = arith.addi %add3A_659, %iota3A : vector<16xi32>
        %shift_right_arithmetic3A_661 = arith.constant 5 : i32
        %shift_right_arithmetic3A_662 = vector.broadcast %shift_right_arithmetic3A_661 : i32 to vector<16xi32>
        %shift_right_arithmetic3A_663 = arith.shrsi %add3A_660, %shift_right_arithmetic3A_662 : vector<16xi32>
        %shift_right_arithmetic3A_664 = arith.constant 3 : i32
        %shift_right_arithmetic3A_665 = vector.broadcast %shift_right_arithmetic3A_664 : i32 to vector<16xi32>
        %shift_right_arithmetic3A_666 = arith.shrsi %add3A_660, %shift_right_arithmetic3A_665 : vector<16xi32>
        %and3A_667 = arith.constant 3 : i32
        %and3A_668 = vector.broadcast %and3A_667 : i32 to vector<16xi32>
        %and3A_669 = arith.andi %shift_right_arithmetic3A_666, %and3A_668 : vector<16xi32>
        %and3A_670 = arith.constant 7 : i32
        %and3A_671 = vector.broadcast %and3A_670 : i32 to vector<16xi32>
        %and3A_672 = arith.andi %add3A_660, %and3A_671 : vector<16xi32>
        tpu.vector_store_idx %arg11[%shift_right_arithmetic3A_663, %and3A_669, %and3A_672, %add3A_614], %get3A_657 : memref<2x4x8x129xf32, #tpu.memory_space<vmem>>[vector<16xi32>, vector<16xi32>, vector<16xi32>, vector<16xi32>], vector<16xf32>,
        %get3A_673 = arith.index_cast %add3A_654 : i32 to index
        %get3A_674 = arith.constant 16 : index
        %get3A_675 = tpu.vector_load %arg7[%get3A_673, %get3A_674] {strides = array<i32>} : memref<256x32xf32, #tpu.memory_space<vmem>>, vector<16xf32>,
        %add3A_676 = arith.constant 48 : i32
        %add3A_677 = vector.broadcast %add3A_676 : i32 to vector<16xi32>
        %add3A_678 = arith.addi %add3A_677, %iota3A : vector<16xi32>
        %shift_right_arithmetic3A_679 = arith.constant 5 : i32
        %shift_right_arithmetic3A_680 = vector.broadcast %shift_right_arithmetic3A_679 : i32 to vector<16xi32>
        %shift_right_arithmetic3A_681 = arith.shrsi %add3A_678, %shift_right_arithmetic3A_680 : vector<16xi32>
        %shift_right_arithmetic3A_682 = arith.constant 3 : i32
        %shift_right_arithmetic3A_683 = vector.broadcast %shift_right_arithmetic3A_682 : i32 to vector<16xi32>
        %shift_right_arithmetic3A_684 = arith.shrsi %add3A_678, %shift_right_arithmetic3A_683 : vector<16xi32>
        %and3A_685 = arith.constant 3 : i32
        %and3A_686 = vector.broadcast %and3A_685 : i32 to vector<16xi32>
        %and3A_687 = arith.andi %shift_right_arithmetic3A_684, %and3A_686 : vector<16xi32>
        %and3A_688 = arith.constant 7 : i32
        %and3A_689 = vector.broadcast %and3A_688 : i32 to vector<16xi32>
        %and3A_690 = arith.andi %add3A_678, %and3A_689 : vector<16xi32>
        tpu.vector_store_idx %arg11[%shift_right_arithmetic3A_681, %and3A_687, %and3A_690, %add3A_614], %get3A_675 : memref<2x4x8x129xf32, #tpu.memory_space<vmem>>[vector<16xi32>, vector<16xi32>, vector<16xi32>, vector<16xi32>], vector<16xf32>,
      }
      %scan3A_196 = arith.constant 32 : i32
      %dma_start3A_197 = arith.constant 0 : i32
      %dma_start3A_198 = arith.constant 0 : i32
      %dma_start3A_199 = arith.constant 0 : i32
      %dma_start3A_200 = arith.constant 0 : i32
      %dma_start3A_201 = tpu.memref_slice %arg11[%dma_start3A_197, %dma_start3A_198, %dma_start3A_199, %dma_start3A_200] : memref<2x4x8x129xf32, #tpu.memory_space<vmem>> -> memref<2x4x8x128xf32, #tpu.memory_space<vmem>>
      %dma_start3A_202 = arith.constant 0 : i32
      %dma_start3A_203 = arith.constant 0 : i32
      %dma_start3A_204 = arith.constant 0 : i32
      %dma_start3A_205 = tpu.memref_slice %arg4[%mul3A_180, %dma_start3A_202, %add3A, %dma_start3A_203, %dma_start3A_204] : memref<200x4x32x8x128xf32, #tpu.memory_space<hbm>> -> memref<2x4x1x8x128xf32, #tpu.memory_space<hbm>>
      %dma_start3A_206 = tpu.memref_squeeze %dma_start3A_205 : memref<2x4x1x8x128xf32, #tpu.memory_space<hbm>> -> memref<2x4x8x128xf32, #tpu.memory_space<hbm>>
      %dma_start3A_207 = arith.constant 0 : i32
      %dma_start3A_208 = arith.constant 0 : i32
      %dma_start3A_209 = arith.constant 0 : i32
      %dma_start3A_210 = tpu.memref_slice %arg4[%mul3A_180, %dma_start3A_207, %add3A, %dma_start3A_208, %dma_start3A_209] : memref<200x4x32x8x128xf32, #tpu.memory_space<hbm>> -> memref<2x4x1x8x128xf32, #tpu.memory_space<hbm>>
      %dma_start3A_211 = tpu.memref_squeeze %dma_start3A_210 : memref<2x4x1x8x128xf32, #tpu.memory_space<hbm>> -> memref<2x4x8x128xf32, #tpu.memory_space<hbm>>
      %dma_start3A_212 = arith.constant 0 : i32
      %dma_start3A_213 = arith.constant 0 : i32
      %dma_start3A_214 = arith.constant 0 : i32
      %dma_start3A_215 = arith.constant 0 : i32
      %dma_start3A_216 = tpu.memref_slice %arg11[%dma_start3A_212, %dma_start3A_213, %dma_start3A_214, %dma_start3A_215] : memref<2x4x8x129xf32, #tpu.memory_space<vmem>> -> memref<2x4x8x128xf32, #tpu.memory_space<vmem>>
      tpu.enqueue_dma source(%dma_start3A_216 : memref<2x4x8x128xf32, #tpu.memory_space<vmem>>) target(%dma_start3A_211 : memref<2x4x8x128xf32, #tpu.memory_space<hbm>>) target_semaphore(%arg17 : memref<!tpu.dma_semaphore, #tpu.memory_space<semaphore_mem>>)
      %add3A_217 = arith.constant 4 : i32
      %add3A_218 = arith.addi %add3A_178, %add3A_217 : i32
      %lt3A_219 = arith.constant 100 : i32
      %lt3A_220 = arith.cmpi slt, %add3A_218, %lt3A_219 : i32
      %convert_element_type3A_221 = arith.extui %lt3A_220 : i1 to i32
      %cond3A_222 = arith.constant 0 : i32
      %cond3A_223 = arith.cmpi ne, %convert_element_type3A_221, %cond3A_222 : i32
      scf.if %cond3A_223 {
        %add3A_358 = arith.constant 4 : i32
        %add3A_359 = arith.addi %add3A_178, %add3A_358 : i32
        %mul3A_360 = arith.constant 2 : i32
        %mul3A_361 = arith.muli %mul3A_360, %add3A_359 : i32
        %dma_start3A_362 = arith.constant 0 : i32
        %dma_start3A_363 = arith.constant 0 : i32
        %dma_start3A_364 = tpu.memref_slice %arg7[%dma_start3A_362, %dma_start3A_363] : memref<256x32xf32, #tpu.memory_space<vmem>> -> memref<128x32xf32, #tpu.memory_space<vmem>>
        %dma_start3A_365 = arith.constant 0 : i32
        %dma_start3A_366 = tpu.memref_slice %arg5[%mul3A_361, %dma_start3A_365] : memref<200x128xi32, #tpu.memory_space<vmem>> -> memref<1x128xi32, #tpu.memory_space<vmem>>
        %dma_start3A_367 = tpu.memref_squeeze %dma_start3A_366 : memref<1x128xi32, #tpu.memory_space<vmem>> -> memref<128xi32, #tpu.memory_space<vmem>>
        %dma_start3A_368 = arith.constant 0 : i32
        %dma_start3A_369 = arith.constant 0 : i32
        %dma_start3A_370 = tpu.memref_slice %arg3[%dma_start3A_368, %dma_start3A_369] : memref<1000000x32xf32, #tpu.memory_space<hbm>> -> memref<1000000x32xf32, #tpu.memory_space<hbm>>
        tpu.enqueue_indirect_dma source(%dma_start3A_370 : memref<1000000x32xf32, #tpu.memory_space<hbm>>) target(%dma_start3A_364 : memref<128x32xf32, #tpu.memory_space<vmem>>) offsets(%dma_start3A_367 : memref<128xi32, #tpu.memory_space<vmem>>) semaphore(%arg13 : memref<!tpu.dma_semaphore, #tpu.memory_space<semaphore_mem>>)
        %mul3A_371 = arith.constant 2 : i32
        %mul3A_372 = arith.muli %mul3A_371, %add3A_359 : i32
        %add3A_373 = arith.constant 1 : i32
        %add3A_374 = arith.addi %mul3A_372, %add3A_373 : i32
        %dma_start3A_375 = arith.constant 128 : i32
        %dma_start3A_376 = arith.constant 0 : i32
        %dma_start3A_377 = tpu.memref_slice %arg7[%dma_start3A_375, %dma_start3A_376] : memref<256x32xf32, #tpu.memory_space<vmem>> -> memref<128x32xf32, #tpu.memory_space<vmem>>
        %dma_start3A_378 = arith.constant 0 : i32
        %dma_start3A_379 = tpu.memref_slice %arg5[%add3A_374, %dma_start3A_378] : memref<200x128xi32, #tpu.memory_space<vmem>> -> memref<1x128xi32, #tpu.memory_space<vmem>>
        %dma_start3A_380 = tpu.memref_squeeze %dma_start3A_379 : memref<1x128xi32, #tpu.memory_space<vmem>> -> memref<128xi32, #tpu.memory_space<vmem>>
        %dma_start3A_381 = arith.constant 0 : i32
        %dma_start3A_382 = arith.constant 0 : i32
        %dma_start3A_383 = tpu.memref_slice %arg3[%dma_start3A_381, %dma_start3A_382] : memref<1000000x32xf32, #tpu.memory_space<hbm>> -> memref<1000000x32xf32, #tpu.memory_space<hbm>>
        tpu.enqueue_indirect_dma source(%dma_start3A_383 : memref<1000000x32xf32, #tpu.memory_space<hbm>>) target(%dma_start3A_377 : memref<128x32xf32, #tpu.memory_space<vmem>>) offsets(%dma_start3A_380 : memref<128xi32, #tpu.memory_space<vmem>>) semaphore(%arg13 : memref<!tpu.dma_semaphore, #tpu.memory_space<semaphore_mem>>)
      } else {
      }
      %mul3A_224 = arith.constant 4 : i32
      %mul3A_225 = arith.muli %scan3A_129, %mul3A_224 : i32
      %add3A_226 = arith.constant 2 : i32
      %add3A_227 = arith.addi %mul3A_225, %add3A_226 : i32
      %mul3A_228 = arith.constant 2 : i32
      %mul3A_229 = arith.muli %mul3A_228, %add3A_227 : i32
      %dma_wait3A_230 = arith.constant 0 : i32
      %dma_wait3A_231 = arith.constant 0 : i32
      %dma_wait3A_232 = tpu.memref_slice %arg3[%dma_wait3A_230, %dma_wait3A_231] : memref<1000000x32xf32, #tpu.memory_space<hbm>> -> memref<256x32xf32, #tpu.memory_space<hbm>>
      %dma_wait3A_233 = arith.constant 0 : i32
      %dma_wait3A_234 = arith.constant 0 : i32
      %dma_wait3A_235 = tpu.memref_slice %arg3[%dma_wait3A_233, %dma_wait3A_234] : memref<1000000x32xf32, #tpu.memory_space<hbm>> -> memref<256x32xf32, #tpu.memory_space<hbm>>
      tpu.wait_dma2 semaphore(%arg14 : memref<!tpu.dma_semaphore, #tpu.memory_space<semaphore_mem>>) src(%dma_wait3A_235 : memref<256x32xf32, #tpu.memory_space<hbm>>) dst(%arg8 : memref<256x32xf32, #tpu.memory_space<vmem>>)
      %dma_wait3A_236 = arith.constant 0 : i32
      %dma_wait3A_237 = arith.constant 0 : i32
      %dma_wait3A_238 = arith.constant 0 : i32
      %dma_wait3A_239 = arith.constant 0 : i32
      %dma_wait3A_240 = arith.constant 0 : i32
      %dma_wait3A_241 = tpu.memref_slice %arg10[%dma_wait3A_237, %dma_wait3A_238, %dma_wait3A_239, %dma_wait3A_240] : memref<2x4x8x129xf32, #tpu.memory_space<vmem>> -> memref<2x4x8x128xf32, #tpu.memory_space<vmem>>
      %dma_wait3A_242 = arith.constant 0 : i32
      %dma_wait3A_243 = arith.constant 0 : i32
      %dma_wait3A_244 = arith.constant 0 : i32
      %dma_wait3A_245 = arith.constant 0 : i32
      %dma_wait3A_246 = tpu.memref_slice %arg4[%dma_wait3A_242, %dma_wait3A_243, %dma_wait3A_236, %dma_wait3A_244, %dma_wait3A_245] : memref<200x4x32x8x128xf32, #tpu.memory_space<hbm>> -> memref<2x4x1x8x128xf32, #tpu.memory_space<hbm>>
      %dma_wait3A_247 = tpu.memref_squeeze %dma_wait3A_246 : memref<2x4x1x8x128xf32, #tpu.memory_space<hbm>> -> memref<2x4x8x128xf32, #tpu.memory_space<hbm>>
      %dma_wait3A_248 = arith.constant 0 : i32
      %dma_wait3A_249 = arith.constant 0 : i32
      %dma_wait3A_250 = arith.constant 0 : i32
      %dma_wait3A_251 = arith.constant 0 : i32
      %dma_wait3A_252 = tpu.memref_slice %arg4[%dma_wait3A_248, %dma_wait3A_249, %dma_wait3A_236, %dma_wait3A_250, %dma_wait3A_251] : memref<200x4x32x8x128xf32, #tpu.memory_space<hbm>> -> memref<2x4x1x8x128xf32, #tpu.memory_space<hbm>>
      %dma_wait3A_253 = tpu.memref_squeeze %dma_wait3A_252 : memref<2x4x1x8x128xf32, #tpu.memory_space<hbm>> -> memref<2x4x8x128xf32, #tpu.memory_space<hbm>>
      %dma_wait3A_254 = arith.constant 0 : i32
      %dma_wait3A_255 = arith.constant 0 : i32
      %dma_wait3A_256 = arith.constant 0 : i32
      %dma_wait3A_257 = arith.constant 0 : i32
      %dma_wait3A_258 = tpu.memref_slice %arg10[%dma_wait3A_254, %dma_wait3A_255, %dma_wait3A_256, %dma_wait3A_257] : memref<2x4x8x129xf32, #tpu.memory_space<vmem>> -> memref<2x4x8x128xf32, #tpu.memory_space<vmem>>
      tpu.wait_dma2 semaphore(%arg16 : memref<!tpu.dma_semaphore, #tpu.memory_space<semaphore_mem>>) src(%dma_wait3A_258 : memref<2x4x8x128xf32, #tpu.memory_space<vmem>>) dst(%dma_wait3A_253 : memref<2x4x8x128xf32, #tpu.memory_space<hbm>>)
      %scan3A_259 = arith.constant 0 : i32
      %scan3A_260 = arith.constant 32 : i32
      %scan3A_261 = arith.addi %scan3A_259, %scan3A_260 : i32
      %scan3A_262 = arith.constant 1 : i32
      scf.for %scan3A_358 = %scan3A_259 to %scan3A_261 step %scan3A_262  : i32 {
        %mul3A_359 = arith.constant 4 : i32
        %mul3A_360 = arith.muli %scan3A_358, %mul3A_359 : i32
        %add3A_361 = arith.constant 0 : i32
        %add3A_362 = arith.addi %mul3A_360, %add3A_361 : i32
        %broadcast_in_dim3A = arith.constant 0 : i32
        %broadcast_in_dim3A_363 = vector.broadcast %broadcast_in_dim3A : i32 to vector<16xi32>
        %add3A_364 = vector.broadcast %add3A_362 : i32 to vector<16xi32>
        %add3A_365 = arith.addi %broadcast_in_dim3A_363, %add3A_364 : vector<16xi32>
        %add3A_366 = arith.constant 0 : i32
        %add3A_367 = arith.addi %add3A_366, %add3A_362 : i32
        %get3A = arith.index_cast %add3A_367 : i32 to index
        %get3A_368 = arith.constant 0 : index
        %get3A_369 = tpu.vector_load %arg8[%get3A, %get3A_368] {strides = array<i32>} : memref<256x32xf32, #tpu.memory_space<vmem>>, vector<16xf32>,
        %add3A_370 = arith.constant 0 : i32
        %add3A_371 = vector.broadcast %add3A_370 : i32 to vector<16xi32>
        %add3A_372 = arith.addi %add3A_371, %iota3A : vector<16xi32>
        %shift_right_arithmetic3A = arith.constant 5 : i32
        %shift_right_arithmetic3A_373 = vector.broadcast %shift_right_arithmetic3A : i32 to vector<16xi32>
        %shift_right_arithmetic3A_374 = arith.shrsi %add3A_372, %shift_right_arithmetic3A_373 : vector<16xi32>
        %shift_right_arithmetic3A_375 = arith.constant 3 : i32
        %shift_right_arithmetic3A_376 = vector.broadcast %shift_right_arithmetic3A_375 : i32 to vector<16xi32>
        %shift_right_arithmetic3A_377 = arith.shrsi %add3A_372, %shift_right_arithmetic3A_376 : vector<16xi32>
        %and3A = arith.constant 3 : i32
        %and3A_378 = vector.broadcast %and3A : i32 to vector<16xi32>
        %and3A_379 = arith.andi %shift_right_arithmetic3A_377, %and3A_378 : vector<16xi32>
        %and3A_380 = arith.constant 7 : i32
        %and3A_381 = vector.broadcast %and3A_380 : i32 to vector<16xi32>
        %and3A_382 = arith.andi %add3A_372, %and3A_381 : vector<16xi32>
        tpu.vector_store_idx %arg10[%shift_right_arithmetic3A_374, %and3A_379, %and3A_382, %add3A_365], %get3A_369 : memref<2x4x8x129xf32, #tpu.memory_space<vmem>>[vector<16xi32>, vector<16xi32>, vector<16xi32>, vector<16xi32>], vector<16xf32>,
        %get3A_383 = arith.index_cast %add3A_367 : i32 to index
        %get3A_384 = arith.constant 16 : index
        %get3A_385 = tpu.vector_load %arg8[%get3A_383, %get3A_384] {strides = array<i32>} : memref<256x32xf32, #tpu.memory_space<vmem>>, vector<16xf32>,
        %add3A_386 = arith.constant 16 : i32
        %add3A_387 = vector.broadcast %add3A_386 : i32 to vector<16xi32>
        %add3A_388 = arith.addi %add3A_387, %iota3A : vector<16xi32>
        %shift_right_arithmetic3A_389 = arith.constant 5 : i32
        %shift_right_arithmetic3A_390 = vector.broadcast %shift_right_arithmetic3A_389 : i32 to vector<16xi32>
        %shift_right_arithmetic3A_391 = arith.shrsi %add3A_388, %shift_right_arithmetic3A_390 : vector<16xi32>
        %shift_right_arithmetic3A_392 = arith.constant 3 : i32
        %shift_right_arithmetic3A_393 = vector.broadcast %shift_right_arithmetic3A_392 : i32 to vector<16xi32>
        %shift_right_arithmetic3A_394 = arith.shrsi %add3A_388, %shift_right_arithmetic3A_393 : vector<16xi32>
        %and3A_395 = arith.constant 3 : i32
        %and3A_396 = vector.broadcast %and3A_395 : i32 to vector<16xi32>
        %and3A_397 = arith.andi %shift_right_arithmetic3A_394, %and3A_396 : vector<16xi32>
        %and3A_398 = arith.constant 7 : i32
        %and3A_399 = vector.broadcast %and3A_398 : i32 to vector<16xi32>
        %and3A_400 = arith.andi %add3A_388, %and3A_399 : vector<16xi32>
        tpu.vector_store_idx %arg10[%shift_right_arithmetic3A_391, %and3A_397, %and3A_400, %add3A_365], %get3A_385 : memref<2x4x8x129xf32, #tpu.memory_space<vmem>>[vector<16xi32>, vector<16xi32>, vector<16xi32>, vector<16xi32>], vector<16xf32>,
        %add3A_401 = arith.constant 128 : i32
        %add3A_402 = arith.addi %add3A_401, %add3A_362 : i32
        %get3A_403 = arith.index_cast %add3A_402 : i32 to index
        %get3A_404 = arith.constant 0 : index
        %get3A_405 = tpu.vector_load %arg8[%get3A_403, %get3A_404] {strides = array<i32>} : memref<256x32xf32, #tpu.memory_space<vmem>>, vector<16xf32>,
        %add3A_406 = arith.constant 32 : i32
        %add3A_407 = vector.broadcast %add3A_406 : i32 to vector<16xi32>
        %add3A_408 = arith.addi %add3A_407, %iota3A : vector<16xi32>
        %shift_right_arithmetic3A_409 = arith.constant 5 : i32
        %shift_right_arithmetic3A_410 = vector.broadcast %shift_right_arithmetic3A_409 : i32 to vector<16xi32>
        %shift_right_arithmetic3A_411 = arith.shrsi %add3A_408, %shift_right_arithmetic3A_410 : vector<16xi32>
        %shift_right_arithmetic3A_412 = arith.constant 3 : i32
        %shift_right_arithmetic3A_413 = vector.broadcast %shift_right_arithmetic3A_412 : i32 to vector<16xi32>
        %shift_right_arithmetic3A_414 = arith.shrsi %add3A_408, %shift_right_arithmetic3A_413 : vector<16xi32>
        %and3A_415 = arith.constant 3 : i32
        %and3A_416 = vector.broadcast %and3A_415 : i32 to vector<16xi32>
        %and3A_417 = arith.andi %shift_right_arithmetic3A_414, %and3A_416 : vector<16xi32>
        %and3A_418 = arith.constant 7 : i32
        %and3A_419 = vector.broadcast %and3A_418 : i32 to vector<16xi32>
        %and3A_420 = arith.andi %add3A_408, %and3A_419 : vector<16xi32>
        tpu.vector_store_idx %arg10[%shift_right_arithmetic3A_411, %and3A_417, %and3A_420, %add3A_365], %get3A_405 : memref<2x4x8x129xf32, #tpu.memory_space<vmem>>[vector<16xi32>, vector<16xi32>, vector<16xi32>, vector<16xi32>], vector<16xf32>,
        %get3A_421 = arith.index_cast %add3A_402 : i32 to index
        %get3A_422 = arith.constant 16 : index
        %get3A_423 = tpu.vector_load %arg8[%get3A_421, %get3A_422] {strides = array<i32>} : memref<256x32xf32, #tpu.memory_space<vmem>>, vector<16xf32>,
        %add3A_424 = arith.constant 48 : i32
        %add3A_425 = vector.broadcast %add3A_424 : i32 to vector<16xi32>
        %add3A_426 = arith.addi %add3A_425, %iota3A : vector<16xi32>
        %shift_right_arithmetic3A_427 = arith.constant 5 : i32
        %shift_right_arithmetic3A_428 = vector.broadcast %shift_right_arithmetic3A_427 : i32 to vector<16xi32>
        %shift_right_arithmetic3A_429 = arith.shrsi %add3A_426, %shift_right_arithmetic3A_428 : vector<16xi32>
        %shift_right_arithmetic3A_430 = arith.constant 3 : i32
        %shift_right_arithmetic3A_431 = vector.broadcast %shift_right_arithmetic3A_430 : i32 to vector<16xi32>
        %shift_right_arithmetic3A_432 = arith.shrsi %add3A_426, %shift_right_arithmetic3A_431 : vector<16xi32>
        %and3A_433 = arith.constant 3 : i32
        %and3A_434 = vector.broadcast %and3A_433 : i32 to vector<16xi32>
        %and3A_435 = arith.andi %shift_right_arithmetic3A_432, %and3A_434 : vector<16xi32>
        %and3A_436 = arith.constant 7 : i32
        %and3A_437 = vector.broadcast %and3A_436 : i32 to vector<16xi32>
        %and3A_438 = arith.andi %add3A_426, %and3A_437 : vector<16xi32>
        tpu.vector_store_idx %arg10[%shift_right_arithmetic3A_429, %and3A_435, %and3A_438, %add3A_365], %get3A_423 : memref<2x4x8x129xf32, #tpu.memory_space<vmem>>[vector<16xi32>, vector<16xi32>, vector<16xi32>, vector<16xi32>], vector<16xf32>,
        %mul3A_439 = arith.constant 4 : i32
        %mul3A_440 = arith.muli %scan3A_358, %mul3A_439 : i32
        %add3A_441 = arith.constant 1 : i32
        %add3A_442 = arith.addi %mul3A_440, %add3A_441 : i32
        %broadcast_in_dim3A_443 = arith.constant 0 : i32
        %broadcast_in_dim3A_444 = vector.broadcast %broadcast_in_dim3A_443 : i32 to vector<16xi32>
        %add3A_445 = vector.broadcast %add3A_442 : i32 to vector<16xi32>
        %add3A_446 = arith.addi %broadcast_in_dim3A_444, %add3A_445 : vector<16xi32>
        %add3A_447 = arith.constant 0 : i32
        %add3A_448 = arith.addi %add3A_447, %add3A_442 : i32
        %get3A_449 = arith.index_cast %add3A_448 : i32 to index
        %get3A_450 = arith.constant 0 : index
        %get3A_451 = tpu.vector_load %arg8[%get3A_449, %get3A_450] {strides = array<i32>} : memref<256x32xf32, #tpu.memory_space<vmem>>, vector<16xf32>,
        %add3A_452 = arith.constant 0 : i32
        %add3A_453 = vector.broadcast %add3A_452 : i32 to vector<16xi32>
        %add3A_454 = arith.addi %add3A_453, %iota3A : vector<16xi32>
        %shift_right_arithmetic3A_455 = arith.constant 5 : i32
        %shift_right_arithmetic3A_456 = vector.broadcast %shift_right_arithmetic3A_455 : i32 to vector<16xi32>
        %shift_right_arithmetic3A_457 = arith.shrsi %add3A_454, %shift_right_arithmetic3A_456 : vector<16xi32>
        %shift_right_arithmetic3A_458 = arith.constant 3 : i32
        %shift_right_arithmetic3A_459 = vector.broadcast %shift_right_arithmetic3A_458 : i32 to vector<16xi32>
        %shift_right_arithmetic3A_460 = arith.shrsi %add3A_454, %shift_right_arithmetic3A_459 : vector<16xi32>
        %and3A_461 = arith.constant 3 : i32
        %and3A_462 = vector.broadcast %and3A_461 : i32 to vector<16xi32>
        %and3A_463 = arith.andi %shift_right_arithmetic3A_460, %and3A_462 : vector<16xi32>
        %and3A_464 = arith.constant 7 : i32
        %and3A_465 = vector.broadcast %and3A_464 : i32 to vector<16xi32>
        %and3A_466 = arith.andi %add3A_454, %and3A_465 : vector<16xi32>
        tpu.vector_store_idx %arg10[%shift_right_arithmetic3A_457, %and3A_463, %and3A_466, %add3A_446], %get3A_451 : memref<2x4x8x129xf32, #tpu.memory_space<vmem>>[vector<16xi32>, vector<16xi32>, vector<16xi32>, vector<16xi32>], vector<16xf32>,
        %get3A_467 = arith.index_cast %add3A_448 : i32 to index
        %get3A_468 = arith.constant 16 : index
        %get3A_469 = tpu.vector_load %arg8[%get3A_467, %get3A_468] {strides = array<i32>} : memref<256x32xf32, #tpu.memory_space<vmem>>, vector<16xf32>,
        %add3A_470 = arith.constant 16 : i32
        %add3A_471 = vector.broadcast %add3A_470 : i32 to vector<16xi32>
        %add3A_472 = arith.addi %add3A_471, %iota3A : vector<16xi32>
        %shift_right_arithmetic3A_473 = arith.constant 5 : i32
        %shift_right_arithmetic3A_474 = vector.broadcast %shift_right_arithmetic3A_473 : i32 to vector<16xi32>
        %shift_right_arithmetic3A_475 = arith.shrsi %add3A_472, %shift_right_arithmetic3A_474 : vector<16xi32>
        %shift_right_arithmetic3A_476 = arith.constant 3 : i32
        %shift_right_arithmetic3A_477 = vector.broadcast %shift_right_arithmetic3A_476 : i32 to vector<16xi32>
        %shift_right_arithmetic3A_478 = arith.shrsi %add3A_472, %shift_right_arithmetic3A_477 : vector<16xi32>
        %and3A_479 = arith.constant 3 : i32
        %and3A_480 = vector.broadcast %and3A_479 : i32 to vector<16xi32>
        %and3A_481 = arith.andi %shift_right_arithmetic3A_478, %and3A_480 : vector<16xi32>
        %and3A_482 = arith.constant 7 : i32
        %and3A_483 = vector.broadcast %and3A_482 : i32 to vector<16xi32>
        %and3A_484 = arith.andi %add3A_472, %and3A_483 : vector<16xi32>
        tpu.vector_store_idx %arg10[%shift_right_arithmetic3A_475, %and3A_481, %and3A_484, %add3A_446], %get3A_469 : memref<2x4x8x129xf32, #tpu.memory_space<vmem>>[vector<16xi32>, vector<16xi32>, vector<16xi32>, vector<16xi32>], vector<16xf32>,
        %add3A_485 = arith.constant 128 : i32
        %add3A_486 = arith.addi %add3A_485, %add3A_442 : i32
        %get3A_487 = arith.index_cast %add3A_486 : i32 to index
        %get3A_488 = arith.constant 0 : index
        %get3A_489 = tpu.vector_load %arg8[%get3A_487, %get3A_488] {strides = array<i32>} : memref<256x32xf32, #tpu.memory_space<vmem>>, vector<16xf32>,
        %add3A_490 = arith.constant 32 : i32
        %add3A_491 = vector.broadcast %add3A_490 : i32 to vector<16xi32>
        %add3A_492 = arith.addi %add3A_491, %iota3A : vector<16xi32>
        %shift_right_arithmetic3A_493 = arith.constant 5 : i32
        %shift_right_arithmetic3A_494 = vector.broadcast %shift_right_arithmetic3A_493 : i32 to vector<16xi32>
        %shift_right_arithmetic3A_495 = arith.shrsi %add3A_492, %shift_right_arithmetic3A_494 : vector<16xi32>
        %shift_right_arithmetic3A_496 = arith.constant 3 : i32
        %shift_right_arithmetic3A_497 = vector.broadcast %shift_right_arithmetic3A_496 : i32 to vector<16xi32>
        %shift_right_arithmetic3A_498 = arith.shrsi %add3A_492, %shift_right_arithmetic3A_497 : vector<16xi32>
        %and3A_499 = arith.constant 3 : i32
        %and3A_500 = vector.broadcast %and3A_499 : i32 to vector<16xi32>
        %and3A_501 = arith.andi %shift_right_arithmetic3A_498, %and3A_500 : vector<16xi32>
        %and3A_502 = arith.constant 7 : i32
        %and3A_503 = vector.broadcast %and3A_502 : i32 to vector<16xi32>
        %and3A_504 = arith.andi %add3A_492, %and3A_503 : vector<16xi32>
        tpu.vector_store_idx %arg10[%shift_right_arithmetic3A_495, %and3A_501, %and3A_504, %add3A_446], %get3A_489 : memref<2x4x8x129xf32, #tpu.memory_space<vmem>>[vector<16xi32>, vector<16xi32>, vector<16xi32>, vector<16xi32>], vector<16xf32>,
        %get3A_505 = arith.index_cast %add3A_486 : i32 to index
        %get3A_506 = arith.constant 16 : index
        %get3A_507 = tpu.vector_load %arg8[%get3A_505, %get3A_506] {strides = array<i32>} : memref<256x32xf32, #tpu.memory_space<vmem>>, vector<16xf32>,
        %add3A_508 = arith.constant 48 : i32
        %add3A_509 = vector.broadcast %add3A_508 : i32 to vector<16xi32>
        %add3A_510 = arith.addi %add3A_509, %iota3A : vector<16xi32>
        %shift_right_arithmetic3A_511 = arith.constant 5 : i32
        %shift_right_arithmetic3A_512 = vector.broadcast %shift_right_arithmetic3A_511 : i32 to vector<16xi32>
        %shift_right_arithmetic3A_513 = arith.shrsi %add3A_510, %shift_right_arithmetic3A_512 : vector<16xi32>
        %shift_right_arithmetic3A_514 = arith.constant 3 : i32
        %shift_right_arithmetic3A_515 = vector.broadcast %shift_right_arithmetic3A_514 : i32 to vector<16xi32>
        %shift_right_arithmetic3A_516 = arith.shrsi %add3A_510, %shift_right_arithmetic3A_515 : vector<16xi32>
        %and3A_517 = arith.constant 3 : i32
        %and3A_518 = vector.broadcast %and3A_517 : i32 to vector<16xi32>
        %and3A_519 = arith.andi %shift_right_arithmetic3A_516, %and3A_518 : vector<16xi32>
        %and3A_520 = arith.constant 7 : i32
        %and3A_521 = vector.broadcast %and3A_520 : i32 to vector<16xi32>
        %and3A_522 = arith.andi %add3A_510, %and3A_521 : vector<16xi32>
        tpu.vector_store_idx %arg10[%shift_right_arithmetic3A_513, %and3A_519, %and3A_522, %add3A_446], %get3A_507 : memref<2x4x8x129xf32, #tpu.memory_space<vmem>>[vector<16xi32>, vector<16xi32>, vector<16xi32>, vector<16xi32>], vector<16xf32>,
        %mul3A_523 = arith.constant 4 : i32
        %mul3A_524 = arith.muli %scan3A_358, %mul3A_523 : i32
        %add3A_525 = arith.constant 2 : i32
        %add3A_526 = arith.addi %mul3A_524, %add3A_525 : i32
        %broadcast_in_dim3A_527 = arith.constant 0 : i32
        %broadcast_in_dim3A_528 = vector.broadcast %broadcast_in_dim3A_527 : i32 to vector<16xi32>
        %add3A_529 = vector.broadcast %add3A_526 : i32 to vector<16xi32>
        %add3A_530 = arith.addi %broadcast_in_dim3A_528, %add3A_529 : vector<16xi32>
        %add3A_531 = arith.constant 0 : i32
        %add3A_532 = arith.addi %add3A_531, %add3A_526 : i32
        %get3A_533 = arith.index_cast %add3A_532 : i32 to index
        %get3A_534 = arith.constant 0 : index
        %get3A_535 = tpu.vector_load %arg8[%get3A_533, %get3A_534] {strides = array<i32>} : memref<256x32xf32, #tpu.memory_space<vmem>>, vector<16xf32>,
        %add3A_536 = arith.constant 0 : i32
        %add3A_537 = vector.broadcast %add3A_536 : i32 to vector<16xi32>
        %add3A_538 = arith.addi %add3A_537, %iota3A : vector<16xi32>
        %shift_right_arithmetic3A_539 = arith.constant 5 : i32
        %shift_right_arithmetic3A_540 = vector.broadcast %shift_right_arithmetic3A_539 : i32 to vector<16xi32>
        %shift_right_arithmetic3A_541 = arith.shrsi %add3A_538, %shift_right_arithmetic3A_540 : vector<16xi32>
        %shift_right_arithmetic3A_542 = arith.constant 3 : i32
        %shift_right_arithmetic3A_543 = vector.broadcast %shift_right_arithmetic3A_542 : i32 to vector<16xi32>
        %shift_right_arithmetic3A_544 = arith.shrsi %add3A_538, %shift_right_arithmetic3A_543 : vector<16xi32>
        %and3A_545 = arith.constant 3 : i32
        %and3A_546 = vector.broadcast %and3A_545 : i32 to vector<16xi32>
        %and3A_547 = arith.andi %shift_right_arithmetic3A_544, %and3A_546 : vector<16xi32>
        %and3A_548 = arith.constant 7 : i32
        %and3A_549 = vector.broadcast %and3A_548 : i32 to vector<16xi32>
        %and3A_550 = arith.andi %add3A_538, %and3A_549 : vector<16xi32>
        tpu.vector_store_idx %arg10[%shift_right_arithmetic3A_541, %and3A_547, %and3A_550, %add3A_530], %get3A_535 : memref<2x4x8x129xf32, #tpu.memory_space<vmem>>[vector<16xi32>, vector<16xi32>, vector<16xi32>, vector<16xi32>], vector<16xf32>,
        %get3A_551 = arith.index_cast %add3A_532 : i32 to index
        %get3A_552 = arith.constant 16 : index
        %get3A_553 = tpu.vector_load %arg8[%get3A_551, %get3A_552] {strides = array<i32>} : memref<256x32xf32, #tpu.memory_space<vmem>>, vector<16xf32>,
        %add3A_554 = arith.constant 16 : i32
        %add3A_555 = vector.broadcast %add3A_554 : i32 to vector<16xi32>
        %add3A_556 = arith.addi %add3A_555, %iota3A : vector<16xi32>
        %shift_right_arithmetic3A_557 = arith.constant 5 : i32
        %shift_right_arithmetic3A_558 = vector.broadcast %shift_right_arithmetic3A_557 : i32 to vector<16xi32>
        %shift_right_arithmetic3A_559 = arith.shrsi %add3A_556, %shift_right_arithmetic3A_558 : vector<16xi32>
        %shift_right_arithmetic3A_560 = arith.constant 3 : i32
        %shift_right_arithmetic3A_561 = vector.broadcast %shift_right_arithmetic3A_560 : i32 to vector<16xi32>
        %shift_right_arithmetic3A_562 = arith.shrsi %add3A_556, %shift_right_arithmetic3A_561 : vector<16xi32>
        %and3A_563 = arith.constant 3 : i32
        %and3A_564 = vector.broadcast %and3A_563 : i32 to vector<16xi32>
        %and3A_565 = arith.andi %shift_right_arithmetic3A_562, %and3A_564 : vector<16xi32>
        %and3A_566 = arith.constant 7 : i32
        %and3A_567 = vector.broadcast %and3A_566 : i32 to vector<16xi32>
        %and3A_568 = arith.andi %add3A_556, %and3A_567 : vector<16xi32>
        tpu.vector_store_idx %arg10[%shift_right_arithmetic3A_559, %and3A_565, %and3A_568, %add3A_530], %get3A_553 : memref<2x4x8x129xf32, #tpu.memory_space<vmem>>[vector<16xi32>, vector<16xi32>, vector<16xi32>, vector<16xi32>], vector<16xf32>,
        %add3A_569 = arith.constant 128 : i32
        %add3A_570 = arith.addi %add3A_569, %add3A_526 : i32
        %get3A_571 = arith.index_cast %add3A_570 : i32 to index
        %get3A_572 = arith.constant 0 : index
        %get3A_573 = tpu.vector_load %arg8[%get3A_571, %get3A_572] {strides = array<i32>} : memref<256x32xf32, #tpu.memory_space<vmem>>, vector<16xf32>,
        %add3A_574 = arith.constant 32 : i32
        %add3A_575 = vector.broadcast %add3A_574 : i32 to vector<16xi32>
        %add3A_576 = arith.addi %add3A_575, %iota3A : vector<16xi32>
        %shift_right_arithmetic3A_577 = arith.constant 5 : i32
        %shift_right_arithmetic3A_578 = vector.broadcast %shift_right_arithmetic3A_577 : i32 to vector<16xi32>
        %shift_right_arithmetic3A_579 = arith.shrsi %add3A_576, %shift_right_arithmetic3A_578 : vector<16xi32>
        %shift_right_arithmetic3A_580 = arith.constant 3 : i32
        %shift_right_arithmetic3A_581 = vector.broadcast %shift_right_arithmetic3A_580 : i32 to vector<16xi32>
        %shift_right_arithmetic3A_582 = arith.shrsi %add3A_576, %shift_right_arithmetic3A_581 : vector<16xi32>
        %and3A_583 = arith.constant 3 : i32
        %and3A_584 = vector.broadcast %and3A_583 : i32 to vector<16xi32>
        %and3A_585 = arith.andi %shift_right_arithmetic3A_582, %and3A_584 : vector<16xi32>
        %and3A_586 = arith.constant 7 : i32
        %and3A_587 = vector.broadcast %and3A_586 : i32 to vector<16xi32>
        %and3A_588 = arith.andi %add3A_576, %and3A_587 : vector<16xi32>
        tpu.vector_store_idx %arg10[%shift_right_arithmetic3A_579, %and3A_585, %and3A_588, %add3A_530], %get3A_573 : memref<2x4x8x129xf32, #tpu.memory_space<vmem>>[vector<16xi32>, vector<16xi32>, vector<16xi32>, vector<16xi32>], vector<16xf32>,
        %get3A_589 = arith.index_cast %add3A_570 : i32 to index
        %get3A_590 = arith.constant 16 : index
        %get3A_591 = tpu.vector_load %arg8[%get3A_589, %get3A_590] {strides = array<i32>} : memref<256x32xf32, #tpu.memory_space<vmem>>, vector<16xf32>,
        %add3A_592 = arith.constant 48 : i32
        %add3A_593 = vector.broadcast %add3A_592 : i32 to vector<16xi32>
        %add3A_594 = arith.addi %add3A_593, %iota3A : vector<16xi32>
        %shift_right_arithmetic3A_595 = arith.constant 5 : i32
        %shift_right_arithmetic3A_596 = vector.broadcast %shift_right_arithmetic3A_595 : i32 to vector<16xi32>
        %shift_right_arithmetic3A_597 = arith.shrsi %add3A_594, %shift_right_arithmetic3A_596 : vector<16xi32>
        %shift_right_arithmetic3A_598 = arith.constant 3 : i32
        %shift_right_arithmetic3A_599 = vector.broadcast %shift_right_arithmetic3A_598 : i32 to vector<16xi32>
        %shift_right_arithmetic3A_600 = arith.shrsi %add3A_594, %shift_right_arithmetic3A_599 : vector<16xi32>
        %and3A_601 = arith.constant 3 : i32
        %and3A_602 = vector.broadcast %and3A_601 : i32 to vector<16xi32>
        %and3A_603 = arith.andi %shift_right_arithmetic3A_600, %and3A_602 : vector<16xi32>
        %and3A_604 = arith.constant 7 : i32
        %and3A_605 = vector.broadcast %and3A_604 : i32 to vector<16xi32>
        %and3A_606 = arith.andi %add3A_594, %and3A_605 : vector<16xi32>
        tpu.vector_store_idx %arg10[%shift_right_arithmetic3A_597, %and3A_603, %and3A_606, %add3A_530], %get3A_591 : memref<2x4x8x129xf32, #tpu.memory_space<vmem>>[vector<16xi32>, vector<16xi32>, vector<16xi32>, vector<16xi32>], vector<16xf32>,
        %mul3A_607 = arith.constant 4 : i32
        %mul3A_608 = arith.muli %scan3A_358, %mul3A_607 : i32
        %add3A_609 = arith.constant 3 : i32
        %add3A_610 = arith.addi %mul3A_608, %add3A_609 : i32
        %broadcast_in_dim3A_611 = arith.constant 0 : i32
        %broadcast_in_dim3A_612 = vector.broadcast %broadcast_in_dim3A_611 : i32 to vector<16xi32>
        %add3A_613 = vector.broadcast %add3A_610 : i32 to vector<16xi32>
        %add3A_614 = arith.addi %broadcast_in_dim3A_612, %add3A_613 : vector<16xi32>
        %add3A_615 = arith.constant 0 : i32
        %add3A_616 = arith.addi %add3A_615, %add3A_610 : i32
        %get3A_617 = arith.index_cast %add3A_616 : i32 to index
        %get3A_618 = arith.constant 0 : index
        %get3A_619 = tpu.vector_load %arg8[%get3A_617, %get3A_618] {strides = array<i32>} : memref<256x32xf32, #tpu.memory_space<vmem>>, vector<16xf32>,
        %add3A_620 = arith.constant 0 : i32
        %add3A_621 = vector.broadcast %add3A_620 : i32 to vector<16xi32>
        %add3A_622 = arith.addi %add3A_621, %iota3A : vector<16xi32>
        %shift_right_arithmetic3A_623 = arith.constant 5 : i32
        %shift_right_arithmetic3A_624 = vector.broadcast %shift_right_arithmetic3A_623 : i32 to vector<16xi32>
        %shift_right_arithmetic3A_625 = arith.shrsi %add3A_622, %shift_right_arithmetic3A_624 : vector<16xi32>
        %shift_right_arithmetic3A_626 = arith.constant 3 : i32
        %shift_right_arithmetic3A_627 = vector.broadcast %shift_right_arithmetic3A_626 : i32 to vector<16xi32>
        %shift_right_arithmetic3A_628 = arith.shrsi %add3A_622, %shift_right_arithmetic3A_627 : vector<16xi32>
        %and3A_629 = arith.constant 3 : i32
        %and3A_630 = vector.broadcast %and3A_629 : i32 to vector<16xi32>
        %and3A_631 = arith.andi %shift_right_arithmetic3A_628, %and3A_630 : vector<16xi32>
        %and3A_632 = arith.constant 7 : i32
        %and3A_633 = vector.broadcast %and3A_632 : i32 to vector<16xi32>
        %and3A_634 = arith.andi %add3A_622, %and3A_633 : vector<16xi32>
        tpu.vector_store_idx %arg10[%shift_right_arithmetic3A_625, %and3A_631, %and3A_634, %add3A_614], %get3A_619 : memref<2x4x8x129xf32, #tpu.memory_space<vmem>>[vector<16xi32>, vector<16xi32>, vector<16xi32>, vector<16xi32>], vector<16xf32>,
        %get3A_635 = arith.index_cast %add3A_616 : i32 to index
        %get3A_636 = arith.constant 16 : index
        %get3A_637 = tpu.vector_load %arg8[%get3A_635, %get3A_636] {strides = array<i32>} : memref<256x32xf32, #tpu.memory_space<vmem>>, vector<16xf32>,
        %add3A_638 = arith.constant 16 : i32
        %add3A_639 = vector.broadcast %add3A_638 : i32 to vector<16xi32>
        %add3A_640 = arith.addi %add3A_639, %iota3A : vector<16xi32>
        %shift_right_arithmetic3A_641 = arith.constant 5 : i32
        %shift_right_arithmetic3A_642 = vector.broadcast %shift_right_arithmetic3A_641 : i32 to vector<16xi32>
        %shift_right_arithmetic3A_643 = arith.shrsi %add3A_640, %shift_right_arithmetic3A_642 : vector<16xi32>
        %shift_right_arithmetic3A_644 = arith.constant 3 : i32
        %shift_right_arithmetic3A_645 = vector.broadcast %shift_right_arithmetic3A_644 : i32 to vector<16xi32>
        %shift_right_arithmetic3A_646 = arith.shrsi %add3A_640, %shift_right_arithmetic3A_645 : vector<16xi32>
        %and3A_647 = arith.constant 3 : i32
        %and3A_648 = vector.broadcast %and3A_647 : i32 to vector<16xi32>
        %and3A_649 = arith.andi %shift_right_arithmetic3A_646, %and3A_648 : vector<16xi32>
        %and3A_650 = arith.constant 7 : i32
        %and3A_651 = vector.broadcast %and3A_650 : i32 to vector<16xi32>
        %and3A_652 = arith.andi %add3A_640, %and3A_651 : vector<16xi32>
        tpu.vector_store_idx %arg10[%shift_right_arithmetic3A_643, %and3A_649, %and3A_652, %add3A_614], %get3A_637 : memref<2x4x8x129xf32, #tpu.memory_space<vmem>>[vector<16xi32>, vector<16xi32>, vector<16xi32>, vector<16xi32>], vector<16xf32>,
        %add3A_653 = arith.constant 128 : i32
        %add3A_654 = arith.addi %add3A_653, %add3A_610 : i32
        %get3A_655 = arith.index_cast %add3A_654 : i32 to index
        %get3A_656 = arith.constant 0 : index
        %get3A_657 = tpu.vector_load %arg8[%get3A_655, %get3A_656] {strides = array<i32>} : memref<256x32xf32, #tpu.memory_space<vmem>>, vector<16xf32>,
        %add3A_658 = arith.constant 32 : i32
        %add3A_659 = vector.broadcast %add3A_658 : i32 to vector<16xi32>
        %add3A_660 = arith.addi %add3A_659, %iota3A : vector<16xi32>
        %shift_right_arithmetic3A_661 = arith.constant 5 : i32
        %shift_right_arithmetic3A_662 = vector.broadcast %shift_right_arithmetic3A_661 : i32 to vector<16xi32>
        %shift_right_arithmetic3A_663 = arith.shrsi %add3A_660, %shift_right_arithmetic3A_662 : vector<16xi32>
        %shift_right_arithmetic3A_664 = arith.constant 3 : i32
        %shift_right_arithmetic3A_665 = vector.broadcast %shift_right_arithmetic3A_664 : i32 to vector<16xi32>
        %shift_right_arithmetic3A_666 = arith.shrsi %add3A_660, %shift_right_arithmetic3A_665 : vector<16xi32>
        %and3A_667 = arith.constant 3 : i32
        %and3A_668 = vector.broadcast %and3A_667 : i32 to vector<16xi32>
        %and3A_669 = arith.andi %shift_right_arithmetic3A_666, %and3A_668 : vector<16xi32>
        %and3A_670 = arith.constant 7 : i32
        %and3A_671 = vector.broadcast %and3A_670 : i32 to vector<16xi32>
        %and3A_672 = arith.andi %add3A_660, %and3A_671 : vector<16xi32>
        tpu.vector_store_idx %arg10[%shift_right_arithmetic3A_663, %and3A_669, %and3A_672, %add3A_614], %get3A_657 : memref<2x4x8x129xf32, #tpu.memory_space<vmem>>[vector<16xi32>, vector<16xi32>, vector<16xi32>, vector<16xi32>], vector<16xf32>,
        %get3A_673 = arith.index_cast %add3A_654 : i32 to index
        %get3A_674 = arith.constant 16 : index
        %get3A_675 = tpu.vector_load %arg8[%get3A_673, %get3A_674] {strides = array<i32>} : memref<256x32xf32, #tpu.memory_space<vmem>>, vector<16xf32>,
        %add3A_676 = arith.constant 48 : i32
        %add3A_677 = vector.broadcast %add3A_676 : i32 to vector<16xi32>
        %add3A_678 = arith.addi %add3A_677, %iota3A : vector<16xi32>
        %shift_right_arithmetic3A_679 = arith.constant 5 : i32
        %shift_right_arithmetic3A_680 = vector.broadcast %shift_right_arithmetic3A_679 : i32 to vector<16xi32>
        %shift_right_arithmetic3A_681 = arith.shrsi %add3A_678, %shift_right_arithmetic3A_680 : vector<16xi32>
        %shift_right_arithmetic3A_682 = arith.constant 3 : i32
        %shift_right_arithmetic3A_683 = vector.broadcast %shift_right_arithmetic3A_682 : i32 to vector<16xi32>
        %shift_right_arithmetic3A_684 = arith.shrsi %add3A_678, %shift_right_arithmetic3A_683 : vector<16xi32>
        %and3A_685 = arith.constant 3 : i32
        %and3A_686 = vector.broadcast %and3A_685 : i32 to vector<16xi32>
        %and3A_687 = arith.andi %shift_right_arithmetic3A_684, %and3A_686 : vector<16xi32>
        %and3A_688 = arith.constant 7 : i32
        %and3A_689 = vector.broadcast %and3A_688 : i32 to vector<16xi32>
        %and3A_690 = arith.andi %add3A_678, %and3A_689 : vector<16xi32>
        tpu.vector_store_idx %arg10[%shift_right_arithmetic3A_681, %and3A_687, %and3A_690, %add3A_614], %get3A_675 : memref<2x4x8x129xf32, #tpu.memory_space<vmem>>[vector<16xi32>, vector<16xi32>, vector<16xi32>, vector<16xi32>], vector<16xf32>,
      }
      %scan3A_263 = arith.constant 32 : i32
      %dma_start3A_264 = arith.constant 0 : i32
      %dma_start3A_265 = arith.constant 0 : i32
      %dma_start3A_266 = arith.constant 0 : i32
      %dma_start3A_267 = arith.constant 0 : i32
      %dma_start3A_268 = tpu.memref_slice %arg10[%dma_start3A_264, %dma_start3A_265, %dma_start3A_266, %dma_start3A_267] : memref<2x4x8x129xf32, #tpu.memory_space<vmem>> -> memref<2x4x8x128xf32, #tpu.memory_space<vmem>>
      %dma_start3A_269 = arith.constant 0 : i32
      %dma_start3A_270 = arith.constant 0 : i32
      %dma_start3A_271 = arith.constant 0 : i32
      %dma_start3A_272 = tpu.memref_slice %arg4[%mul3A_229, %dma_start3A_269, %add3A, %dma_start3A_270, %dma_start3A_271] : memref<200x4x32x8x128xf32, #tpu.memory_space<hbm>> -> memref<2x4x1x8x128xf32, #tpu.memory_space<hbm>>
      %dma_start3A_273 = tpu.memref_squeeze %dma_start3A_272 : memref<2x4x1x8x128xf32, #tpu.memory_space<hbm>> -> memref<2x4x8x128xf32, #tpu.memory_space<hbm>>
      %dma_start3A_274 = arith.constant 0 : i32
      %dma_start3A_275 = arith.constant 0 : i32
      %dma_start3A_276 = arith.constant 0 : i32
      %dma_start3A_277 = tpu.memref_slice %arg4[%mul3A_229, %dma_start3A_274, %add3A, %dma_start3A_275, %dma_start3A_276] : memref<200x4x32x8x128xf32, #tpu.memory_space<hbm>> -> memref<2x4x1x8x128xf32, #tpu.memory_space<hbm>>
      %dma_start3A_278 = tpu.memref_squeeze %dma_start3A_277 : memref<2x4x1x8x128xf32, #tpu.memory_space<hbm>> -> memref<2x4x8x128xf32, #tpu.memory_space<hbm>>
      %dma_start3A_279 = arith.constant 0 : i32
      %dma_start3A_280 = arith.constant 0 : i32
      %dma_start3A_281 = arith.constant 0 : i32
      %dma_start3A_282 = arith.constant 0 : i32
      %dma_start3A_283 = tpu.memref_slice %arg10[%dma_start3A_279, %dma_start3A_280, %dma_start3A_281, %dma_start3A_282] : memref<2x4x8x129xf32, #tpu.memory_space<vmem>> -> memref<2x4x8x128xf32, #tpu.memory_space<vmem>>
      tpu.enqueue_dma source(%dma_start3A_283 : memref<2x4x8x128xf32, #tpu.memory_space<vmem>>) target(%dma_start3A_278 : memref<2x4x8x128xf32, #tpu.memory_space<hbm>>) target_semaphore(%arg16 : memref<!tpu.dma_semaphore, #tpu.memory_space<semaphore_mem>>)
      %add3A_284 = arith.constant 4 : i32
      %add3A_285 = arith.addi %add3A_227, %add3A_284 : i32
      %lt3A_286 = arith.constant 100 : i32
      %lt3A_287 = arith.cmpi slt, %add3A_285, %lt3A_286 : i32
      %convert_element_type3A_288 = arith.extui %lt3A_287 : i1 to i32
      %cond3A_289 = arith.constant 0 : i32
      %cond3A_290 = arith.cmpi ne, %convert_element_type3A_288, %cond3A_289 : i32
      scf.if %cond3A_290 {
        %add3A_358 = arith.constant 4 : i32
        %add3A_359 = arith.addi %add3A_227, %add3A_358 : i32
        %mul3A_360 = arith.constant 2 : i32
        %mul3A_361 = arith.muli %mul3A_360, %add3A_359 : i32
        %dma_start3A_362 = arith.constant 0 : i32
        %dma_start3A_363 = arith.constant 0 : i32
        %dma_start3A_364 = tpu.memref_slice %arg8[%dma_start3A_362, %dma_start3A_363] : memref<256x32xf32, #tpu.memory_space<vmem>> -> memref<128x32xf32, #tpu.memory_space<vmem>>
        %dma_start3A_365 = arith.constant 0 : i32
        %dma_start3A_366 = tpu.memref_slice %arg5[%mul3A_361, %dma_start3A_365] : memref<200x128xi32, #tpu.memory_space<vmem>> -> memref<1x128xi32, #tpu.memory_space<vmem>>
        %dma_start3A_367 = tpu.memref_squeeze %dma_start3A_366 : memref<1x128xi32, #tpu.memory_space<vmem>> -> memref<128xi32, #tpu.memory_space<vmem>>
        %dma_start3A_368 = arith.constant 0 : i32
        %dma_start3A_369 = arith.constant 0 : i32
        %dma_start3A_370 = tpu.memref_slice %arg3[%dma_start3A_368, %dma_start3A_369] : memref<1000000x32xf32, #tpu.memory_space<hbm>> -> memref<1000000x32xf32, #tpu.memory_space<hbm>>
        tpu.enqueue_indirect_dma source(%dma_start3A_370 : memref<1000000x32xf32, #tpu.memory_space<hbm>>) target(%dma_start3A_364 : memref<128x32xf32, #tpu.memory_space<vmem>>) offsets(%dma_start3A_367 : memref<128xi32, #tpu.memory_space<vmem>>) semaphore(%arg14 : memref<!tpu.dma_semaphore, #tpu.memory_space<semaphore_mem>>)
        %mul3A_371 = arith.constant 2 : i32
        %mul3A_372 = arith.muli %mul3A_371, %add3A_359 : i32
        %add3A_373 = arith.constant 1 : i32
        %add3A_374 = arith.addi %mul3A_372, %add3A_373 : i32
        %dma_start3A_375 = arith.constant 128 : i32
        %dma_start3A_376 = arith.constant 0 : i32
        %dma_start3A_377 = tpu.memref_slice %arg8[%dma_start3A_375, %dma_start3A_376] : memref<256x32xf32, #tpu.memory_space<vmem>> -> memref<128x32xf32, #tpu.memory_space<vmem>>
        %dma_start3A_378 = arith.constant 0 : i32
        %dma_start3A_379 = tpu.memref_slice %arg5[%add3A_374, %dma_start3A_378] : memref<200x128xi32, #tpu.memory_space<vmem>> -> memref<1x128xi32, #tpu.memory_space<vmem>>
        %dma_start3A_380 = tpu.memref_squeeze %dma_start3A_379 : memref<1x128xi32, #tpu.memory_space<vmem>> -> memref<128xi32, #tpu.memory_space<vmem>>
        %dma_start3A_381 = arith.constant 0 : i32
        %dma_start3A_382 = arith.constant 0 : i32
        %dma_start3A_383 = tpu.memref_slice %arg3[%dma_start3A_381, %dma_start3A_382] : memref<1000000x32xf32, #tpu.memory_space<hbm>> -> memref<1000000x32xf32, #tpu.memory_space<hbm>>
        tpu.enqueue_indirect_dma source(%dma_start3A_383 : memref<1000000x32xf32, #tpu.memory_space<hbm>>) target(%dma_start3A_377 : memref<128x32xf32, #tpu.memory_space<vmem>>) offsets(%dma_start3A_380 : memref<128xi32, #tpu.memory_space<vmem>>) semaphore(%arg14 : memref<!tpu.dma_semaphore, #tpu.memory_space<semaphore_mem>>)
      } else {
      }
      %mul3A_291 = arith.constant 4 : i32
      %mul3A_292 = arith.muli %scan3A_129, %mul3A_291 : i32
      %add3A_293 = arith.constant 3 : i32
      %add3A_294 = arith.addi %mul3A_292, %add3A_293 : i32
      %mul3A_295 = arith.constant 2 : i32
      %mul3A_296 = arith.muli %mul3A_295, %add3A_294 : i32
      %dma_wait3A_297 = arith.constant 0 : i32
      %dma_wait3A_298 = arith.constant 0 : i32
      %dma_wait3A_299 = tpu.memref_slice %arg3[%dma_wait3A_297, %dma_wait3A_298] : memref<1000000x32xf32, #tpu.memory_space<hbm>> -> memref<256x32xf32, #tpu.memory_space<hbm>>
      %dma_wait3A_300 = arith.constant 0 : i32
      %dma_wait3A_301 = arith.constant 0 : i32
      %dma_wait3A_302 = tpu.memref_slice %arg3[%dma_wait3A_300, %dma_wait3A_301] : memref<1000000x32xf32, #tpu.memory_space<hbm>> -> memref<256x32xf32, #tpu.memory_space<hbm>>
      tpu.wait_dma2 semaphore(%arg15 : memref<!tpu.dma_semaphore, #tpu.memory_space<semaphore_mem>>) src(%dma_wait3A_302 : memref<256x32xf32, #tpu.memory_space<hbm>>) dst(%arg9 : memref<256x32xf32, #tpu.memory_space<vmem>>)
      %dma_wait3A_303 = arith.constant 0 : i32
      %dma_wait3A_304 = arith.constant 0 : i32
      %dma_wait3A_305 = arith.constant 0 : i32
      %dma_wait3A_306 = arith.constant 0 : i32
      %dma_wait3A_307 = arith.constant 0 : i32
      %dma_wait3A_308 = tpu.memref_slice %arg11[%dma_wait3A_304, %dma_wait3A_305, %dma_wait3A_306, %dma_wait3A_307] : memref<2x4x8x129xf32, #tpu.memory_space<vmem>> -> memref<2x4x8x128xf32, #tpu.memory_space<vmem>>
      %dma_wait3A_309 = arith.constant 0 : i32
      %dma_wait3A_310 = arith.constant 0 : i32
      %dma_wait3A_311 = arith.constant 0 : i32
      %dma_wait3A_312 = arith.constant 0 : i32
      %dma_wait3A_313 = tpu.memref_slice %arg4[%dma_wait3A_309, %dma_wait3A_310, %dma_wait3A_303, %dma_wait3A_311, %dma_wait3A_312] : memref<200x4x32x8x128xf32, #tpu.memory_space<hbm>> -> memref<2x4x1x8x128xf32, #tpu.memory_space<hbm>>
      %dma_wait3A_314 = tpu.memref_squeeze %dma_wait3A_313 : memref<2x4x1x8x128xf32, #tpu.memory_space<hbm>> -> memref<2x4x8x128xf32, #tpu.memory_space<hbm>>
      %dma_wait3A_315 = arith.constant 0 : i32
      %dma_wait3A_316 = arith.constant 0 : i32
      %dma_wait3A_317 = arith.constant 0 : i32
      %dma_wait3A_318 = arith.constant 0 : i32
      %dma_wait3A_319 = tpu.memref_slice %arg4[%dma_wait3A_315, %dma_wait3A_316, %dma_wait3A_303, %dma_wait3A_317, %dma_wait3A_318] : memref<200x4x32x8x128xf32, #tpu.memory_space<hbm>> -> memref<2x4x1x8x128xf32, #tpu.memory_space<hbm>>
      %dma_wait3A_320 = tpu.memref_squeeze %dma_wait3A_319 : memref<2x4x1x8x128xf32, #tpu.memory_space<hbm>> -> memref<2x4x8x128xf32, #tpu.memory_space<hbm>>
      %dma_wait3A_321 = arith.constant 0 : i32
      %dma_wait3A_322 = arith.constant 0 : i32
      %dma_wait3A_323 = arith.constant 0 : i32
      %dma_wait3A_324 = arith.constant 0 : i32
      %dma_wait3A_325 = tpu.memref_slice %arg11[%dma_wait3A_321, %dma_wait3A_322, %dma_wait3A_323, %dma_wait3A_324] : memref<2x4x8x129xf32, #tpu.memory_space<vmem>> -> memref<2x4x8x128xf32, #tpu.memory_space<vmem>>
      tpu.wait_dma2 semaphore(%arg17 : memref<!tpu.dma_semaphore, #tpu.memory_space<semaphore_mem>>) src(%dma_wait3A_325 : memref<2x4x8x128xf32, #tpu.memory_space<vmem>>) dst(%dma_wait3A_320 : memref<2x4x8x128xf32, #tpu.memory_space<hbm>>)
      %scan3A_326 = arith.constant 0 : i32
      %scan3A_327 = arith.constant 32 : i32
      %scan3A_328 = arith.addi %scan3A_326, %scan3A_327 : i32
      %scan3A_329 = arith.constant 1 : i32
      scf.for %scan3A_358 = %scan3A_326 to %scan3A_328 step %scan3A_329  : i32 {
        %mul3A_359 = arith.constant 4 : i32
        %mul3A_360 = arith.muli %scan3A_358, %mul3A_359 : i32
        %add3A_361 = arith.constant 0 : i32
        %add3A_362 = arith.addi %mul3A_360, %add3A_361 : i32
        %broadcast_in_dim3A = arith.constant 0 : i32
        %broadcast_in_dim3A_363 = vector.broadcast %broadcast_in_dim3A : i32 to vector<16xi32>
        %add3A_364 = vector.broadcast %add3A_362 : i32 to vector<16xi32>
        %add3A_365 = arith.addi %broadcast_in_dim3A_363, %add3A_364 : vector<16xi32>
        %add3A_366 = arith.constant 0 : i32
        %add3A_367 = arith.addi %add3A_366, %add3A_362 : i32
        %get3A = arith.index_cast %add3A_367 : i32 to index
        %get3A_368 = arith.constant 0 : index
        %get3A_369 = tpu.vector_load %arg9[%get3A, %get3A_368] {strides = array<i32>} : memref<256x32xf32, #tpu.memory_space<vmem>>, vector<16xf32>,
        %add3A_370 = arith.constant 0 : i32
        %add3A_371 = vector.broadcast %add3A_370 : i32 to vector<16xi32>
        %add3A_372 = arith.addi %add3A_371, %iota3A : vector<16xi32>
        %shift_right_arithmetic3A = arith.constant 5 : i32
        %shift_right_arithmetic3A_373 = vector.broadcast %shift_right_arithmetic3A : i32 to vector<16xi32>
        %shift_right_arithmetic3A_374 = arith.shrsi %add3A_372, %shift_right_arithmetic3A_373 : vector<16xi32>
        %shift_right_arithmetic3A_375 = arith.constant 3 : i32
        %shift_right_arithmetic3A_376 = vector.broadcast %shift_right_arithmetic3A_375 : i32 to vector<16xi32>
        %shift_right_arithmetic3A_377 = arith.shrsi %add3A_372, %shift_right_arithmetic3A_376 : vector<16xi32>
        %and3A = arith.constant 3 : i32
        %and3A_378 = vector.broadcast %and3A : i32 to vector<16xi32>
        %and3A_379 = arith.andi %shift_right_arithmetic3A_377, %and3A_378 : vector<16xi32>
        %and3A_380 = arith.constant 7 : i32
        %and3A_381 = vector.broadcast %and3A_380 : i32 to vector<16xi32>
        %and3A_382 = arith.andi %add3A_372, %and3A_381 : vector<16xi32>
        tpu.vector_store_idx %arg11[%shift_right_arithmetic3A_374, %and3A_379, %and3A_382, %add3A_365], %get3A_369 : memref<2x4x8x129xf32, #tpu.memory_space<vmem>>[vector<16xi32>, vector<16xi32>, vector<16xi32>, vector<16xi32>], vector<16xf32>,
        %get3A_383 = arith.index_cast %add3A_367 : i32 to index
        %get3A_384 = arith.constant 16 : index
        %get3A_385 = tpu.vector_load %arg9[%get3A_383, %get3A_384] {strides = array<i32>} : memref<256x32xf32, #tpu.memory_space<vmem>>, vector<16xf32>,
        %add3A_386 = arith.constant 16 : i32
        %add3A_387 = vector.broadcast %add3A_386 : i32 to vector<16xi32>
        %add3A_388 = arith.addi %add3A_387, %iota3A : vector<16xi32>
        %shift_right_arithmetic3A_389 = arith.constant 5 : i32
        %shift_right_arithmetic3A_390 = vector.broadcast %shift_right_arithmetic3A_389 : i32 to vector<16xi32>
        %shift_right_arithmetic3A_391 = arith.shrsi %add3A_388, %shift_right_arithmetic3A_390 : vector<16xi32>
        %shift_right_arithmetic3A_392 = arith.constant 3 : i32
        %shift_right_arithmetic3A_393 = vector.broadcast %shift_right_arithmetic3A_392 : i32 to vector<16xi32>
        %shift_right_arithmetic3A_394 = arith.shrsi %add3A_388, %shift_right_arithmetic3A_393 : vector<16xi32>
        %and3A_395 = arith.constant 3 : i32
        %and3A_396 = vector.broadcast %and3A_395 : i32 to vector<16xi32>
        %and3A_397 = arith.andi %shift_right_arithmetic3A_394, %and3A_396 : vector<16xi32>
        %and3A_398 = arith.constant 7 : i32
        %and3A_399 = vector.broadcast %and3A_398 : i32 to vector<16xi32>
        %and3A_400 = arith.andi %add3A_388, %and3A_399 : vector<16xi32>
        tpu.vector_store_idx %arg11[%shift_right_arithmetic3A_391, %and3A_397, %and3A_400, %add3A_365], %get3A_385 : memref<2x4x8x129xf32, #tpu.memory_space<vmem>>[vector<16xi32>, vector<16xi32>, vector<16xi32>, vector<16xi32>], vector<16xf32>,
        %add3A_401 = arith.constant 128 : i32
        %add3A_402 = arith.addi %add3A_401, %add3A_362 : i32
        %get3A_403 = arith.index_cast %add3A_402 : i32 to index
        %get3A_404 = arith.constant 0 : index
        %get3A_405 = tpu.vector_load %arg9[%get3A_403, %get3A_404] {strides = array<i32>} : memref<256x32xf32, #tpu.memory_space<vmem>>, vector<16xf32>,
        %add3A_406 = arith.constant 32 : i32
        %add3A_407 = vector.broadcast %add3A_406 : i32 to vector<16xi32>
        %add3A_408 = arith.addi %add3A_407, %iota3A : vector<16xi32>
        %shift_right_arithmetic3A_409 = arith.constant 5 : i32
        %shift_right_arithmetic3A_410 = vector.broadcast %shift_right_arithmetic3A_409 : i32 to vector<16xi32>
        %shift_right_arithmetic3A_411 = arith.shrsi %add3A_408, %shift_right_arithmetic3A_410 : vector<16xi32>
        %shift_right_arithmetic3A_412 = arith.constant 3 : i32
        %shift_right_arithmetic3A_413 = vector.broadcast %shift_right_arithmetic3A_412 : i32 to vector<16xi32>
        %shift_right_arithmetic3A_414 = arith.shrsi %add3A_408, %shift_right_arithmetic3A_413 : vector<16xi32>
        %and3A_415 = arith.constant 3 : i32
        %and3A_416 = vector.broadcast %and3A_415 : i32 to vector<16xi32>
        %and3A_417 = arith.andi %shift_right_arithmetic3A_414, %and3A_416 : vector<16xi32>
        %and3A_418 = arith.constant 7 : i32
        %and3A_419 = vector.broadcast %and3A_418 : i32 to vector<16xi32>
        %and3A_420 = arith.andi %add3A_408, %and3A_419 : vector<16xi32>
        tpu.vector_store_idx %arg11[%shift_right_arithmetic3A_411, %and3A_417, %and3A_420, %add3A_365], %get3A_405 : memref<2x4x8x129xf32, #tpu.memory_space<vmem>>[vector<16xi32>, vector<16xi32>, vector<16xi32>, vector<16xi32>], vector<16xf32>,
        %get3A_421 = arith.index_cast %add3A_402 : i32 to index
        %get3A_422 = arith.constant 16 : index
        %get3A_423 = tpu.vector_load %arg9[%get3A_421, %get3A_422] {strides = array<i32>} : memref<256x32xf32, #tpu.memory_space<vmem>>, vector<16xf32>,
        %add3A_424 = arith.constant 48 : i32
        %add3A_425 = vector.broadcast %add3A_424 : i32 to vector<16xi32>
        %add3A_426 = arith.addi %add3A_425, %iota3A : vector<16xi32>
        %shift_right_arithmetic3A_427 = arith.constant 5 : i32
        %shift_right_arithmetic3A_428 = vector.broadcast %shift_right_arithmetic3A_427 : i32 to vector<16xi32>
        %shift_right_arithmetic3A_429 = arith.shrsi %add3A_426, %shift_right_arithmetic3A_428 : vector<16xi32>
        %shift_right_arithmetic3A_430 = arith.constant 3 : i32
        %shift_right_arithmetic3A_431 = vector.broadcast %shift_right_arithmetic3A_430 : i32 to vector<16xi32>
        %shift_right_arithmetic3A_432 = arith.shrsi %add3A_426, %shift_right_arithmetic3A_431 : vector<16xi32>
        %and3A_433 = arith.constant 3 : i32
        %and3A_434 = vector.broadcast %and3A_433 : i32 to vector<16xi32>
        %and3A_435 = arith.andi %shift_right_arithmetic3A_432, %and3A_434 : vector<16xi32>
        %and3A_436 = arith.constant 7 : i32
        %and3A_437 = vector.broadcast %and3A_436 : i32 to vector<16xi32>
        %and3A_438 = arith.andi %add3A_426, %and3A_437 : vector<16xi32>
        tpu.vector_store_idx %arg11[%shift_right_arithmetic3A_429, %and3A_435, %and3A_438, %add3A_365], %get3A_423 : memref<2x4x8x129xf32, #tpu.memory_space<vmem>>[vector<16xi32>, vector<16xi32>, vector<16xi32>, vector<16xi32>], vector<16xf32>,
        %mul3A_439 = arith.constant 4 : i32
        %mul3A_440 = arith.muli %scan3A_358, %mul3A_439 : i32
        %add3A_441 = arith.constant 1 : i32
        %add3A_442 = arith.addi %mul3A_440, %add3A_441 : i32
        %broadcast_in_dim3A_443 = arith.constant 0 : i32
        %broadcast_in_dim3A_444 = vector.broadcast %broadcast_in_dim3A_443 : i32 to vector<16xi32>
        %add3A_445 = vector.broadcast %add3A_442 : i32 to vector<16xi32>
        %add3A_446 = arith.addi %broadcast_in_dim3A_444, %add3A_445 : vector<16xi32>
        %add3A_447 = arith.constant 0 : i32
        %add3A_448 = arith.addi %add3A_447, %add3A_442 : i32
        %get3A_449 = arith.index_cast %add3A_448 : i32 to index
        %get3A_450 = arith.constant 0 : index
        %get3A_451 = tpu.vector_load %arg9[%get3A_449, %get3A_450] {strides = array<i32>} : memref<256x32xf32, #tpu.memory_space<vmem>>, vector<16xf32>,
        %add3A_452 = arith.constant 0 : i32
        %add3A_453 = vector.broadcast %add3A_452 : i32 to vector<16xi32>
        %add3A_454 = arith.addi %add3A_453, %iota3A : vector<16xi32>
        %shift_right_arithmetic3A_455 = arith.constant 5 : i32
        %shift_right_arithmetic3A_456 = vector.broadcast %shift_right_arithmetic3A_455 : i32 to vector<16xi32>
        %shift_right_arithmetic3A_457 = arith.shrsi %add3A_454, %shift_right_arithmetic3A_456 : vector<16xi32>
        %shift_right_arithmetic3A_458 = arith.constant 3 : i32
        %shift_right_arithmetic3A_459 = vector.broadcast %shift_right_arithmetic3A_458 : i32 to vector<16xi32>
        %shift_right_arithmetic3A_460 = arith.shrsi %add3A_454, %shift_right_arithmetic3A_459 : vector<16xi32>
        %and3A_461 = arith.constant 3 : i32
        %and3A_462 = vector.broadcast %and3A_461 : i32 to vector<16xi32>
        %and3A_463 = arith.andi %shift_right_arithmetic3A_460, %and3A_462 : vector<16xi32>
        %and3A_464 = arith.constant 7 : i32
        %and3A_465 = vector.broadcast %and3A_464 : i32 to vector<16xi32>
        %and3A_466 = arith.andi %add3A_454, %and3A_465 : vector<16xi32>
        tpu.vector_store_idx %arg11[%shift_right_arithmetic3A_457, %and3A_463, %and3A_466, %add3A_446], %get3A_451 : memref<2x4x8x129xf32, #tpu.memory_space<vmem>>[vector<16xi32>, vector<16xi32>, vector<16xi32>, vector<16xi32>], vector<16xf32>,
        %get3A_467 = arith.index_cast %add3A_448 : i32 to index
        %get3A_468 = arith.constant 16 : index
        %get3A_469 = tpu.vector_load %arg9[%get3A_467, %get3A_468] {strides = array<i32>} : memref<256x32xf32, #tpu.memory_space<vmem>>, vector<16xf32>,
        %add3A_470 = arith.constant 16 : i32
        %add3A_471 = vector.broadcast %add3A_470 : i32 to vector<16xi32>
        %add3A_472 = arith.addi %add3A_471, %iota3A : vector<16xi32>
        %shift_right_arithmetic3A_473 = arith.constant 5 : i32
        %shift_right_arithmetic3A_474 = vector.broadcast %shift_right_arithmetic3A_473 : i32 to vector<16xi32>
        %shift_right_arithmetic3A_475 = arith.shrsi %add3A_472, %shift_right_arithmetic3A_474 : vector<16xi32>
        %shift_right_arithmetic3A_476 = arith.constant 3 : i32
        %shift_right_arithmetic3A_477 = vector.broadcast %shift_right_arithmetic3A_476 : i32 to vector<16xi32>
        %shift_right_arithmetic3A_478 = arith.shrsi %add3A_472, %shift_right_arithmetic3A_477 : vector<16xi32>
        %and3A_479 = arith.constant 3 : i32
        %and3A_480 = vector.broadcast %and3A_479 : i32 to vector<16xi32>
        %and3A_481 = arith.andi %shift_right_arithmetic3A_478, %and3A_480 : vector<16xi32>
        %and3A_482 = arith.constant 7 : i32
        %and3A_483 = vector.broadcast %and3A_482 : i32 to vector<16xi32>
        %and3A_484 = arith.andi %add3A_472, %and3A_483 : vector<16xi32>
        tpu.vector_store_idx %arg11[%shift_right_arithmetic3A_475, %and3A_481, %and3A_484, %add3A_446], %get3A_469 : memref<2x4x8x129xf32, #tpu.memory_space<vmem>>[vector<16xi32>, vector<16xi32>, vector<16xi32>, vector<16xi32>], vector<16xf32>,
        %add3A_485 = arith.constant 128 : i32
        %add3A_486 = arith.addi %add3A_485, %add3A_442 : i32
        %get3A_487 = arith.index_cast %add3A_486 : i32 to index
        %get3A_488 = arith.constant 0 : index
        %get3A_489 = tpu.vector_load %arg9[%get3A_487, %get3A_488] {strides = array<i32>} : memref<256x32xf32, #tpu.memory_space<vmem>>, vector<16xf32>,
        %add3A_490 = arith.constant 32 : i32
        %add3A_491 = vector.broadcast %add3A_490 : i32 to vector<16xi32>
        %add3A_492 = arith.addi %add3A_491, %iota3A : vector<16xi32>
        %shift_right_arithmetic3A_493 = arith.constant 5 : i32
        %shift_right_arithmetic3A_494 = vector.broadcast %shift_right_arithmetic3A_493 : i32 to vector<16xi32>
        %shift_right_arithmetic3A_495 = arith.shrsi %add3A_492, %shift_right_arithmetic3A_494 : vector<16xi32>
        %shift_right_arithmetic3A_496 = arith.constant 3 : i32
        %shift_right_arithmetic3A_497 = vector.broadcast %shift_right_arithmetic3A_496 : i32 to vector<16xi32>
        %shift_right_arithmetic3A_498 = arith.shrsi %add3A_492, %shift_right_arithmetic3A_497 : vector<16xi32>
        %and3A_499 = arith.constant 3 : i32
        %and3A_500 = vector.broadcast %and3A_499 : i32 to vector<16xi32>
        %and3A_501 = arith.andi %shift_right_arithmetic3A_498, %and3A_500 : vector<16xi32>
        %and3A_502 = arith.constant 7 : i32
        %and3A_503 = vector.broadcast %and3A_502 : i32 to vector<16xi32>
        %and3A_504 = arith.andi %add3A_492, %and3A_503 : vector<16xi32>
        tpu.vector_store_idx %arg11[%shift_right_arithmetic3A_495, %and3A_501, %and3A_504, %add3A_446], %get3A_489 : memref<2x4x8x129xf32, #tpu.memory_space<vmem>>[vector<16xi32>, vector<16xi32>, vector<16xi32>, vector<16xi32>], vector<16xf32>,
        %get3A_505 = arith.index_cast %add3A_486 : i32 to index
        %get3A_506 = arith.constant 16 : index
        %get3A_507 = tpu.vector_load %arg9[%get3A_505, %get3A_506] {strides = array<i32>} : memref<256x32xf32, #tpu.memory_space<vmem>>, vector<16xf32>,
        %add3A_508 = arith.constant 48 : i32
        %add3A_509 = vector.broadcast %add3A_508 : i32 to vector<16xi32>
        %add3A_510 = arith.addi %add3A_509, %iota3A : vector<16xi32>
        %shift_right_arithmetic3A_511 = arith.constant 5 : i32
        %shift_right_arithmetic3A_512 = vector.broadcast %shift_right_arithmetic3A_511 : i32 to vector<16xi32>
        %shift_right_arithmetic3A_513 = arith.shrsi %add3A_510, %shift_right_arithmetic3A_512 : vector<16xi32>
        %shift_right_arithmetic3A_514 = arith.constant 3 : i32
        %shift_right_arithmetic3A_515 = vector.broadcast %shift_right_arithmetic3A_514 : i32 to vector<16xi32>
        %shift_right_arithmetic3A_516 = arith.shrsi %add3A_510, %shift_right_arithmetic3A_515 : vector<16xi32>
        %and3A_517 = arith.constant 3 : i32
        %and3A_518 = vector.broadcast %and3A_517 : i32 to vector<16xi32>
        %and3A_519 = arith.andi %shift_right_arithmetic3A_516, %and3A_518 : vector<16xi32>
        %and3A_520 = arith.constant 7 : i32
        %and3A_521 = vector.broadcast %and3A_520 : i32 to vector<16xi32>
        %and3A_522 = arith.andi %add3A_510, %and3A_521 : vector<16xi32>
        tpu.vector_store_idx %arg11[%shift_right_arithmetic3A_513, %and3A_519, %and3A_522, %add3A_446], %get3A_507 : memref<2x4x8x129xf32, #tpu.memory_space<vmem>>[vector<16xi32>, vector<16xi32>, vector<16xi32>, vector<16xi32>], vector<16xf32>,
        %mul3A_523 = arith.constant 4 : i32
        %mul3A_524 = arith.muli %scan3A_358, %mul3A_523 : i32
        %add3A_525 = arith.constant 2 : i32
        %add3A_526 = arith.addi %mul3A_524, %add3A_525 : i32
        %broadcast_in_dim3A_527 = arith.constant 0 : i32
        %broadcast_in_dim3A_528 = vector.broadcast %broadcast_in_dim3A_527 : i32 to vector<16xi32>
        %add3A_529 = vector.broadcast %add3A_526 : i32 to vector<16xi32>
        %add3A_530 = arith.addi %broadcast_in_dim3A_528, %add3A_529 : vector<16xi32>
        %add3A_531 = arith.constant 0 : i32
        %add3A_532 = arith.addi %add3A_531, %add3A_526 : i32
        %get3A_533 = arith.index_cast %add3A_532 : i32 to index
        %get3A_534 = arith.constant 0 : index
        %get3A_535 = tpu.vector_load %arg9[%get3A_533, %get3A_534] {strides = array<i32>} : memref<256x32xf32, #tpu.memory_space<vmem>>, vector<16xf32>,
        %add3A_536 = arith.constant 0 : i32
        %add3A_537 = vector.broadcast %add3A_536 : i32 to vector<16xi32>
        %add3A_538 = arith.addi %add3A_537, %iota3A : vector<16xi32>
        %shift_right_arithmetic3A_539 = arith.constant 5 : i32
        %shift_right_arithmetic3A_540 = vector.broadcast %shift_right_arithmetic3A_539 : i32 to vector<16xi32>
        %shift_right_arithmetic3A_541 = arith.shrsi %add3A_538, %shift_right_arithmetic3A_540 : vector<16xi32>
        %shift_right_arithmetic3A_542 = arith.constant 3 : i32
        %shift_right_arithmetic3A_543 = vector.broadcast %shift_right_arithmetic3A_542 : i32 to vector<16xi32>
        %shift_right_arithmetic3A_544 = arith.shrsi %add3A_538, %shift_right_arithmetic3A_543 : vector<16xi32>
        %and3A_545 = arith.constant 3 : i32
        %and3A_546 = vector.broadcast %and3A_545 : i32 to vector<16xi32>
        %and3A_547 = arith.andi %shift_right_arithmetic3A_544, %and3A_546 : vector<16xi32>
        %and3A_548 = arith.constant 7 : i32
        %and3A_549 = vector.broadcast %and3A_548 : i32 to vector<16xi32>
        %and3A_550 = arith.andi %add3A_538, %and3A_549 : vector<16xi32>
        tpu.vector_store_idx %arg11[%shift_right_arithmetic3A_541, %and3A_547, %and3A_550, %add3A_530], %get3A_535 : memref<2x4x8x129xf32, #tpu.memory_space<vmem>>[vector<16xi32>, vector<16xi32>, vector<16xi32>, vector<16xi32>], vector<16xf32>,
        %get3A_551 = arith.index_cast %add3A_532 : i32 to index
        %get3A_552 = arith.constant 16 : index
        %get3A_553 = tpu.vector_load %arg9[%get3A_551, %get3A_552] {strides = array<i32>} : memref<256x32xf32, #tpu.memory_space<vmem>>, vector<16xf32>,
        %add3A_554 = arith.constant 16 : i32
        %add3A_555 = vector.broadcast %add3A_554 : i32 to vector<16xi32>
        %add3A_556 = arith.addi %add3A_555, %iota3A : vector<16xi32>
        %shift_right_arithmetic3A_557 = arith.constant 5 : i32
        %shift_right_arithmetic3A_558 = vector.broadcast %shift_right_arithmetic3A_557 : i32 to vector<16xi32>
        %shift_right_arithmetic3A_559 = arith.shrsi %add3A_556, %shift_right_arithmetic3A_558 : vector<16xi32>
        %shift_right_arithmetic3A_560 = arith.constant 3 : i32
        %shift_right_arithmetic3A_561 = vector.broadcast %shift_right_arithmetic3A_560 : i32 to vector<16xi32>
        %shift_right_arithmetic3A_562 = arith.shrsi %add3A_556, %shift_right_arithmetic3A_561 : vector<16xi32>
        %and3A_563 = arith.constant 3 : i32
        %and3A_564 = vector.broadcast %and3A_563 : i32 to vector<16xi32>
        %and3A_565 = arith.andi %shift_right_arithmetic3A_562, %and3A_564 : vector<16xi32>
        %and3A_566 = arith.constant 7 : i32
        %and3A_567 = vector.broadcast %and3A_566 : i32 to vector<16xi32>
        %and3A_568 = arith.andi %add3A_556, %and3A_567 : vector<16xi32>
        tpu.vector_store_idx %arg11[%shift_right_arithmetic3A_559, %and3A_565, %and3A_568, %add3A_530], %get3A_553 : memref<2x4x8x129xf32, #tpu.memory_space<vmem>>[vector<16xi32>, vector<16xi32>, vector<16xi32>, vector<16xi32>], vector<16xf32>,
        %add3A_569 = arith.constant 128 : i32
        %add3A_570 = arith.addi %add3A_569, %add3A_526 : i32
        %get3A_571 = arith.index_cast %add3A_570 : i32 to index
        %get3A_572 = arith.constant 0 : index
        %get3A_573 = tpu.vector_load %arg9[%get3A_571, %get3A_572] {strides = array<i32>} : memref<256x32xf32, #tpu.memory_space<vmem>>, vector<16xf32>,
        %add3A_574 = arith.constant 32 : i32
        %add3A_575 = vector.broadcast %add3A_574 : i32 to vector<16xi32>
        %add3A_576 = arith.addi %add3A_575, %iota3A : vector<16xi32>
        %shift_right_arithmetic3A_577 = arith.constant 5 : i32
        %shift_right_arithmetic3A_578 = vector.broadcast %shift_right_arithmetic3A_577 : i32 to vector<16xi32>
        %shift_right_arithmetic3A_579 = arith.shrsi %add3A_576, %shift_right_arithmetic3A_578 : vector<16xi32>
        %shift_right_arithmetic3A_580 = arith.constant 3 : i32
        %shift_right_arithmetic3A_581 = vector.broadcast %shift_right_arithmetic3A_580 : i32 to vector<16xi32>
        %shift_right_arithmetic3A_582 = arith.shrsi %add3A_576, %shift_right_arithmetic3A_581 : vector<16xi32>
        %and3A_583 = arith.constant 3 : i32
        %and3A_584 = vector.broadcast %and3A_583 : i32 to vector<16xi32>
        %and3A_585 = arith.andi %shift_right_arithmetic3A_582, %and3A_584 : vector<16xi32>
        %and3A_586 = arith.constant 7 : i32
        %and3A_587 = vector.broadcast %and3A_586 : i32 to vector<16xi32>
        %and3A_588 = arith.andi %add3A_576, %and3A_587 : vector<16xi32>
        tpu.vector_store_idx %arg11[%shift_right_arithmetic3A_579, %and3A_585, %and3A_588, %add3A_530], %get3A_573 : memref<2x4x8x129xf32, #tpu.memory_space<vmem>>[vector<16xi32>, vector<16xi32>, vector<16xi32>, vector<16xi32>], vector<16xf32>,
        %get3A_589 = arith.index_cast %add3A_570 : i32 to index
        %get3A_590 = arith.constant 16 : index
        %get3A_591 = tpu.vector_load %arg9[%get3A_589, %get3A_590] {strides = array<i32>} : memref<256x32xf32, #tpu.memory_space<vmem>>, vector<16xf32>,
        %add3A_592 = arith.constant 48 : i32
        %add3A_593 = vector.broadcast %add3A_592 : i32 to vector<16xi32>
        %add3A_594 = arith.addi %add3A_593, %iota3A : vector<16xi32>
        %shift_right_arithmetic3A_595 = arith.constant 5 : i32
        %shift_right_arithmetic3A_596 = vector.broadcast %shift_right_arithmetic3A_595 : i32 to vector<16xi32>
        %shift_right_arithmetic3A_597 = arith.shrsi %add3A_594, %shift_right_arithmetic3A_596 : vector<16xi32>
        %shift_right_arithmetic3A_598 = arith.constant 3 : i32
        %shift_right_arithmetic3A_599 = vector.broadcast %shift_right_arithmetic3A_598 : i32 to vector<16xi32>
        %shift_right_arithmetic3A_600 = arith.shrsi %add3A_594, %shift_right_arithmetic3A_599 : vector<16xi32>
        %and3A_601 = arith.constant 3 : i32
        %and3A_602 = vector.broadcast %and3A_601 : i32 to vector<16xi32>
        %and3A_603 = arith.andi %shift_right_arithmetic3A_600, %and3A_602 : vector<16xi32>
        %and3A_604 = arith.constant 7 : i32
        %and3A_605 = vector.broadcast %and3A_604 : i32 to vector<16xi32>
        %and3A_606 = arith.andi %add3A_594, %and3A_605 : vector<16xi32>
        tpu.vector_store_idx %arg11[%shift_right_arithmetic3A_597, %and3A_603, %and3A_606, %add3A_530], %get3A_591 : memref<2x4x8x129xf32, #tpu.memory_space<vmem>>[vector<16xi32>, vector<16xi32>, vector<16xi32>, vector<16xi32>], vector<16xf32>,
        %mul3A_607 = arith.constant 4 : i32
        %mul3A_608 = arith.muli %scan3A_358, %mul3A_607 : i32
        %add3A_609 = arith.constant 3 : i32
        %add3A_610 = arith.addi %mul3A_608, %add3A_609 : i32
        %broadcast_in_dim3A_611 = arith.constant 0 : i32
        %broadcast_in_dim3A_612 = vector.broadcast %broadcast_in_dim3A_611 : i32 to vector<16xi32>
        %add3A_613 = vector.broadcast %add3A_610 : i32 to vector<16xi32>
        %add3A_614 = arith.addi %broadcast_in_dim3A_612, %add3A_613 : vector<16xi32>
        %add3A_615 = arith.constant 0 : i32
        %add3A_616 = arith.addi %add3A_615, %add3A_610 : i32
        %get3A_617 = arith.index_cast %add3A_616 : i32 to index
        %get3A_618 = arith.constant 0 : index
        %get3A_619 = tpu.vector_load %arg9[%get3A_617, %get3A_618] {strides = array<i32>} : memref<256x32xf32, #tpu.memory_space<vmem>>, vector<16xf32>,
        %add3A_620 = arith.constant 0 : i32
        %add3A_621 = vector.broadcast %add3A_620 : i32 to vector<16xi32>
        %add3A_622 = arith.addi %add3A_621, %iota3A : vector<16xi32>
        %shift_right_arithmetic3A_623 = arith.constant 5 : i32
        %shift_right_arithmetic3A_624 = vector.broadcast %shift_right_arithmetic3A_623 : i32 to vector<16xi32>
        %shift_right_arithmetic3A_625 = arith.shrsi %add3A_622, %shift_right_arithmetic3A_624 : vector<16xi32>
        %shift_right_arithmetic3A_626 = arith.constant 3 : i32
        %shift_right_arithmetic3A_627 = vector.broadcast %shift_right_arithmetic3A_626 : i32 to vector<16xi32>
        %shift_right_arithmetic3A_628 = arith.shrsi %add3A_622, %shift_right_arithmetic3A_627 : vector<16xi32>
        %and3A_629 = arith.constant 3 : i32
        %and3A_630 = vector.broadcast %and3A_629 : i32 to vector<16xi32>
        %and3A_631 = arith.andi %shift_right_arithmetic3A_628, %and3A_630 : vector<16xi32>
        %and3A_632 = arith.constant 7 : i32
        %and3A_633 = vector.broadcast %and3A_632 : i32 to vector<16xi32>
        %and3A_634 = arith.andi %add3A_622, %and3A_633 : vector<16xi32>
        tpu.vector_store_idx %arg11[%shift_right_arithmetic3A_625, %and3A_631, %and3A_634, %add3A_614], %get3A_619 : memref<2x4x8x129xf32, #tpu.memory_space<vmem>>[vector<16xi32>, vector<16xi32>, vector<16xi32>, vector<16xi32>], vector<16xf32>,
        %get3A_635 = arith.index_cast %add3A_616 : i32 to index
        %get3A_636 = arith.constant 16 : index
        %get3A_637 = tpu.vector_load %arg9[%get3A_635, %get3A_636] {strides = array<i32>} : memref<256x32xf32, #tpu.memory_space<vmem>>, vector<16xf32>,
        %add3A_638 = arith.constant 16 : i32
        %add3A_639 = vector.broadcast %add3A_638 : i32 to vector<16xi32>
        %add3A_640 = arith.addi %add3A_639, %iota3A : vector<16xi32>
        %shift_right_arithmetic3A_641 = arith.constant 5 : i32
        %shift_right_arithmetic3A_642 = vector.broadcast %shift_right_arithmetic3A_641 : i32 to vector<16xi32>
        %shift_right_arithmetic3A_643 = arith.shrsi %add3A_640, %shift_right_arithmetic3A_642 : vector<16xi32>
        %shift_right_arithmetic3A_644 = arith.constant 3 : i32
        %shift_right_arithmetic3A_645 = vector.broadcast %shift_right_arithmetic3A_644 : i32 to vector<16xi32>
        %shift_right_arithmetic3A_646 = arith.shrsi %add3A_640, %shift_right_arithmetic3A_645 : vector<16xi32>
        %and3A_647 = arith.constant 3 : i32
        %and3A_648 = vector.broadcast %and3A_647 : i32 to vector<16xi32>
        %and3A_649 = arith.andi %shift_right_arithmetic3A_646, %and3A_648 : vector<16xi32>
        %and3A_650 = arith.constant 7 : i32
        %and3A_651 = vector.broadcast %and3A_650 : i32 to vector<16xi32>
        %and3A_652 = arith.andi %add3A_640, %and3A_651 : vector<16xi32>
        tpu.vector_store_idx %arg11[%shift_right_arithmetic3A_643, %and3A_649, %and3A_652, %add3A_614], %get3A_637 : memref<2x4x8x129xf32, #tpu.memory_space<vmem>>[vector<16xi32>, vector<16xi32>, vector<16xi32>, vector<16xi32>], vector<16xf32>,
        %add3A_653 = arith.constant 128 : i32
        %add3A_654 = arith.addi %add3A_653, %add3A_610 : i32
        %get3A_655 = arith.index_cast %add3A_654 : i32 to index
        %get3A_656 = arith.constant 0 : index
        %get3A_657 = tpu.vector_load %arg9[%get3A_655, %get3A_656] {strides = array<i32>} : memref<256x32xf32, #tpu.memory_space<vmem>>, vector<16xf32>,
        %add3A_658 = arith.constant 32 : i32
        %add3A_659 = vector.broadcast %add3A_658 : i32 to vector<16xi32>
        %add3A_660 = arith.addi %add3A_659, %iota3A : vector<16xi32>
        %shift_right_arithmetic3A_661 = arith.constant 5 : i32
        %shift_right_arithmetic3A_662 = vector.broadcast %shift_right_arithmetic3A_661 : i32 to vector<16xi32>
        %shift_right_arithmetic3A_663 = arith.shrsi %add3A_660, %shift_right_arithmetic3A_662 : vector<16xi32>
        %shift_right_arithmetic3A_664 = arith.constant 3 : i32
        %shift_right_arithmetic3A_665 = vector.broadcast %shift_right_arithmetic3A_664 : i32 to vector<16xi32>
        %shift_right_arithmetic3A_666 = arith.shrsi %add3A_660, %shift_right_arithmetic3A_665 : vector<16xi32>
        %and3A_667 = arith.constant 3 : i32
        %and3A_668 = vector.broadcast %and3A_667 : i32 to vector<16xi32>
        %and3A_669 = arith.andi %shift_right_arithmetic3A_666, %and3A_668 : vector<16xi32>
        %and3A_670 = arith.constant 7 : i32
        %and3A_671 = vector.broadcast %and3A_670 : i32 to vector<16xi32>
        %and3A_672 = arith.andi %add3A_660, %and3A_671 : vector<16xi32>
        tpu.vector_store_idx %arg11[%shift_right_arithmetic3A_663, %and3A_669, %and3A_672, %add3A_614], %get3A_657 : memref<2x4x8x129xf32, #tpu.memory_space<vmem>>[vector<16xi32>, vector<16xi32>, vector<16xi32>, vector<16xi32>], vector<16xf32>,
        %get3A_673 = arith.index_cast %add3A_654 : i32 to index
        %get3A_674 = arith.constant 16 : index
        %get3A_675 = tpu.vector_load %arg9[%get3A_673, %get3A_674] {strides = array<i32>} : memref<256x32xf32, #tpu.memory_space<vmem>>, vector<16xf32>,
        %add3A_676 = arith.constant 48 : i32
        %add3A_677 = vector.broadcast %add3A_676 : i32 to vector<16xi32>
        %add3A_678 = arith.addi %add3A_677, %iota3A : vector<16xi32>
        %shift_right_arithmetic3A_679 = arith.constant 5 : i32
        %shift_right_arithmetic3A_680 = vector.broadcast %shift_right_arithmetic3A_679 : i32 to vector<16xi32>
        %shift_right_arithmetic3A_681 = arith.shrsi %add3A_678, %shift_right_arithmetic3A_680 : vector<16xi32>
        %shift_right_arithmetic3A_682 = arith.constant 3 : i32
        %shift_right_arithmetic3A_683 = vector.broadcast %shift_right_arithmetic3A_682 : i32 to vector<16xi32>
        %shift_right_arithmetic3A_684 = arith.shrsi %add3A_678, %shift_right_arithmetic3A_683 : vector<16xi32>
        %and3A_685 = arith.constant 3 : i32
        %and3A_686 = vector.broadcast %and3A_685 : i32 to vector<16xi32>
        %and3A_687 = arith.andi %shift_right_arithmetic3A_684, %and3A_686 : vector<16xi32>
        %and3A_688 = arith.constant 7 : i32
        %and3A_689 = vector.broadcast %and3A_688 : i32 to vector<16xi32>
        %and3A_690 = arith.andi %add3A_678, %and3A_689 : vector<16xi32>
        tpu.vector_store_idx %arg11[%shift_right_arithmetic3A_681, %and3A_687, %and3A_690, %add3A_614], %get3A_675 : memref<2x4x8x129xf32, #tpu.memory_space<vmem>>[vector<16xi32>, vector<16xi32>, vector<16xi32>, vector<16xi32>], vector<16xf32>,
      }
      %scan3A_330 = arith.constant 32 : i32
      %dma_start3A_331 = arith.constant 0 : i32
      %dma_start3A_332 = arith.constant 0 : i32
      %dma_start3A_333 = arith.constant 0 : i32
      %dma_start3A_334 = arith.constant 0 : i32
      %dma_start3A_335 = tpu.memref_slice %arg11[%dma_start3A_331, %dma_start3A_332, %dma_start3A_333, %dma_start3A_334] : memref<2x4x8x129xf32, #tpu.memory_space<vmem>> -> memref<2x4x8x128xf32, #tpu.memory_space<vmem>>
      %dma_start3A_336 = arith.constant 0 : i32
      %dma_start3A_337 = arith.constant 0 : i32
      %dma_start3A_338 = arith.constant 0 : i32
      %dma_start3A_339 = tpu.memref_slice %arg4[%mul3A_296, %dma_start3A_336, %add3A, %dma_start3A_337, %dma_start3A_338] : memref<200x4x32x8x128xf32, #tpu.memory_space<hbm>> -> memref<2x4x1x8x128xf32, #tpu.memory_space<hbm>>
      %dma_start3A_340 = tpu.memref_squeeze %dma_start3A_339 : memref<2x4x1x8x128xf32, #tpu.memory_space<hbm>> -> memref<2x4x8x128xf32, #tpu.memory_space<hbm>>
      %dma_start3A_341 = arith.constant 0 : i32
      %dma_start3A_342 = arith.constant 0 : i32
      %dma_start3A_343 = arith.constant 0 : i32
      %dma_start3A_344 = tpu.memref_slice %arg4[%mul3A_296, %dma_start3A_341, %add3A, %dma_start3A_342, %dma_start3A_343] : memref<200x4x32x8x128xf32, #tpu.memory_space<hbm>> -> memref<2x4x1x8x128xf32, #tpu.memory_space<hbm>>
      %dma_start3A_345 = tpu.memref_squeeze %dma_start3A_344 : memref<2x4x1x8x128xf32, #tpu.memory_space<hbm>> -> memref<2x4x8x128xf32, #tpu.memory_space<hbm>>
      %dma_start3A_346 = arith.constant 0 : i32
      %dma_start3A_347 = arith.constant 0 : i32
      %dma_start3A_348 = arith.constant 0 : i32
      %dma_start3A_349 = arith.constant 0 : i32
      %dma_start3A_350 = tpu.memref_slice %arg11[%dma_start3A_346, %dma_start3A_347, %dma_start3A_348, %dma_start3A_349] : memref<2x4x8x129xf32, #tpu.memory_space<vmem>> -> memref<2x4x8x128xf32, #tpu.memory_space<vmem>>
      tpu.enqueue_dma source(%dma_start3A_350 : memref<2x4x8x128xf32, #tpu.memory_space<vmem>>) target(%dma_start3A_345 : memref<2x4x8x128xf32, #tpu.memory_space<hbm>>) target_semaphore(%arg17 : memref<!tpu.dma_semaphore, #tpu.memory_space<semaphore_mem>>)
      %add3A_351 = arith.constant 4 : i32
      %add3A_352 = arith.addi %add3A_294, %add3A_351 : i32
      %lt3A_353 = arith.constant 100 : i32
      %lt3A_354 = arith.cmpi slt, %add3A_352, %lt3A_353 : i32
      %convert_element_type3A_355 = arith.extui %lt3A_354 : i1 to i32
      %cond3A_356 = arith.constant 0 : i32
      %cond3A_357 = arith.cmpi ne, %convert_element_type3A_355, %cond3A_356 : i32
      scf.if %cond3A_357 {
        %add3A_358 = arith.constant 4 : i32
        %add3A_359 = arith.addi %add3A_294, %add3A_358 : i32
        %mul3A_360 = arith.constant 2 : i32
        %mul3A_361 = arith.muli %mul3A_360, %add3A_359 : i32
        %dma_start3A_362 = arith.constant 0 : i32
        %dma_start3A_363 = arith.constant 0 : i32
        %dma_start3A_364 = tpu.memref_slice %arg9[%dma_start3A_362, %dma_start3A_363] : memref<256x32xf32, #tpu.memory_space<vmem>> -> memref<128x32xf32, #tpu.memory_space<vmem>>
        %dma_start3A_365 = arith.constant 0 : i32
        %dma_start3A_366 = tpu.memref_slice %arg5[%mul3A_361, %dma_start3A_365] : memref<200x128xi32, #tpu.memory_space<vmem>> -> memref<1x128xi32, #tpu.memory_space<vmem>>
        %dma_start3A_367 = tpu.memref_squeeze %dma_start3A_366 : memref<1x128xi32, #tpu.memory_space<vmem>> -> memref<128xi32, #tpu.memory_space<vmem>>
        %dma_start3A_368 = arith.constant 0 : i32
        %dma_start3A_369 = arith.constant 0 : i32
        %dma_start3A_370 = tpu.memref_slice %arg3[%dma_start3A_368, %dma_start3A_369] : memref<1000000x32xf32, #tpu.memory_space<hbm>> -> memref<1000000x32xf32, #tpu.memory_space<hbm>>
        tpu.enqueue_indirect_dma source(%dma_start3A_370 : memref<1000000x32xf32, #tpu.memory_space<hbm>>) target(%dma_start3A_364 : memref<128x32xf32, #tpu.memory_space<vmem>>) offsets(%dma_start3A_367 : memref<128xi32, #tpu.memory_space<vmem>>) semaphore(%arg15 : memref<!tpu.dma_semaphore, #tpu.memory_space<semaphore_mem>>)
        %mul3A_371 = arith.constant 2 : i32
        %mul3A_372 = arith.muli %mul3A_371, %add3A_359 : i32
        %add3A_373 = arith.constant 1 : i32
        %add3A_374 = arith.addi %mul3A_372, %add3A_373 : i32
        %dma_start3A_375 = arith.constant 128 : i32
        %dma_start3A_376 = arith.constant 0 : i32
        %dma_start3A_377 = tpu.memref_slice %arg9[%dma_start3A_375, %dma_start3A_376] : memref<256x32xf32, #tpu.memory_space<vmem>> -> memref<128x32xf32, #tpu.memory_space<vmem>>
        %dma_start3A_378 = arith.constant 0 : i32
        %dma_start3A_379 = tpu.memref_slice %arg5[%add3A_374, %dma_start3A_378] : memref<200x128xi32, #tpu.memory_space<vmem>> -> memref<1x128xi32, #tpu.memory_space<vmem>>
        %dma_start3A_380 = tpu.memref_squeeze %dma_start3A_379 : memref<1x128xi32, #tpu.memory_space<vmem>> -> memref<128xi32, #tpu.memory_space<vmem>>
        %dma_start3A_381 = arith.constant 0 : i32
        %dma_start3A_382 = arith.constant 0 : i32
        %dma_start3A_383 = tpu.memref_slice %arg3[%dma_start3A_381, %dma_start3A_382] : memref<1000000x32xf32, #tpu.memory_space<hbm>> -> memref<1000000x32xf32, #tpu.memory_space<hbm>>
        tpu.enqueue_indirect_dma source(%dma_start3A_383 : memref<1000000x32xf32, #tpu.memory_space<hbm>>) target(%dma_start3A_377 : memref<128x32xf32, #tpu.memory_space<vmem>>) offsets(%dma_start3A_380 : memref<128xi32, #tpu.memory_space<vmem>>) semaphore(%arg15 : memref<!tpu.dma_semaphore, #tpu.memory_space<semaphore_mem>>)
      } else {
      }
    }
    %scan3A_83 = arith.constant 25 : i32
    %dma_wait3A = arith.constant 0 : i32
    %dma_wait3A_84 = arith.constant 0 : i32
    %dma_wait3A_85 = arith.constant 0 : i32
    %dma_wait3A_86 = arith.constant 0 : i32
    %dma_wait3A_87 = arith.constant 0 : i32
    %dma_wait3A_88 = tpu.memref_slice %arg10[%dma_wait3A_84, %dma_wait3A_85, %dma_wait3A_86, %dma_wait3A_87] : memref<2x4x8x129xf32, #tpu.memory_space<vmem>> -> memref<2x4x8x128xf32, #tpu.memory_space<vmem>>
    %dma_wait3A_89 = arith.constant 0 : i32
    %dma_wait3A_90 = arith.constant 0 : i32
    %dma_wait3A_91 = arith.constant 0 : i32
    %dma_wait3A_92 = arith.constant 0 : i32
    %dma_wait3A_93 = tpu.memref_slice %arg4[%dma_wait3A_89, %dma_wait3A_90, %dma_wait3A, %dma_wait3A_91, %dma_wait3A_92] : memref<200x4x32x8x128xf32, #tpu.memory_space<hbm>> -> memref<2x4x1x8x128xf32, #tpu.memory_space<hbm>>
    %dma_wait3A_94 = tpu.memref_squeeze %dma_wait3A_93 : memref<2x4x1x8x128xf32, #tpu.memory_space<hbm>> -> memref<2x4x8x128xf32, #tpu.memory_space<hbm>>
    %dma_wait3A_95 = arith.constant 0 : i32
    %dma_wait3A_96 = arith.constant 0 : i32
    %dma_wait3A_97 = arith.constant 0 : i32
    %dma_wait3A_98 = arith.constant 0 : i32
    %dma_wait3A_99 = tpu.memref_slice %arg4[%dma_wait3A_95, %dma_wait3A_96, %dma_wait3A, %dma_wait3A_97, %dma_wait3A_98] : memref<200x4x32x8x128xf32, #tpu.memory_space<hbm>> -> memref<2x4x1x8x128xf32, #tpu.memory_space<hbm>>
    %dma_wait3A_100 = tpu.memref_squeeze %dma_wait3A_99 : memref<2x4x1x8x128xf32, #tpu.memory_space<hbm>> -> memref<2x4x8x128xf32, #tpu.memory_space<hbm>>
    %dma_wait3A_101 = arith.constant 0 : i32
    %dma_wait3A_102 = arith.constant 0 : i32
    %dma_wait3A_103 = arith.constant 0 : i32
    %dma_wait3A_104 = arith.constant 0 : i32
    %dma_wait3A_105 = tpu.memref_slice %arg10[%dma_wait3A_101, %dma_wait3A_102, %dma_wait3A_103, %dma_wait3A_104] : memref<2x4x8x129xf32, #tpu.memory_space<vmem>> -> memref<2x4x8x128xf32, #tpu.memory_space<vmem>>
    tpu.wait_dma2 semaphore(%arg16 : memref<!tpu.dma_semaphore, #tpu.memory_space<semaphore_mem>>) src(%dma_wait3A_105 : memref<2x4x8x128xf32, #tpu.memory_space<vmem>>) dst(%dma_wait3A_100 : memref<2x4x8x128xf32, #tpu.memory_space<hbm>>)
    %dma_wait3A_106 = arith.constant 0 : i32
    %dma_wait3A_107 = arith.constant 0 : i32
    %dma_wait3A_108 = arith.constant 0 : i32
    %dma_wait3A_109 = arith.constant 0 : i32
    %dma_wait3A_110 = arith.constant 0 : i32
    %dma_wait3A_111 = tpu.memref_slice %arg11[%dma_wait3A_107, %dma_wait3A_108, %dma_wait3A_109, %dma_wait3A_110] : memref<2x4x8x129xf32, #tpu.memory_space<vmem>> -> memref<2x4x8x128xf32, #tpu.memory_space<vmem>>
    %dma_wait3A_112 = arith.constant 0 : i32
    %dma_wait3A_113 = arith.constant 0 : i32
    %dma_wait3A_114 = arith.constant 0 : i32
    %dma_wait3A_115 = arith.constant 0 : i32
    %dma_wait3A_116 = tpu.memref_slice %arg4[%dma_wait3A_112, %dma_wait3A_113, %dma_wait3A_106, %dma_wait3A_114, %dma_wait3A_115] : memref<200x4x32x8x128xf32, #tpu.memory_space<hbm>> -> memref<2x4x1x8x128xf32, #tpu.memory_space<hbm>>
    %dma_wait3A_117 = tpu.memref_squeeze %dma_wait3A_116 : memref<2x4x1x8x128xf32, #tpu.memory_space<hbm>> -> memref<2x4x8x128xf32, #tpu.memory_space<hbm>>
    %dma_wait3A_118 = arith.constant 0 : i32
    %dma_wait3A_119 = arith.constant 0 : i32
    %dma_wait3A_120 = arith.constant 0 : i32
    %dma_wait3A_121 = arith.constant 0 : i32
    %dma_wait3A_122 = tpu.memref_slice %arg4[%dma_wait3A_118, %dma_wait3A_119, %dma_wait3A_106, %dma_wait3A_120, %dma_wait3A_121] : memref<200x4x32x8x128xf32, #tpu.memory_space<hbm>> -> memref<2x4x1x8x128xf32, #tpu.memory_space<hbm>>
    %dma_wait3A_123 = tpu.memref_squeeze %dma_wait3A_122 : memref<2x4x1x8x128xf32, #tpu.memory_space<hbm>> -> memref<2x4x8x128xf32, #tpu.memory_space<hbm>>
    %dma_wait3A_124 = arith.constant 0 : i32
    %dma_wait3A_125 = arith.constant 0 : i32
    %dma_wait3A_126 = arith.constant 0 : i32
    %dma_wait3A_127 = arith.constant 0 : i32
    %dma_wait3A_128 = tpu.memref_slice %arg11[%dma_wait3A_124, %dma_wait3A_125, %dma_wait3A_126, %dma_wait3A_127] : memref<2x4x8x129xf32, #tpu.memory_space<vmem>> -> memref<2x4x8x128xf32, #tpu.memory_space<vmem>>
    tpu.wait_dma2 semaphore(%arg17 : memref<!tpu.dma_semaphore, #tpu.memory_space<semaphore_mem>>) src(%dma_wait3A_128 : memref<2x4x8x128xf32, #tpu.memory_space<vmem>>) dst(%dma_wait3A_123 : memref<2x4x8x128xf32, #tpu.memory_space<hbm>>)
    return
  }
}

</mosaic_0001>

<sc_bundles>
// kernel: _emb.4.cloned.1.call-start
scs
__scs_entry_jumppad:
0x0: {  	(pc) =	sbr.rel $0x88, $3  }
0x1: {  	(tag) =	ssettag $0x0;
	lr =	simm.s32 $0x1  }
0x2: {  	[smem:$0x3F9F] =	sst lr;
	_ =	strace $0xD0000000  }
0x3: {  	_ = 	snop  }
0x4: {  	_ = 	snop  }
0x5: {  	_ = 	snop  }
0x6: {  	_ = 	snop  }
0x7: {  	_ = 	snop  }
__scs_overlays_trampoline_lowered:
0x8: {  	[smem:$0x3FAE] =	sst s0  }
0x9: {  	[smem:$0x3FAF] =	sst s1  }
0xa: {  	[smem:$0x3FB0] =	sst s2  }
0xb: {  	[smem:$0x3FB1] =	sst s3  }
0xc: {  	[smem:$0x3FB2] =	sst s4  }
0xd: {  	[smem:$0x3FB3] =	sst s5  }
0xe: {  	[smem:$0x3FB4] =	sst s6  }
0xf: {  	[smem:$0x3FB5] =	sst s7  }
0x10: {  	[smem:$0x3FB6] =	sst s8  }
0x11: {  	[smem:$0x3FB7] =	sst s9;
	s0 =	simm.s32 @!p0 $0x0  }
0x12: {  	s1 =	sld [smem:$0x3F9D];
	s0 =	simm.s32 @p0 $0x1  }
0x13: {  	[smem:$0x3FB8] =	sst s0;
	s0 =	simm.s32 @!p1 $0x0  }
0x14: {  	s2 =	sld [smem:$0x3F9C];
	s0 =	simm.s32 @p1 $0x1  }
0x15: {  	[smem:$0x3FB9] =	sst s0;
	s0 =	simm.s32 @!p2 $0x0  }
0x16: {  	s3 =	sld [smem:$0x3FDB];
	s0 =	simm.s32 @p2 $0x1  }
0x17: {  	s4 =	simm.s32 $0x1BF5;
	[smem:$0x3FBB] =	sst s0  }
0x18: {  	s0 =	sld [smem:$0x3F9E];
	_ =	swait.ge [sflag:s4], $0x0  }
0x19: {  	s7 =	sld [smem:$0x3F9F]  }
0x1a: {  	s8 =	sadd.s32 $0xFFFFE003, lr  }
0x1b: {  	s9 =	sadd.s32 $0xFFFFFEF7, lr;
	s5 =	simm.s32 $0xFFFFFFFF;
	p2 =	slt.u32 s8, $0xFFFFF086  }
0x1c: {  	p1 =	slt.u32 s9, $0xF7A;
	s5 =	simm.s32 @!p2 $0x0  }
0x1d: {  	s5 =	simm.s32 @p1 $0x1;
	p0 =	seq.s32 s7, s2  }
0x1e: {  	s7 =	smul.u32 @!p0 $0xF7A, s2;
	p2 =	seq.s32 @!p0 s5, $0x0  }
0x1f: {  	s9 =	smul.u32 $0xF7A, s1;
	s8 =	simm.s32 @!p0 $0x1BF5;
	p2 =	por !p2, p0  }
0x20: {  	[sflag:s8] =	ssyncset.s32 @!p0 $0xFFFFF086;
	s6 =	sadd.s32 @!p0 s3, s7;
	s7 =	simm.s32 @!p0 $0x108  }
0x21: {  	s3 =	sadd.s32 s3, s9;
	s6 =	sadd.s32 @!p0 $0x88, s6;
	s7 =	simm.s32 @p2 $0x1082  }
0x22: {  	[simem:s7], [sflag:s8] =	dma.local @!p0 [hbm:s6], $0xF7A  }
0x23: {  	s9 =	sor.u32 $0xD0000000, s2;
	s6 =	simm.s32 $0x108;
	_ =	swait.ge @!p0 [sflag:s8], $0x0  }
0x24: {  	s3 =	sadd.s32 $0x88, s3;
	s6 =	simm.s32 @!p1 $0x1082;
	[sflag:s4] =	ssyncset.s32 $0xFFFFF086  }
0x25: {  	[simem:s6], [sflag:s4] =	dma.local [hbm:s3], $0xF7A  }
0x26: {  	[smem:$0x3F9F] =	sst s1;
	(tag) =	ssettag s2;
	_ =	strace s9  }
0x27: {  	s1 =	sld [smem:$0x3FAF]  }
0x28: {  	s2 =	sld [smem:$0x3FB0]  }
0x29: {  	s4 =	sld [smem:$0x3FB2]  }
0x2a: {  	p0 =	seq.s32 s5, $0x0;
	s5 =	sld [smem:$0x3FB3]  }
0x2b: {  	s6 =	sld [smem:$0x3FB4]  }
0x2c: {  	s7 =	sld [smem:$0x3FB5]  }
0x2d: {  	s3 =	simm.s32 $0x108;
	s8 =	sld [smem:$0x3FB6]  }
0x2e: {  	s3 =	simm.s32 @!p0 $0x1082;
	s9 =	sld [smem:$0x3FB7]  }
0x2f: {  	lr =	sadd.s32 s0, s3;
	s0 =	sld [smem:$0x3FAE]  }
0x30: {  	s3 =	sld [smem:$0x3FB1]  }
0x31: {  	[smem:$0x3FBA] =	sst s10  }
0x32: {  	s10 =	sld [smem:$0x3FB8];
	_ =	sdelay $0x3  }
0x33: {  	p0 =	seq.s32 s10, $0x1;
	s10 =	sld [smem:$0x3FBA];
	_ =	sdelay $0x3  }
0x34: {  	[smem:$0x3FBA] =	sst s10  }
0x35: {  	s10 =	sld [smem:$0x3FB9];
	_ =	sdelay $0x3  }
0x36: {  	p1 =	seq.s32 s10, $0x1;
	s10 =	sld [smem:$0x3FBA];
	_ =	sdelay $0x3  }
0x37: {  	[smem:$0x3FBA] =	sst s10  }
0x38: {  	s10 =	sld [smem:$0x3FBB]  }
0x39: {  	_ = 	snop;
	(pc) =	sbr.ind lr, $3  }
0x3a: {  	_ = 	snop  }
0x3b: {  	_ = 	snop  }
0x3c: {  	p2 =	seq.s32 s10, $0x1;
	s10 =	sld [smem:$0x3FBA]  }
0x3d: {  	_ =	shalt  }
0x3e: {  	_ =	shalt  }
0x3f: {  	_ =	shalt  }
0x40: {  	_ =	shalt  }
0x41: {  	_ =	shalt  }
0x42: {  	_ =	shalt  }
0x43: {  	_ =	shalt  }
0x44: {  	_ =	shalt  }
0x45: {  	_ =	shalt  }
0x46: {  	_ =	shalt  }
0x47: {  	_ =	shalt  }
0x48: {  	_ =	shalt  }
0x49: {  	_ =	shalt  }
0x4a: {  	_ =	shalt  }
0x4b: {  	_ =	shalt  }
0x4c: {  	_ =	shalt  }
0x4d: {  	_ =	shalt  }
0x4e: {  	_ =	shalt  }
0x4f: {  	_ =	shalt  }
0x50: {  	_ =	shalt  }
0x51: {  	_ =	shalt  }
0x52: {  	_ =	shalt  }
0x53: {  	_ =	shalt  }
0x54: {  	_ =	shalt  }
0x55: {  	_ =	shalt  }
0x56: {  	_ =	shalt  }
0x57: {  	_ =	shalt  }
0x58: {  	_ =	shalt  }
0x59: {  	_ =	shalt  }
0x5a: {  	_ =	shalt  }
0x5b: {  	_ =	shalt  }
0x5c: {  	_ =	shalt  }
0x5d: {  	_ =	shalt  }
0x5e: {  	_ =	shalt  }
0x5f: {  	_ =	shalt  }
0x60: {  	_ =	shalt  }
0x61: {  	_ =	shalt  }
0x62: {  	_ =	shalt  }
0x63: {  	_ =	shalt  }
0x64: {  	_ =	shalt  }
0x65: {  	_ =	shalt  }
0x66: {  	_ =	shalt  }
0x67: {  	_ =	shalt  }
0x68: {  	_ =	shalt  }
0x69: {  	_ =	shalt  }
0x6a: {  	_ =	shalt  }
0x6b: {  	_ =	shalt  }
0x6c: {  	_ =	shalt  }
0x6d: {  	_ =	shalt  }
0x6e: {  	_ =	shalt  }
0x6f: {  	_ =	shalt  }
0x70: {  	_ =	shalt  }
0x71: {  	_ =	shalt  }
0x72: {  	_ =	shalt  }
0x73: {  	_ =	shalt  }
0x74: {  	_ =	shalt  }
0x75: {  	_ =	shalt  }
0x76: {  	_ =	shalt  }
0x77: {  	_ =	shalt  }
0x78: {  	_ =	shalt  }
0x79: {  	_ =	shalt  }
0x7a: {  	_ =	shalt  }
0x7b: {  	_ =	shalt  }
0x7c: {  	_ =	shalt  }
0x7d: {  	_ =	shalt  }
0x7e: {  	_ =	shalt  }
0x7f: {  	_ =	shalt  }
0x80: {  	_ =	shalt  }
0x81: {  	_ =	shalt  }
0x82: {  	_ =	shalt  }
0x83: {  	_ =	shalt  }
0x84: {  	_ =	shalt  }
0x85: {  	_ =	shalt  }
0x86: {  	_ =	shalt  }
0x87: {  	_ =	shalt  }
.Lfunc_end0:
.L_simem_size_0:
called_computation_lowered:
.L_overlay_start_0:
0x88: {  	s2 =	sld [smem:$0x3FD9]  }
0x89: {  	s3 =	sld [smem:$0x3FFE];
	_ =	sdelay $0x1  }
0x8a: {  	s1 =	srdreg.scid  }
0x8b: {  	s0 =	sand.u32 $0x1, s1  }
0x8c: {  	s17 =	sshll.u32 s0, $0xA;
	s2 =	sadd.s32 s3, s2  }
0x8d: {  	s2 =	sadd.s32 s2, s17  }
0x8e: {  	[smem:$0x3FC6] =	sst s2  }
0x8f: {  	_ = 	snop  }
0x90: {  	s2 =	sld [smem:$0x3FC8];
	(tm) =	ssettm $0x1  }
0x91: {  	s18 =	sld [smem:$0x3FFB];
	_ =	sdelay $0x3  }
0x92: {  	_ =	strace s18  }
0x93: {  	s3 =	sld [smem:$0x3FFC];
	_ =	sdelay $0x3  }
0x94: {  	_ =	strace s3  }
0x95: {  	s3 =	sld [smem:$0x3FFD];
	_ =	sdelay $0x3  }
0x96: {  	_ =	strace s3  }
0x97: {  	_ =	strace $0x8FFFFFFF  }
0x98: {  	s19 =	sld [smem:$0x3FDB];
	_ =	sdelay $0x1  }
0x99: {  	s4 =	simm.s32 $_scs_section_size  }
0x9a: {  	s5 =	simm.s32 $_size__tile_overlayer_lowered;
	s6 =	simm.s32 $_tile_overlayer_lowered  }
0x9b: {  	s22 =	simm.s32 $0x1BFF;
	s21 =	sshll.u32 s6, $0x1;
	s3 =	sadd.s32 s4, s19  }
0x9c: {  	s7 =	simm.s32 $0x0;
	s20 =	sshll.u32 s5, $0x1;
	s5 =	sadd.s32 s21, s3  }
0x9d: {  	[timem:s7], [sflag:s22] =	dma.local [hbm:s5], s20  }
0x9e: {  	_ =	swait.ge [sflag:s22], s20  }
0x9f: {  	s4 =	ssub.s32 $0x0, s20;
	[sflag:s22] =	ssyncset.done $0x0  }
0xa0: {  	[sflag:s22] =	ssyncadd.s32 s4;
	_ =	sdelay $0x1  }
0xa1: {  	s23 =	simm.s32 $0x1B8B  }
0xa2: {  	_ =	swait.ge [sflag:s23], $0x1  }
0xa3: {  	[sflag:s23] =	ssyncset.done $0x0  }
0xa4: {  	s25 =	simm.s32 $0x1B8E;
	s24 =	sld [smem:$0x3FFE];
	[sflag:s23] =	ssyncadd.s32 $0xFFFFFFFF  }
0xa5: {  	s26 =	simm.s32 $execute0_lowered;
	[smem:$0x3FD2] =	sst s25  }
0xa6: {  	s5 =	sshll.u32 s26, $0x1;
	_ =	strace $0x80000046;
	[dreg:$0x1] =	wrdreg $0xFFFFFFFF  }
0xa7: {  	s28 =	simm.s32 $_size_execute0_lowered;
	s3 =	sadd.s32 s3, s5;
	[dreg:$0x0] =	wrdreg $0x0  }
0xa8: {  	s5 =	sshll.u32 s28, $0x1;
	[dreg:$0x2] =	wrdreg s3  }
0xa9: {  	[dreg:$0x3] =	wrdreg s5  }
0xaa: {  	[dreg:$0x4] =	wrdreg $0xC0  }
0xab: {  	_ =	task [dreg:s7], $0x5FFFF  }
0xac: {  	[dreg:$0x1] =	wrdreg $0xFFFFFFFF  }
0xad: {  	[dreg:$0x0] =	wrdreg $0x60  }
0xae: {  	[dreg:$0x2] =	wrdreg s2  }
0xaf: {  	[dreg:$0x3] =	wrdreg s24  }
0xb0: {  	[dreg:$0x4] =	wrdreg $0x9  }
0xb1: {  	_ =	task.clear_ibuf [dreg:s7], $0x5FFFF;
	_ =	strace $0x90000046  }
0xb2: {  	s29 =	simm.s32 $0x9;
	_ =	strace $0x80000048  }
0xb3: {  	_ =	swait.ge [sflag:s29], $0x1  }
0xb4: {  	[sflag:s29] =	ssyncadd.s32 $0xFFFFFFFF  }
0xb5: {  	_ =	strace $0x90000048  }
0xb6: {  	_ =	sfence  }
0xb7: {  	s30 =	sld [smem:$0x0];
	_ =	sdelay $0x2  }
0xb8: {  	s31 =	sshll.u32 s1, $0xD;
	s1 =	sshrl.u32 s1, $0x2  }
0xb9: {  	s3 =	sand.u32 $0x4000, s31;
	s1 =	sadd.s32 s1, s30  }
0xba: {  	s0 =	sor.u32 s3, s0;
	s1 =	sshll.u32 s1, $0x11  }
0xbb: {  	s0 =	sor.u32 s1, s0  }
0xbc: {  	s0 =	sadd.s32 $0x8F2B, s0  }
0xbd: {  	[sflag:s0] =	ssyncadd.remote.s32 $0x1  }
0xbe: {  	_ =	sfence.sel $0xFFFF  }
0xbf: {  	[dreg:$0x0] =	wrdreg $0xFFFFFFFF;
	(pc) =	sbr.abs _section_cstart, $3  }
0xc0: {  	[dreg:$0x1] =	wrdreg $0xFFFFFFFF  }
0xc1: {  	_ =	task.clear_ibuf [dreg:s7], $0x2FFFF;
	_ =	strace $0x9FFFFFFF  }
0xc2: {  	(tm) =	ssettm $0x7FFFFFFF  }
0xc3: {  	_ =	shalt  }
tec
execute0_lowered:
.L_overlay_start_1:
0x0: {  	(tag) =	ssettag $0x1  }
0x1: {  	vm2 =	vcmask $0x300  }
0x2: {  	v0 =	vimm.s32 $0x1380;
	vm1 =	vcmask $0x704;
	vm0 =	vcmask $0xB08  }
0x3: {  	v1 =	vimm.s32 $0x2000;
	v2 =	vimm.s32 $0x2080;
	v3 =	vimm.s32 $0x2100  }
0x4: {  	v4 =	vimm.s32 $0x2180;
	v5 =	vimm.s32 $0x2200;
	v6 =	vimm.s32 $0x2280  }
0x5: {  	v7 =	vimm.s32 $0x2300;
	v8 =	vimm.s32 $0x2380;
	v9 =	vimm.s32 $0x3000  }
0x6: {  	v10 =	vimm.s32 $0x3080;
	v11 =	vimm.s32 $0x3100;
	v12 =	vimm.s32 $0x3180  }
0x7: {  	v13 =	vimm.s32 $0x3200;
	v14 =	vimm.s32 $0x3280;
	v15 =	vimm.s32 $0x3300  }
0x8: {  	v16 =	vimm.s32 $0x3380;
	v17 =	vimm.s32 $0x0;
	v18 =	vimm.s32 $0x80  }
0x9: {  	v19 =	vimm.s32 $0x100;
	v20 =	vimm.s32 $0x180;
	v21 =	vimm.s32 $0x200  }
0xa: {  	v22 =	vimm.s32 $0x280;
	v23 =	vimm.s32 $0x300;
	v24 =	vimm.s32 $0x380  }
0xb: {  	v25 =	vimm.s32 $0x1000;
	v26 =	vimm.s32 $0x1080;
	v27 =	vimm.s32 $0x1100  }
0xc: {  	v28 =	vimm.s32 $0x1180;
	v29 =	vimm.s32 $0x1200;
	v30 =	vimm.s32 $0x1280  }
0xd: {  	v31 =	vimm.s32 $0x1300;
	vm14 =	vcmask $0xF0C;
	vm15 =	vcmask $0x1310  }
0xe: {  	vm3 =	vcmask $0x1714;
	vm5 =	vcmask $0x1B18;
	vm6 =	vcmask $0x1F1C  }
0xf: {  	vm7 =	vcmask $0xF00;
	vm8 =	vcmask $0x2320;
	v53 =	vimm.s32 $0x76553413  }
0x10: {  	v36 =	vimm.s32 $0xF9D8B796;
	v37 =	vimm.s32 $0x77563514;
	v38 =	vimm.s32 $0x78573615  }
0x11: {  	v39 =	vimm.s32 $0x79583716;
	v40 =	vimm.s32 $0x7A593817;
	v41 =	vimm.s32 $0x7B5A3918  }
0x12: {  	v42 =	vimm.s32 $0x7C5B3A19;
	v43 =	vimm.s32 $0x7D5C3B1A;
	v44 =	vimm.s32 $0x7E5D3C1B  }
0x13: {  	v45 =	vimm.s32 $0x7F5E3D1C;
	v46 =	vimm.s32 $0x605F3E1D;
	v47 =	vimm.s32 $0x61403F1E  }
0x14: {  	v48 =	vimm.s32 $0x6241201F;
	vm9 =	vcmask $0x1F10;
	v54 =	vimm.s32 $0xFAD9B897  }
0x15: {  	v49 =	vimm.s32 $0xFBDAB998;
	v56 =	vimm.s32 $0xFCDBBA99;
	v50 =	vimm.s32 $0xFDDCBB9A  }
0x16: {  	v51 =	vimm.s32 $0xE6C5A483;
	vm10 =	vcmask $0x2724;
	vm11 =	vcmask $0x2B28  }
0x17: {  	vm12 =	vcmask $0x2F2C;
	vm13 =	vcmask $0x3330;
	v0 =	vsel vm2, $0x0, v0  }
0x18: {  	v1 =	vsel vm2, $0x80, v1;
	v2 =	vsel vm2, $0x100, v2;
	v3 =	vsel vm2, $0x180, v3  }
0x19: {  	v4 =	vsel vm2, $0x200, v4;
	v5 =	vsel vm2, $0x280, v5;
	v6 =	vsel vm2, $0x300, v6  }
0x1a: {  	v7 =	vsel vm2, $0x380, v7;
	v8 =	vsel vm2, $0x1000, v8;
	v9 =	vsel vm2, $0x1080, v9  }
0x1b: {  	v10 =	vsel vm2, $0x1100, v10;
	v11 =	vsel vm2, $0x1180, v11;
	v12 =	vsel vm2, $0x1200, v12  }
0x1c: {  	v13 =	vsel vm2, $0x1280, v13;
	v14 =	vsel vm2, $0x1300, v14;
	v15 =	vsel vm2, $0x1380, v15  }
0x1d: {  	v16 =	vsel vm2, $0x2000, v16;
	v17 =	vsel vm2, $0x2080, v17;
	v18 =	vsel vm2, $0x2100, v18  }
0x1e: {  	v19 =	vsel vm2, $0x2180, v19;
	v20 =	vsel vm2, $0x2200, v20;
	v21 =	vsel vm2, $0x2280, v21  }
0x1f: {  	v22 =	vsel vm2, $0x2300, v22;
	v23 =	vsel vm2, $0x2380, v23;
	v24 =	vsel vm2, $0x3000, v24  }
0x20: {  	v25 =	vsel vm2, $0x3080, v25;
	v26 =	vsel vm2, $0x3100, v26;
	v27 =	vsel vm2, $0x3180, v27  }
0x21: {  	v28 =	vsel vm2, $0x3200, v28;
	v29 =	vsel vm2, $0x3280, v29;
	v30 =	vsel vm2, $0x3300, v30  }
0x22: {  	v31 =	vsel vm2, $0x3380, v31;
	v37 =	vunpack.c.0.s8.s32 v37;
	v38 =	vunpack.c.0.s8.s32 v38  }
0x23: {  	v39 =	vunpack.c.0.s8.s32 v39;
	v40 =	vunpack.c.0.s8.s32 v40;
	v41 =	vunpack.c.0.s8.s32 v41  }
0x24: {  	v42 =	vunpack.c.0.s8.s32 v42;
	v43 =	vunpack.c.0.s8.s32 v43;
	v44 =	vunpack.c.0.s8.s32 v44  }
0x25: {  	v45 =	vunpack.c.0.s8.s32 v45;
	v46 =	vunpack.c.0.s8.s32 v46;
	v47 =	vunpack.c.0.s8.s32 v47  }
0x26: {  	v48 =	vunpack.c.0.s8.s32 v48;
	v36 =	vunpack.c.0.s8.s32 v36;
	v55 =	vunpack.c.0.s8.s32 v49  }
0x27: {  	v49 =	vunpack.c.0.s8.s32 v56;
	v58 =	vunpack.c.0.s8.s32 v50;
	v51 =	vunpack.c.0.s8.s32 v51  }
0x28: {  	v0 =	vsel vm1, $0x80, v0;
	v1 =	vsel vm1, $0x100, v1;
	v2 =	vsel vm1, $0x180, v2  }
0x29: {  	v3 =	vsel vm1, $0x200, v3;
	v4 =	vsel vm1, $0x280, v4;
	v5 =	vsel vm1, $0x300, v5  }
0x2a: {  	v6 =	vsel vm1, $0x380, v6;
	v7 =	vsel vm1, $0x1000, v7;
	v8 =	vsel vm1, $0x1080, v8  }
0x2b: {  	v9 =	vsel vm1, $0x1100, v9;
	v10 =	vsel vm1, $0x1180, v10;
	v11 =	vsel vm1, $0x1200, v11  }
0x2c: {  	v12 =	vsel vm1, $0x1280, v12;
	v13 =	vsel vm1, $0x1300, v13;
	v14 =	vsel vm1, $0x1380, v14  }
0x2d: {  	v15 =	vsel vm1, $0x2000, v15;
	v16 =	vsel vm1, $0x2080, v16;
	v17 =	vsel vm1, $0x2100, v17  }
0x2e: {  	v18 =	vsel vm1, $0x2180, v18;
	v19 =	vsel vm1, $0x2200, v19;
	v20 =	vsel vm1, $0x2280, v20  }
0x2f: {  	v21 =	vsel vm1, $0x2300, v21;
	v22 =	vsel vm1, $0x2380, v22;
	v23 =	vsel vm1, $0x3000, v23  }
0x30: {  	v24 =	vsel vm1, $0x3080, v24;
	v25 =	vsel vm1, $0x3100, v25;
	v26 =	vsel vm1, $0x3180, v26  }
0x31: {  	v27 =	vsel vm1, $0x3200, v27;
	v28 =	vsel vm1, $0x3280, v28;
	v29 =	vsel vm1, $0x3300, v29  }
0x32: {  	v30 =	vsel vm1, $0x3380, v30;
	v31 =	vsel vm1, $0x0, v31;
	v0 =	vsel vm0, $0x100, v0  }
0x33: {  	v1 =	vsel vm0, $0x180, v1;
	v2 =	vsel vm0, $0x200, v2;
	v3 =	vsel vm0, $0x280, v3  }
0x34: {  	v4 =	vsel vm0, $0x300, v4;
	v5 =	vsel vm0, $0x380, v5;
	v6 =	vsel vm0, $0x1000, v6  }
0x35: {  	v7 =	vsel vm0, $0x1080, v7;
	v8 =	vsel vm0, $0x1100, v8;
	v9 =	vsel vm0, $0x1180, v9  }
0x36: {  	v10 =	vsel vm0, $0x1200, v10;
	v11 =	vsel vm0, $0x1280, v11;
	v12 =	vsel vm0, $0x1300, v12  }
0x37: {  	v13 =	vsel vm0, $0x1380, v13;
	v14 =	vsel vm0, $0x2000, v14;
	v15 =	vsel vm0, $0x2080, v15  }
0x38: {  	v16 =	vsel vm0, $0x2100, v16;
	v17 =	vsel vm0, $0x2180, v17;
	v18 =	vsel vm0, $0x2200, v18  }
0x39: {  	v19 =	vsel vm0, $0x2280, v19;
	v20 =	vsel vm0, $0x2300, v20;
	v21 =	vsel vm0, $0x2380, v21  }
0x3a: {  	v22 =	vsel vm0, $0x3000, v22;
	v23 =	vsel vm0, $0x3080, v23;
	v24 =	vsel vm0, $0x3100, v24  }
0x3b: {  	v25 =	vsel vm0, $0x3180, v25;
	v26 =	vsel vm0, $0x3200, v26;
	v27 =	vsel vm0, $0x3280, v27  }
0x3c: {  	v28 =	vsel vm0, $0x3300, v28;
	v29 =	vsel vm0, $0x3380, v29;
	v30 =	vsel vm0, $0x0, v30  }
0x3d: {  	v31 =	vsel vm0, $0x80, v31;
	v37 =	vand.u32 $0xFF, v37;
	v38 =	vand.u32 $0xFF, v38  }
0x3e: {  	v39 =	vand.u32 $0xFF, v39;
	v40 =	vand.u32 $0xFF, v40;
	v41 =	vand.u32 $0xFF, v41  }
0x3f: {  	v42 =	vand.u32 $0xFF, v42;
	v43 =	vand.u32 $0xFF, v43;
	v44 =	vand.u32 $0xFF, v44  }
0x40: {  	v45 =	vand.u32 $0xFF, v45;
	v46 =	vand.u32 $0xFF, v46;
	v47 =	vand.u32 $0xFF, v47  }
0x41: {  	v48 =	vand.u32 $0xFF, v48;
	v36 =	vand.u32 $0xFF, v36;
	v57 =	vand.u32 $0xFF, v55  }
0x42: {  	v0 =	vsel vm14, $0x180, v0;
	v1 =	vsel vm14, $0x200, v1;
	v2 =	vsel vm14, $0x280, v2  }
0x43: {  	v3 =	vsel vm14, $0x300, v3;
	v4 =	vsel vm14, $0x380, v4;
	v5 =	vsel vm14, $0x1000, v5  }
0x44: {  	v6 =	vsel vm14, $0x1080, v6;
	v7 =	vsel vm14, $0x1100, v7;
	v8 =	vsel vm14, $0x1180, v8  }
0x45: {  	v9 =	vsel vm14, $0x1200, v9;
	v10 =	vsel vm14, $0x1280, v10;
	v11 =	vsel vm14, $0x1300, v11  }
0x46: {  	v12 =	vsel vm14, $0x1380, v12;
	v13 =	vsel vm14, $0x2000, v13;
	v14 =	vsel vm14, $0x2080, v14  }
0x47: {  	v15 =	vsel vm14, $0x2100, v15;
	v16 =	vsel vm14, $0x2180, v16;
	v17 =	vsel vm14, $0x2200, v17  }
0x48: {  	v18 =	vsel vm14, $0x2280, v18;
	v19 =	vsel vm14, $0x2300, v19;
	v20 =	vsel vm14, $0x2380, v20  }
0x49: {  	v21 =	vsel vm14, $0x3000, v21;
	v22 =	vsel vm14, $0x3080, v22;
	v23 =	vsel vm14, $0x3100, v23  }
0x4a: {  	v24 =	vsel vm14, $0x3180, v24;
	v25 =	vsel vm14, $0x3200, v25;
	v26 =	vsel vm14, $0x3280, v26  }
0x4b: {  	v27 =	vsel vm14, $0x3300, v27;
	v28 =	vsel vm14, $0x3380, v28;
	v29 =	vsel vm14, $0x0, v29  }
0x4c: {  	v30 =	vsel vm14, $0x80, v30;
	v31 =	vsel vm14, $0x100, v31;
	v37 =	vnsel vm7, $0x1E3, v37  }
0x4d: {  	v38 =	vnsel vm7, $0x1E4, v38;
	v39 =	vnsel vm7, $0x1E5, v39;
	v40 =	vnsel vm7, $0x1E6, v40  }
0x4e: {  	v41 =	vnsel vm7, $0x1E7, v41;
	v42 =	vnsel vm7, $0x1E8, v42;
	v43 =	vnsel vm7, $0x1E9, v43  }
0x4f: {  	v44 =	vnsel vm7, $0x1EA, v44;
	v45 =	vnsel vm7, $0x1EB, v45;
	v46 =	vnsel vm7, $0x1EC, v46  }
0x50: {  	v47 =	vnsel vm7, $0x1ED, v47;
	v48 =	vnsel vm7, $0x1EE, v48;
	vm14 =	vcmask $0x3734  }
0x51: {  	v0 =	vsel vm15, $0x200, v0;
	v1 =	vsel vm15, $0x280, v1;
	v2 =	vsel vm15, $0x300, v2  }
0x52: {  	v3 =	vsel vm15, $0x380, v3;
	v4 =	vsel vm15, $0x1000, v4;
	v5 =	vsel vm15, $0x1080, v5  }
0x53: {  	v6 =	vsel vm15, $0x1100, v6;
	v7 =	vsel vm15, $0x1180, v7;
	v8 =	vsel vm15, $0x1200, v8  }
0x54: {  	v9 =	vsel vm15, $0x1280, v9;
	v10 =	vsel vm15, $0x1300, v10;
	v11 =	vsel vm15, $0x1380, v11  }
0x55: {  	v12 =	vsel vm15, $0x2000, v12;
	v13 =	vsel vm15, $0x2080, v13;
	v14 =	vsel vm15, $0x2100, v14  }
0x56: {  	v15 =	vsel vm15, $0x2180, v15;
	v16 =	vsel vm15, $0x2200, v16;
	v17 =	vsel vm15, $0x2280, v17  }
0x57: {  	v18 =	vsel vm15, $0x2300, v18;
	v19 =	vsel vm15, $0x2380, v19;
	v20 =	vsel vm15, $0x3000, v20  }
0x58: {  	v21 =	vsel vm15, $0x3080, v21;
	v22 =	vsel vm15, $0x3100, v22;
	v23 =	vsel vm15, $0x3180, v23  }
0x59: {  	v24 =	vsel vm15, $0x3200, v24;
	v25 =	vsel vm15, $0x3280, v25;
	v26 =	vsel vm15, $0x3300, v26  }
0x5a: {  	v27 =	vsel vm15, $0x3380, v27;
	v28 =	vsel vm15, $0x0, v28;
	v29 =	vsel vm15, $0x80, v29  }
0x5b: {  	v30 =	vsel vm15, $0x100, v30;
	v31 =	vsel vm15, $0x180, v31;
	vm15 =	vcmask $0x3B38  }
0x5c: {  	v0 =	vsel vm3, $0x280, v0;
	v1 =	vsel vm3, $0x300, v1;
	v2 =	vsel vm3, $0x380, v2  }
0x5d: {  	v3 =	vsel vm3, $0x1000, v3;
	v4 =	vsel vm3, $0x1080, v4;
	v5 =	vsel vm3, $0x1100, v5  }
0x5e: {  	v6 =	vsel vm3, $0x1180, v6;
	v7 =	vsel vm3, $0x1200, v7;
	v8 =	vsel vm3, $0x1280, v8  }
0x5f: {  	v9 =	vsel vm3, $0x1300, v9;
	v10 =	vsel vm3, $0x1380, v10;
	v11 =	vsel vm3, $0x2000, v11  }
0x60: {  	v12 =	vsel vm3, $0x2080, v12;
	v13 =	vsel vm3, $0x2100, v13;
	v14 =	vsel vm3, $0x2180, v14  }
0x61: {  	v15 =	vsel vm3, $0x2200, v15;
	v16 =	vsel vm3, $0x2280, v16;
	v17 =	vsel vm3, $0x2300, v17  }
0x62: {  	v18 =	vsel vm3, $0x2380, v18;
	v19 =	vsel vm3, $0x3000, v19;
	v20 =	vsel vm3, $0x3080, v20  }
0x63: {  	v21 =	vsel vm3, $0x3100, v21;
	v22 =	vsel vm3, $0x3180, v22;
	v23 =	vsel vm3, $0x3200, v23  }
0x64: {  	v24 =	vsel vm3, $0x3280, v24;
	v25 =	vsel vm3, $0x3300, v25;
	v26 =	vsel vm3, $0x3380, v26  }
0x65: {  	v27 =	vsel vm3, $0x0, v27;
	v28 =	vsel vm3, $0x80, v28;
	v29 =	vsel vm3, $0x100, v29  }
0x66: {  	v30 =	vsel vm3, $0x180, v30;
	v32 =	vsel vm3, $0x200, v31;
	v0 =	vsel vm5, $0x300, v0  }
0x67: {  	v59 =	vsel vm5, $0x1380, v9;
	v60 =	vsel vm5, $0x2000, v10;
	v61 =	vsel vm5, $0x2080, v11  }
0x68: {  	v62 =	vsel vm5, $0x2100, v12;
	v12 =	vsel vm5, $0x2180, v13;
	v13 =	vsel vm5, $0x2200, v14  }
0x69: {  	v14 =	vsel vm5, $0x2280, v15;
	v15 =	vsel vm5, $0x2300, v16;
	v16 =	vsel vm5, $0x2380, v17  }
0x6a: {  	v17 =	vsel vm5, $0x3000, v18;
	v18 =	vsel vm5, $0x3080, v19;
	v19 =	vsel vm5, $0x3100, v20  }
0x6b: {  	v20 =	vimm.s32 $0x74533211;
	v21 =	vsel vm5, $0x3180, v21;
	v24 =	vsel vm5, $0x3300, v24  }
0x6c: {  	v25 =	vsel vm5, $0x3380, v25;
	v26 =	vsel vm5, $0x0, v26;
	v27 =	vsel vm5, $0x80, v27  }
0x6d: {  	v28 =	vsel vm5, $0x100, v28;
	v29 =	vsel vm5, $0x180, v29;
	v30 =	vsel vm5, $0x200, v30  }
0x6e: {  	v32 =	vsel vm5, $0x280, v32;
	v31 =	vsel vm6, $0x380, v0;
	v0 =	vsel vm5, $0x380, v1  }
0x6f: {  	v1 =	vsel vm5, $0x1000, v2;
	v2 =	vsel vm5, $0x1080, v3;
	v3 =	vsel vm5, $0x1100, v4  }
0x70: {  	v4 =	vsel vm5, $0x1180, v5;
	v5 =	vsel vm5, $0x1200, v6;
	v6 =	vsel vm5, $0x1280, v7  }
0x71: {  	v7 =	vsel vm5, $0x1300, v8;
	v8 =	vsel vm6, $0x2000, v59;
	v9 =	vsel vm6, $0x2080, v60  }
0x72: {  	v10 =	vsel vm6, $0x2100, v61;
	v11 =	vsel vm6, $0x2180, v62;
	v12 =	vsel vm6, $0x2200, v12  }
0x73: {  	v13 =	vsel vm6, $0x2280, v13;
	v14 =	vsel vm6, $0x2300, v14;
	v15 =	vsel vm6, $0x2380, v15  }
0x74: {  	v16 =	vsel vm6, $0x3000, v16;
	v17 =	vsel vm6, $0x3080, v17;
	v18 =	vsel vm6, $0x3100, v18  }
0x75: {  	v19 =	vsel vm6, $0x3180, v19;
	v33 =	vunpack.c.0.s8.s32 v20;
	v20 =	vsel vm6, $0x3200, v21  }
0x76: {  	v21 =	vsel vm5, $0x3200, v22;
	v22 =	vsel vm5, $0x3280, v23;
	v23 =	vimm.s32 $0xF8D7B695  }
0x77: {  	v59 =	vand.u32 $0xFF, v49;
	v60 =	vimm.s32 $0xFEDDBC9B;
	v61 =	vimm.s32 $0xFFDEBD9C  }
0x78: {  	v0 =	vsel vm6, $0x1000, v0;
	v1 =	vsel vm6, $0x1080, v1;
	v2 =	vsel vm6, $0x1100, v2  }
0x79: {  	v3 =	vsel vm6, $0x1180, v3;
	v4 =	vsel vm6, $0x1200, v4;
	v5 =	vsel vm6, $0x1280, v5  }
0x7a: {  	v6 =	vsel vm6, $0x1300, v6;
	v7 =	vsel vm6, $0x1380, v7;
	v21 =	vsel vm6, $0x3280, v21  }
0x7b: {  	v34 =	vunpack.c.0.s8.s32 v23;
	v23 =	vimm.s32 $0x75543312;
	v31 =	vsel vm8, $0x1000, v31  }
0x7c: {  	v49 =	vunpack.c.0.s8.s32 v60;
	v62 =	vunpack.c.0.s8.s32 v61;
	v60 =	vimm.s32 $0xE5C4A382  }
0x7d: {  	v8 =	vsel vm8, $0x2080, v8;
	v9 =	vsel vm8, $0x2100, v9;
	v10 =	vsel vm8, $0x2180, v10  }
0x7e: {  	v11 =	vsel vm8, $0x2200, v11;
	v12 =	vsel vm8, $0x2280, v12;
	v13 =	vsel vm8, $0x2300, v13  }
0x7f: {  	v14 =	vsel vm8, $0x2380, v14;
	v15 =	vsel vm8, $0x3000, v15;
	v16 =	vsel vm8, $0x3080, v16  }
0x80: {  	v17 =	vsel vm8, $0x3100, v17;
	v18 =	vsel vm8, $0x3180, v18;
	v19 =	vsel vm8, $0x3200, v19  }
0x81: {  	v20 =	vsel vm8, $0x3280, v20;
	v33 =	vand.u32 $0xFF, v33;
	v35 =	vunpack.c.0.s8.s32 v23  }
0x82: {  	v23 =	vsel vm6, $0x3380, v24;
	v24 =	vsel vm6, $0x0, v25;
	v25 =	vsel vm6, $0x80, v26  }
0x83: {  	v26 =	vsel vm6, $0x100, v27;
	v27 =	vsel vm6, $0x180, v28;
	v28 =	vsel vm6, $0x200, v29  }
0x84: {  	v29 =	vsel vm6, $0x280, v30;
	v30 =	vsel vm6, $0x300, v32;
	v31 =	vsel vm10, $0x1080, v31  }
0x85: {  	v0 =	vsel vm8, $0x1080, v0;
	v1 =	vsel vm8, $0x1100, v1;
	v2 =	vsel vm8, $0x1180, v2  }
0x86: {  	v3 =	vsel vm8, $0x1200, v3;
	v4 =	vsel vm8, $0x1280, v4;
	v5 =	vsel vm8, $0x1300, v5  }
0x87: {  	v6 =	vsel vm8, $0x1380, v6;
	v7 =	vsel vm8, $0x2000, v7;
	v21 =	vsel vm8, $0x3300, v21  }
0x88: {  	v8 =	vsel vm10, $0x2100, v8;
	v9 =	vsel vm10, $0x2180, v9;
	v10 =	vsel vm10, $0x2200, v10  }
0x89: {  	v11 =	vsel vm10, $0x2280, v11;
	v12 =	vsel vm10, $0x2300, v12;
	v13 =	vsel vm10, $0x2380, v13  }
0x8a: {  	v14 =	vsel vm10, $0x3000, v14;
	v15 =	vsel vm10, $0x3080, v15;
	v16 =	vsel vm10, $0x3100, v16  }
0x8b: {  	v17 =	vsel vm10, $0x3180, v17;
	v18 =	vsel vm10, $0x3200, v18;
	v19 =	vsel vm10, $0x3280, v19  }
0x8c: {  	v20 =	vsel vm10, $0x3300, v20;
	v63 =	vnsel vm7, $0x1E0, v33;
	v34 =	vand.u32 $0xFF, v34  }
0x8d: {  	v23 =	vsel vm8, $0x0, v23;
	v24 =	vsel vm8, $0x80, v24;
	v25 =	vsel vm8, $0x100, v25  }
0x8e: {  	v26 =	vsel vm8, $0x180, v26;
	v27 =	vsel vm8, $0x200, v27;
	v28 =	vsel vm8, $0x280, v28  }
0x8f: {  	v29 =	vsel vm8, $0x300, v29;
	v30 =	vsel vm8, $0x380, v30;
	v31 =	vsel vm11, $0x1100, v31  }
0x90: {  	v0 =	vsel vm10, $0x1100, v0;
	v1 =	vsel vm10, $0x1180, v1;
	v2 =	vsel vm10, $0x1200, v2  }
0x91: {  	v3 =	vsel vm10, $0x1280, v3;
	v4 =	vsel vm10, $0x1300, v4;
	v5 =	vsel vm10, $0x1380, v5  }
0x92: {  	v6 =	vsel vm10, $0x2000, v6;
	v7 =	vsel vm10, $0x2080, v7;
	v21 =	vsel vm10, $0x3380, v21  }
0x93: {  	v8 =	vsel vm11, $0x2180, v8;
	v9 =	vsel vm11, $0x2200, v9;
	v10 =	vsel vm11, $0x2280, v10  }
0x94: {  	v11 =	vsel vm11, $0x2300, v11;
	v12 =	vsel vm11, $0x2380, v12;
	v13 =	vsel vm11, $0x3000, v13  }
0x95: {  	v14 =	vsel vm11, $0x3080, v14;
	v15 =	vsel vm11, $0x3100, v15;
	v16 =	vsel vm11, $0x3180, v16  }
0x96: {  	v17 =	vsel vm11, $0x3200, v17;
	v18 =	vsel vm11, $0x3280, v18;
	v19 =	vsel vm11, $0x3300, v19  }
0x97: {  	v20 =	vsel vm11, $0x3380, v20;
	v52 =	vand.u32 $0xFF, v35;
	v35 =	vunpack.c.0.s8.s32 v53  }
0x98: {  	v32 =	vsel vm9, v34, v63;
	v34 =	vunpack.c.0.s8.s32 v54;
	v63 =	vand.u32 $0xFF, v49  }
0x99: {  	v53 =	vimm.s32 $0xE1C0BF9E;
	v54 =	vimm.s32 $0xE2C1A09F;
	v23 =	vsel vm10, $0x80, v23  }
0x9a: {  	v24 =	vsel vm10, $0x100, v24;
	v25 =	vsel vm10, $0x180, v25;
	v26 =	vsel vm10, $0x200, v26  }
0x9b: {  	v27 =	vsel vm10, $0x280, v27;
	v28 =	vsel vm10, $0x300, v28;
	v29 =	vsel vm10, $0x380, v29  }
0x9c: {  	v30 =	vsel vm10, $0x1000, v30;
	v31 =	vsel vm12, $0x1180, v31;
	v0 =	vsel vm11, $0x1180, v0  }
0x9d: {  	v1 =	vsel vm11, $0x1200, v1;
	v2 =	vsel vm11, $0x1280, v2;
	v3 =	vsel vm11, $0x1300, v3  }
0x9e: {  	v4 =	vsel vm11, $0x1380, v4;
	v5 =	vsel vm11, $0x2000, v5;
	v6 =	vsel vm11, $0x2080, v6  }
0x9f: {  	v7 =	vsel vm11, $0x2100, v7;
	v21 =	vsel vm11, $0x0, v21;
	v8 =	vsel vm12, $0x2200, v8  }
0xa0: {  	v9 =	vsel vm12, $0x2280, v9;
	v10 =	vsel vm12, $0x2300, v10;
	v11 =	vsel vm12, $0x2380, v11  }
0xa1: {  	v12 =	vsel vm12, $0x3000, v12;
	v13 =	vsel vm12, $0x3080, v13;
	v14 =	vsel vm12, $0x3100, v14  }
0xa2: {  	v15 =	vsel vm12, $0x3180, v15;
	v16 =	vsel vm12, $0x3200, v16;
	v17 =	vsel vm12, $0x3280, v17  }
0xa3: {  	v18 =	vsel vm12, $0x3300, v18;
	v19 =	vsel vm12, $0x3380, v19;
	v20 =	vsel vm12, $0x0, v20  }
0xa4: {  	v33 =	vnsel vm7, $0x1E1, v52;
	v52 =	vimm.s32 $0xE0DFBE9D;
	v50 =	vunpack.c.0.s8.s32 v53  }
0xa5: {  	v32 =	vsel vm8, $0x119, v32;
	v23 =	vsel vm11, $0x100, v23;
	v24 =	vsel vm11, $0x180, v24  }
0xa6: {  	v25 =	vsel vm11, $0x200, v25;
	v26 =	vsel vm11, $0x280, v26;
	v27 =	vsel vm11, $0x300, v27  }
0xa7: {  	v28 =	vsel vm11, $0x380, v28;
	v29 =	vsel vm11, $0x1000, v29;
	v30 =	vsel vm11, $0x1080, v30  }
0xa8: {  	v31 =	vsel vm13, $0x1200, v31;
	v0 =	vsel vm12, $0x1200, v0;
	v1 =	vsel vm12, $0x1280, v1  }
0xa9: {  	v2 =	vsel vm12, $0x1300, v2;
	v3 =	vsel vm12, $0x1380, v3;
	v4 =	vsel vm12, $0x2000, v4  }
0xaa: {  	v5 =	vsel vm12, $0x2080, v5;
	v6 =	vsel vm12, $0x2100, v6;
	v7 =	vsel vm12, $0x2180, v7  }
0xab: {  	v21 =	vsel vm12, $0x80, v21;
	v8 =	vsel vm13, $0x2280, v8;
	v9 =	vsel vm13, $0x2300, v9  }
0xac: {  	v10 =	vsel vm13, $0x2380, v10;
	v11 =	vsel vm13, $0x3000, v11;
	v12 =	vsel vm13, $0x3080, v12  }
0xad: {  	v13 =	vsel vm13, $0x3100, v13;
	v14 =	vsel vm13, $0x3180, v14;
	v15 =	vsel vm13, $0x3200, v15  }
0xae: {  	v16 =	vsel vm13, $0x3280, v16;
	v17 =	vsel vm13, $0x3300, v17;
	v18 =	vsel vm13, $0x3380, v18  }
0xaf: {  	v19 =	vsel vm13, $0x0, v19;
	v20 =	vsel vm13, $0x80, v20;
	v35 =	vand.u32 $0xFF, v35  }
0xb0: {  	v33 =	vsel vm9, v36, v33;
	v34 =	vand.u32 $0xFF, v34;
	v36 =	vand.u32 $0xFF, v58  }
0xb1: {  	v49 =	vunpack.c.0.s8.s32 v52;
	v58 =	vimm.s32 $0xE3C2A180;
	v32 =	vsel vm10, $0x13A, v32  }
0xb2: {  	v23 =	vsel vm12, $0x180, v23;
	v24 =	vsel vm12, $0x200, v24;
	v25 =	vsel vm12, $0x280, v25  }
0xb3: {  	v26 =	vsel vm12, $0x300, v26;
	v27 =	vsel vm12, $0x380, v27;
	v28 =	vsel vm12, $0x1000, v28  }
0xb4: {  	v29 =	vsel vm12, $0x1080, v29;
	v30 =	vsel vm12, $0x1100, v30;
	v0 =	vsel vm13, $0x1280, v0  }
0xb5: {  	v1 =	vsel vm13, $0x1300, v1;
	v2 =	vsel vm13, $0x1380, v2;
	v3 =	vsel vm13, $0x2000, v3  }
0xb6: {  	v4 =	vsel vm13, $0x2080, v4;
	v5 =	vsel vm13, $0x2100, v5;
	v6 =	vsel vm13, $0x2180, v6  }
0xb7: {  	v7 =	vsel vm13, $0x2200, v7;
	v21 =	vsel vm13, $0x100, v21;
	v8 =	vsel vm14, $0x2300, v8  }
0xb8: {  	v9 =	vsel vm14, $0x2380, v9;
	v10 =	vsel vm14, $0x3000, v10;
	v11 =	vsel vm14, $0x3080, v11  }
0xb9: {  	v12 =	vsel vm14, $0x3100, v12;
	v13 =	vsel vm14, $0x3180, v13;
	v14 =	vsel vm14, $0x3200, v14  }
0xba: {  	v15 =	vsel vm14, $0x3280, v15;
	v16 =	vsel vm14, $0x3300, v16;
	v35 =	vnsel vm7, $0x1E2, v35  }
0xbb: {  	v36 =	vsel vm9, v36, v39;
	v39 =	vsel vm9, v63, v40;
	v56 =	vand.u32 $0xFF, v50  }
0xbc: {  	v40 =	vunpack.c.0.s8.s32 v54;
	v50 =	vunpack.c.0.s8.s32 v60;
	v63 =	vand.u32 $0xFF, v51  }
0xbd: {  	v33 =	vsel vm8, $0x11A, v33;
	v32 =	vsel vm11, $0x15B, v32;
	v54 =	vsel vm14, $0x1280, v31  }
0xbe: {  	v23 =	vsel vm13, $0x200, v23;
	v24 =	vsel vm13, $0x280, v24;
	v25 =	vsel vm13, $0x300, v25  }
0xbf: {  	v26 =	vsel vm13, $0x380, v26;
	v27 =	vsel vm13, $0x1000, v27;
	v28 =	vsel vm13, $0x1080, v28  }
0xc0: {  	v29 =	vsel vm13, $0x1100, v29;
	v30 =	vsel vm13, $0x1180, v30;
	v0 =	vsel vm14, $0x1300, v0  }
0xc1: {  	v1 =	vsel vm14, $0x1380, v1;
	v2 =	vsel vm14, $0x2000, v2;
	v3 =	vsel vm14, $0x2080, v3  }
0xc2: {  	v4 =	vsel vm14, $0x2100, v4;
	v5 =	vsel vm14, $0x2180, v5;
	v6 =	vsel vm14, $0x2200, v6  }
0xc3: {  	v7 =	vsel vm14, $0x2280, v7;
	v34 =	vsel vm9, v34, v35;
	v35 =	vsel vm9, v57, v37  }
0xc4: {  	v37 =	vsel vm9, v59, v38;
	v38 =	vand.u32 $0xFF, v62;
	v55 =	vand.u32 $0xFF, v49  }
0xc5: {  	v57 =	vsel vm9, v56, v43;
	v43 =	vunpack.c.0.s8.s32 v58;
	v59 =	vimm.s32 $0xE4C3A281  }
0xc6: {  	v36 =	vsel vm8, $0x11E, v36;
	v39 =	vsel vm8, $0x11F, v39;
	v33 =	vsel vm10, $0x13B, v33  }
0xc7: {  	v32 =	vsel vm12, $0x17C, v32;
	v53 =	vsel vm14, $0x280, v23;
	v27 =	vsel vm14, $0x1080, v27  }
0xc8: {  	v58 =	vsel vm14, $0x1100, v28;
	v23 =	vsel vm15, $0x1380, v0;
	v4 =	vsel vm15, $0x2180, v4  }
0xc9: {  	v5 =	vsel vm15, $0x2200, v5;
	v60 =	vsel vm15, $0x2280, v6;
	v0 =	vsel vm15, $0x2300, v7  }
0xca: {  	v56 =	vsel vm15, $0x2380, v8;
	v38 =	vsel vm9, v38, v41;
	v41 =	vsel vm9, v55, v42  }
0xcb: {  	v40 =	vand.u32 $0xFF, v40;
	v49 =	vunpack.c.0.s8.s32 v59;
	v62 =	vand.u32 $0xFF, v50  }
0xcc: {  	v35 =	vsel vm8, $0x11C, v35;
	v37 =	vsel vm8, $0x11D, v37;
	v42 =	vsel vm8, $0x102, v57  }
0xcd: {  	v36 =	vsel vm10, $0x13F, v36;
	v39 =	vsel vm10, $0x120, v39;
	v33 =	vsel vm11, $0x15C, v33  }
0xce: {  	v32 =	vsel vm13, $0x19D, v32;
	v57 =	vsel vm14, $0x3380, v17;
	v50 =	vsel vm14, $0x100, v20  }
0xcf: {  	v20 =	vsel vm14, $0x180, v21;
	v55 =	vsel vm14, $0x300, v24;
	v17 =	vsel vm14, $0x1000, v26  }
0xd0: {  	v59 =	vsel vm14, $0x1180, v29;
	v26 =	vsel vm14, $0x1200, v30;
	v21 =	vlaneseq.u32  }
0xd1: {  	v24 =	vsel vm15, $0x2000, v1;
	v29 =	vsel vm15, $0x2100, v3;
	v1 =	vsel vm15, $0x3000, v9  }
0xd2: {  	v3 =	vsel vm15, $0x3180, v12;
	v7 =	vsel vm15, $0x300, v53;
	v53 =	vsel vm15, $0x1100, v27  }
0xd3: {  	v43 =	vand.u32 $0xFF, v43;
	v40 =	vsel vm9, v40, v44;
	v38 =	vsel vm8, $0x100, v38  }
0xd4: {  	v41 =	vsel vm8, $0x101, v41;
	v35 =	vsel vm10, $0x13D, v35;
	v37 =	vsel vm10, $0x13E, v37  }
0xd5: {  	v42 =	vsel vm10, $0x123, v42;
	v36 =	vsel vm11, $0x140, v36;
	v39 =	vsel vm11, $0x141, v39  }
0xd6: {  	v33 =	vsel vm12, $0x17D, v33;
	[tilespmem:$0x1FCC0] =	vst v3;
	v3 =	vsel vm15, $0x3200, v13;
	v43 =	vsel vm9, v43, v45  }
0xd7: {  	v61 =	vand.u32 $0xFF, v49;
	v45 =	vsel vm9, v62, v47;
	v35 =	vsel vm11, $0x15E, v35  }
0xd8: {  	v37 =	vsel vm11, $0x15F, v37;
	v36 =	vsel vm12, $0x161, v36;
	[tilespmem:$0x1FCD0] =	vst v3;
	v3 =	vsel vm15, $0x3280, v14  }
0xd9: {  	[tilespmem:$0x1FCB0] =	vst v0;
	v44 =	vsel vm9, v61, v46;
	v46 =	vsel vm9, v63, v48;
	v35 =	vsel vm12, $0x17F, v35  }
0xda: {  	v37 =	vsel vm12, $0x160, v37;
	v61 =	vsel vm14, $0x80, v19;
	[tilespmem:$0x1FCE0] =	vst v3;
	v3 =	vsel vm15, $0x3300, v15  }
0xdb: {  	v36 =	vsel vm13, $0x182, v36;
	v48 =	vsel vm14, $0x0, v18;
	[tilespmem:$0x1FCF0] =	vst v3;
	v0 =	vsel vm15, $0x100, v61  }
0xdc: {  	v18 =	vsel vm14, $0x1BE, v32;
	v62 =	vsel vm14, $0x1A3, v36;
	[tilespmem:$0x1FD00] =	vst v0;
	v0 =	vsel vm15, $0x200, v20  }
0xdd: {  	v19 =	vmul.u32 $0x21, v21;
	v15 =	vmovc v1;
	v35 =	vsel vm13, $0x180, v35;
	v1 =	vsel vm15, $0x1C4, v62;
	[tilespmem:$0x1FD10] =	vst v0  }
0xde: {  	v37 =	vsel vm13, $0x181, v37;
	v35 =	vsel vm14, $0x1A1, v35;
	v0 =	vsel vm15, $0x1DF, v18;
	[tilespmem:$0x1FD40] =	vst v1  }
0xdf: {  	s0 =	rddreg [dreg:$0x0];
	v31 =	vsel vm14, $0x1A2, v37;
	v37 =	vsel vm14, $0x380, v25;
	[tilespmem:$0x1FD20] =	vst v0;
	v0 =	vsel vm15, $0x1C2, v35  }
0xe0: {  	s6 =	rddreg [dreg:$0x1];
	s3 =	simm.s32 $0x0;
	v8 =	vsel vm15, $0x380, v55;
	v6 =	vsel vm15, $0x1200, v59;
	[tilespmem:$0x1FD30] =	vst v0;
	v0 =	vsel vm15, $0x1000, v37  }
0xe1: {  	s2 =	srdreg.scid;
	[smem:$0x7FF] =	sst s3;
	v13 =	vsel vm15, $0x1280, v26;
	v39 =	vsel vm12, $0x162, v39;
	v1 =	vadd.s32 $0x5, v19;
	[tilespmem:$0x1FD50] =	vst v0  }
0xe2: {  	s5 =	sand.u32 $0x1, s2;
	s2 =	rddreg [dreg:$0x2];
	v40 =	vsel vm8, $0x103, v40;
	v39 =	vsel vm13, $0x183, v39;
	v27 =	vadd.s32 $0x1, v19;
	_ =	strace $0x80000047;
	[tilespmem:$0x1FD60] =	vst v1  }
0xe3: {  	v25 =	vsel vm15, $0x2080, v2;
	v2 =	vsel vm15, $0x3100, v11;
	v26 =	vadd.s32 $0x2, v19;
	[tilespmem:$0x1FD70] =	vst v27  }
0xe4: {  	v38 =	vsel vm10, $0x121, v38;
	v39 =	vsel vm14, $0x1A4, v39;
	v20 =	vadd.s32 $0x3, v19;
	[tilespmem:$0x1FD80] =	vst v26  }
0xe5: {  	v41 =	vsel vm10, $0x122, v41;
	v3 =	vsel vm15, $0x1C5, v39;
	v39 =	vadd.s32 $0x4, v19;
	[tilespmem:$0x1FD90] =	vst v20  }
0xe6: {  	v42 =	vsel vm11, $0x144, v42;
	v33 =	vsel vm13, $0x19E, v33;
	v49 =	vsel vm15, $0x3080, v10;
	v12 =	vmovc v2;
	v2 =	vmovc v29;
	[tilespmem:$0x1FDA0] =	vst v39  }
0xe7: {  	v10 =	vsel vm15, $0x1080, v17;
	v14 =	vsel vm15, $0x1180, v58;
	v43 =	vsel vm8, $0x104, v43;
	[tilespmem:$0x1FDC0] =	vst v2  }
0xe8: {  	v45 =	vsel vm8, $0x106, v45;
	v40 =	vsel vm10, $0x124, v40;
	v38 =	vsel vm11, $0x142, v38;
	[tilespmem:$0x1FDD0] =	vst v5  }
0xe9: {  	v41 =	vsel vm11, $0x143, v41;
	v42 =	vsel vm12, $0x165, v42;
	v32 =	vsel vm14, $0x1BF, v33;
	[tilespmem:$0x1FDE0] =	vst v60  }
0xea: {  	v43 =	vsel vm10, $0x125, v43;
	v45 =	vsel vm10, $0x127, v45;
	v40 =	vsel vm11, $0x145, v40;
	[tilespmem:$0x1FDF0] =	vst v4  }
0xeb: {  	v38 =	vsel vm12, $0x163, v38;
	v41 =	vsel vm12, $0x164, v41;
	v42 =	vsel vm13, $0x186, v42;
	[tilespmem:$0x1FE00] =	vst v14  }
0xec: {  	v43 =	vsel vm11, $0x146, v43;
	v45 =	vsel vm11, $0x148, v45;
	v40 =	vsel vm12, $0x166, v40;
	[tilespmem:$0x1FE10] =	vst v53  }
0xed: {  	v38 =	vsel vm13, $0x184, v38;
	v41 =	vsel vm13, $0x185, v41;
	v45 =	vsel vm12, $0x169, v45;
	[tilespmem:$0x1FE20] =	vst v10  }
0xee: {  	v43 =	vsel vm12, $0x167, v43;
	v40 =	vsel vm13, $0x187, v40;
	v45 =	vsel vm13, $0x18A, v45;
	[tilespmem:$0x1FE30] =	vst v7  }
0xef: {  	v43 =	vsel vm13, $0x188, v43;
	v33 =	vsel vm14, $0x1AB, v45;
	v37 =	vadd.s32 $0x6, v19;
	[tilespmem:$0x1FE40] =	vst v8  }
0xf0: {  	v30 =	vsel vm14, $0x1A6, v41;
	v41 =	vsel vm14, $0x1A9, v43;
	v11 =	vsel vm15, $0x1CC, v33;
	[tilespmem:$0x1FE60] =	vst v37  }
0xf1: {  	v28 =	vsel vm14, $0x1A5, v38;
	v38 =	vsel vm14, $0x1A8, v40;
	v59 =	vsel vm15, $0x1CA, v41;
	[tilespmem:$0x1FE70] =	vst v11  }
0xf2: {  	v63 =	vsel vm14, $0x1A7, v42;
	v43 =	vsel vm15, $0x3380, v16;
	v16 =	vsel vm15, $0x1C9, v38;
	[tilespmem:$0x1FE80] =	vst v59  }
0xf3: {  	v61 =	vsel vm15, $0x1C8, v63;
	[tilespmem:$0x1FE90] =	vst v16  }
0xf4: {  	v62 =	vsel vm15, $0x1C7, v30;
	[tilespmem:$0x1FEA0] =	vst v61  }
0xf5: {  	v9 =	vsel vm15, $0x1C6, v28;
	[tilespmem:$0x1FEB0] =	vst v62  }
0xf6: {  	[tilespmem:$0x1FEC0] =	vst v9  }
0xf7: {  	[tilespmem:$0x1FED0] =	vst v6  }
0xf8: {  	v22 =	vsel vm6, $0x3300, v22;
	[tilespmem:$0x1FEE0] =	vst v13  }
0xf9: {  	v22 =	vsel vm8, $0x3380, v22;
	v34 =	vsel vm8, $0x11B, v34;
	v17 =	vadd.s32 $0x10, v19;
	[tilespmem:$0x1FEF0] =	vst v3  }
0xfa: {  	v22 =	vsel vm10, $0x0, v22;
	v34 =	vsel vm10, $0x13C, v34;
	v58 =	vadd.s32 $0x7, v19;
	[tilespmem:$0x1FF00] =	vst v17  }
0xfb: {  	v34 =	vsel vm11, $0x15D, v34;
	v42 =	vsel vm15, $0x1C3, v31;
	v31 =	vadd.s32 $0xB, v19;
	[tilespmem:$0x1FF10] =	vst v58  }
0xfc: {  	v34 =	vsel vm12, $0x17E, v34;
	v18 =	vsel vm15, $0x1C0, v32;
	v32 =	vadd.s32 $0xC, v19;
	[tilespmem:$0x1FF20] =	vst v31  }
0xfd: {  	v22 =	vsel vm11, $0x80, v22;
	v34 =	vsel vm13, $0x19F, v34;
	v33 =	vadd.s32 $0xD, v19;
	[tilespmem:$0x1FF30] =	vst v32  }
0xfe: {  	v22 =	vsel vm12, $0x100, v22;
	v34 =	vsel vm14, $0x1A0, v34;
	v41 =	vadd.s32 $0xE, v19;
	[tilespmem:$0x1FF40] =	vst v33  }
0xff: {  	v22 =	vsel vm13, $0x180, v22;
	v29 =	vsel vm15, $0x1C1, v34;
	v34 =	vadd.s32 $0xF, v19;
	[tilespmem:$0x1FF50] =	vst v41  }
0x100: {  	v52 =	vsel vm14, $0x200, v22;
	v22 =	vsel vm15, $0x1300, v54;
	v54 =	vsel vm15, $0x0, v57;
	[tilespmem:$0x1FF60] =	vst v34  }
0x101: {  	[tilespmem:$0x1FF70] =	vst v54  }
0x102: {  	v40 =	vsel vm15, $0x80, v48;
	[tilespmem:$0x1FF80] =	vst v43  }
0x103: {  	v44 =	vsel vm8, $0x105, v44;
	v36 =	vsel vm15, $0x180, v50;
	[tilespmem:$0x1FF90] =	vst v40  }
0x104: {  	s1 =	stileid.u32;
	s11 =	simm.s32 $0x1000;
	v46 =	vsel vm8, $0x107, v46;
	v44 =	vsel vm10, $0x126, v44;
	v45 =	vsel vm15, $0x280, v52;
	[tilespmem:$0x1FFA0] =	vst v36  }
0x105: {  	s12 =	simm.s32 $0x7A1400;
	s13 =	simm.s32 $0x4000;
	s14 =	simm.s32 $0x1;
	v46 =	vsel vm10, $0x128, v46;
	v44 =	vsel vm11, $0x147, v44;
	[tilespmem:$0x1FFB0] =	vst v45  }
0x106: {  	s15 =	simm.s32 $0x8000;
	s16 =	simm.s32 $0xC000;
	s17 =	simm.s32 $0x3;
	v46 =	vsel vm11, $0x149, v46;
	v44 =	vsel vm12, $0x168, v44;
	[tilespmem:$0x1FFC0] =	vst v18  }
.Ltmp0:
0x107: {  	s18 =	simm.s32 $0x0;
	s4 =	sshll.u32 s1, $0x1;
	v46 =	vsel vm12, $0x16A, v46;
	v44 =	vsel vm13, $0x189, v44;
	[tilespmem:$0x1FFD0] =	vst v29;
	(pc) =	sbr.rel .LBB2_1-.Ltmp0, $4  }
0x108: {  	s6 =	sadd.s32 $0xC00, s6;
	s4 =	sor.u32 s5, s4;
	s7 =	ssub.s32 $0x2, s5;
	v46 =	vsel vm13, $0x18B, v46;
	v44 =	vsel vm14, $0x1AA, v44;
	[tilespmem:$0x1FFE0] =	vst v42  }
0x109: {  	s31 =	sshll.u32 s4, $0x9;
	s8 =	sshrl.u32 s7, $0x1;
	s9 =	sor.u32 $0x60, s4;
	v46 =	vsel vm14, $0x1AC, v46;
	v0 =	vsel vm15, $0x1CB, v44;
	[tilespmem:$0x1FFF0] =	vst v12  }
0x10a: {  	p0 =	sne.s32 s4, $0x0;
	s5 =	sadd.s32 s0, s31;
	s10 =	ssub.s32 s7, s8;
	v55 =	vsel vm15, $0x1CD, v46;
	[tilespmem:$0x1FDB0] =	vst v0  }
0x10b: {  	s8 =	sor.u32 $0x40, s4;
	s7 =	sadd.s32 $0x4000, s5;
	s10 =	smax.u32 s10, $0x1;
	v50 =	vadd.s32 $0x9, v19;
	v63 =	vadd.s32 $0x8, v19;
	v44 =	vadd.s32 $0xA, v19;
	[tilespmem:$0x1FE50] =	vst v55  }
.LBB2_9:
0x10c: {  	s18 =	sadd.s32 $0x1, s18  }
0x10d: {  	_ =	swait.ge [sflag:s17], $0x4000;
	p1 =	sne.s32 s18, s10  }
.Ltmp1:
0x10e: {  	[sflag:s17] =	ssyncset.done $0x0;
	(pc) =	sbr.rel @!p1 .LBB2_10-.Ltmp1, $4  }
0x10f: {  	s19 =	simm.s32 @!p0 $0x4;
	[sflag:s17] =	ssyncadd.s32 $0xFFFFC000  }
0x110: {  	_ =	swait.ge @!p0 [sflag:s19], $0x4000  }
0x111: {  	[sflag:s19] =	ssyncset.done @!p0 $0x0  }
0x112: {  	[sflag:s19] =	ssyncadd.s32 @!p0 $0xFFFFC000  }
.LBB2_1:
.Ltmp2:
0x113: {  	(pc) =	sbr.rel .LBB2_2-.Ltmp2, $4  }
0x114: {  	_ = 	snop  }
0x115: {  	[tilespmem:s3], [sflag:$0x1] =	stream.strided.gather [hbm4b:s5+s11], $0x4000, s12, s11, $0x38;
	[tilespmem:$0x10000] =	vst v63  }
0x116: {  	s19 =	simm.s32 $0x0  }
0x117: {  	[tilespmem:s13], [sflag:$0x2] =	stream.strided.gather [hbm4b:s7+s11], $0x4000, s12, s11, $0x38;
	[tilespmem:$0x10000] =	vst v63  }
.LBB2_8:
0x118: {  	s20 =	sadd.s32 s9, s20  }
0x119: {  	p1 =	sgt.u32 s20, $0x7A0  }
0x11a: {  	s19 =	sadd.s32 $0x1, s19;
	s20 =	sshll.u32 @!p1 s20, $0x9;
	s21 =	simm.s32 @!p1 $0x1000  }
0x11b: {  	s22 =	simm.s32 @!p1 $0x7A1400;
	s23 =	simm.s32 @!p1 $0x4000;
	s20 =	sadd.s32 @!p1 s0, s20  }
0x11c: {  	[tilespmem:s23], [sflag:$0x2] =	stream.strided.gather @!p1 [hbm4b:s20+s21], $0x4000, s22, s21, $0x38;
	[tilespmem:$0x10000] =	vst v63  }
0x11d: {  	p1 =	sne.s32 s19, $0x1F  }
.Ltmp3:
0x11e: {  	_ = 	snop;
	(pc) =	sbr.rel @!p1 .LBB2_9-.Ltmp3, $4  }
0x11f: {  	v27 =	vld [tilespmem:$0x1FD70]  }
0x120: {  	v26 =	vld [tilespmem:$0x1FD80]  }
0x121: {  	v34 =	vmov v15;
	v20 =	vld [tilespmem:$0x1FD90]  }
0x122: {  	v39 =	vld [tilespmem:$0x1FDA0];
	v54 =	vmovc v43;
	v29 =	vmovc v55;
	v15 =	vmov v30;
	v42 =	vmov v51;
	v43 =	vmov v57  }
.LBB2_2:
0x123: {  	_ =	swait.ge [sflag:s14], $0x4000  }
0x124: {  	p1 =	seq.s32 s19, $0x0;
	[sflag:s14] =	ssyncset.done $0x0  }
0x125: {  	s20 =	simm.s32 @!p1 $0x3;
	[sflag:s14] =	ssyncadd.s32 $0xFFFFC000  }
0x126: {  	_ =	swait.ge @!p1 [sflag:s20], $0x4000  }
0x127: {  	s23 =	simm.s32 $0x0;
	v38 =	vld [tilespmem:$0x1FCB0]  }
0x128: {  	v59 =	vmovc v15;
	v1 =	vmov s23;
	v15 =	vor.u32 s23, v26;
	v26 =	vmov v31;
	v31 =	vld [tilespmem:$0x1FCE0]  }
0x129: {  	v0 =	vmov v2;
	v2 =	vor.u32 s23, v21;
	v1 =	vshll.u32 v1, $0x3;
	v52 =	vld [tilespmem:$0x1FCF0]  }
0x12a: {  	v2 =	vand.u32 $0x7F, v2;
	v1 =	vand.u32 $0xC00, v1;
	v55 =	vld [tilespmem:$0x1FD00]  }
0x12b: {  	v2 =	vor.u32 v1, v2;
	v61 =	vld [tilespmem:$0x1FD10]  }
0x12c: {  	v28 =	vmov v32;
	v32 =	vmov v56;
	v56 =	vld [tilespmem:$0x1FD20];
	v1 =	vor.u32 v4, v2  }
0x12d: {  	v51 =	vld [tilespmem:$0x1FCC0];
	v3 =	vor.u32 v5, v2  }
0x12e: {  	v47 =	vmov v50;
	v50 =	vld [tilespmem:$0x1FD30];
	v4 =	vor.u32 v22, v2  }
0x12f: {  	v35 =	vmov v40;
	[sflag:s20] =	ssyncset.done @!p1 $0x0;
	v40 =	vld [tilespmem:$0x1FD50];
	v5 =	vor.u32 v23, v2  }
0x130: {  	v46 =	vmovc v36;
	v36 =	vmov v44;
	v44 =	vmov v41;
	v41 =	vld [tilespmem:$0x1FD60];
	[sflag:s20] =	ssyncadd.s32 @!p1 $0xFFFFC000;
	v6 =	vor.u32 v24, v2  }
0x131: {  	v9 =	vor.u32 v25, v2;
	v13 =	vld.idx.msk [tilespmem:v1+s3+$0x0], $0xffff  }
0x132: {  	v14 =	vor.u32 v0, v2;
	v11 =	vld.idx.msk [tilespmem:v3+s3+$0x0], $0xffff  }
0x133: {  	v10 =	vld.idx.msk [tilespmem:v4+s3+$0x0], $0xffff  }
0x134: {  	v30 =	vmov v33;
	v33 =	vmov v49;
	v7 =	vld.idx.msk [tilespmem:v5+s3+$0x0], $0xffff  }
0x135: {  	v62 =	vmovc v12;
	v53 =	vmovc v54;
	v48 =	vmov v18;
	v54 =	vmov v29;
	v49 =	vmov v58;
	v8 =	vld.idx.msk [tilespmem:v6+s3+$0x0], $0xffff  }
0x136: {  	s22 =	simm.s32 $0x200;
	v57 =	vmovc v63;
	v58 =	vmovc v17;
	v16 =	vor.u32 s23, v19;
	v12 =	vor.u32 s23, v27;
	v63 =	vmov v28;
	v6 =	vld.idx.msk [tilespmem:v9+s3+$0x0], $0xffff  }
0x137: {  	s24 =	simm.s32 $0x10;
	s20 =	sshll.u32 s19, $0x6;
	v0 =	vmovc v45;
	v45 =	vmovc v30;
	v30 =	vmov v34;
	v3 =	vor.u32 s23, v39;
	v1 =	vor.u32 s22, v39;
	v9 =	vld.idx.msk [tilespmem:v14+s3+$0x0], $0xffff  }
0x138: {  	s25 =	simm.s32 $0x20;
	s26 =	simm.s32 $0x400;
	s21 =	sor.u32 s4, s20;
	v4 =	vor.u32 v60, v2;
	v5 =	vor.u32 s23, v20;
	v14 =	vor.u32 s23, v37;
	v37 =	vld [tilespmem:$0x1FCD0];
	v60 =	vmovc v43;
	v43 =	vmovc v26  }
.LBB2_3:
0x139: {  	_ =	sdelay $0x3  }
0x13a: {  	v34 =	vmov v19;
	v19 =	vld.idx.msk [tilespmem:v4+s3+$0x0], $0xffff;
	[tilespmem:v16+s15+$0x0] =	vst.idx.msk $0xffff, v10  }
0x13b: {  	[tilespmem:v12+s15+$0x0] =	vst.idx.msk $0xffff, v7  }
0x13c: {  	[tilespmem:v15+s15+$0x0] =	vst.idx.msk $0xffff, v8  }
0x13d: {  	[tilespmem:v5+s15+$0x0] =	vst.idx.msk $0xffff, v6  }
0x13e: {  	v20 =	vor.u32 s23, v41;
	[tilespmem:v3+s15+$0x0] =	vst.idx.msk $0xffff, v9;
	v3 =	vmov v1;
	v1 =	vld [tilespmem:$0x1FDD0]  }
0x13f: {  	v18 =	vmov s24  }
0x140: {  	v4 =	vor.u32 s24, v21;
	v18 =	vshll.u32 v18, $0x3;
	v15 =	vor.u32 s23, v49  }
0x141: {  	v21 =	vor.u32 v59, v2;
	v4 =	vand.u32 $0x7F, v4;
	v10 =	vand.u32 $0xC00, v18  }
0x142: {  	v18 =	vor.u32 v32, v2;
	v12 =	vor.u32 v10, v4;
	v4 =	vld [tilespmem:$0x1FDC0]  }
0x143: {  	v16 =	vor.u32 v38, v2;
	[tilespmem:v20+s15+$0x0] =	vst.idx.msk $0xffff, v13;
	v10 =	vor.u32 v1, v12;
	v1 =	vld [tilespmem:$0x1FDE0]  }
0x144: {  	v13 =	vor.u32 v33, v2;
	[tilespmem:v14+s15+$0x0] =	vst.idx.msk $0xffff, v11  }
0x145: {  	v20 =	vor.u32 v31, v2;
	[tilespmem:v15+s15+$0x0] =	vst.idx.msk $0xffff, v19  }
0x146: {  	v14 =	vor.u32 v62, v2;
	v15 =	vld.idx.msk [tilespmem:v21+s3+$0x0], $0xffff  }
0x147: {  	v17 =	vor.u32 s26, v39;
	v5 =	vor.u32 v4, v12;
	v19 =	vor.u32 v37, v2;
	v18 =	vld.idx.msk [tilespmem:v18+s3+$0x0], $0xffff  }
0x148: {  	v16 =	vld.idx.msk [tilespmem:v16+s3+$0x0], $0xffff;
	v21 =	vor.u32 s23, v57;
	v4 =	vor.u32 v1, v12;
	v1 =	vmovc v17;
	v17 =	vor.u32 v51, v2  }
0x149: {  	v26 =	vmov v22;
	v8 =	vor.u32 v22, v12;
	v22 =	vor.u32 s23, v47;
	v13 =	vld.idx.msk [tilespmem:v13+s3+$0x0], $0xffff  }
0x14a: {  	v27 =	vmov v23;
	v7 =	vor.u32 v23, v12;
	v23 =	vor.u32 s23, v36;
	v20 =	vld.idx.msk [tilespmem:v20+s3+$0x0], $0xffff  }
0x14b: {  	v28 =	vmov v24;
	v9 =	vor.u32 v24, v12;
	v24 =	vor.u32 s23, v43;
	v14 =	vld.idx.msk [tilespmem:v14+s3+$0x0], $0xffff  }
0x14c: {  	v29 =	vmov v25;
	v6 =	vor.u32 v25, v12;
	v25 =	vor.u32 s23, v63;
	v19 =	vld.idx.msk [tilespmem:v19+s3+$0x0], $0xffff  }
0x14d: {  	v17 =	vld.idx.msk [tilespmem:v17+s3+$0x0], $0xffff;
	[tilespmem:v21+s15+$0x0] =	vst.idx.msk $0xffff, v16;
	v16 =	vor.u32 s23, v45  }
0x14e: {  	[tilespmem:v22+s15+$0x0] =	vst.idx.msk $0xffff, v18;
	v18 =	vor.u32 s23, v44  }
0x14f: {  	[tilespmem:v23+s15+$0x0] =	vst.idx.msk $0xffff, v15;
	v15 =	vor.u32 s23, v30  }
0x150: {  	[tilespmem:v24+s15+$0x0] =	vst.idx.msk $0xffff, v13;
	v13 =	vor.u32 v53, v2  }
0x151: {  	[tilespmem:v25+s15+$0x0] =	vst.idx.msk $0xffff, v14;
	v14 =	vor.u32 v60, v2  }
0x152: {  	[tilespmem:v16+s15+$0x0] =	vst.idx.msk $0xffff, v17;
	v16 =	vor.u32 v52, v2  }
0x153: {  	v17 =	vor.u32 v35, v2;
	[tilespmem:v18+s15+$0x0] =	vst.idx.msk $0xffff, v19  }
0x154: {  	v18 =	vor.u32 v46, v2;
	[tilespmem:v15+s15+$0x0] =	vst.idx.msk $0xffff, v20  }
0x155: {  	v19 =	vor.u32 v0, v2;
	v13 =	vld.idx.msk [tilespmem:v13+s3+$0x0], $0xffff  }
0x156: {  	v15 =	vor.u32 v55, v2;
	v14 =	vld.idx.msk [tilespmem:v14+s3+$0x0], $0xffff  }
0x157: {  	v21 =	vor.u32 s23, v58;
	v20 =	vor.u32 v61, v2;
	v16 =	vld.idx.msk [tilespmem:v16+s3+$0x0], $0xffff  }
0x158: {  	v22 =	vor.u32 s23, v56;
	v17 =	vld.idx.msk [tilespmem:v17+s3+$0x0], $0xffff  }
0x159: {  	v18 =	vld.idx.msk [tilespmem:v18+s3+$0x0], $0xffff  }
0x15a: {  	v23 =	vor.u32 s23, v48;
	v19 =	vld.idx.msk [tilespmem:v19+s3+$0x0], $0xffff  }
0x15b: {  	v15 =	vld.idx.msk [tilespmem:v15+s3+$0x0], $0xffff  }
0x15c: {  	v20 =	vld.idx.msk [tilespmem:v20+s3+$0x0], $0xffff;
	[tilespmem:v21+s15+$0x0] =	vst.idx.msk $0xffff, v16  }
0x15d: {  	[tilespmem:v22+s15+$0x0] =	vst.idx.msk $0xffff, v14;
	v14 =	vld [tilespmem:$0x1FD40];
	_ =	sdelay $0x1  }
0x15e: {  	v24 =	vor.u32 s23, v54;
	[tilespmem:v23+s15+$0x0] =	vst.idx.msk $0xffff, v13;
	v13 =	vld [tilespmem:$0x1FEF0]  }
0x15f: {  	v25 =	vor.u32 s23, v50  }
0x160: {  	v16 =	vor.u32 s23, v42  }
0x161: {  	v14 =	vor.u32 s23, v14;
	_ =	sdelay $0x1  }
0x162: {  	[tilespmem:v24+s15+$0x0] =	vst.idx.msk $0xffff, v17;
	v13 =	vor.u32 s23, v13  }
0x163: {  	v21 =	vld [tilespmem:$0x1FE40];
	[tilespmem:v25+s15+$0x0] =	vst.idx.msk $0xffff, v15  }
0x164: {  	v17 =	vor.u32 v40, v2;
	v15 =	vld [tilespmem:$0x1FE30];
	[tilespmem:v16+s15+$0x0] =	vst.idx.msk $0xffff, v18  }
0x165: {  	[tilespmem:v14+s15+$0x0] =	vst.idx.msk $0xffff, v20;
	v14 =	vld [tilespmem:$0x1FE20]  }
0x166: {  	v20 =	vld [tilespmem:$0x1FED0]  }
0x167: {  	[tilespmem:v13+s15+$0x0] =	vst.idx.msk $0xffff, v19;
	v13 =	vld [tilespmem:$0x1FE10]  }
0x168: {  	v19 =	vld [tilespmem:$0x1FEE0]  }
0x169: {  	v16 =	vld.idx.msk [tilespmem:v17+s3+$0x0], $0xffff  }
0x16a: {  	v17 =	vld [tilespmem:$0x1FE00];
	_ =	sdelay $0x2  }
0x16b: {  	v21 =	vor.u32 v21, v2  }
0x16c: {  	v11 =	vld [tilespmem:$0x1FDF0];
	v15 =	vor.u32 v15, v2;
	v14 =	vor.u32 v14, v2;
	v20 =	vor.u32 v20, v2  }
0x16d: {  	v13 =	vor.u32 v13, v2;
	v19 =	vor.u32 v19, v2;
	v17 =	vor.u32 v17, v2;
	v2 =	vld [tilespmem:$0x1FEC0];
	_ =	sdelay $0x2  }
0x16e: {  	v22 =	vld [tilespmem:$0x1FEA0]  }
0x16f: {  	v18 =	vld.idx.msk [tilespmem:v21+s3+$0x0], $0xffff  }
0x170: {  	v11 =	vor.u32 v11, v12;
	v21 =	vor.u32 s23, v2;
	v2 =	vmov v12;
	v12 =	vld.idx.msk [tilespmem:v14+s3+$0x0], $0xffff  }
0x171: {  	v14 =	vld [tilespmem:$0x1FEB0]  }
0x172: {  	v23 =	vld [tilespmem:$0x1FE90]  }
0x173: {  	v24 =	vld [tilespmem:$0x1FE80]  }
0x174: {  	v25 =	vld [tilespmem:$0x1FDB0]  }
0x175: {  	v15 =	vld.idx.msk [tilespmem:v15+s3+$0x0], $0xffff  }
0x176: {  	v20 =	vld.idx.msk [tilespmem:v20+s3+$0x0], $0xffff;
	v14 =	vor.u32 s23, v14  }
0x177: {  	v13 =	vld.idx.msk [tilespmem:v13+s3+$0x0], $0xffff  }
0x178: {  	v19 =	vld.idx.msk [tilespmem:v19+s3+$0x0], $0xffff  }
0x179: {  	v17 =	vld.idx.msk [tilespmem:v17+s3+$0x0], $0xffff  }
0x17a: {  	[tilespmem:v21+s15+$0x0] =	vst.idx.msk $0xffff, v15;
	v15 =	vld [tilespmem:$0x1FE70]  }
0x17b: {  	v22 =	vor.u32 s23, v22;
	[tilespmem:v14+s15+$0x0] =	vst.idx.msk $0xffff, v18;
	v14 =	vld [tilespmem:$0x1FE50]  }
0x17c: {  	v23 =	vor.u32 s23, v23  }
0x17d: {  	v24 =	vor.u32 s23, v24  }
0x17e: {  	v25 =	vor.u32 s23, v25  }
0x17f: {  	v15 =	vor.u32 s23, v15  }
0x180: {  	[tilespmem:v22+s15+$0x0] =	vst.idx.msk $0xffff, v16;
	v14 =	vor.u32 s23, v14  }
0x181: {  	[tilespmem:v23+s15+$0x0] =	vst.idx.msk $0xffff, v12  }
0x182: {  	[tilespmem:v24+s15+$0x0] =	vst.idx.msk $0xffff, v13  }
0x183: {  	[tilespmem:v25+s15+$0x0] =	vst.idx.msk $0xffff, v17  }
0x184: {  	[tilespmem:v15+s15+$0x0] =	vst.idx.msk $0xffff, v20  }
0x185: {  	[tilespmem:v14+s15+$0x0] =	vst.idx.msk $0xffff, v19  }
0x186: {  	v13 =	vld.idx.msk [tilespmem:v11+s3+$0x0], $0xffff  }
0x187: {  	v11 =	vld.idx.msk [tilespmem:v10+s3+$0x0], $0xffff  }
0x188: {  	v10 =	vld.idx.msk [tilespmem:v8+s3+$0x0], $0xffff  }
0x189: {  	v8 =	vld.idx.msk [tilespmem:v9+s3+$0x0], $0xffff  }
0x18a: {  	v9 =	vld [tilespmem:$0x1FD70];
	_ =	sdelay $0x3  }
0x18b: {  	s23 =	smov.u32 s22  }
0x18c: {  	v12 =	vor.u32 s23, v9;
	v9 =	vld [tilespmem:$0x1FD80];
	_ =	sdelay $0x3  }
0x18d: {  	v14 =	vld [tilespmem:$0x1FE60]  }
0x18e: {  	v15 =	vor.u32 s23, v9;
	v9 =	vld.idx.msk [tilespmem:v5+s3+$0x0], $0xffff  }
0x18f: {  	p2 =	sne.s32 s25, $0x1F0;
	v5 =	vld [tilespmem:$0x1FD90]  }
.Ltmp4:
0x190: {  	_ = 	snop;
	(pc) =	sbr.rel @p2 .LBB2_3-.Ltmp4, $3  }
0x191: {  	_ =	sdelay $0x1  }
0x192: {  	s28 =	smov.u32 s25;
	s25 =	sadd.s32 $0x10, s25;
	v21 =	vlaneseq.u32;
	v22 =	vmovc v26;
	v23 =	vmov v27;
	v24 =	vmov v28;
	v7 =	vld.idx.msk [tilespmem:v7+s3+$0x0], $0xffff  }
0x193: {  	s24 =	smov.u32 s28;
	v25 =	vmovc v29;
	s22 =	smov.u32 s26;
	s26 =	sadd.s32 $0x200, s26;
	v16 =	vor.u32 s23, v34;
	v19 =	vmovc v34;
	v6 =	vld.idx.msk [tilespmem:v6+s3+$0x0], $0xffff;
	v14 =	vor.u32 s23, v14;
	v5 =	vor.u32 s23, v5  }
0x194: {  	_ =	sdelay $0x3  }
0x195: {  	v4 =	vld.idx.msk [tilespmem:v4+s3+$0x0], $0xffff;
	[tilespmem:v16+s15+$0x0] =	vst.idx.msk $0xffff, v10;
	v16 =	vmov v41;
	v41 =	vor.u32 s23, v41  }
0x196: {  	[tilespmem:v12+s15+$0x0] =	vst.idx.msk $0xffff, v7  }
0x197: {  	v7 =	vor.u32 s23, v49;
	[tilespmem:v15+s15+$0x0] =	vst.idx.msk $0xffff, v8  }
0x198: {  	v8 =	vor.u32 v59, v2;
	[tilespmem:v5+s15+$0x0] =	vst.idx.msk $0xffff, v6  }
0x199: {  	v5 =	vor.u32 v32, v2;
	[tilespmem:v3+s15+$0x0] =	vst.idx.msk $0xffff, v9  }
0x19a: {  	v3 =	vor.u32 v38, v2;
	[tilespmem:v41+s15+$0x0] =	vst.idx.msk $0xffff, v13  }
0x19b: {  	v6 =	vor.u32 v33, v2;
	[tilespmem:v14+s15+$0x0] =	vst.idx.msk $0xffff, v11  }
0x19c: {  	v9 =	vor.u32 v37, v2;
	[tilespmem:v7+s15+$0x0] =	vst.idx.msk $0xffff, v4  }
0x19d: {  	v4 =	vor.u32 v62, v2;
	v7 =	vld.idx.msk [tilespmem:v8+s3+$0x0], $0xffff  }
0x19e: {  	v41 =	vmov v62;
	v62 =	vor.u32 v31, v2;
	v5 =	vld.idx.msk [tilespmem:v5+s3+$0x0], $0xffff  }
0x19f: {  	v18 =	vmov v59;
	v59 =	vor.u32 s23, v57;
	v8 =	vor.u32 v51, v2;
	v3 =	vld.idx.msk [tilespmem:v3+s3+$0x0], $0xffff  }
0x1a0: {  	v12 =	vor.u32 s23, v47;
	v6 =	vld.idx.msk [tilespmem:v6+s3+$0x0], $0xffff  }
0x1a1: {  	v13 =	vor.u32 s23, v36;
	v9 =	vld.idx.msk [tilespmem:v9+s3+$0x0], $0xffff  }
0x1a2: {  	v14 =	vor.u32 s23, v43;
	v4 =	vld.idx.msk [tilespmem:v4+s3+$0x0], $0xffff  }
0x1a3: {  	v15 =	vor.u32 s23, v63;
	v10 =	vld.idx.msk [tilespmem:v62+s3+$0x0], $0xffff  }
0x1a4: {  	v8 =	vld.idx.msk [tilespmem:v8+s3+$0x0], $0xffff;
	[tilespmem:v59+s15+$0x0] =	vst.idx.msk $0xffff, v3;
	v3 =	vor.u32 s23, v45  }
0x1a5: {  	[tilespmem:v12+s15+$0x0] =	vst.idx.msk $0xffff, v5;
	v5 =	vor.u32 s23, v44  }
0x1a6: {  	[tilespmem:v13+s15+$0x0] =	vst.idx.msk $0xffff, v7;
	v7 =	vor.u32 s23, v30  }
0x1a7: {  	[tilespmem:v14+s15+$0x0] =	vst.idx.msk $0xffff, v6;
	v6 =	vor.u32 v53, v2  }
0x1a8: {  	v62 =	vor.u32 v0, v2;
	[tilespmem:v15+s15+$0x0] =	vst.idx.msk $0xffff, v4  }
0x1a9: {  	[tilespmem:v3+s15+$0x0] =	vst.idx.msk $0xffff, v8;
	v3 =	vor.u32 v52, v2  }
0x1aa: {  	v4 =	vor.u32 v60, v2;
	[tilespmem:v5+s15+$0x0] =	vst.idx.msk $0xffff, v9  }
0x1ab: {  	v63 =	vor.u32 v61, v2;
	v0 =	vld [tilespmem:$0x1FEF0];
	[tilespmem:v7+s15+$0x0] =	vst.idx.msk $0xffff, v10  }
0x1ac: {  	v60 =	vor.u32 v46, v2;
	v6 =	vld.idx.msk [tilespmem:v6+s3+$0x0], $0xffff  }
0x1ad: {  	v5 =	vor.u32 v35, v2;
	v9 =	vld.idx.msk [tilespmem:v62+s3+$0x0], $0xffff  }
0x1ae: {  	v43 =	vor.u32 s23, v58;
	v7 =	vor.u32 v55, v2;
	v3 =	vld.idx.msk [tilespmem:v3+s3+$0x0], $0xffff  }
0x1af: {  	v12 =	vor.u32 s23, v56;
	v4 =	vld.idx.msk [tilespmem:v4+s3+$0x0], $0xffff  }
0x1b0: {  	v13 =	vor.u32 s23, v48;
	v10 =	vld.idx.msk [tilespmem:v63+s3+$0x0], $0xffff  }
0x1b1: {  	v8 =	vld.idx.msk [tilespmem:v60+s3+$0x0], $0xffff  }
0x1b2: {  	v5 =	vld.idx.msk [tilespmem:v5+s3+$0x0], $0xffff  }
0x1b3: {  	v7 =	vld.idx.msk [tilespmem:v7+s3+$0x0], $0xffff;
	[tilespmem:v43+s15+$0x0] =	vst.idx.msk $0xffff, v3  }
0x1b4: {  	[tilespmem:v12+s15+$0x0] =	vst.idx.msk $0xffff, v4  }
0x1b5: {  	[tilespmem:v13+s15+$0x0] =	vst.idx.msk $0xffff, v6;
	v6 =	vor.u32 s23, v0;
	v0 =	vld [tilespmem:$0x1FE30];
	_ =	sdelay $0x2  }
0x1b6: {  	v14 =	vor.u32 s23, v54  }
0x1b7: {  	v54 =	vld [tilespmem:$0x1FD40];
	v15 =	vor.u32 s23, v50  }
0x1b8: {  	v3 =	vor.u32 s23, v42;
	v44 =	vor.u32 v0, v2;
	v0 =	vld [tilespmem:$0x1FE20];
	_ =	sdelay $0x2  }
0x1b9: {  	[tilespmem:v14+s15+$0x0] =	vst.idx.msk $0xffff, v5  }
0x1ba: {  	[tilespmem:v15+s15+$0x0] =	vst.idx.msk $0xffff, v7  }
0x1bb: {  	v4 =	vor.u32 s23, v54;
	[tilespmem:v3+s15+$0x0] =	vst.idx.msk $0xffff, v8;
	v3 =	vor.u32 v0, v2;
	v0 =	vld [tilespmem:$0x1FE10];
	_ =	sdelay $0x4  }
0x1bc: {  	[tilespmem:v4+s15+$0x0] =	vst.idx.msk $0xffff, v10;
	v4 =	vor.u32 v0, v2;
	v0 =	vld [tilespmem:$0x1FE00]  }
0x1bd: {  	v17 =	vmov v61;
	v61 =	vld [tilespmem:$0x1FEA0]  }
0x1be: {  	v56 =	vld [tilespmem:$0x1FE40]  }
0x1bf: {  	v59 =	vld [tilespmem:$0x1FE80]  }
0x1c0: {  	v35 =	vmov v58;
	v58 =	vld [tilespmem:$0x1FDB0]  }
0x1c1: {  	[tilespmem:v6+s15+$0x0] =	vst.idx.msk $0xffff, v9;
	v6 =	vor.u32 v0, v2;
	v0 =	vld [tilespmem:$0x1FEE0]  }
0x1c2: {  	v62 =	vld [tilespmem:$0x1FEB0];
	v5 =	vor.u32 v40, v2  }
0x1c3: {  	v63 =	vld [tilespmem:$0x1FE90];
	v14 =	vmov s24;
	v7 =	vor.u32 v56, v2  }
0x1c4: {  	v39 =	vmovc v33;
	v33 =	vmov v47;
	v47 =	vmov v40;
	v40 =	vld [tilespmem:$0x1FED0];
	v52 =	vshll.u32 v14, $0x3  }
0x1c5: {  	v20 =	vmov v57;
	v57 =	vand.u32 $0xC00, v52;
	v52 =	vld [tilespmem:$0x1FE70]  }
0x1c6: {  	v45 =	vor.u32 v0, v2;
	v0 =	vld [tilespmem:$0x1FEC0]  }
0x1c7: {  	v5 =	vld.idx.msk [tilespmem:v5+s3+$0x0], $0xffff  }
0x1c8: {  	v7 =	vld.idx.msk [tilespmem:v7+s3+$0x0], $0xffff  }
0x1c9: {  	v9 =	vld.idx.msk [tilespmem:v44+s3+$0x0], $0xffff;
	v2 =	vor.u32 v40, v2  }
0x1ca: {  	v3 =	vld.idx.msk [tilespmem:v3+s3+$0x0], $0xffff  }
0x1cb: {  	v4 =	vld.idx.msk [tilespmem:v4+s3+$0x0], $0xffff;
	v46 =	vor.u32 s23, v0  }
0x1cc: {  	v6 =	vld.idx.msk [tilespmem:v6+s3+$0x0], $0xffff  }
0x1cd: {  	v8 =	vld.idx.msk [tilespmem:v45+s3+$0x0], $0xffff  }
0x1ce: {  	v48 =	vor.u32 s23, v62;
	v2 =	vld.idx.msk [tilespmem:v2+s3+$0x0], $0xffff  }
0x1cf: {  	v12 =	vor.u32 s23, v61;
	v0 =	vld [tilespmem:$0x1FDF0]  }
0x1d0: {  	v13 =	vor.u32 s23, v63;
	[tilespmem:v46+s15+$0x0] =	vst.idx.msk $0xffff, v9;
	v46 =	vld [tilespmem:$0x1FE50]  }
0x1d1: {  	v15 =	vor.u32 s23, v59  }
0x1d2: {  	v53 =	vmov v50;
	v50 =	vor.u32 s24, v21;
	v14 =	vor.u32 s23, v58  }
0x1d3: {  	v60 =	vor.u32 s23, v52;
	[tilespmem:v48+s15+$0x0] =	vst.idx.msk $0xffff, v7;
	v7 =	vand.u32 $0x7F, v50  }
0x1d4: {  	v7 =	vor.u32 v57, v7;
	[tilespmem:v12+s15+$0x0] =	vst.idx.msk $0xffff, v5;
	v57 =	vld [tilespmem:$0x1FDC0]  }
0x1d5: {  	v5 =	vor.u32 v0, v7;
	[tilespmem:v13+s15+$0x0] =	vst.idx.msk $0xffff, v3;
	v0 =	vld [tilespmem:$0x1FDD0];
	v42 =	vor.u32 s23, v46  }
0x1d6: {  	v12 =	vld [tilespmem:$0x1FD70];
	[tilespmem:v15+s15+$0x0] =	vst.idx.msk $0xffff, v4  }
0x1d7: {  	v13 =	vld [tilespmem:$0x1FD80];
	v4 =	vor.u32 v22, v7;
	[tilespmem:v14+s15+$0x0] =	vst.idx.msk $0xffff, v6  }
0x1d8: {  	v6 =	vor.u32 v23, v7;
	[tilespmem:v60+s15+$0x0] =	vst.idx.msk $0xffff, v2;
	v60 =	vld [tilespmem:$0x1FDE0]  }
0x1d9: {  	v14 =	vld [tilespmem:$0x1FD90];
	v2 =	vor.u32 v24, v7  }
0x1da: {  	v43 =	vor.u32 v25, v7;
	v3 =	vor.u32 v0, v7;
	v0 =	vld [tilespmem:$0x1FE60];
	[tilespmem:v42+s15+$0x0] =	vst.idx.msk $0xffff, v8  }
0x1db: {  	v44 =	vor.u32 v57, v7;
	v5 =	vld.idx.msk [tilespmem:v5+s3+$0x0], $0xffff  }
0x1dc: {  	v4 =	vld.idx.msk [tilespmem:v4+s3+$0x0], $0xffff  }
0x1dd: {  	v48 =	vor.u32 s22, v19;
	v45 =	vor.u32 v60, v7;
	v6 =	vld.idx.msk [tilespmem:v6+s3+$0x0], $0xffff  }
0x1de: {  	v12 =	vor.u32 s22, v12;
	v2 =	vld.idx.msk [tilespmem:v2+s3+$0x0], $0xffff  }
0x1df: {  	v13 =	vor.u32 s22, v13;
	v8 =	vld.idx.msk [tilespmem:v43+s3+$0x0], $0xffff  }
0x1e0: {  	v14 =	vor.u32 s22, v14;
	v9 =	vld.idx.msk [tilespmem:v44+s3+$0x0], $0xffff  }
0x1e1: {  	v3 =	vld.idx.msk [tilespmem:v3+s3+$0x0], $0xffff  }
0x1e2: {  	v10 =	vld.idx.msk [tilespmem:v45+s3+$0x0], $0xffff;
	[tilespmem:v48+s15+$0x0] =	vst.idx.msk $0xffff, v4;
	v4 =	vor.u32 s22, v16  }
0x1e3: {  	v50 =	vor.u32 s22, v0;
	[tilespmem:v12+s15+$0x0] =	vst.idx.msk $0xffff, v6  }
0x1e4: {  	[tilespmem:v13+s15+$0x0] =	vst.idx.msk $0xffff, v2;
	v2 =	vor.u32 s22, v49  }
0x1e5: {  	v6 =	vor.u32 v18, v7;
	[tilespmem:v14+s15+$0x0] =	vst.idx.msk $0xffff, v8  }
0x1e6: {  	v45 =	vmov v32;
	v32 =	vor.u32 v32, v7;
	[tilespmem:v1+s15+$0x0] =	vst.idx.msk $0xffff, v9  }
0x1e7: {  	v37 =	vor.u32 v37, v7;
	[tilespmem:v4+s15+$0x0] =	vst.idx.msk $0xffff, v5  }
0x1e8: {  	v42 =	vld [tilespmem:$0x1FF20];
	v1 =	vor.u32 v38, v7;
	v38 =	vor.u32 v31, v7;
	[tilespmem:v50+s15+$0x0] =	vst.idx.msk $0xffff, v3  }
0x1e9: {  	v49 =	vmovc v39;
	v3 =	vor.u32 v39, v7;
	v50 =	vmov v20;
	v39 =	vor.u32 s22, v20;
	v20 =	vld [tilespmem:$0x1FF30];
	[tilespmem:v2+s15+$0x0] =	vst.idx.msk $0xffff, v10  }
0x1ea: {  	v5 =	vor.u32 v51, v7;
	v4 =	vld.idx.msk [tilespmem:v6+s3+$0x0], $0xffff  }
0x1eb: {  	v6 =	vld.idx.msk [tilespmem:v32+s3+$0x0], $0xffff  }
0x1ec: {  	v2 =	vor.u32 v41, v7;
	v8 =	vld.idx.msk [tilespmem:v37+s3+$0x0], $0xffff  }
0x1ed: {  	v1 =	vld.idx.msk [tilespmem:v1+s3+$0x0], $0xffff  }
0x1ee: {  	v9 =	vld.idx.msk [tilespmem:v38+s3+$0x0], $0xffff  }
0x1ef: {  	v5 =	vld.idx.msk [tilespmem:v5+s3+$0x0], $0xffff  }
0x1f0: {  	v3 =	vld.idx.msk [tilespmem:v3+s3+$0x0], $0xffff  }
0x1f1: {  	v51 =	vor.u32 s22, v33;
	v2 =	vld.idx.msk [tilespmem:v2+s3+$0x0], $0xffff  }
0x1f2: {  	[tilespmem:v39+s15+$0x0] =	vst.idx.msk $0xffff, v1;
	v39 =	vld [tilespmem:$0x1FF40]  }
0x1f3: {  	v43 =	vmov v41;
	v41 =	vld [tilespmem:$0x1FF50]  }
0x1f4: {  	v12 =	vor.u32 s22, v36;
	v38 =	vld [tilespmem:$0x1FF60]  }
0x1f5: {  	v13 =	vor.u32 s22, v42  }
0x1f6: {  	v14 =	vor.u32 s22, v20;
	[tilespmem:v51+s15+$0x0] =	vst.idx.msk $0xffff, v6;
	v51 =	vld [tilespmem:$0x1FF70]  }
0x1f7: {  	v44 =	vmov v36;
	v36 =	vld [tilespmem:$0x1FF80];
	v1 =	vor.u32 s22, v39  }
0x1f8: {  	v0 =	vld [tilespmem:$0x1FCF0];
	v6 =	vor.u32 s22, v41  }
0x1f9: {  	v31 =	vld [tilespmem:$0x1FFB0];
	[tilespmem:v12+s15+$0x0] =	vst.idx.msk $0xffff, v4;
	v4 =	vor.u32 s22, v38  }
0x1fa: {  	v30 =	vmov v18;
	v18 =	vld [tilespmem:$0x1FFC0];
	[tilespmem:v13+s15+$0x0] =	vst.idx.msk $0xffff, v3  }
0x1fb: {  	v48 =	vmov v33;
	v33 =	vld [tilespmem:$0x1FF90];
	[tilespmem:v14+s15+$0x0] =	vst.idx.msk $0xffff, v2;
	v3 =	vor.u32 v51, v7  }
0x1fc: {  	v32 =	vld [tilespmem:$0x1FFA0];
	v2 =	vor.u32 v36, v7;
	[tilespmem:v1+s15+$0x0] =	vst.idx.msk $0xffff, v5  }
0x1fd: {  	v14 =	vor.u32 s22, v53;
	v53 =	vld [tilespmem:$0x1FFE0];
	v1 =	vor.u32 v0, v7;
	[tilespmem:v6+s15+$0x0] =	vst.idx.msk $0xffff, v8  }
0x1fe: {  	v0 =	vld [tilespmem:$0x1FD20];
	[tilespmem:v4+s15+$0x0] =	vst.idx.msk $0xffff, v9;
	v4 =	vor.u32 v55, v7;
	v55 =	vor.u32 v31, v7  }
0x1ff: {  	v9 =	vor.u32 v17, v7;
	v17 =	vld [tilespmem:$0x1FEF0]  }
0x200: {  	v5 =	vor.u32 v33, v7;
	v3 =	vld.idx.msk [tilespmem:v3+s3+$0x0], $0xffff  }
0x201: {  	v6 =	vor.u32 v32, v7;
	v2 =	vld.idx.msk [tilespmem:v2+s3+$0x0], $0xffff  }
0x202: {  	v1 =	vld.idx.msk [tilespmem:v1+s3+$0x0], $0xffff  }
0x203: {  	v10 =	vor.u32 s22, v35;
	v8 =	vld.idx.msk [tilespmem:v55+s3+$0x0], $0xffff  }
0x204: {  	v37 =	vor.u32 s22, v0;
	v55 =	vld [tilespmem:$0x1FFD0]  }
0x205: {  	v5 =	vld.idx.msk [tilespmem:v5+s3+$0x0], $0xffff  }
0x206: {  	v6 =	vld.idx.msk [tilespmem:v6+s3+$0x0], $0xffff  }
0x207: {  	v4 =	vld.idx.msk [tilespmem:v4+s3+$0x0], $0xffff  }
0x208: {  	v12 =	vor.u32 s22, v18;
	v9 =	vld.idx.msk [tilespmem:v9+s3+$0x0], $0xffff;
	[tilespmem:v10+s15+$0x0] =	vst.idx.msk $0xffff, v1  }
0x209: {  	[tilespmem:v37+s15+$0x0] =	vst.idx.msk $0xffff, v2;
	v37 =	vld [tilespmem:$0x1FE30];
	v13 =	vor.u32 s22, v55;
	_ =	sdelay $0x1  }
0x20a: {  	v1 =	vor.u32 s22, v53  }
0x20b: {  	v2 =	vor.u32 s22, v54  }
0x20c: {  	[tilespmem:v12+s15+$0x0] =	vst.idx.msk $0xffff, v3;
	v3 =	vor.u32 s22, v17  }
0x20d: {  	[tilespmem:v13+s15+$0x0] =	vst.idx.msk $0xffff, v5;
	v5 =	vor.u32 v47, v7;
	v47 =	vor.u32 v37, v7  }
0x20e: {  	v15 =	vld [tilespmem:$0x1FE10];
	[tilespmem:v14+s15+$0x0] =	vst.idx.msk $0xffff, v4  }
0x20f: {  	v0 =	vld [tilespmem:$0x1FEE0];
	[tilespmem:v1+s15+$0x0] =	vst.idx.msk $0xffff, v6  }
0x210: {  	v37 =	vld [tilespmem:$0x1FE20];
	[tilespmem:v2+s15+$0x0] =	vst.idx.msk $0xffff, v9  }
0x211: {  	v14 =	vld [tilespmem:$0x1FE00];
	[tilespmem:v3+s15+$0x0] =	vst.idx.msk $0xffff, v8  }
0x212: {  	v8 =	vld.idx.msk [tilespmem:v47+s3+$0x0], $0xffff  }
0x213: {  	v4 =	vor.u32 v56, v7;
	v47 =	vld [tilespmem:$0x1FEC0]  }
0x214: {  	v6 =	vor.u32 v0, v7  }
0x215: {  	v2 =	vor.u32 v15, v7  }
0x216: {  	v1 =	vor.u32 v37, v7  }
0x217: {  	v3 =	vld.idx.msk [tilespmem:v5+s3+$0x0], $0xffff;
	v5 =	vor.u32 v14, v7  }
0x218: {  	v4 =	vld.idx.msk [tilespmem:v4+s3+$0x0], $0xffff;
	v7 =	vor.u32 v40, v7;
	v54 =	vor.u32 s22, v47  }
0x219: {  	v56 =	vor.u32 s22, v62;
	v6 =	vld.idx.msk [tilespmem:v6+s3+$0x0], $0xffff  }
0x21a: {  	v62 =	vor.u32 s22, v61;
	v2 =	vld.idx.msk [tilespmem:v2+s3+$0x0], $0xffff  }
0x21b: {  	v12 =	vor.u32 s22, v63;
	v1 =	vld.idx.msk [tilespmem:v1+s3+$0x0], $0xffff  }
0x21c: {  	v13 =	vor.u32 s22, v59;
	v5 =	vld.idx.msk [tilespmem:v5+s3+$0x0], $0xffff  }
0x21d: {  	v63 =	vor.u32 s22, v58;
	v7 =	vld.idx.msk [tilespmem:v7+s3+$0x0], $0xffff;
	[tilespmem:v54+s15+$0x0] =	vst.idx.msk $0xffff, v8  }
0x21e: {  	[tilespmem:v56+s15+$0x0] =	vst.idx.msk $0xffff, v4;
	v4 =	vor.u32 s22, v52  }
0x21f: {  	[tilespmem:v62+s15+$0x0] =	vst.idx.msk $0xffff, v3;
	v3 =	vor.u32 s22, v46  }
0x220: {  	[tilespmem:v12+s15+$0x0] =	vst.idx.msk $0xffff, v1  }
0x221: {  	[tilespmem:v13+s15+$0x0] =	vst.idx.msk $0xffff, v2  }
0x222: {  	[tilespmem:v63+s15+$0x0] =	vst.idx.msk $0xffff, v5  }
0x223: {  	s31 =	sshll.u32 s21, $0xB;
	[tilespmem:v4+s15+$0x0] =	vst.idx.msk $0xffff, v7  }
0x224: {  	s22 =	sadd.s32 s6, s31;
	[tilespmem:v3+s15+$0x0] =	vst.idx.msk $0xffff, v6  }
0x225: {  	[hbm4b:s22+s3] =	stream.linear.scatter [tilespmem:s15], [sflag:$0x3], $0x4000, $0x38;
	[tilespmem:$0x10000] =	vst v63  }
0x226: {  	s22 =	sadd.s32 s8, s20  }
0x227: {  	p2 =	sgt.u32 s22, $0x7A0  }
0x228: {  	s21 =	sor.u32 $0x20, s21;
	s22 =	sshll.u32 @!p2 s22, $0x9;
	s23 =	simm.s32 @!p2 $0x1000  }
0x229: {  	s24 =	simm.s32 @!p2 $0x7A1400;
	s25 =	simm.s32 @!p2 $0x0;
	s22 =	sadd.s32 @!p2 s0, s22  }
0x22a: {  	[tilespmem:s25], [sflag:$0x1] =	stream.strided.gather @!p2 [hbm4b:s22+s23], $0x4000, s24, s23, $0x38;
	[tilespmem:$0x10000] =	vst v63  }
0x22b: {  	p2 =	sgt.u32 s21, $0x7A0  }
0x22c: {  	s22 =	simm.s32 @!p2 $0x2  }
0x22d: {  	_ =	swait.ge @!p2 [sflag:s22], $0x4000  }
0x22e: {  	[sflag:s22] =	ssyncset.done @!p2 $0x0  }
0x22f: {  	[sflag:s22] =	ssyncadd.s32 @!p2 $0xFFFFC000;
	s22 =	simm.s32 @!p1 $0x4  }
.Ltmp5:
0x230: {  	_ =	swait.ge @!p1 [sflag:s22], $0x4000;
	(pc) =	sbr.rel @p2 .LBB2_8-.Ltmp5, $4  }
0x231: {  	v17 =	vmov v35;
	v15 =	vmov v38;
	v4 =	vld [tilespmem:$0x1FDF0]  }
0x232: {  	v40 =	vmovc v33;
	v33 =	vmovc v39;
	v1 =	vmov v45;
	v12 =	vmov v43;
	v43 =	vmov v51;
	v5 =	vld [tilespmem:$0x1FDD0]  }
0x233: {  	v45 =	vmovc v31;
	v51 =	vmovc v53;
	v31 =	vmov v42;
	v2 =	vmov v57;
	v57 =	vmov v36;
	[sflag:s22] =	ssyncset.done @!p1 $0x0;
	v37 =	vld [tilespmem:$0x1FE60]  }
0x234: {  	v36 =	vmovc v32;
	v56 =	vmovc v1;
	v32 =	vmov v20;
	v63 =	vmov v50;
	v50 =	vmov v48;
	s23 =	simm.s32 $0x0;
	v58 =	vld [tilespmem:$0x1FF10];
	[sflag:s22] =	ssyncadd.s32 @!p1 $0xFFFFC000  }
0x235: {  	v62 =	vmov v41;
	v41 =	vld [tilespmem:$0x1FDA0]  }
0x236: {  	v0 =	vld [tilespmem:$0x1FD70]  }
0x237: {  	v52 =	vmov v44;
	v44 =	vld [tilespmem:$0x1FCB0]  }
0x238: {  	v1 =	vmov s23;
	v35 =	vld [tilespmem:$0x1FCE0]  }
0x239: {  	v20 =	vmovc v2;
	v2 =	vor.u32 s23, v21;
	v59 =	vmovc v32;
	v32 =	vmov v56;
	v56 =	vld [tilespmem:$0x1FCF0];
	v1 =	vshll.u32 v1, $0x3  }
0x23a: {  	v42 =	vld [tilespmem:$0x1FD00];
	v2 =	vand.u32 $0x7F, v2;
	v1 =	vand.u32 $0xC00, v1  }
0x23b: {  	v38 =	vld [tilespmem:$0x1FD20];
	v2 =	vor.u32 v1, v2  }
0x23c: {  	v61 =	vmov v33;
	v33 =	vmov v49;
	v49 =	vld [tilespmem:$0x1FD30];
	v1 =	vor.u32 v4, v2  }
0x23d: {  	v47 =	vld [tilespmem:$0x1FD40];
	v3 =	vor.u32 v5, v2  }
0x23e: {  	v46 =	vmov v45;
	v45 =	vmov v51;
	v51 =	vld [tilespmem:$0x1FD50];
	v4 =	vor.u32 v22, v2  }
0x23f: {  	v54 =	vmov v43;
	v43 =	vld [tilespmem:$0x1FD60];
	v5 =	vor.u32 v23, v2  }
0x240: {  	v6 =	vor.u32 v24, v2;
	v48 =	vmovc v58;
	v58 =	vmovc v31;
	v31 =	vmov v12;
	v12 =	vor.u32 s23, v0;
	v0 =	vld [tilespmem:$0x1FD80]  }
0x241: {  	v13 =	vld.idx.msk [tilespmem:v1+s13+$0x0], $0xffff  }
0x242: {  	v9 =	vor.u32 v25, v2;
	v11 =	vld.idx.msk [tilespmem:v3+s13+$0x0], $0xffff  }
0x243: {  	v14 =	vor.u32 v20, v2;
	v10 =	vld.idx.msk [tilespmem:v4+s13+$0x0], $0xffff  }
0x244: {  	v7 =	vld.idx.msk [tilespmem:v5+s13+$0x0], $0xffff  }
0x245: {  	v8 =	vld.idx.msk [tilespmem:v6+s13+$0x0], $0xffff  }
0x246: {  	v53 =	vmov v63;
	v63 =	vmov v15;
	v15 =	vor.u32 s23, v0;
	v0 =	vld [tilespmem:$0x1FD90]  }
0x247: {  	v6 =	vld.idx.msk [tilespmem:v9+s13+$0x0], $0xffff  }
0x248: {  	v9 =	vld.idx.msk [tilespmem:v14+s13+$0x0], $0xffff  }
0x249: {  	v4 =	vor.u32 v60, v2;
	v60 =	vld [tilespmem:$0x1FCD0]  }
0x24a: {  	s22 =	simm.s32 $0x200;
	v16 =	vor.u32 s23, v19;
	v14 =	vor.u32 s23, v37;
	v37 =	vmov v55;
	v55 =	vld [tilespmem:$0x1FCC0]  }
0x24b: {  	s24 =	simm.s32 $0x10;
	s25 =	simm.s32 $0x20;
	s26 =	simm.s32 $0x400;
	v39 =	vmovc v40;
	v40 =	vmovc v18;
	v3 =	vor.u32 s23, v41;
	v1 =	vor.u32 s22, v41;
	v5 =	vor.u32 s23, v0;
	v0 =	vld [tilespmem:$0x1FD10]  }
.LBB2_6:
0x24c: {  	_ =	sdelay $0x3  }
0x24d: {  	v19 =	vld.idx.msk [tilespmem:v4+s13+$0x0], $0xffff;
	[tilespmem:v16+s16+$0x0] =	vst.idx.msk $0xffff, v10  }
0x24e: {  	[tilespmem:v12+s16+$0x0] =	vst.idx.msk $0xffff, v7  }
0x24f: {  	[tilespmem:v15+s16+$0x0] =	vst.idx.msk $0xffff, v8  }
0x250: {  	[tilespmem:v5+s16+$0x0] =	vst.idx.msk $0xffff, v6  }
0x251: {  	v20 =	vor.u32 s23, v43;
	[tilespmem:v3+s16+$0x0] =	vst.idx.msk $0xffff, v9;
	v3 =	vmov v1;
	v1 =	vld [tilespmem:$0x1FDD0]  }
0x252: {  	v18 =	vmov s24  }
0x253: {  	v4 =	vor.u32 s24, v21;
	v18 =	vshll.u32 v18, $0x3;
	v15 =	vor.u32 s23, v48  }
0x254: {  	v21 =	vor.u32 v30, v2;
	v4 =	vand.u32 $0x7F, v4;
	v10 =	vand.u32 $0xC00, v18  }
0x255: {  	v18 =	vor.u32 v32, v2;
	v12 =	vor.u32 v10, v4;
	v4 =	vld [tilespmem:$0x1FDC0]  }
0x256: {  	v16 =	vor.u32 v44, v2;
	[tilespmem:v20+s16+$0x0] =	vst.idx.msk $0xffff, v13;
	v10 =	vor.u32 v1, v12;
	v1 =	vld [tilespmem:$0x1FDE0]  }
0x257: {  	v13 =	vor.u32 v33, v2;
	[tilespmem:v14+s16+$0x0] =	vst.idx.msk $0xffff, v11  }
0x258: {  	v20 =	vor.u32 v35, v2;
	[tilespmem:v15+s16+$0x0] =	vst.idx.msk $0xffff, v19  }
0x259: {  	v14 =	vor.u32 v31, v2;
	v15 =	vld.idx.msk [tilespmem:v21+s13+$0x0], $0xffff  }
0x25a: {  	v17 =	vor.u32 s26, v41;
	v5 =	vor.u32 v4, v12;
	v19 =	vor.u32 v60, v2;
	v18 =	vld.idx.msk [tilespmem:v18+s13+$0x0], $0xffff  }
0x25b: {  	v16 =	vld.idx.msk [tilespmem:v16+s13+$0x0], $0xffff;
	v21 =	vor.u32 s23, v53;
	v4 =	vor.u32 v1, v12;
	v1 =	vmovc v17;
	v17 =	vor.u32 v55, v2  }
0x25c: {  	v8 =	vor.u32 v22, v12;
	v22 =	vor.u32 s23, v50;
	v13 =	vld.idx.msk [tilespmem:v13+s13+$0x0], $0xffff  }
0x25d: {  	v7 =	vor.u32 v23, v12;
	v23 =	vor.u32 s23, v52;
	v20 =	vld.idx.msk [tilespmem:v20+s13+$0x0], $0xffff  }
0x25e: {  	v9 =	vor.u32 v24, v12;
	v24 =	vor.u32 s23, v58;
	v14 =	vld.idx.msk [tilespmem:v14+s13+$0x0], $0xffff  }
0x25f: {  	v6 =	vor.u32 v25, v12;
	v25 =	vor.u32 s23, v59;
	v19 =	vld.idx.msk [tilespmem:v19+s13+$0x0], $0xffff  }
0x260: {  	v17 =	vld.idx.msk [tilespmem:v17+s13+$0x0], $0xffff;
	[tilespmem:v21+s16+$0x0] =	vst.idx.msk $0xffff, v16;
	v16 =	vor.u32 s23, v61  }
0x261: {  	[tilespmem:v22+s16+$0x0] =	vst.idx.msk $0xffff, v18;
	v18 =	vor.u32 s23, v62  }
0x262: {  	[tilespmem:v23+s16+$0x0] =	vst.idx.msk $0xffff, v15;
	v15 =	vor.u32 s23, v63  }
0x263: {  	[tilespmem:v24+s16+$0x0] =	vst.idx.msk $0xffff, v13;
	v13 =	vor.u32 v54, v2  }
0x264: {  	[tilespmem:v25+s16+$0x0] =	vst.idx.msk $0xffff, v14;
	v14 =	vor.u32 v57, v2  }
0x265: {  	v21 =	vld [tilespmem:$0x1FF00];
	[tilespmem:v16+s16+$0x0] =	vst.idx.msk $0xffff, v17;
	v16 =	vor.u32 v56, v2  }
0x266: {  	v17 =	vor.u32 v39, v2;
	[tilespmem:v18+s16+$0x0] =	vst.idx.msk $0xffff, v19  }
0x267: {  	v18 =	vor.u32 v36, v2;
	[tilespmem:v15+s16+$0x0] =	vst.idx.msk $0xffff, v20  }
0x268: {  	v19 =	vor.u32 v46, v2;
	v13 =	vld.idx.msk [tilespmem:v13+s13+$0x0], $0xffff  }
0x269: {  	v15 =	vor.u32 v42, v2;
	v14 =	vld.idx.msk [tilespmem:v14+s13+$0x0], $0xffff  }
0x26a: {  	v21 =	vor.u32 s23, v21;
	v20 =	vor.u32 v0, v2;
	v16 =	vld.idx.msk [tilespmem:v16+s13+$0x0], $0xffff  }
0x26b: {  	v22 =	vor.u32 s23, v38;
	v17 =	vld.idx.msk [tilespmem:v17+s13+$0x0], $0xffff  }
0x26c: {  	v23 =	vor.u32 s23, v40;
	v18 =	vld.idx.msk [tilespmem:v18+s13+$0x0], $0xffff  }
0x26d: {  	v19 =	vld.idx.msk [tilespmem:v19+s13+$0x0], $0xffff  }
0x26e: {  	v15 =	vld.idx.msk [tilespmem:v15+s13+$0x0], $0xffff  }
0x26f: {  	v20 =	vld.idx.msk [tilespmem:v20+s13+$0x0], $0xffff;
	[tilespmem:v21+s16+$0x0] =	vst.idx.msk $0xffff, v16  }
0x270: {  	[tilespmem:v22+s16+$0x0] =	vst.idx.msk $0xffff, v14  }
0x271: {  	v24 =	vor.u32 s23, v37;
	[tilespmem:v23+s16+$0x0] =	vst.idx.msk $0xffff, v13;
	v13 =	vld [tilespmem:$0x1FEF0]  }
0x272: {  	v25 =	vor.u32 s23, v49  }
0x273: {  	v16 =	vor.u32 s23, v45  }
0x274: {  	v14 =	vor.u32 s23, v47;
	_ =	sdelay $0x1  }
0x275: {  	[tilespmem:v24+s16+$0x0] =	vst.idx.msk $0xffff, v17;
	v13 =	vor.u32 s23, v13  }
0x276: {  	v21 =	vld [tilespmem:$0x1FE40];
	[tilespmem:v25+s16+$0x0] =	vst.idx.msk $0xffff, v15  }
0x277: {  	v17 =	vor.u32 v51, v2;
	v15 =	vld [tilespmem:$0x1FE30];
	[tilespmem:v16+s16+$0x0] =	vst.idx.msk $0xffff, v18  }
0x278: {  	[tilespmem:v14+s16+$0x0] =	vst.idx.msk $0xffff, v20;
	v14 =	vld [tilespmem:$0x1FE20]  }
0x279: {  	v20 =	vld [tilespmem:$0x1FED0]  }
0x27a: {  	[tilespmem:v13+s16+$0x0] =	vst.idx.msk $0xffff, v19;
	v13 =	vld [tilespmem:$0x1FE10]  }
0x27b: {  	v19 =	vld [tilespmem:$0x1FEE0]  }
0x27c: {  	v16 =	vld.idx.msk [tilespmem:v17+s13+$0x0], $0xffff  }
0x27d: {  	v17 =	vld [tilespmem:$0x1FE00];
	_ =	sdelay $0x2  }
0x27e: {  	v21 =	vor.u32 v21, v2  }
0x27f: {  	v11 =	vld [tilespmem:$0x1FDF0];
	v15 =	vor.u32 v15, v2;
	v14 =	vor.u32 v14, v2;
	v20 =	vor.u32 v20, v2  }
0x280: {  	v13 =	vor.u32 v13, v2;
	v19 =	vor.u32 v19, v2;
	v17 =	vor.u32 v17, v2;
	v2 =	vld [tilespmem:$0x1FEC0];
	_ =	sdelay $0x2  }
0x281: {  	v22 =	vld [tilespmem:$0x1FEA0]  }
0x282: {  	v18 =	vld.idx.msk [tilespmem:v21+s13+$0x0], $0xffff  }
0x283: {  	v11 =	vor.u32 v11, v12;
	v21 =	vor.u32 s23, v2;
	v2 =	vmov v12;
	v12 =	vld.idx.msk [tilespmem:v14+s13+$0x0], $0xffff  }
0x284: {  	v14 =	vld [tilespmem:$0x1FEB0]  }
0x285: {  	v23 =	vld [tilespmem:$0x1FE90]  }
0x286: {  	v24 =	vld [tilespmem:$0x1FE80]  }
0x287: {  	v25 =	vld [tilespmem:$0x1FDB0]  }
0x288: {  	v15 =	vld.idx.msk [tilespmem:v15+s13+$0x0], $0xffff  }
0x289: {  	v20 =	vld.idx.msk [tilespmem:v20+s13+$0x0], $0xffff;
	v14 =	vor.u32 s23, v14  }
0x28a: {  	v13 =	vld.idx.msk [tilespmem:v13+s13+$0x0], $0xffff  }
0x28b: {  	v19 =	vld.idx.msk [tilespmem:v19+s13+$0x0], $0xffff  }
0x28c: {  	v17 =	vld.idx.msk [tilespmem:v17+s13+$0x0], $0xffff  }
0x28d: {  	[tilespmem:v21+s16+$0x0] =	vst.idx.msk $0xffff, v15;
	v15 =	vld [tilespmem:$0x1FE70]  }
0x28e: {  	v22 =	vor.u32 s23, v22;
	[tilespmem:v14+s16+$0x0] =	vst.idx.msk $0xffff, v18;
	v14 =	vld [tilespmem:$0x1FE50]  }
0x28f: {  	v23 =	vor.u32 s23, v23  }
0x290: {  	v24 =	vor.u32 s23, v24  }
0x291: {  	v25 =	vor.u32 s23, v25  }
0x292: {  	v15 =	vor.u32 s23, v15  }
0x293: {  	[tilespmem:v22+s16+$0x0] =	vst.idx.msk $0xffff, v16;
	v14 =	vor.u32 s23, v14  }
0x294: {  	[tilespmem:v23+s16+$0x0] =	vst.idx.msk $0xffff, v12  }
0x295: {  	[tilespmem:v24+s16+$0x0] =	vst.idx.msk $0xffff, v13  }
0x296: {  	[tilespmem:v25+s16+$0x0] =	vst.idx.msk $0xffff, v17  }
0x297: {  	[tilespmem:v15+s16+$0x0] =	vst.idx.msk $0xffff, v20  }
0x298: {  	[tilespmem:v14+s16+$0x0] =	vst.idx.msk $0xffff, v19  }
0x299: {  	v13 =	vld.idx.msk [tilespmem:v11+s13+$0x0], $0xffff  }
0x29a: {  	v11 =	vld.idx.msk [tilespmem:v10+s13+$0x0], $0xffff  }
0x29b: {  	v10 =	vld.idx.msk [tilespmem:v8+s13+$0x0], $0xffff  }
0x29c: {  	v8 =	vld.idx.msk [tilespmem:v9+s13+$0x0], $0xffff  }
0x29d: {  	v9 =	vld [tilespmem:$0x1FD70];
	_ =	sdelay $0x3  }
0x29e: {  	s23 =	smov.u32 s22  }
0x29f: {  	v12 =	vor.u32 s23, v9;
	v9 =	vld [tilespmem:$0x1FD80];
	_ =	sdelay $0x3  }
0x2a0: {  	v14 =	vld [tilespmem:$0x1FE60]  }
0x2a1: {  	v15 =	vor.u32 s23, v9;
	v9 =	vld.idx.msk [tilespmem:v5+s13+$0x0], $0xffff  }
0x2a2: {  	p1 =	sne.s32 s25, $0x1F0;
	v5 =	vld [tilespmem:$0x1FD90]  }
.Ltmp6:
0x2a3: {  	_ = 	snop;
	(pc) =	sbr.rel @p1 .LBB2_6-.Ltmp6, $3  }
0x2a4: {  	_ =	sdelay $0x1  }
0x2a5: {  	s28 =	smov.u32 s25;
	s25 =	sadd.s32 $0x10, s25;
	v21 =	vlaneseq.u32;
	v22 =	vmov v26;
	v23 =	vmov v27;
	v7 =	vld.idx.msk [tilespmem:v7+s13+$0x0], $0xffff  }
0x2a6: {  	s24 =	smov.u32 s28;
	v24 =	vmovc v28;
	v25 =	vmovc v29;
	s22 =	smov.u32 s26;
	s26 =	sadd.s32 $0x200, s26;
	v16 =	vor.u32 s23, v34;
	v6 =	vld.idx.msk [tilespmem:v6+s13+$0x0], $0xffff;
	v14 =	vor.u32 s23, v14;
	v5 =	vor.u32 s23, v5  }
0x2a7: {  	_ =	sdelay $0x3  }
0x2a8: {  	v4 =	vld.idx.msk [tilespmem:v4+s13+$0x0], $0xffff;
	[tilespmem:v16+s16+$0x0] =	vst.idx.msk $0xffff, v10;
	v41 =	vor.u32 s23, v43  }
0x2a9: {  	[tilespmem:v12+s16+$0x0] =	vst.idx.msk $0xffff, v7  }
0x2aa: {  	v7 =	vor.u32 s23, v48;
	[tilespmem:v15+s16+$0x0] =	vst.idx.msk $0xffff, v8  }
0x2ab: {  	v17 =	vmov v43;
	v43 =	vor.u32 v30, v2;
	[tilespmem:v5+s16+$0x0] =	vst.idx.msk $0xffff, v6  }
0x2ac: {  	v5 =	vor.u32 v32, v2;
	[tilespmem:v3+s16+$0x0] =	vst.idx.msk $0xffff, v9  }
0x2ad: {  	v3 =	vor.u32 v44, v2;
	[tilespmem:v41+s16+$0x0] =	vst.idx.msk $0xffff, v13  }
0x2ae: {  	v6 =	vor.u32 v33, v2;
	[tilespmem:v14+s16+$0x0] =	vst.idx.msk $0xffff, v11  }
0x2af: {  	v26 =	vmov v48;
	v48 =	vor.u32 v60, v2;
	[tilespmem:v7+s16+$0x0] =	vst.idx.msk $0xffff, v4  }
0x2b0: {  	v27 =	vmov v44;
	v44 =	vor.u32 v55, v2;
	v7 =	vld.idx.msk [tilespmem:v43+s13+$0x0], $0xffff  }
0x2b1: {  	v4 =	vor.u32 v31, v2;
	v5 =	vld.idx.msk [tilespmem:v5+s13+$0x0], $0xffff  }
0x2b2: {  	v29 =	vmovc v33;
	v18 =	vmovc v60;
	v60 =	vor.u32 s23, v53;
	v33 =	vmov v55;
	v55 =	vor.u32 v35, v2;
	v3 =	vld.idx.msk [tilespmem:v3+s13+$0x0], $0xffff  }
0x2b3: {  	v12 =	vor.u32 s23, v50;
	v6 =	vld.idx.msk [tilespmem:v6+s13+$0x0], $0xffff  }
0x2b4: {  	v13 =	vor.u32 s23, v52;
	v9 =	vld.idx.msk [tilespmem:v48+s13+$0x0], $0xffff  }
0x2b5: {  	v14 =	vor.u32 s23, v58;
	v8 =	vld.idx.msk [tilespmem:v44+s13+$0x0], $0xffff  }
0x2b6: {  	v15 =	vor.u32 s23, v59;
	v4 =	vld.idx.msk [tilespmem:v4+s13+$0x0], $0xffff  }
0x2b7: {  	v10 =	vld.idx.msk [tilespmem:v55+s13+$0x0], $0xffff;
	[tilespmem:v60+s16+$0x0] =	vst.idx.msk $0xffff, v3;
	v3 =	vor.u32 s23, v61  }
0x2b8: {  	[tilespmem:v12+s16+$0x0] =	vst.idx.msk $0xffff, v5;
	v5 =	vor.u32 s23, v62  }
0x2b9: {  	v19 =	vmov v34;
	v34 =	vmov v53;
	v53 =	vld [tilespmem:$0x1FE10];
	[tilespmem:v13+s16+$0x0] =	vst.idx.msk $0xffff, v7;
	v7 =	vor.u32 s23, v63  }
0x2ba: {  	v28 =	vmov v50;
	v50 =	vld [tilespmem:$0x1FEE0];
	[tilespmem:v14+s16+$0x0] =	vst.idx.msk $0xffff, v6;
	v6 =	vor.u32 v54, v2  }
0x2bb: {  	v20 =	vmov v35;
	v35 =	vor.u32 v0, v2;
	v0 =	vld [tilespmem:$0x1FF00];
	v62 =	vor.u32 v36, v2;
	[tilespmem:v15+s16+$0x0] =	vst.idx.msk $0xffff, v4  }
0x2bc: {  	v41 =	vmov v58;
	v58 =	vld [tilespmem:$0x1FE30];
	[tilespmem:v3+s16+$0x0] =	vst.idx.msk $0xffff, v8;
	v3 =	vor.u32 v56, v2  }
0x2bd: {  	v16 =	vmov v31;
	v31 =	vmov v52;
	v52 =	vld [tilespmem:$0x1FE00];
	v4 =	vor.u32 v57, v2;
	[tilespmem:v5+s16+$0x0] =	vst.idx.msk $0xffff, v9  }
0x2be: {  	v63 =	vor.u32 v46, v2;
	v13 =	vor.u32 s23, v40;
	v40 =	vld [tilespmem:$0x1FEF0];
	[tilespmem:v7+s16+$0x0] =	vst.idx.msk $0xffff, v10  }
0x2bf: {  	v5 =	vor.u32 v39, v2;
	v6 =	vld.idx.msk [tilespmem:v6+s13+$0x0], $0xffff  }
0x2c0: {  	v7 =	vor.u32 v42, v2;
	v8 =	vld.idx.msk [tilespmem:v62+s13+$0x0], $0xffff  }
0x2c1: {  	v36 =	vor.u32 s23, v0;
	v3 =	vld.idx.msk [tilespmem:v3+s13+$0x0], $0xffff  }
0x2c2: {  	v12 =	vor.u32 s23, v38;
	v4 =	vld.idx.msk [tilespmem:v4+s13+$0x0], $0xffff  }
0x2c3: {  	v9 =	vld.idx.msk [tilespmem:v63+s13+$0x0], $0xffff  }
0x2c4: {  	v14 =	vor.u32 s23, v37;
	v5 =	vld.idx.msk [tilespmem:v5+s13+$0x0], $0xffff  }
0x2c5: {  	v15 =	vor.u32 s23, v49;
	v7 =	vld.idx.msk [tilespmem:v7+s13+$0x0], $0xffff  }
0x2c6: {  	v10 =	vld.idx.msk [tilespmem:v35+s13+$0x0], $0xffff;
	[tilespmem:v36+s16+$0x0] =	vst.idx.msk $0xffff, v3;
	v3 =	vor.u32 s23, v45  }
0x2c7: {  	v43 =	vmov v59;
	v59 =	vld [tilespmem:$0x1FED0];
	[tilespmem:v12+s16+$0x0] =	vst.idx.msk $0xffff, v4;
	v4 =	vor.u32 s23, v47  }
0x2c8: {  	v48 =	vld [tilespmem:$0x1FEC0];
	[tilespmem:v13+s16+$0x0] =	vst.idx.msk $0xffff, v6;
	v6 =	vor.u32 s23, v40  }
0x2c9: {  	v63 =	vld [tilespmem:$0x1FE40];
	[tilespmem:v14+s16+$0x0] =	vst.idx.msk $0xffff, v5;
	v5 =	vor.u32 v51, v2  }
0x2ca: {  	v38 =	vor.u32 v58, v2;
	v62 =	vld [tilespmem:$0x1FE20];
	[tilespmem:v15+s16+$0x0] =	vst.idx.msk $0xffff, v7  }
0x2cb: {  	v44 =	vld [tilespmem:$0x1FEA0];
	v39 =	vor.u32 v50, v2;
	[tilespmem:v3+s16+$0x0] =	vst.idx.msk $0xffff, v8  }
0x2cc: {  	v55 =	vmov v61;
	v61 =	vld [tilespmem:$0x1FEB0];
	[tilespmem:v4+s16+$0x0] =	vst.idx.msk $0xffff, v10  }
0x2cd: {  	v42 =	vld [tilespmem:$0x1FE90];
	[tilespmem:v6+s16+$0x0] =	vst.idx.msk $0xffff, v9  }
0x2ce: {  	v7 =	vor.u32 v63, v2;
	v5 =	vld.idx.msk [tilespmem:v5+s13+$0x0], $0xffff  }
0x2cf: {  	v3 =	vor.u32 v62, v2;
	v9 =	vld.idx.msk [tilespmem:v38+s13+$0x0], $0xffff  }
0x2d0: {  	v4 =	vor.u32 v53, v2;
	v8 =	vld.idx.msk [tilespmem:v39+s13+$0x0], $0xffff  }
0x2d1: {  	v6 =	vor.u32 v52, v2;
	v39 =	vld [tilespmem:$0x1FE80]  }
0x2d2: {  	v2 =	vor.u32 v59, v2;
	v38 =	vld [tilespmem:$0x1FDB0]  }
0x2d3: {  	v54 =	vor.u32 s23, v48;
	v7 =	vld.idx.msk [tilespmem:v7+s13+$0x0], $0xffff  }
0x2d4: {  	v35 =	vor.u32 s23, v61;
	v3 =	vld.idx.msk [tilespmem:v3+s13+$0x0], $0xffff  }
0x2d5: {  	v4 =	vld.idx.msk [tilespmem:v4+s13+$0x0], $0xffff  }
0x2d6: {  	v6 =	vld.idx.msk [tilespmem:v6+s13+$0x0], $0xffff  }
0x2d7: {  	v2 =	vld.idx.msk [tilespmem:v2+s13+$0x0], $0xffff  }
0x2d8: {  	[tilespmem:v54+s16+$0x0] =	vst.idx.msk $0xffff, v9;
	v54 =	vld [tilespmem:$0x1FE70]  }
0x2d9: {  	v12 =	vor.u32 s23, v44;
	[tilespmem:v35+s16+$0x0] =	vst.idx.msk $0xffff, v7;
	v35 =	vld [tilespmem:$0x1FE50]  }
0x2da: {  	v13 =	vor.u32 s23, v42  }
0x2db: {  	v14 =	vmov s24;
	v15 =	vor.u32 s23, v39  }
0x2dc: {  	v0 =	vld [tilespmem:$0x1FDF0];
	v46 =	vshll.u32 v14, $0x3;
	v14 =	vor.u32 s23, v38  }
0x2dd: {  	v56 =	vmov v51;
	v51 =	vor.u32 s23, v54  }
0x2de: {  	v45 =	vor.u32 s24, v21;
	[tilespmem:v12+s16+$0x0] =	vst.idx.msk $0xffff, v5;
	v60 =	vor.u32 s23, v35  }
0x2df: {  	v49 =	vand.u32 $0xC00, v46;
	v7 =	vand.u32 $0x7F, v45;
	v45 =	vld [tilespmem:$0x1FDC0];
	[tilespmem:v13+s16+$0x0] =	vst.idx.msk $0xffff, v3  }
0x2e0: {  	v7 =	vor.u32 v49, v7;
	v12 =	vld [tilespmem:$0x1FD70];
	[tilespmem:v15+s16+$0x0] =	vst.idx.msk $0xffff, v4  }
0x2e1: {  	v5 =	vor.u32 v0, v7;
	v0 =	vld [tilespmem:$0x1FDD0];
	[tilespmem:v14+s16+$0x0] =	vst.idx.msk $0xffff, v6  }
0x2e2: {  	v13 =	vld [tilespmem:$0x1FD80];
	v4 =	vor.u32 v22, v7;
	[tilespmem:v51+s16+$0x0] =	vst.idx.msk $0xffff, v2  }
0x2e3: {  	v6 =	vor.u32 v23, v7;
	[tilespmem:v60+s16+$0x0] =	vst.idx.msk $0xffff, v8;
	v60 =	vld [tilespmem:$0x1FDE0]  }
0x2e4: {  	v36 =	vor.u32 v25, v7;
	v15 =	vld [tilespmem:$0x1FE60]  }
0x2e5: {  	v14 =	vld [tilespmem:$0x1FD90];
	v2 =	vor.u32 v24, v7  }
0x2e6: {  	v37 =	vor.u32 v45, v7;
	v5 =	vld.idx.msk [tilespmem:v5+s13+$0x0], $0xffff  }
0x2e7: {  	v3 =	vor.u32 v0, v7;
	v4 =	vld.idx.msk [tilespmem:v4+s13+$0x0], $0xffff  }
0x2e8: {  	v49 =	vor.u32 s22, v19;
	v6 =	vld.idx.msk [tilespmem:v6+s13+$0x0], $0xffff;
	v46 =	vor.u32 v60, v7  }
0x2e9: {  	v12 =	vor.u32 s22, v12;
	v8 =	vld.idx.msk [tilespmem:v36+s13+$0x0], $0xffff  }
0x2ea: {  	v13 =	vor.u32 s22, v13;
	v2 =	vld.idx.msk [tilespmem:v2+s13+$0x0], $0xffff  }
0x2eb: {  	v14 =	vor.u32 s22, v14;
	v9 =	vld.idx.msk [tilespmem:v37+s13+$0x0], $0xffff  }
0x2ec: {  	v3 =	vld.idx.msk [tilespmem:v3+s13+$0x0], $0xffff  }
0x2ed: {  	v10 =	vld.idx.msk [tilespmem:v46+s13+$0x0], $0xffff;
	[tilespmem:v49+s16+$0x0] =	vst.idx.msk $0xffff, v4;
	v4 =	vor.u32 s22, v17  }
0x2ee: {  	v51 =	vor.u32 s22, v15;
	[tilespmem:v12+s16+$0x0] =	vst.idx.msk $0xffff, v6  }
0x2ef: {  	[tilespmem:v13+s16+$0x0] =	vst.idx.msk $0xffff, v2;
	v2 =	vor.u32 s22, v26  }
0x2f0: {  	v6 =	vor.u32 v30, v7;
	[tilespmem:v14+s16+$0x0] =	vst.idx.msk $0xffff, v8  }
0x2f1: {  	v37 =	vmov v30;
	v30 =	vmov v32;
	v32 =	vor.u32 v32, v7;
	[tilespmem:v1+s16+$0x0] =	vst.idx.msk $0xffff, v9  }
0x2f2: {  	v8 =	vor.u32 v18, v7;
	v1 =	vor.u32 v27, v7;
	v27 =	vld [tilespmem:$0x1FF60];
	[tilespmem:v4+s16+$0x0] =	vst.idx.msk $0xffff, v5  }
0x2f3: {  	v49 =	vmovc v29;
	v14 =	vor.u32 s22, v43;
	[tilespmem:v51+s16+$0x0] =	vst.idx.msk $0xffff, v3;
	v3 =	vor.u32 v29, v7;
	v29 =	vmov v43;
	v43 =	vld [tilespmem:$0x1FF70]  }
0x2f4: {  	v36 =	vor.u32 v20, v7;
	[tilespmem:v2+s16+$0x0] =	vst.idx.msk $0xffff, v10;
	v2 =	vor.u32 v16, v7;
	v16 =	vld [tilespmem:$0x1FFB0]  }
0x2f5: {  	v4 =	vld.idx.msk [tilespmem:v6+s13+$0x0], $0xffff  }
0x2f6: {  	v6 =	vld.idx.msk [tilespmem:v32+s13+$0x0], $0xffff  }
0x2f7: {  	v8 =	vld.idx.msk [tilespmem:v8+s13+$0x0], $0xffff  }
0x2f8: {  	v46 =	vor.u32 s22, v34;
	v5 =	vor.u32 v33, v7;
	v1 =	vld.idx.msk [tilespmem:v1+s13+$0x0], $0xffff  }
0x2f9: {  	v51 =	vor.u32 s22, v28;
	v9 =	vld.idx.msk [tilespmem:v36+s13+$0x0], $0xffff  }
0x2fa: {  	v12 =	vor.u32 s22, v31;
	v13 =	vor.u32 s22, v41;
	v32 =	vmovc v31;
	v31 =	vmov v41;
	v41 =	vld [tilespmem:$0x1FF50]  }
0x2fb: {  	v3 =	vld.idx.msk [tilespmem:v3+s13+$0x0], $0xffff  }
0x2fc: {  	v2 =	vld.idx.msk [tilespmem:v2+s13+$0x0], $0xffff  }
0x2fd: {  	v5 =	vld.idx.msk [tilespmem:v5+s13+$0x0], $0xffff;
	[tilespmem:v46+s16+$0x0] =	vst.idx.msk $0xffff, v1;
	v1 =	vor.u32 s22, v55  }
0x2fe: {  	[tilespmem:v51+s16+$0x0] =	vst.idx.msk $0xffff, v6  }
0x2ff: {  	v0 =	vld [tilespmem:$0x1FD00];
	v6 =	vor.u32 s22, v41;
	[tilespmem:v12+s16+$0x0] =	vst.idx.msk $0xffff, v4  }
0x300: {  	v18 =	vld [tilespmem:$0x1FF90];
	v4 =	vor.u32 s22, v27;
	[tilespmem:v13+s16+$0x0] =	vst.idx.msk $0xffff, v3  }
0x301: {  	v20 =	vld [tilespmem:$0x1FFC0];
	v3 =	vor.u32 v43, v7;
	[tilespmem:v14+s16+$0x0] =	vst.idx.msk $0xffff, v2  }
0x302: {  	v33 =	vmov v28;
	v28 =	vmov v55;
	v55 =	vor.u32 v16, v7;
	[tilespmem:v1+s16+$0x0] =	vst.idx.msk $0xffff, v5;
	v1 =	vld [tilespmem:$0x1FCF0]  }
0x303: {  	v36 =	vld [tilespmem:$0x1FFA0]  }
0x304: {  	v17 =	vld [tilespmem:$0x1FF00];
	v2 =	vor.u32 v57, v7;
	[tilespmem:v6+s16+$0x0] =	vst.idx.msk $0xffff, v8  }
0x305: {  	v5 =	vor.u32 v18, v7;
	[tilespmem:v4+s16+$0x0] =	vst.idx.msk $0xffff, v9;
	v4 =	vor.u32 v0, v7;
	v0 =	vld [tilespmem:$0x1FD10]  }
0x306: {  	v3 =	vld.idx.msk [tilespmem:v3+s13+$0x0], $0xffff  }
0x307: {  	v8 =	vld.idx.msk [tilespmem:v55+s13+$0x0], $0xffff;
	v1 =	vor.u32 v1, v7  }
0x308: {  	v6 =	vor.u32 v36, v7;
	v55 =	vld [tilespmem:$0x1FFD0]  }
0x309: {  	v2 =	vld.idx.msk [tilespmem:v2+s13+$0x0], $0xffff  }
0x30a: {  	v5 =	vld.idx.msk [tilespmem:v5+s13+$0x0], $0xffff;
	v9 =	vor.u32 v0, v7  }
0x30b: {  	v0 =	vld [tilespmem:$0x1FD20]  }
0x30c: {  	v51 =	vor.u32 s22, v17;
	v1 =	vld.idx.msk [tilespmem:v1+s13+$0x0], $0xffff  }
0x30d: {  	v6 =	vld.idx.msk [tilespmem:v6+s13+$0x0], $0xffff  }
0x30e: {  	v4 =	vld.idx.msk [tilespmem:v4+s13+$0x0], $0xffff  }
0x30f: {  	v9 =	vld.idx.msk [tilespmem:v9+s13+$0x0], $0xffff  }
0x310: {  	v46 =	vor.u32 s22, v0;
	v0 =	vld [tilespmem:$0x1FD30]  }
0x311: {  	[tilespmem:v51+s16+$0x0] =	vst.idx.msk $0xffff, v1;
	v51 =	vld [tilespmem:$0x1FFE0];
	_ =	sdelay $0x1  }
0x312: {  	v12 =	vor.u32 s22, v20  }
0x313: {  	v13 =	vor.u32 s22, v55  }
0x314: {  	v14 =	vor.u32 s22, v0  }
0x315: {  	v1 =	vor.u32 s22, v51  }
0x316: {  	[tilespmem:v46+s16+$0x0] =	vst.idx.msk $0xffff, v2;
	v2 =	vor.u32 s22, v47  }
0x317: {  	[tilespmem:v12+s16+$0x0] =	vst.idx.msk $0xffff, v3;
	v3 =	vor.u32 s22, v40  }
0x318: {  	[tilespmem:v13+s16+$0x0] =	vst.idx.msk $0xffff, v5;
	v5 =	vor.u32 v56, v7  }
0x319: {  	[tilespmem:v14+s16+$0x0] =	vst.idx.msk $0xffff, v4;
	v4 =	vor.u32 v63, v7  }
0x31a: {  	v58 =	vor.u32 v58, v7;
	[tilespmem:v1+s16+$0x0] =	vst.idx.msk $0xffff, v6  }
0x31b: {  	v1 =	vor.u32 v62, v7;
	[tilespmem:v2+s16+$0x0] =	vst.idx.msk $0xffff, v9  }
0x31c: {  	v6 =	vor.u32 v50, v7;
	[tilespmem:v3+s16+$0x0] =	vst.idx.msk $0xffff, v8  }
0x31d: {  	v2 =	vor.u32 v53, v7;
	v3 =	vld.idx.msk [tilespmem:v5+s13+$0x0], $0xffff  }
0x31e: {  	v5 =	vor.u32 v52, v7;
	v4 =	vld.idx.msk [tilespmem:v4+s13+$0x0], $0xffff  }
0x31f: {  	v8 =	vld.idx.msk [tilespmem:v58+s13+$0x0], $0xffff;
	v7 =	vor.u32 v59, v7;
	v59 =	vor.u32 s22, v48  }
0x320: {  	v61 =	vor.u32 s22, v61;
	v1 =	vld.idx.msk [tilespmem:v1+s13+$0x0], $0xffff  }
0x321: {  	v62 =	vor.u32 s22, v44;
	v6 =	vld.idx.msk [tilespmem:v6+s13+$0x0], $0xffff  }
0x322: {  	v12 =	vor.u32 s22, v42;
	v2 =	vld.idx.msk [tilespmem:v2+s13+$0x0], $0xffff  }
0x323: {  	v13 =	vor.u32 s22, v39;
	v5 =	vld.idx.msk [tilespmem:v5+s13+$0x0], $0xffff  }
0x324: {  	v63 =	vor.u32 s22, v38;
	v7 =	vld.idx.msk [tilespmem:v7+s13+$0x0], $0xffff;
	[tilespmem:v59+s16+$0x0] =	vst.idx.msk $0xffff, v8  }
0x325: {  	[tilespmem:v61+s16+$0x0] =	vst.idx.msk $0xffff, v4;
	v4 =	vor.u32 s22, v54  }
0x326: {  	[tilespmem:v62+s16+$0x0] =	vst.idx.msk $0xffff, v3;
	v3 =	vor.u32 s22, v35  }
0x327: {  	[tilespmem:v12+s16+$0x0] =	vst.idx.msk $0xffff, v1  }
.Ltmp7:
0x328: {  	[tilespmem:v13+s16+$0x0] =	vst.idx.msk $0xffff, v2;
	(pc) =	sbr.rel .LBB2_8-.Ltmp7, $4  }
0x329: {  	[tilespmem:v63+s16+$0x0] =	vst.idx.msk $0xffff, v5  }
0x32a: {  	s21 =	sshll.u32 s21, $0xB;
	v40 =	vmovc v18;
	v18 =	vmov v20;
	v56 =	vmov v30;
	v30 =	vmov v37;
	v12 =	vld [tilespmem:$0x1FFF0];
	[tilespmem:v4+s16+$0x0] =	vst.idx.msk $0xffff, v7  }
0x32b: {  	s21 =	sadd.s32 s6, s21;
	v37 =	vmovc v15;
	v15 =	vmovc v27;
	v50 =	vmov v33;
	v44 =	vmov v32;
	v32 =	vmov v29;
	v5 =	vld [tilespmem:$0x1FDD0];
	[tilespmem:v3+s16+$0x0] =	vst.idx.msk $0xffff, v6  }
0x32c: {  	v33 =	vmovc v28;
	v58 =	vmovc v26;
	v2 =	vmov v45;
	v45 =	vmov v16;
	v63 =	vmov v34;
	v4 =	vld [tilespmem:$0x1FDF0];
	[hbm4b:s21+s3] =	stream.linear.scatter [tilespmem:s16], [sflag:$0x4], $0x4000, $0x38  }
.LBB2_10:
0x32d: {  	_ =	sfence.sel $0x180000  }
0x32e: {  	[bflag:$0x0] =	sbarrier.arrive $0xFFFF  }
0x32f: {  	p0 =	sne.s32 s1, $0x0;
	_ =	strace $0x90000047  }
0x330: {  	s0 =	sadd.s32 @!p0 $0x100000, s2;
	[bflag:$0x2] =	sbarrier.arrive $0xFFFF  }
0x331: {  	[sflag:s0] =	ssyncadd.tile.s32 @!p0 $0x1;
	_ =	shalt  }
.Lfunc_end2:
_tile_overlayer_lowered:
.L_overlay_start_2:
0x332: {  	(tag) =	ssettag $0x2  }
0x333: {  	s0 =	rddreg [dreg:$0x0];
	s2 =	stileid.u32  }
0x334: {  	s1 =	rddreg [dreg:$0x1];
	p0 =	sne.s32 s2, $0x0  }
0x335: {  	s3 =	rddreg [dreg:$0x2];
	[bflag:$0x3] =	sbarrier.arrive $0xFFFF;
	s2 =	simm.s32 @!p0 $0x1C05  }
0x336: {  	[timem:s3], [sflag:s2] =	dma.local @!p0 [hbm:s0], s1  }
0x337: {  	s0 =	simm.s32 @!p0 $0x5  }
0x338: {  	_ =	swait.ge @!p0 [sflag:s0], s1  }
0x339: {  	s1 =	ssub.s32 @!p0 $0x0, s1;
	[sflag:s0] =	ssyncset.done @!p0 $0x0  }
0x33a: {  	[sflag:s0] =	ssyncadd.s32 @!p0 s1  }
0x33b: {  	[bflag:$0x3] =	sbarrier.arrive $0xFFFF  }
0x33c: {  	_ =	shalt  }

// kernel: _emb.7.cloned.1.call-start
scs
__scs_entry_jumppad:
0x0: {  	(pc) =	sbr.rel $0x88, $3  }
0x1: {  	(tag) =	ssettag $0x0;
	lr =	simm.s32 $0x1  }
0x2: {  	[smem:$0x3F9F] =	sst lr;
	_ =	strace $0xD0000000  }
0x3: {  	_ = 	snop  }
0x4: {  	_ = 	snop  }
0x5: {  	_ = 	snop  }
0x6: {  	_ = 	snop  }
0x7: {  	_ = 	snop  }
__scs_overlays_trampoline_lowered:
0x8: {  	[smem:$0x3FAE] =	sst s0  }
0x9: {  	[smem:$0x3FAF] =	sst s1  }
0xa: {  	[smem:$0x3FB0] =	sst s2  }
0xb: {  	[smem:$0x3FB1] =	sst s3  }
0xc: {  	[smem:$0x3FB2] =	sst s4  }
0xd: {  	[smem:$0x3FB3] =	sst s5  }
0xe: {  	[smem:$0x3FB4] =	sst s6  }
0xf: {  	[smem:$0x3FB5] =	sst s7  }
0x10: {  	[smem:$0x3FB6] =	sst s8  }
0x11: {  	[smem:$0x3FB7] =	sst s9;
	s0 =	simm.s32 @!p0 $0x0  }
0x12: {  	s1 =	sld [smem:$0x3F9D];
	s0 =	simm.s32 @p0 $0x1  }
0x13: {  	[smem:$0x3FB8] =	sst s0;
	s0 =	simm.s32 @!p1 $0x0  }
0x14: {  	s2 =	sld [smem:$0x3F9C];
	s0 =	simm.s32 @p1 $0x1  }
0x15: {  	[smem:$0x3FB9] =	sst s0;
	s0 =	simm.s32 @!p2 $0x0  }
0x16: {  	s3 =	sld [smem:$0x3FDB];
	s0 =	simm.s32 @p2 $0x1  }
0x17: {  	s4 =	simm.s32 $0x1BF5;
	[smem:$0x3FBB] =	sst s0  }
0x18: {  	s0 =	sld [smem:$0x3F9E];
	_ =	swait.ge [sflag:s4], $0x0  }
0x19: {  	s7 =	sld [smem:$0x3F9F]  }
0x1a: {  	s8 =	sadd.s32 $0xFFFFE003, lr  }
0x1b: {  	s9 =	sadd.s32 $0xFFFFFEF7, lr;
	s5 =	simm.s32 $0xFFFFFFFF;
	p2 =	slt.u32 s8, $0xFFFFF086  }
0x1c: {  	p1 =	slt.u32 s9, $0xF7A;
	s5 =	simm.s32 @!p2 $0x0  }
0x1d: {  	s5 =	simm.s32 @p1 $0x1;
	p0 =	seq.s32 s7, s2  }
0x1e: {  	s7 =	smul.u32 @!p0 $0xF7A, s2;
	p2 =	seq.s32 @!p0 s5, $0x0  }
0x1f: {  	s9 =	smul.u32 $0xF7A, s1;
	s8 =	simm.s32 @!p0 $0x1BF5;
	p2 =	por !p2, p0  }
0x20: {  	[sflag:s8] =	ssyncset.s32 @!p0 $0xFFFFF086;
	s6 =	sadd.s32 @!p0 s3, s7;
	s7 =	simm.s32 @!p0 $0x108  }
0x21: {  	s3 =	sadd.s32 s3, s9;
	s6 =	sadd.s32 @!p0 $0x88, s6;
	s7 =	simm.s32 @p2 $0x1082  }
0x22: {  	[simem:s7], [sflag:s8] =	dma.local @!p0 [hbm:s6], $0xF7A  }
0x23: {  	s9 =	sor.u32 $0xD0000000, s2;
	s6 =	simm.s32 $0x108;
	_ =	swait.ge @!p0 [sflag:s8], $0x0  }
0x24: {  	s3 =	sadd.s32 $0x88, s3;
	s6 =	simm.s32 @!p1 $0x1082;
	[sflag:s4] =	ssyncset.s32 $0xFFFFF086  }
0x25: {  	[simem:s6], [sflag:s4] =	dma.local [hbm:s3], $0xF7A  }
0x26: {  	[smem:$0x3F9F] =	sst s1;
	(tag) =	ssettag s2;
	_ =	strace s9  }
0x27: {  	s1 =	sld [smem:$0x3FAF]  }
0x28: {  	s2 =	sld [smem:$0x3FB0]  }
0x29: {  	s4 =	sld [smem:$0x3FB2]  }
0x2a: {  	p0 =	seq.s32 s5, $0x0;
	s5 =	sld [smem:$0x3FB3]  }
0x2b: {  	s6 =	sld [smem:$0x3FB4]  }
0x2c: {  	s7 =	sld [smem:$0x3FB5]  }
0x2d: {  	s3 =	simm.s32 $0x108;
	s8 =	sld [smem:$0x3FB6]  }
0x2e: {  	s3 =	simm.s32 @!p0 $0x1082;
	s9 =	sld [smem:$0x3FB7]  }
0x2f: {  	lr =	sadd.s32 s0, s3;
	s0 =	sld [smem:$0x3FAE]  }
0x30: {  	s3 =	sld [smem:$0x3FB1]  }
0x31: {  	[smem:$0x3FBA] =	sst s10  }
0x32: {  	s10 =	sld [smem:$0x3FB8];
	_ =	sdelay $0x3  }
0x33: {  	p0 =	seq.s32 s10, $0x1;
	s10 =	sld [smem:$0x3FBA];
	_ =	sdelay $0x3  }
0x34: {  	[smem:$0x3FBA] =	sst s10  }
0x35: {  	s10 =	sld [smem:$0x3FB9];
	_ =	sdelay $0x3  }
0x36: {  	p1 =	seq.s32 s10, $0x1;
	s10 =	sld [smem:$0x3FBA];
	_ =	sdelay $0x3  }
0x37: {  	[smem:$0x3FBA] =	sst s10  }
0x38: {  	s10 =	sld [smem:$0x3FBB]  }
0x39: {  	_ = 	snop;
	(pc) =	sbr.ind lr, $3  }
0x3a: {  	_ = 	snop  }
0x3b: {  	_ = 	snop  }
0x3c: {  	p2 =	seq.s32 s10, $0x1;
	s10 =	sld [smem:$0x3FBA]  }
0x3d: {  	_ =	shalt  }
0x3e: {  	_ =	shalt  }
0x3f: {  	_ =	shalt  }
0x40: {  	_ =	shalt  }
0x41: {  	_ =	shalt  }
0x42: {  	_ =	shalt  }
0x43: {  	_ =	shalt  }
0x44: {  	_ =	shalt  }
0x45: {  	_ =	shalt  }
0x46: {  	_ =	shalt  }
0x47: {  	_ =	shalt  }
0x48: {  	_ =	shalt  }
0x49: {  	_ =	shalt  }
0x4a: {  	_ =	shalt  }
0x4b: {  	_ =	shalt  }
0x4c: {  	_ =	shalt  }
0x4d: {  	_ =	shalt  }
0x4e: {  	_ =	shalt  }
0x4f: {  	_ =	shalt  }
0x50: {  	_ =	shalt  }
0x51: {  	_ =	shalt  }
0x52: {  	_ =	shalt  }
0x53: {  	_ =	shalt  }
0x54: {  	_ =	shalt  }
0x55: {  	_ =	shalt  }
0x56: {  	_ =	shalt  }
0x57: {  	_ =	shalt  }
0x58: {  	_ =	shalt  }
0x59: {  	_ =	shalt  }
0x5a: {  	_ =	shalt  }
0x5b: {  	_ =	shalt  }
0x5c: {  	_ =	shalt  }
0x5d: {  	_ =	shalt  }
0x5e: {  	_ =	shalt  }
0x5f: {  	_ =	shalt  }
0x60: {  	_ =	shalt  }
0x61: {  	_ =	shalt  }
0x62: {  	_ =	shalt  }
0x63: {  	_ =	shalt  }
0x64: {  	_ =	shalt  }
0x65: {  	_ =	shalt  }
0x66: {  	_ =	shalt  }
0x67: {  	_ =	shalt  }
0x68: {  	_ =	shalt  }
0x69: {  	_ =	shalt  }
0x6a: {  	_ =	shalt  }
0x6b: {  	_ =	shalt  }
0x6c: {  	_ =	shalt  }
0x6d: {  	_ =	shalt  }
0x6e: {  	_ =	shalt  }
0x6f: {  	_ =	shalt  }
0x70: {  	_ =	shalt  }
0x71: {  	_ =	shalt  }
0x72: {  	_ =	shalt  }
0x73: {  	_ =	shalt  }
0x74: {  	_ =	shalt  }
0x75: {  	_ =	shalt  }
0x76: {  	_ =	shalt  }
0x77: {  	_ =	shalt  }
0x78: {  	_ =	shalt  }
0x79: {  	_ =	shalt  }
0x7a: {  	_ =	shalt  }
0x7b: {  	_ =	shalt  }
0x7c: {  	_ =	shalt  }
0x7d: {  	_ =	shalt  }
0x7e: {  	_ =	shalt  }
0x7f: {  	_ =	shalt  }
0x80: {  	_ =	shalt  }
0x81: {  	_ =	shalt  }
0x82: {  	_ =	shalt  }
0x83: {  	_ =	shalt  }
0x84: {  	_ =	shalt  }
0x85: {  	_ =	shalt  }
0x86: {  	_ =	shalt  }
0x87: {  	_ =	shalt  }
.Lfunc_end0:
.L_simem_size_0:
called_computation.1_lowered:
.L_overlay_start_0:
0x88: {  	s2 =	sld [smem:$0x3FD9]  }
0x89: {  	s3 =	sld [smem:$0x3FFE];
	_ =	sdelay $0x1  }
0x8a: {  	s1 =	srdreg.scid  }
0x8b: {  	s0 =	sand.u32 $0x1, s1  }
0x8c: {  	s17 =	sshll.u32 s0, $0xA;
	s2 =	sadd.s32 s3, s2  }
0x8d: {  	s2 =	sadd.s32 s2, s17  }
0x8e: {  	[smem:$0x3FC6] =	sst s2  }
0x8f: {  	_ = 	snop  }
0x90: {  	s2 =	sld [smem:$0x3FD0];
	(tm) =	ssettm $0x1  }
0x91: {  	s18 =	sld [smem:$0x3FFB];
	_ =	sdelay $0x3  }
0x92: {  	_ =	strace s18  }
0x93: {  	s3 =	sld [smem:$0x3FFC];
	_ =	sdelay $0x3  }
0x94: {  	_ =	strace s3  }
0x95: {  	s3 =	sld [smem:$0x3FFD];
	_ =	sdelay $0x3  }
0x96: {  	_ =	strace s3  }
0x97: {  	_ =	strace $0x8FFFFFFF  }
0x98: {  	s19 =	sld [smem:$0x3FDB];
	_ =	sdelay $0x1  }
0x99: {  	s4 =	simm.s32 $_scs_section_size  }
0x9a: {  	s5 =	simm.s32 $_size__tile_overlayer_lowered;
	s6 =	simm.s32 $_tile_overlayer_lowered  }
0x9b: {  	s22 =	simm.s32 $0x1BFF;
	s21 =	sshll.u32 s6, $0x1;
	s3 =	sadd.s32 s4, s19  }
0x9c: {  	s7 =	simm.s32 $0x0;
	s20 =	sshll.u32 s5, $0x1;
	s5 =	sadd.s32 s21, s3  }
0x9d: {  	[timem:s7], [sflag:s22] =	dma.local [hbm:s5], s20  }
0x9e: {  	_ =	swait.ge [sflag:s22], s20  }
0x9f: {  	s4 =	ssub.s32 $0x0, s20;
	[sflag:s22] =	ssyncset.done $0x0  }
0xa0: {  	[sflag:s22] =	ssyncadd.s32 s4;
	_ =	sdelay $0x1  }
0xa1: {  	s23 =	simm.s32 $0x1B8B  }
0xa2: {  	_ =	swait.ge [sflag:s23], $0x1  }
0xa3: {  	[sflag:s23] =	ssyncset.done $0x0  }
0xa4: {  	s25 =	simm.s32 $0x1B8E;
	s24 =	sld [smem:$0x3FFE];
	[sflag:s23] =	ssyncadd.s32 $0xFFFFFFFF  }
0xa5: {  	s26 =	simm.s32 $execute0_lowered;
	[smem:$0x3FD2] =	sst s25  }
0xa6: {  	s5 =	sshll.u32 s26, $0x1;
	_ =	strace $0x80000049;
	[dreg:$0x1] =	wrdreg $0xFFFFFFFF  }
0xa7: {  	s28 =	simm.s32 $_size_execute0_lowered;
	s3 =	sadd.s32 s3, s5;
	[dreg:$0x0] =	wrdreg $0x0  }
0xa8: {  	s5 =	sshll.u32 s28, $0x1;
	[dreg:$0x2] =	wrdreg s3  }
0xa9: {  	[dreg:$0x3] =	wrdreg s5  }
0xaa: {  	[dreg:$0x4] =	wrdreg $0xC0  }
0xab: {  	_ =	task [dreg:s7], $0x5FFFF  }
0xac: {  	[dreg:$0x1] =	wrdreg $0xFFFFFFFF  }
0xad: {  	[dreg:$0x0] =	wrdreg $0x60  }
0xae: {  	[dreg:$0x2] =	wrdreg s24  }
0xaf: {  	[dreg:$0x3] =	wrdreg s2  }
0xb0: {  	[dreg:$0x4] =	wrdreg $0x9  }
0xb1: {  	_ =	task.clear_ibuf [dreg:s7], $0x5FFFF;
	_ =	strace $0x90000049  }
0xb2: {  	s29 =	simm.s32 $0x9;
	_ =	strace $0x8000004B  }
0xb3: {  	_ =	swait.ge [sflag:s29], $0x1  }
0xb4: {  	[sflag:s29] =	ssyncadd.s32 $0xFFFFFFFF  }
0xb5: {  	_ =	strace $0x9000004B  }
0xb6: {  	_ =	sfence  }
0xb7: {  	s30 =	sld [smem:$0x0];
	_ =	sdelay $0x2  }
0xb8: {  	s31 =	sshll.u32 s1, $0xD;
	s1 =	sshrl.u32 s1, $0x2  }
0xb9: {  	s3 =	sand.u32 $0x4000, s31;
	s1 =	sadd.s32 s1, s30  }
0xba: {  	s0 =	sor.u32 s3, s0;
	s1 =	sshll.u32 s1, $0x11  }
0xbb: {  	s0 =	sor.u32 s1, s0  }
0xbc: {  	s0 =	sadd.s32 $0x8F2B, s0  }
0xbd: {  	[sflag:s0] =	ssyncadd.remote.s32 $0x1  }
0xbe: {  	_ =	sfence.sel $0xFFFF  }
0xbf: {  	[dreg:$0x0] =	wrdreg $0xFFFFFFFF;
	(pc) =	sbr.abs _section_cstart, $3  }
0xc0: {  	[dreg:$0x1] =	wrdreg $0xFFFFFFFF  }
0xc1: {  	_ =	task.clear_ibuf [dreg:s7], $0x2FFFF;
	_ =	strace $0x9FFFFFFF  }
0xc2: {  	(tm) =	ssettm $0x7FFFFFFF  }
0xc3: {  	_ =	shalt  }
tec
execute0_lowered:
.L_overlay_start_1:
0x0: {  	(tag) =	ssettag $0x1  }
0x1: {  	s0 =	srdreg.scid  }
0x2: {  	s2 =	stileid.u32;
	s1 =	rddreg [dreg:$0x0]  }
0x3: {  	s12 =	simm.s32 $0x80;
	s13 =	simm.s32 $0x6400;
	s14 =	simm.s32 $0x7400  }
0x4: {  	s24 =	simm.s32 $0xC400;
	s28 =	simm.s32 $0x1;
	s29 =	simm.s32 $0xE400  }
0x5: {  	s30 =	simm.s32 $0x2;
	s31 =	simm.s32 $0x6;
	s15 =	simm.s32 $0x5  }
0x6: {  	s16 =	simm.s32 $0x4;
	s0 =	sand.u32 $0x1, s0;
	s3 =	sshll.u32 s2, $0x1  }
0x7: {  	s17 =	simm.s32 $0x0;
	s2 =	rddreg [dreg:$0x1];
	s5 =	sor.u32 s0, s3  }
0x8: {  	s3 =	simm.s32 $0x0;
	s0 =	ssub.s32 $0x2, s0;
	s8 =	sadd.s32 $0x10000, s2  }
0x9: {  	s9 =	sadd.s32 $0x18000, s2;
	s4 =	smul.u32 $0xC80, s5;
	[smem:$0x7FF] =	sst s3  }
.Ltmp0:
0xa: {  	s7 =	sshrl.u32 s0, $0x1;
	_ =	strace $0x8000004A;
	(pc) =	sbr.rel .LBB2_1-.Ltmp0, $4  }
0xb: {  	v0 =	vlaneseq.u32;
	s0 =	ssub.s32 s0, s7;
	s7 =	sadd.s32 $0x8000, s2;
	s6 =	sadd.s32 s4, s1  }
0xc: {  	v0 =	vmul.u32 $0x88, v0;
	s4 =	sadd.s32 $0xC00, s1;
	s0 =	smax.u32 s0, $0x1;
	s1 =	simm.s32 $0x10600  }
0xd: {  	s26 =	sadd.s32 $0x3D1600, s6;
	s6 =	sshll.u32 s5, $0x7;
	[dreg:$0x4] =	wrdreg s0  }
0xe: {  	v1 =	vadd.s32 $0x880, v0;
	v2 =	vadd.s32 $0x1100, v0;
	v3 =	vadd.s32 $0x1980, v0;
	s0 =	simm.s32 $0x3;
	[dreg:$0x3] =	wrdreg s26;
	s26 =	simm.s32 $0xD400  }
.LBB2_24:
0xf: {  	_ =	swait.ge [sflag:s15], $0x2000  }
0x10: {  	[sflag:s15] =	ssyncset.done $0x0  }
0x11: {  	[sflag:s15] =	ssyncadd.s32 $0xFFFFE000  }
0x12: {  	_ =	swait.ge [sflag:s31], $0x2000  }
0x13: {  	s17 =	sadd.s32 $0x1, s17;
	s5 =	rddreg [dreg:$0x4]  }
0x14: {  	p0 =	sne.s32 s17, s5  }
.Ltmp1:
0x15: {  	_ = 	snop;
	(pc) =	sbr.rel @!p0 .LBB2_25-.Ltmp1, $3  }
0x16: {  	_ =	sdelay $0x1  }
0x17: {  	[sflag:s31] =	ssyncset.done $0x0  }
0x18: {  	[sflag:s31] =	ssyncadd.s32 $0xFFFFE000  }
.LBB2_1:
0x19: {  	s5 =	rddreg [dreg:$0x3];
	s23 =	simm.s32 $0x7  }
0x1a: {  	[tilespmem:s3], [sflag:$0x7] =	stream.linear.gather [hbm4b:s5+s3], $0x6400, $0x38;
	[tilespmem:$0x12800] =	vst v63  }
0x1b: {  	_ =	swait.ge [sflag:s23], $0x6400  }
0x1c: {  	[sflag:s23] =	ssyncset.done $0x0  }
0x1d: {  	[sflag:s23] =	ssyncadd.s32 $0xFFFF9C00  }
0x1e: {  	[tilespmem:s13], [sflag:$0x1] =	stream.indirect.gather [hbm4b:s4+s12], $0x20, s3, s12, $0xb8;
	[tilespmem:$0x12800] =	vst v63  }
0x1f: {  	_ = 	snop  }
0x20: {  	[tilespmem:s14], [sflag:$0x1] =	stream.indirect.gather [hbm4b:s4+s12], $0x20, s12, s12, $0xb8;
	[tilespmem:$0x12800] =	vst v63  }
0x21: {  	s25 =	simm.s32 $0x100;
	s10 =	simm.s32 $0x8400  }
0x22: {  	[tilespmem:s10], [sflag:$0x2] =	stream.indirect.gather [hbm4b:s4+s12], $0x20, s25, s12, $0xb8;
	[tilespmem:$0x12800] =	vst v63  }
0x23: {  	s11 =	simm.s32 $0x180;
	s18 =	simm.s32 $0x9400  }
0x24: {  	[tilespmem:s18], [sflag:$0x2] =	stream.indirect.gather [hbm4b:s4+s12], $0x20, s11, s12, $0xb8;
	[tilespmem:$0x12800] =	vst v63  }
0x25: {  	s19 =	simm.s32 $0x200;
	s20 =	simm.s32 $0xA400  }
0x26: {  	[tilespmem:s20], [sflag:$0x3] =	stream.indirect.gather [hbm4b:s4+s12], $0x20, s19, s12, $0xb8;
	[tilespmem:$0x12800] =	vst v63  }
0x27: {  	s21 =	simm.s32 $0x280;
	s22 =	simm.s32 $0xB400  }
0x28: {  	[tilespmem:s22], [sflag:$0x3] =	stream.indirect.gather [hbm4b:s4+s12], $0x20, s21, s12, $0xb8;
	[tilespmem:$0x12800] =	vst v63  }
0x29: {  	s23 =	simm.s32 $0x300  }
0x2a: {  	[tilespmem:s24], [sflag:$0x4] =	stream.indirect.gather [hbm4b:s4+s12], $0x20, s23, s12, $0xb8;
	[tilespmem:$0x12800] =	vst v63  }
0x2b: {  	s25 =	simm.s32 $0x380;
	s18 =	simm.s32 $0x0  }
0x2c: {  	[tilespmem:s26], [sflag:$0x4] =	stream.indirect.gather [hbm4b:s4+s12], $0x20, s25, s12, $0xb8;
	[tilespmem:$0x12800] =	vst v63  }
.LBB2_2:
0x2d: {  	_ =	swait.ge [sflag:s28], $0x2000  }
0x2e: {  	p0 =	seq.s32 s18, $0x0;
	[sflag:s28] =	ssyncset.done $0x0  }
0x2f: {  	s5 =	simm.s32 @!p0 $0x5;
	[sflag:s28] =	ssyncadd.s32 $0xFFFFE000  }
0x30: {  	s10 =	simm.s32 $0x0;
	_ =	swait.ge @!p0 [sflag:s5], $0x2000  }
0x31: {  	v4 =	vmov s10;
	[sflag:s5] =	ssyncset.done @!p0 $0x0  }
0x32: {  	s11 =	simm.s32 $0x0;
	v4 =	vand.u32 $0x7C, v4;
	[sflag:s5] =	ssyncadd.s32 @!p0 $0xFFFFE000  }
0x33: {  	v6 =	vadd.s32 v0, v4;
	v5 =	vld [tilespmem:s11+$0x6400];
	_ =	sdelay $0x4  }
0x34: {  	[tilespmem:v6+s29+$0x0] =	vst.idx.msk $0xffff, v5  }
0x35: {  	v6 =	vadd.s32 v1, v4;
	v5 =	vld [tilespmem:s11+$0x6410];
	_ =	sdelay $0x4  }
0x36: {  	[tilespmem:v6+s29+$0x0] =	vst.idx.msk $0xffff, v5  }
0x37: {  	v6 =	vadd.s32 v2, v4;
	v5 =	vld [tilespmem:s11+$0x7400];
	_ =	sdelay $0x4  }
0x38: {  	[tilespmem:v6+s29+$0x0] =	vst.idx.msk $0xffff, v5  }
0x39: {  	v4 =	vadd.s32 v3, v4;
	v5 =	vld [tilespmem:s11+$0x7410];
	_ =	sdelay $0x2  }
0x3a: {  	s22 =	simm.s32 $0x1  }
0x3b: {  	v6 =	vmov s22  }
0x3c: {  	[tilespmem:v4+s29+$0x0] =	vst.idx.msk $0xffff, v5;
	v4 =	vand.u32 $0x7D, v6  }
0x3d: {  	v5 =	vld [tilespmem:s11+$0x6420];
	v6 =	vadd.s32 v0, v4;
	_ =	sdelay $0x4  }
0x3e: {  	[tilespmem:v6+s29+$0x0] =	vst.idx.msk $0xffff, v5  }
0x3f: {  	v6 =	vadd.s32 v1, v4;
	v5 =	vld [tilespmem:s11+$0x6430];
	_ =	sdelay $0x4  }
0x40: {  	[tilespmem:v6+s29+$0x0] =	vst.idx.msk $0xffff, v5  }
0x41: {  	v6 =	vadd.s32 v2, v4;
	v5 =	vld [tilespmem:s11+$0x7420];
	_ =	sdelay $0x4  }
0x42: {  	[tilespmem:v6+s29+$0x0] =	vst.idx.msk $0xffff, v5  }
0x43: {  	v4 =	vadd.s32 v3, v4;
	v5 =	vld [tilespmem:s11+$0x7430];
	_ =	sdelay $0x2  }
0x44: {  	s23 =	simm.s32 $0x2  }
0x45: {  	v6 =	vmov s23  }
0x46: {  	[tilespmem:v4+s29+$0x0] =	vst.idx.msk $0xffff, v5;
	v4 =	vand.u32 $0x7E, v6  }
0x47: {  	v5 =	vld [tilespmem:s11+$0x6440];
	v6 =	vadd.s32 v0, v4;
	_ =	sdelay $0x4  }
0x48: {  	[tilespmem:v6+s29+$0x0] =	vst.idx.msk $0xffff, v5  }
0x49: {  	v6 =	vadd.s32 v1, v4;
	v5 =	vld [tilespmem:s11+$0x6450];
	_ =	sdelay $0x4  }
0x4a: {  	[tilespmem:v6+s29+$0x0] =	vst.idx.msk $0xffff, v5  }
0x4b: {  	v6 =	vadd.s32 v2, v4;
	v5 =	vld [tilespmem:s11+$0x7440];
	_ =	sdelay $0x4  }
0x4c: {  	[tilespmem:v6+s29+$0x0] =	vst.idx.msk $0xffff, v5  }
0x4d: {  	v4 =	vadd.s32 v3, v4;
	v5 =	vld [tilespmem:s11+$0x7450];
	_ =	sdelay $0x2  }
0x4e: {  	s25 =	simm.s32 $0x3  }
0x4f: {  	v6 =	vmov s25  }
0x50: {  	[tilespmem:v4+s29+$0x0] =	vst.idx.msk $0xffff, v5;
	v5 =	vand.u32 $0x7F, v6  }
0x51: {  	v4 =	vld [tilespmem:s11+$0x6460];
	v6 =	vadd.s32 v0, v5;
	_ =	sdelay $0x4  }
0x52: {  	[tilespmem:v6+s29+$0x0] =	vst.idx.msk $0xffff, v4  }
0x53: {  	v6 =	vadd.s32 v1, v5;
	v4 =	vld [tilespmem:s11+$0x6470];
	_ =	sdelay $0x4  }
0x54: {  	[tilespmem:v6+s29+$0x0] =	vst.idx.msk $0xffff, v4  }
0x55: {  	v6 =	vadd.s32 v2, v5;
	v4 =	vld [tilespmem:s11+$0x7460];
	_ =	sdelay $0x4  }
0x56: {  	[tilespmem:v6+s29+$0x0] =	vst.idx.msk $0xffff, v4  }
0x57: {  	v5 =	vadd.s32 v3, v5;
	v4 =	vld [tilespmem:s11+$0x7470];
	_ =	sdelay $0x2  }
0x58: {  	s20 =	simm.s32 $0x4  }
0x59: {  	s19 =	sshll.u32 s18, $0xC;
	s21 =	simm.s32 $0x200;
	s22 =	simm.s32 $0x400;
	v6 =	vmov s20  }
.LBB2_3:
0x5a: {  	p1 =	sne.s32 s22, $0x3E00;
	s23 =	sshra.s32 s21, $0x2;
	v6 =	vand.u32 $0x7C, v6;
	[tilespmem:v5+s29+$0x0] =	vst.idx.msk $0xffff, v4;
	s21 =	smov.u32 s22  }
0x5b: {  	v4 =	vld [tilespmem:s23+$0x6400];
	v5 =	vadd.s32 v0, v6;
	_ =	sdelay $0x4  }
0x5c: {  	[tilespmem:v5+s29+$0x0] =	vst.idx.msk $0xffff, v4  }
0x5d: {  	v5 =	vadd.s32 v1, v6;
	v4 =	vld [tilespmem:s23+$0x6410];
	_ =	sdelay $0x4  }
0x5e: {  	[tilespmem:v5+s29+$0x0] =	vst.idx.msk $0xffff, v4  }
0x5f: {  	v5 =	vadd.s32 v2, v6;
	v4 =	vld [tilespmem:s23+$0x7400];
	_ =	sdelay $0x4  }
0x60: {  	[tilespmem:v5+s29+$0x0] =	vst.idx.msk $0xffff, v4  }
0x61: {  	v5 =	vadd.s32 v3, v6;
	v4 =	vld [tilespmem:s23+$0x7410];
	_ =	sdelay $0x2  }
0x62: {  	s5 =	sadd.s32 $0x1, s20  }
0x63: {  	v6 =	vmov s5  }
0x64: {  	[tilespmem:v5+s29+$0x0] =	vst.idx.msk $0xffff, v4;
	v4 =	vand.u32 $0x7D, v6  }
0x65: {  	v5 =	vld [tilespmem:s23+$0x6420];
	v6 =	vadd.s32 v0, v4;
	_ =	sdelay $0x4  }
0x66: {  	[tilespmem:v6+s29+$0x0] =	vst.idx.msk $0xffff, v5  }
0x67: {  	v6 =	vadd.s32 v1, v4;
	v5 =	vld [tilespmem:s23+$0x6430];
	_ =	sdelay $0x4  }
0x68: {  	[tilespmem:v6+s29+$0x0] =	vst.idx.msk $0xffff, v5  }
0x69: {  	v6 =	vadd.s32 v2, v4;
	v5 =	vld [tilespmem:s23+$0x7420];
	_ =	sdelay $0x4  }
0x6a: {  	[tilespmem:v6+s29+$0x0] =	vst.idx.msk $0xffff, v5  }
0x6b: {  	v4 =	vadd.s32 v3, v4;
	v5 =	vld [tilespmem:s23+$0x7430];
	_ =	sdelay $0x2  }
0x6c: {  	s5 =	sadd.s32 $0x2, s20  }
0x6d: {  	v6 =	vmov s5  }
0x6e: {  	[tilespmem:v4+s29+$0x0] =	vst.idx.msk $0xffff, v5;
	v4 =	vand.u32 $0x7E, v6  }
0x6f: {  	v5 =	vld [tilespmem:s23+$0x6440];
	v6 =	vadd.s32 v0, v4;
	_ =	sdelay $0x4  }
0x70: {  	[tilespmem:v6+s29+$0x0] =	vst.idx.msk $0xffff, v5  }
0x71: {  	v6 =	vadd.s32 v1, v4;
	v5 =	vld [tilespmem:s23+$0x6450];
	_ =	sdelay $0x4  }
0x72: {  	[tilespmem:v6+s29+$0x0] =	vst.idx.msk $0xffff, v5  }
0x73: {  	v6 =	vadd.s32 v2, v4;
	v5 =	vld [tilespmem:s23+$0x7440];
	_ =	sdelay $0x4  }
0x74: {  	[tilespmem:v6+s29+$0x0] =	vst.idx.msk $0xffff, v5  }
0x75: {  	v4 =	vadd.s32 v3, v4;
	v5 =	vld [tilespmem:s23+$0x7450];
	_ =	sdelay $0x2  }
0x76: {  	s5 =	sadd.s32 $0x3, s20  }
0x77: {  	v6 =	vmov s5  }
0x78: {  	[tilespmem:v4+s29+$0x0] =	vst.idx.msk $0xffff, v5;
	v5 =	vand.u32 $0x7F, v6  }
0x79: {  	v4 =	vld [tilespmem:s23+$0x6460];
	v6 =	vadd.s32 v0, v5;
	_ =	sdelay $0x4  }
0x7a: {  	[tilespmem:v6+s29+$0x0] =	vst.idx.msk $0xffff, v4  }
0x7b: {  	v6 =	vadd.s32 v1, v5;
	v4 =	vld [tilespmem:s23+$0x6470];
	_ =	sdelay $0x4  }
0x7c: {  	[tilespmem:v6+s29+$0x0] =	vst.idx.msk $0xffff, v4  }
0x7d: {  	v6 =	vadd.s32 v2, v5;
	v4 =	vld [tilespmem:s23+$0x7460];
	_ =	sdelay $0x4  }
0x7e: {  	[tilespmem:v6+s29+$0x0] =	vst.idx.msk $0xffff, v4  }
.Ltmp2:
0x7f: {  	v5 =	vadd.s32 v3, v5;
	v4 =	vld [tilespmem:s23+$0x7470];
	(pc) =	sbr.rel @p1 .LBB2_3-.Ltmp2, $3  }
0x80: {  	_ =	sdelay $0x1  }
0x81: {  	s20 =	sadd.s32 $0x4, s20  }
0x82: {  	s22 =	sadd.s32 $0x200, s22;
	v6 =	vmov s20  }
0x83: {  	_ =	sdelay $0x3  }
0x84: {  	s5 =	sshra.s32 s21, $0x2;
	v6 =	vand.u32 $0x7C, v6;
	[tilespmem:v5+s29+$0x0] =	vst.idx.msk $0xffff, v4  }
0x85: {  	v4 =	vld [tilespmem:s5+$0x6400];
	v5 =	vadd.s32 v0, v6;
	_ =	sdelay $0x4  }
0x86: {  	[tilespmem:v5+s29+$0x0] =	vst.idx.msk $0xffff, v4  }
0x87: {  	v5 =	vadd.s32 v1, v6;
	v4 =	vld [tilespmem:s5+$0x6410];
	_ =	sdelay $0x4  }
0x88: {  	[tilespmem:v5+s29+$0x0] =	vst.idx.msk $0xffff, v4  }
0x89: {  	v5 =	vadd.s32 v2, v6;
	v4 =	vld [tilespmem:s5+$0x7400];
	_ =	sdelay $0x4  }
0x8a: {  	[tilespmem:v5+s29+$0x0] =	vst.idx.msk $0xffff, v4  }
0x8b: {  	v5 =	vadd.s32 v3, v6;
	v4 =	vld [tilespmem:s5+$0x7410];
	_ =	sdelay $0x2  }
0x8c: {  	s10 =	sadd.s32 $0x1, s20  }
0x8d: {  	v55 =	vmov s10  }
0x8e: {  	[tilespmem:v5+s29+$0x0] =	vst.idx.msk $0xffff, v4;
	v4 =	vand.u32 $0x7D, v55  }
0x8f: {  	v5 =	vld [tilespmem:s5+$0x6420];
	v6 =	vadd.s32 v0, v4;
	_ =	sdelay $0x4  }
0x90: {  	[tilespmem:v6+s29+$0x0] =	vst.idx.msk $0xffff, v5  }
0x91: {  	v56 =	vadd.s32 v1, v4;
	v5 =	vld [tilespmem:s5+$0x6430];
	_ =	sdelay $0x4  }
0x92: {  	[tilespmem:v56+s29+$0x0] =	vst.idx.msk $0xffff, v5  }
0x93: {  	v57 =	vadd.s32 v2, v4;
	v5 =	vld [tilespmem:s5+$0x7420];
	_ =	sdelay $0x4  }
0x94: {  	[tilespmem:v57+s29+$0x0] =	vst.idx.msk $0xffff, v5  }
0x95: {  	v4 =	vadd.s32 v3, v4;
	v5 =	vld [tilespmem:s5+$0x7430];
	_ =	sdelay $0x2  }
0x96: {  	s25 =	sadd.s32 $0x2, s20  }
0x97: {  	v58 =	vmov s25  }
0x98: {  	[tilespmem:v4+s29+$0x0] =	vst.idx.msk $0xffff, v5;
	v4 =	vand.u32 $0x7E, v58  }
0x99: {  	v5 =	vld [tilespmem:s5+$0x6440];
	v6 =	vadd.s32 v0, v4;
	_ =	sdelay $0x4  }
0x9a: {  	[tilespmem:v6+s29+$0x0] =	vst.idx.msk $0xffff, v5  }
0x9b: {  	v59 =	vadd.s32 v1, v4;
	v5 =	vld [tilespmem:s5+$0x6450];
	_ =	sdelay $0x4  }
0x9c: {  	[tilespmem:v59+s29+$0x0] =	vst.idx.msk $0xffff, v5  }
0x9d: {  	v60 =	vadd.s32 v2, v4;
	v5 =	vld [tilespmem:s5+$0x7440];
	_ =	sdelay $0x4  }
0x9e: {  	[tilespmem:v60+s29+$0x0] =	vst.idx.msk $0xffff, v5  }
0x9f: {  	v4 =	vadd.s32 v3, v4;
	v5 =	vld [tilespmem:s5+$0x7450];
	_ =	sdelay $0x2  }
0xa0: {  	s11 =	sadd.s32 $0x3, s20  }
0xa1: {  	v61 =	vmov s11  }
0xa2: {  	[tilespmem:v4+s29+$0x0] =	vst.idx.msk $0xffff, v5;
	v4 =	vand.u32 $0x7F, v61  }
0xa3: {  	v5 =	vld [tilespmem:s5+$0x6460];
	v6 =	vadd.s32 v0, v4;
	_ =	sdelay $0x4  }
0xa4: {  	[tilespmem:v6+s29+$0x0] =	vst.idx.msk $0xffff, v5  }
0xa5: {  	v62 =	vadd.s32 v1, v4;
	v5 =	vld [tilespmem:s5+$0x6470];
	_ =	sdelay $0x4  }
0xa6: {  	[tilespmem:v62+s29+$0x0] =	vst.idx.msk $0xffff, v5  }
0xa7: {  	v63 =	vadd.s32 v2, v4;
	v5 =	vld [tilespmem:s5+$0x7460];
	_ =	sdelay $0x4  }
0xa8: {  	[tilespmem:v63+s29+$0x0] =	vst.idx.msk $0xffff, v5  }
0xa9: {  	v4 =	vadd.s32 v3, v4;
	v5 =	vld [tilespmem:s5+$0x7470];
	_ =	sdelay $0x2  }
0xaa: {  	s20 =	sshll.u32 s18, $0x11  }
0xab: {  	s20 =	sor.u32 s6, s20  }
0xac: {  	s21 =	simm.s32 $0xE400;
	s10 =	sadd.s32 s2, s20;
	[tilespmem:v4+s29+$0x0] =	vst.idx.msk $0xffff, v5  }
0xad: {  	[hbm4b:s10+s3] =	stream.linear.scatter [tilespmem:s21], [sflag:$0x5], $0x80, $0x38;
	[tilespmem:$0x12800] =	vst v63  }
0xae: {  	s22 =	simm.s32 $0xE488;
	s23 =	sadd.s32 $0x10, s10  }
0xaf: {  	[hbm4b:s23+s3] =	stream.linear.scatter [tilespmem:s22], [sflag:$0x5], $0x80, $0x38;
	[tilespmem:$0x12800] =	vst v63  }
0xb0: {  	s25 =	simm.s32 $0xE510;
	s11 =	sadd.s32 $0x20, s10  }
0xb1: {  	[hbm4b:s11+s3] =	stream.linear.scatter [tilespmem:s25], [sflag:$0x5], $0x80, $0x38;
	[tilespmem:$0x12800] =	vst v63  }
0xb2: {  	s22 =	simm.s32 $0xE598;
	s23 =	sadd.s32 $0x30, s10  }
0xb3: {  	[hbm4b:s23+s3] =	stream.linear.scatter [tilespmem:s22], [sflag:$0x5], $0x80, $0x38;
	[tilespmem:$0x12800] =	vst v63  }
0xb4: {  	s25 =	simm.s32 $0xE620;
	s11 =	sadd.s32 $0x40, s10  }
0xb5: {  	[hbm4b:s11+s3] =	stream.linear.scatter [tilespmem:s25], [sflag:$0x5], $0x80, $0x38;
	[tilespmem:$0x12800] =	vst v63  }
0xb6: {  	s5 =	simm.s32 $0x440;
	s21 =	simm.s32 $0xE6A8;
	s22 =	sadd.s32 $0x50, s10  }
0xb7: {  	[hbm4b:s22+s3] =	stream.linear.scatter [tilespmem:s21], [sflag:$0x5], $0x80, $0x38;
	[tilespmem:$0x12800] =	vst v63  }
0xb8: {  	s23 =	simm.s32 $0xE730;
	s25 =	sadd.s32 $0x60, s10;
	s22 =	simm.s32 $0x2200  }
0xb9: {  	[hbm4b:s25+s3] =	stream.linear.scatter [tilespmem:s23], [sflag:$0x5], $0x80, $0x38;
	[tilespmem:$0x12800] =	vst v63  }
0xba: {  	s21 =	sadd.s32 $0x1000, s10;
	s23 =	simm.s32 $0xE7B8;
	s25 =	sadd.s32 $0x70, s10  }
.LBB2_5:
0xbb: {  	[hbm4b:s25+s3] =	stream.linear.scatter [tilespmem:s23], [sflag:$0x5], $0x80, $0x38;
	[tilespmem:$0x12800] =	vst v63  }
0xbc: {  	s10 =	smov.u32 s5;
	s5 =	smov.u32 s22  }
0xbd: {  	s11 =	sadd.s32 $0x1100, s22;
	s5 =	sshra.s32 s5, $0x2;
	s23 =	sadd.s32 $0xE400, s10  }
0xbe: {  	[hbm4b:s21+s3] =	stream.linear.scatter [tilespmem:s23], [sflag:$0x5], $0x80, $0x38;
	[tilespmem:$0x12800] =	vst v63  }
0xbf: {  	p1 =	sne.s32 s22, $0x7700;
	s22 =	sadd.s32 $0xE488, s10;
	s23 =	sadd.s32 $0x10, s21  }
0xc0: {  	[hbm4b:s23+s3] =	stream.linear.scatter [tilespmem:s22], [sflag:$0x5], $0x80, $0x38;
	[tilespmem:$0x12800] =	vst v63  }
0xc1: {  	s22 =	sadd.s32 $0xE510, s10;
	s23 =	sadd.s32 $0x20, s21  }
0xc2: {  	[hbm4b:s23+s3] =	stream.linear.scatter [tilespmem:s22], [sflag:$0x5], $0x80, $0x38;
	[tilespmem:$0x12800] =	vst v63  }
0xc3: {  	s22 =	sadd.s32 $0xE598, s10;
	s23 =	sadd.s32 $0x30, s21  }
0xc4: {  	[hbm4b:s23+s3] =	stream.linear.scatter [tilespmem:s22], [sflag:$0x5], $0x80, $0x38;
	[tilespmem:$0x12800] =	vst v63  }
0xc5: {  	s22 =	sadd.s32 $0xE620, s10;
	s23 =	sadd.s32 $0x40, s21  }
0xc6: {  	[hbm4b:s23+s3] =	stream.linear.scatter [tilespmem:s22], [sflag:$0x5], $0x80, $0x38;
	[tilespmem:$0x12800] =	vst v63  }
.Ltmp3:
0xc7: {  	s22 =	sadd.s32 $0xE6A8, s10;
	s23 =	sadd.s32 $0x50, s21;
	(pc) =	sbr.rel @p1 .LBB2_5-.Ltmp3, $4  }
0xc8: {  	[hbm4b:s23+s3] =	stream.linear.scatter [tilespmem:s22], [sflag:$0x5], $0x80, $0x38;
	[tilespmem:$0x12800] =	vst v63  }
0xc9: {  	s25 =	sadd.s32 $0x70, s21;
	s22 =	sadd.s32 $0xE730, s10;
	s23 =	sadd.s32 $0x60, s21  }
0xca: {  	[hbm4b:s23+s3] =	stream.linear.scatter [tilespmem:s22], [sflag:$0x5], $0x80, $0x38;
	[tilespmem:$0x12800] =	vst v63  }
0xcb: {  	s21 =	sadd.s32 $0x1000, s21;
	s23 =	sadd.s32 $0xE7B8, s10;
	s22 =	smov.u32 s11  }
0xcc: {  	[hbm4b:s25+s3] =	stream.linear.scatter [tilespmem:s23], [sflag:$0x5], $0x80, $0x38;
	[tilespmem:$0x12800] =	vst v63  }
0xcd: {  	s10 =	sadd.s32 $0xE400, s5  }
0xce: {  	[hbm4b:s21+s3] =	stream.linear.scatter [tilespmem:s10], [sflag:$0x5], $0x80, $0x38;
	[tilespmem:$0x12800] =	vst v63  }
0xcf: {  	s25 =	sadd.s32 $0xE488, s5;
	s11 =	sadd.s32 $0x10, s21  }
0xd0: {  	[hbm4b:s11+s3] =	stream.linear.scatter [tilespmem:s25], [sflag:$0x5], $0x80, $0x38;
	[tilespmem:$0x12800] =	vst v63  }
0xd1: {  	s22 =	sadd.s32 $0x20, s21;
	s11 =	sadd.s32 $0xE510, s5  }
0xd2: {  	[hbm4b:s22+s3] =	stream.linear.scatter [tilespmem:s11], [sflag:$0x5], $0x80, $0x38;
	[tilespmem:$0x12800] =	vst v63  }
0xd3: {  	s23 =	sadd.s32 $0xE598, s5;
	s25 =	sadd.s32 $0x30, s21  }
0xd4: {  	[hbm4b:s25+s3] =	stream.linear.scatter [tilespmem:s23], [sflag:$0x5], $0x80, $0x38;
	[tilespmem:$0x12800] =	vst v63  }
0xd5: {  	s11 =	sadd.s32 $0xE620, s5;
	s22 =	sadd.s32 $0x40, s21  }
0xd6: {  	[hbm4b:s22+s3] =	stream.linear.scatter [tilespmem:s11], [sflag:$0x5], $0x80, $0x38;
	[tilespmem:$0x12800] =	vst v63  }
0xd7: {  	p1 =	sne.s32 s18, $0x18;
	s23 =	sadd.s32 $0xE6A8, s5;
	s25 =	sadd.s32 $0x50, s21  }
0xd8: {  	[hbm4b:s25+s3] =	stream.linear.scatter [tilespmem:s23], [sflag:$0x5], $0x80, $0x38;
	[tilespmem:$0x12800] =	vst v63  }
.Ltmp4:
0xd9: {  	_ = 	snop;
	(pc) =	sbr.rel @p1 .LBB2_8-.Ltmp4, $4  }
0xda: {  	s11 =	sadd.s32 $0xE730, s5;
	s22 =	sadd.s32 $0x60, s21  }
0xdb: {  	[hbm4b:s22+s3] =	stream.linear.scatter [tilespmem:s11], [sflag:$0x5], $0x80, $0x38;
	[tilespmem:$0x12800] =	vst v63  }
0xdc: {  	s23 =	sadd.s32 $0xE7B8, s5;
	s25 =	sadd.s32 $0x70, s21  }
0xdd: {  	[hbm4b:s25+s3] =	stream.linear.scatter [tilespmem:s23], [sflag:$0x5], $0x80, $0x38;
	[tilespmem:$0x12800] =	vst v63  }
.Ltmp5:
0xde: {  	(pc) =	sbr.rel .LBB2_9-.Ltmp5, $4  }
0xdf: {  	_ = 	snop  }
0xe0: {  	_ =	swait.ge [sflag:s30], $0x2000  }
0xe1: {  	[sflag:s30] =	ssyncset.done $0x0  }
0xe2: {  	[sflag:s30] =	ssyncadd.s32 $0xFFFFE000  }
.LBB2_8:
0xe3: {  	s5 =	sshrl.u32 s19, $0x2  }
0xe4: {  	s10 =	sadd.s32 $0x400, s5  }
0xe5: {  	[tilespmem:s13], [sflag:$0x1] =	stream.indirect.gather [hbm4b:s4+s12], $0x20, s10, s12, $0xb8;
	[tilespmem:$0x12800] =	vst v63  }
.Ltmp6:
0xe6: {  	s5 =	sadd.s32 $0x480, s5;
	(pc) =	sbr.rel @p0 .LBB2_10-.Ltmp6, $4  }
0xe7: {  	[tilespmem:s14], [sflag:$0x1] =	stream.indirect.gather [hbm4b:s4+s12], $0x20, s5, s12, $0xb8;
	[tilespmem:$0x12800] =	vst v63  }
0xe8: {  	_ =	swait.ge [sflag:s30], $0x2000  }
0xe9: {  	[sflag:s30] =	ssyncset.done $0x0  }
0xea: {  	[sflag:s30] =	ssyncadd.s32 $0xFFFFE000  }
.LBB2_9:
0xeb: {  	_ =	swait.ge [sflag:s31], $0x2000  }
0xec: {  	[sflag:s31] =	ssyncset.done $0x0  }
0xed: {  	[sflag:s31] =	ssyncadd.s32 $0xFFFFE000  }
.LBB2_10:
0xee: {  	s5 =	simm.s32 $0x0  }
0xef: {  	v4 =	vmov s5  }
0xf0: {  	s11 =	simm.s32 $0x0;
	v4 =	vand.u32 $0x7C, v4  }
0xf1: {  	v5 =	vld [tilespmem:s11+$0x8400];
	v6 =	vadd.s32 v0, v4;
	_ =	sdelay $0x4  }
0xf2: {  	[tilespmem:v6+s1+$0x0] =	vst.idx.msk $0xffff, v5  }
0xf3: {  	v6 =	vadd.s32 v1, v4;
	v5 =	vld [tilespmem:s11+$0x8410];
	_ =	sdelay $0x4  }
0xf4: {  	[tilespmem:v6+s1+$0x0] =	vst.idx.msk $0xffff, v5  }
0xf5: {  	v6 =	vadd.s32 v2, v4;
	v5 =	vld [tilespmem:s11+$0x9400];
	_ =	sdelay $0x4  }
0xf6: {  	[tilespmem:v6+s1+$0x0] =	vst.idx.msk $0xffff, v5  }
0xf7: {  	v4 =	vadd.s32 v3, v4;
	v5 =	vld [tilespmem:s11+$0x9410];
	_ =	sdelay $0x2  }
0xf8: {  	s10 =	simm.s32 $0x1  }
0xf9: {  	v6 =	vmov s10  }
0xfa: {  	[tilespmem:v4+s1+$0x0] =	vst.idx.msk $0xffff, v5;
	v4 =	vand.u32 $0x7D, v6  }
0xfb: {  	v5 =	vld [tilespmem:s11+$0x8420];
	v6 =	vadd.s32 v0, v4;
	_ =	sdelay $0x4  }
0xfc: {  	[tilespmem:v6+s1+$0x0] =	vst.idx.msk $0xffff, v5  }
0xfd: {  	v6 =	vadd.s32 v1, v4;
	v5 =	vld [tilespmem:s11+$0x8430];
	_ =	sdelay $0x4  }
0xfe: {  	[tilespmem:v6+s1+$0x0] =	vst.idx.msk $0xffff, v5  }
0xff: {  	v6 =	vadd.s32 v2, v4;
	v5 =	vld [tilespmem:s11+$0x9420];
	_ =	sdelay $0x4  }
0x100: {  	[tilespmem:v6+s1+$0x0] =	vst.idx.msk $0xffff, v5  }
0x101: {  	v4 =	vadd.s32 v3, v4;
	v5 =	vld [tilespmem:s11+$0x9430];
	_ =	sdelay $0x2  }
0x102: {  	s23 =	simm.s32 $0x2  }
0x103: {  	v6 =	vmov s23  }
0x104: {  	[tilespmem:v4+s1+$0x0] =	vst.idx.msk $0xffff, v5;
	v4 =	vand.u32 $0x7E, v6  }
0x105: {  	v5 =	vld [tilespmem:s11+$0x8440];
	v6 =	vadd.s32 v0, v4;
	_ =	sdelay $0x4  }
0x106: {  	[tilespmem:v6+s1+$0x0] =	vst.idx.msk $0xffff, v5  }
0x107: {  	v6 =	vadd.s32 v1, v4;
	v5 =	vld [tilespmem:s11+$0x8450];
	_ =	sdelay $0x4  }
0x108: {  	[tilespmem:v6+s1+$0x0] =	vst.idx.msk $0xffff, v5  }
0x109: {  	v6 =	vadd.s32 v2, v4;
	v5 =	vld [tilespmem:s11+$0x9440];
	_ =	sdelay $0x4  }
0x10a: {  	[tilespmem:v6+s1+$0x0] =	vst.idx.msk $0xffff, v5  }
0x10b: {  	v4 =	vadd.s32 v3, v4;
	v5 =	vld [tilespmem:s11+$0x9450];
	_ =	sdelay $0x2  }
0x10c: {  	s25 =	simm.s32 $0x3  }
0x10d: {  	v6 =	vmov s25  }
0x10e: {  	[tilespmem:v4+s1+$0x0] =	vst.idx.msk $0xffff, v5;
	v5 =	vand.u32 $0x7F, v6  }
0x10f: {  	v4 =	vld [tilespmem:s11+$0x8460];
	v6 =	vadd.s32 v0, v5;
	_ =	sdelay $0x4  }
0x110: {  	[tilespmem:v6+s1+$0x0] =	vst.idx.msk $0xffff, v4  }
0x111: {  	v6 =	vadd.s32 v1, v5;
	v4 =	vld [tilespmem:s11+$0x8470];
	_ =	sdelay $0x4  }
0x112: {  	[tilespmem:v6+s1+$0x0] =	vst.idx.msk $0xffff, v4  }
0x113: {  	v6 =	vadd.s32 v2, v5;
	v4 =	vld [tilespmem:s11+$0x9460];
	_ =	sdelay $0x4  }
0x114: {  	[tilespmem:v6+s1+$0x0] =	vst.idx.msk $0xffff, v4  }
0x115: {  	v5 =	vadd.s32 v3, v5;
	v4 =	vld [tilespmem:s11+$0x9470];
	_ =	sdelay $0x2  }
0x116: {  	s21 =	simm.s32 $0x4  }
0x117: {  	s22 =	simm.s32 $0x200;
	s23 =	simm.s32 $0x400;
	v6 =	vmov s21  }
.LBB2_11:
0x118: {  	p0 =	sne.s32 s23, $0x3E00;
	s25 =	sshra.s32 s22, $0x2;
	v6 =	vand.u32 $0x7C, v6;
	[tilespmem:v5+s1+$0x0] =	vst.idx.msk $0xffff, v4;
	s22 =	smov.u32 s23  }
0x119: {  	v4 =	vld [tilespmem:s25+$0x8400];
	v5 =	vadd.s32 v0, v6;
	_ =	sdelay $0x4  }
0x11a: {  	[tilespmem:v5+s1+$0x0] =	vst.idx.msk $0xffff, v4  }
0x11b: {  	v5 =	vadd.s32 v1, v6;
	v4 =	vld [tilespmem:s25+$0x8410];
	_ =	sdelay $0x4  }
0x11c: {  	[tilespmem:v5+s1+$0x0] =	vst.idx.msk $0xffff, v4  }
0x11d: {  	v5 =	vadd.s32 v2, v6;
	v4 =	vld [tilespmem:s25+$0x9400];
	_ =	sdelay $0x4  }
0x11e: {  	[tilespmem:v5+s1+$0x0] =	vst.idx.msk $0xffff, v4  }
0x11f: {  	v5 =	vadd.s32 v3, v6;
	v4 =	vld [tilespmem:s25+$0x9410];
	_ =	sdelay $0x2  }
0x120: {  	s5 =	sadd.s32 $0x1, s21  }
0x121: {  	v6 =	vmov s5  }
0x122: {  	[tilespmem:v5+s1+$0x0] =	vst.idx.msk $0xffff, v4;
	v4 =	vand.u32 $0x7D, v6  }
0x123: {  	v5 =	vld [tilespmem:s25+$0x8420];
	v6 =	vadd.s32 v0, v4;
	_ =	sdelay $0x4  }
0x124: {  	[tilespmem:v6+s1+$0x0] =	vst.idx.msk $0xffff, v5  }
0x125: {  	v6 =	vadd.s32 v1, v4;
	v5 =	vld [tilespmem:s25+$0x8430];
	_ =	sdelay $0x4  }
0x126: {  	[tilespmem:v6+s1+$0x0] =	vst.idx.msk $0xffff, v5  }
0x127: {  	v6 =	vadd.s32 v2, v4;
	v5 =	vld [tilespmem:s25+$0x9420];
	_ =	sdelay $0x4  }
0x128: {  	[tilespmem:v6+s1+$0x0] =	vst.idx.msk $0xffff, v5  }
0x129: {  	v4 =	vadd.s32 v3, v4;
	v5 =	vld [tilespmem:s25+$0x9430];
	_ =	sdelay $0x2  }
0x12a: {  	s5 =	sadd.s32 $0x2, s21  }
0x12b: {  	v6 =	vmov s5  }
0x12c: {  	[tilespmem:v4+s1+$0x0] =	vst.idx.msk $0xffff, v5;
	v4 =	vand.u32 $0x7E, v6  }
0x12d: {  	v5 =	vld [tilespmem:s25+$0x8440];
	v6 =	vadd.s32 v0, v4;
	_ =	sdelay $0x4  }
0x12e: {  	[tilespmem:v6+s1+$0x0] =	vst.idx.msk $0xffff, v5  }
0x12f: {  	v6 =	vadd.s32 v1, v4;
	v5 =	vld [tilespmem:s25+$0x8450];
	_ =	sdelay $0x4  }
0x130: {  	[tilespmem:v6+s1+$0x0] =	vst.idx.msk $0xffff, v5  }
0x131: {  	v6 =	vadd.s32 v2, v4;
	v5 =	vld [tilespmem:s25+$0x9440];
	_ =	sdelay $0x4  }
0x132: {  	[tilespmem:v6+s1+$0x0] =	vst.idx.msk $0xffff, v5  }
0x133: {  	v4 =	vadd.s32 v3, v4;
	v5 =	vld [tilespmem:s25+$0x9450];
	_ =	sdelay $0x2  }
0x134: {  	s5 =	sadd.s32 $0x3, s21  }
0x135: {  	v6 =	vmov s5  }
0x136: {  	[tilespmem:v4+s1+$0x0] =	vst.idx.msk $0xffff, v5;
	v5 =	vand.u32 $0x7F, v6  }
0x137: {  	v4 =	vld [tilespmem:s25+$0x8460];
	v6 =	vadd.s32 v0, v5;
	_ =	sdelay $0x4  }
0x138: {  	[tilespmem:v6+s1+$0x0] =	vst.idx.msk $0xffff, v4  }
0x139: {  	v6 =	vadd.s32 v1, v5;
	v4 =	vld [tilespmem:s25+$0x8470];
	_ =	sdelay $0x4  }
0x13a: {  	[tilespmem:v6+s1+$0x0] =	vst.idx.msk $0xffff, v4  }
0x13b: {  	v6 =	vadd.s32 v2, v5;
	v4 =	vld [tilespmem:s25+$0x9460];
	_ =	sdelay $0x4  }
0x13c: {  	[tilespmem:v6+s1+$0x0] =	vst.idx.msk $0xffff, v4  }
.Ltmp7:
0x13d: {  	v5 =	vadd.s32 v3, v5;
	v4 =	vld [tilespmem:s25+$0x9470];
	(pc) =	sbr.rel @p0 .LBB2_11-.Ltmp7, $3  }
0x13e: {  	_ =	sdelay $0x1  }
0x13f: {  	s21 =	sadd.s32 $0x4, s21  }
0x140: {  	s23 =	sadd.s32 $0x200, s23;
	v6 =	vmov s21  }
0x141: {  	_ =	sdelay $0x3  }
0x142: {  	s5 =	sshra.s32 s22, $0x2;
	v6 =	vand.u32 $0x7C, v6;
	[tilespmem:v5+s1+$0x0] =	vst.idx.msk $0xffff, v4  }
0x143: {  	v4 =	vld [tilespmem:s5+$0x8400];
	v5 =	vadd.s32 v0, v6;
	_ =	sdelay $0x4  }
0x144: {  	[tilespmem:v5+s1+$0x0] =	vst.idx.msk $0xffff, v4  }
0x145: {  	v5 =	vadd.s32 v1, v6;
	v4 =	vld [tilespmem:s5+$0x8410];
	_ =	sdelay $0x4  }
0x146: {  	[tilespmem:v5+s1+$0x0] =	vst.idx.msk $0xffff, v4  }
0x147: {  	v5 =	vadd.s32 v2, v6;
	v4 =	vld [tilespmem:s5+$0x9400];
	_ =	sdelay $0x4  }
0x148: {  	[tilespmem:v5+s1+$0x0] =	vst.idx.msk $0xffff, v4  }
0x149: {  	v5 =	vadd.s32 v3, v6;
	v4 =	vld [tilespmem:s5+$0x9410];
	_ =	sdelay $0x2  }
0x14a: {  	s10 =	sadd.s32 $0x1, s21  }
0x14b: {  	v55 =	vmov s10  }
0x14c: {  	[tilespmem:v5+s1+$0x0] =	vst.idx.msk $0xffff, v4;
	v4 =	vand.u32 $0x7D, v55  }
0x14d: {  	v5 =	vld [tilespmem:s5+$0x8420];
	v6 =	vadd.s32 v0, v4;
	_ =	sdelay $0x4  }
0x14e: {  	[tilespmem:v6+s1+$0x0] =	vst.idx.msk $0xffff, v5  }
0x14f: {  	v56 =	vadd.s32 v1, v4;
	v5 =	vld [tilespmem:s5+$0x8430];
	_ =	sdelay $0x4  }
0x150: {  	[tilespmem:v56+s1+$0x0] =	vst.idx.msk $0xffff, v5  }
0x151: {  	v57 =	vadd.s32 v2, v4;
	v5 =	vld [tilespmem:s5+$0x9420];
	_ =	sdelay $0x4  }
0x152: {  	[tilespmem:v57+s1+$0x0] =	vst.idx.msk $0xffff, v5  }
0x153: {  	v4 =	vadd.s32 v3, v4;
	v5 =	vld [tilespmem:s5+$0x9430];
	_ =	sdelay $0x2  }
0x154: {  	s25 =	sadd.s32 $0x2, s21  }
0x155: {  	v58 =	vmov s25  }
0x156: {  	[tilespmem:v4+s1+$0x0] =	vst.idx.msk $0xffff, v5;
	v4 =	vand.u32 $0x7E, v58  }
0x157: {  	v5 =	vld [tilespmem:s5+$0x8440];
	v6 =	vadd.s32 v0, v4;
	_ =	sdelay $0x4  }
0x158: {  	[tilespmem:v6+s1+$0x0] =	vst.idx.msk $0xffff, v5  }
0x159: {  	v59 =	vadd.s32 v1, v4;
	v5 =	vld [tilespmem:s5+$0x8450];
	_ =	sdelay $0x4  }
0x15a: {  	[tilespmem:v59+s1+$0x0] =	vst.idx.msk $0xffff, v5  }
0x15b: {  	v60 =	vadd.s32 v2, v4;
	v5 =	vld [tilespmem:s5+$0x9440];
	_ =	sdelay $0x4  }
0x15c: {  	[tilespmem:v60+s1+$0x0] =	vst.idx.msk $0xffff, v5  }
0x15d: {  	v4 =	vadd.s32 v3, v4;
	v5 =	vld [tilespmem:s5+$0x9450];
	_ =	sdelay $0x2  }
0x15e: {  	s11 =	sadd.s32 $0x3, s21  }
0x15f: {  	v61 =	vmov s11  }
0x160: {  	[tilespmem:v4+s1+$0x0] =	vst.idx.msk $0xffff, v5;
	v4 =	vand.u32 $0x7F, v61  }
0x161: {  	v5 =	vld [tilespmem:s5+$0x8460];
	v6 =	vadd.s32 v0, v4;
	_ =	sdelay $0x4  }
0x162: {  	[tilespmem:v6+s1+$0x0] =	vst.idx.msk $0xffff, v5  }
0x163: {  	v62 =	vadd.s32 v1, v4;
	v5 =	vld [tilespmem:s5+$0x8470];
	_ =	sdelay $0x4  }
0x164: {  	[tilespmem:v62+s1+$0x0] =	vst.idx.msk $0xffff, v5  }
0x165: {  	v63 =	vadd.s32 v2, v4;
	v5 =	vld [tilespmem:s5+$0x9460];
	_ =	sdelay $0x4  }
0x166: {  	[tilespmem:v63+s1+$0x0] =	vst.idx.msk $0xffff, v5  }
0x167: {  	v4 =	vadd.s32 v3, v4;
	v5 =	vld [tilespmem:s5+$0x9470];
	_ =	sdelay $0x4  }
0x168: {  	s21 =	simm.s32 $0x10600;
	s10 =	sadd.s32 s20, s7;
	[tilespmem:v4+s1+$0x0] =	vst.idx.msk $0xffff, v5  }
0x169: {  	[hbm4b:s10+s3] =	stream.linear.scatter [tilespmem:s21], [sflag:$0x6], $0x80, $0x38;
	[tilespmem:$0x12800] =	vst v63  }
0x16a: {  	s22 =	simm.s32 $0x10688;
	s11 =	sadd.s32 $0x10, s10  }
0x16b: {  	[hbm4b:s11+s3] =	stream.linear.scatter [tilespmem:s22], [sflag:$0x6], $0x80, $0x38;
	[tilespmem:$0x12800] =	vst v63  }
0x16c: {  	s23 =	simm.s32 $0x10710;
	s25 =	sadd.s32 $0x20, s10  }
0x16d: {  	[hbm4b:s25+s3] =	stream.linear.scatter [tilespmem:s23], [sflag:$0x6], $0x80, $0x38;
	[tilespmem:$0x12800] =	vst v63  }
0x16e: {  	s21 =	simm.s32 $0x10798;
	s22 =	sadd.s32 $0x30, s10  }
0x16f: {  	[hbm4b:s22+s3] =	stream.linear.scatter [tilespmem:s21], [sflag:$0x6], $0x80, $0x38;
	[tilespmem:$0x12800] =	vst v63  }
0x170: {  	s23 =	simm.s32 $0x10820;
	s25 =	sadd.s32 $0x40, s10  }
0x171: {  	[hbm4b:s25+s3] =	stream.linear.scatter [tilespmem:s23], [sflag:$0x6], $0x80, $0x38;
	[tilespmem:$0x12800] =	vst v63  }
0x172: {  	s5 =	simm.s32 $0x440;
	s21 =	simm.s32 $0x108A8;
	s22 =	sadd.s32 $0x50, s10  }
0x173: {  	[hbm4b:s22+s3] =	stream.linear.scatter [tilespmem:s21], [sflag:$0x6], $0x80, $0x38;
	[tilespmem:$0x12800] =	vst v63  }
0x174: {  	s23 =	simm.s32 $0x10930;
	s25 =	sadd.s32 $0x60, s10;
	s22 =	simm.s32 $0x2200  }
0x175: {  	[hbm4b:s25+s3] =	stream.linear.scatter [tilespmem:s23], [sflag:$0x6], $0x80, $0x38;
	[tilespmem:$0x12800] =	vst v63  }
0x176: {  	s21 =	sadd.s32 $0x1000, s10;
	s23 =	simm.s32 $0x109B8;
	s25 =	sadd.s32 $0x70, s10  }
.LBB2_13:
0x177: {  	[hbm4b:s25+s3] =	stream.linear.scatter [tilespmem:s23], [sflag:$0x6], $0x80, $0x38;
	[tilespmem:$0x12800] =	vst v63  }
0x178: {  	s10 =	smov.u32 s5;
	s5 =	smov.u32 s22  }
0x179: {  	s11 =	sadd.s32 $0x1100, s22;
	s5 =	sshra.s32 s5, $0x2;
	s23 =	sadd.s32 $0x10600, s10  }
0x17a: {  	[hbm4b:s21+s3] =	stream.linear.scatter [tilespmem:s23], [sflag:$0x6], $0x80, $0x38;
	[tilespmem:$0x12800] =	vst v63  }
0x17b: {  	p0 =	sne.s32 s22, $0x7700;
	s22 =	sadd.s32 $0x10688, s10;
	s23 =	sadd.s32 $0x10, s21  }
0x17c: {  	[hbm4b:s23+s3] =	stream.linear.scatter [tilespmem:s22], [sflag:$0x6], $0x80, $0x38;
	[tilespmem:$0x12800] =	vst v63  }
0x17d: {  	s22 =	sadd.s32 $0x10710, s10;
	s23 =	sadd.s32 $0x20, s21  }
0x17e: {  	[hbm4b:s23+s3] =	stream.linear.scatter [tilespmem:s22], [sflag:$0x6], $0x80, $0x38;
	[tilespmem:$0x12800] =	vst v63  }
0x17f: {  	s22 =	sadd.s32 $0x10798, s10;
	s23 =	sadd.s32 $0x30, s21  }
0x180: {  	[hbm4b:s23+s3] =	stream.linear.scatter [tilespmem:s22], [sflag:$0x6], $0x80, $0x38;
	[tilespmem:$0x12800] =	vst v63  }
0x181: {  	s22 =	sadd.s32 $0x10820, s10;
	s23 =	sadd.s32 $0x40, s21  }
0x182: {  	[hbm4b:s23+s3] =	stream.linear.scatter [tilespmem:s22], [sflag:$0x6], $0x80, $0x38;
	[tilespmem:$0x12800] =	vst v63  }
.Ltmp8:
0x183: {  	s22 =	sadd.s32 $0x108A8, s10;
	s23 =	sadd.s32 $0x50, s21;
	(pc) =	sbr.rel @p0 .LBB2_13-.Ltmp8, $4  }
0x184: {  	[hbm4b:s23+s3] =	stream.linear.scatter [tilespmem:s22], [sflag:$0x6], $0x80, $0x38;
	[tilespmem:$0x12800] =	vst v63  }
0x185: {  	s25 =	sadd.s32 $0x70, s21;
	s22 =	sadd.s32 $0x10930, s10;
	s23 =	sadd.s32 $0x60, s21  }
0x186: {  	[hbm4b:s23+s3] =	stream.linear.scatter [tilespmem:s22], [sflag:$0x6], $0x80, $0x38;
	[tilespmem:$0x12800] =	vst v63  }
0x187: {  	s21 =	sadd.s32 $0x1000, s21;
	s23 =	sadd.s32 $0x109B8, s10;
	s22 =	smov.u32 s11  }
0x188: {  	[hbm4b:s25+s3] =	stream.linear.scatter [tilespmem:s23], [sflag:$0x6], $0x80, $0x38;
	[tilespmem:$0x12800] =	vst v63  }
0x189: {  	s10 =	sadd.s32 $0x10600, s5  }
0x18a: {  	[hbm4b:s21+s3] =	stream.linear.scatter [tilespmem:s10], [sflag:$0x6], $0x80, $0x38;
	[tilespmem:$0x12800] =	vst v63  }
0x18b: {  	s25 =	sadd.s32 $0x10688, s5;
	s11 =	sadd.s32 $0x10, s21  }
0x18c: {  	[hbm4b:s11+s3] =	stream.linear.scatter [tilespmem:s25], [sflag:$0x6], $0x80, $0x38;
	[tilespmem:$0x12800] =	vst v63  }
0x18d: {  	s22 =	sadd.s32 $0x20, s21;
	s11 =	sadd.s32 $0x10710, s5  }
0x18e: {  	[hbm4b:s22+s3] =	stream.linear.scatter [tilespmem:s11], [sflag:$0x6], $0x80, $0x38;
	[tilespmem:$0x12800] =	vst v63  }
0x18f: {  	s23 =	sadd.s32 $0x10798, s5;
	s25 =	sadd.s32 $0x30, s21  }
0x190: {  	[hbm4b:s25+s3] =	stream.linear.scatter [tilespmem:s23], [sflag:$0x6], $0x80, $0x38;
	[tilespmem:$0x12800] =	vst v63  }
0x191: {  	s11 =	sadd.s32 $0x10820, s5;
	s22 =	sadd.s32 $0x40, s21  }
0x192: {  	[hbm4b:s22+s3] =	stream.linear.scatter [tilespmem:s11], [sflag:$0x6], $0x80, $0x38;
	[tilespmem:$0x12800] =	vst v63  }
0x193: {  	s23 =	sadd.s32 $0x108A8, s5;
	s25 =	sadd.s32 $0x50, s21  }
0x194: {  	[hbm4b:s25+s3] =	stream.linear.scatter [tilespmem:s23], [sflag:$0x6], $0x80, $0x38;
	[tilespmem:$0x12800] =	vst v63  }
0x195: {  	p0 =	seq.s32 s18, $0x18;
	s11 =	sadd.s32 $0x10930, s5;
	s22 =	sadd.s32 $0x60, s21  }
0x196: {  	[hbm4b:s22+s3] =	stream.linear.scatter [tilespmem:s11], [sflag:$0x6], $0x80, $0x38;
	[tilespmem:$0x12800] =	vst v63  }
0x197: {  	s23 =	sadd.s32 $0x109B8, s5;
	s25 =	sadd.s32 $0x70, s21;
	s21 =	sshrl.u32 @!p0 s19, $0x2  }
0x198: {  	[hbm4b:s25+s3] =	stream.linear.scatter [tilespmem:s23], [sflag:$0x6], $0x80, $0x38;
	[tilespmem:$0x12800] =	vst v63  }
0x199: {  	s10 =	simm.s32 @!p0 $0x80;
	s5 =	sadd.s32 @!p0 $0x500, s21;
	s11 =	simm.s32 @!p0 $0x8400  }
0x19a: {  	[tilespmem:s11], [sflag:$0x2] =	stream.indirect.gather @!p0 [hbm4b:s4+s10], $0x20, s5, s10, $0xb8;
	[tilespmem:$0x12800] =	vst v63  }
0x19b: {  	s5 =	sadd.s32 @!p0 $0x580, s21;
	s11 =	simm.s32 @!p0 $0x9400  }
0x19c: {  	[tilespmem:s11], [sflag:$0x2] =	stream.indirect.gather @!p0 [hbm4b:s4+s10], $0x20, s5, s10, $0xb8;
	[tilespmem:$0x12800] =	vst v63  }
0x19d: {  	_ =	swait.ge [sflag:s0], $0x2000  }
0x19e: {  	[sflag:s0] =	ssyncset.done $0x0  }
0x19f: {  	[sflag:s0] =	ssyncadd.s32 $0xFFFFE000  }
0x1a0: {  	s10 =	simm.s32 $0x0;
	_ =	swait.ge [sflag:s15], $0x2000  }
0x1a1: {  	v4 =	vmov s10;
	[sflag:s15] =	ssyncset.done $0x0  }
0x1a2: {  	s11 =	simm.s32 $0x0;
	v4 =	vand.u32 $0x7C, v4;
	[sflag:s15] =	ssyncadd.s32 $0xFFFFE000  }
0x1a3: {  	v6 =	vadd.s32 v0, v4;
	v5 =	vld [tilespmem:s11+$0xA400];
	_ =	sdelay $0x4  }
0x1a4: {  	[tilespmem:v6+s29+$0x0] =	vst.idx.msk $0xffff, v5  }
0x1a5: {  	v6 =	vadd.s32 v1, v4;
	v5 =	vld [tilespmem:s11+$0xA410];
	_ =	sdelay $0x4  }
0x1a6: {  	[tilespmem:v6+s29+$0x0] =	vst.idx.msk $0xffff, v5  }
0x1a7: {  	v6 =	vadd.s32 v2, v4;
	v5 =	vld [tilespmem:s11+$0xB400];
	_ =	sdelay $0x4  }
0x1a8: {  	[tilespmem:v6+s29+$0x0] =	vst.idx.msk $0xffff, v5  }
0x1a9: {  	v4 =	vadd.s32 v3, v4;
	v5 =	vld [tilespmem:s11+$0xB410];
	_ =	sdelay $0x2  }
0x1aa: {  	s22 =	simm.s32 $0x1  }
0x1ab: {  	v6 =	vmov s22  }
0x1ac: {  	[tilespmem:v4+s29+$0x0] =	vst.idx.msk $0xffff, v5;
	v4 =	vand.u32 $0x7D, v6  }
0x1ad: {  	v5 =	vld [tilespmem:s11+$0xA420];
	v6 =	vadd.s32 v0, v4;
	_ =	sdelay $0x4  }
0x1ae: {  	[tilespmem:v6+s29+$0x0] =	vst.idx.msk $0xffff, v5  }
0x1af: {  	v6 =	vadd.s32 v1, v4;
	v5 =	vld [tilespmem:s11+$0xA430];
	_ =	sdelay $0x4  }
0x1b0: {  	[tilespmem:v6+s29+$0x0] =	vst.idx.msk $0xffff, v5  }
0x1b1: {  	v6 =	vadd.s32 v2, v4;
	v5 =	vld [tilespmem:s11+$0xB420];
	_ =	sdelay $0x4  }
0x1b2: {  	[tilespmem:v6+s29+$0x0] =	vst.idx.msk $0xffff, v5  }
0x1b3: {  	v4 =	vadd.s32 v3, v4;
	v5 =	vld [tilespmem:s11+$0xB430];
	_ =	sdelay $0x2  }
0x1b4: {  	s23 =	simm.s32 $0x2  }
0x1b5: {  	v6 =	vmov s23  }
0x1b6: {  	[tilespmem:v4+s29+$0x0] =	vst.idx.msk $0xffff, v5;
	v4 =	vand.u32 $0x7E, v6  }
0x1b7: {  	v5 =	vld [tilespmem:s11+$0xA440];
	v6 =	vadd.s32 v0, v4;
	_ =	sdelay $0x4  }
0x1b8: {  	[tilespmem:v6+s29+$0x0] =	vst.idx.msk $0xffff, v5  }
0x1b9: {  	v6 =	vadd.s32 v1, v4;
	v5 =	vld [tilespmem:s11+$0xA450];
	_ =	sdelay $0x4  }
0x1ba: {  	[tilespmem:v6+s29+$0x0] =	vst.idx.msk $0xffff, v5  }
0x1bb: {  	v6 =	vadd.s32 v2, v4;
	v5 =	vld [tilespmem:s11+$0xB440];
	_ =	sdelay $0x4  }
0x1bc: {  	[tilespmem:v6+s29+$0x0] =	vst.idx.msk $0xffff, v5  }
0x1bd: {  	v4 =	vadd.s32 v3, v4;
	v5 =	vld [tilespmem:s11+$0xB450];
	_ =	sdelay $0x2  }
0x1be: {  	s25 =	simm.s32 $0x3  }
0x1bf: {  	v6 =	vmov s25  }
0x1c0: {  	[tilespmem:v4+s29+$0x0] =	vst.idx.msk $0xffff, v5;
	v5 =	vand.u32 $0x7F, v6  }
0x1c1: {  	v4 =	vld [tilespmem:s11+$0xA460];
	v6 =	vadd.s32 v0, v5;
	_ =	sdelay $0x4  }
0x1c2: {  	[tilespmem:v6+s29+$0x0] =	vst.idx.msk $0xffff, v4  }
0x1c3: {  	v6 =	vadd.s32 v1, v5;
	v4 =	vld [tilespmem:s11+$0xA470];
	_ =	sdelay $0x4  }
0x1c4: {  	[tilespmem:v6+s29+$0x0] =	vst.idx.msk $0xffff, v4  }
0x1c5: {  	v6 =	vadd.s32 v2, v5;
	v4 =	vld [tilespmem:s11+$0xB460];
	_ =	sdelay $0x4  }
0x1c6: {  	[tilespmem:v6+s29+$0x0] =	vst.idx.msk $0xffff, v4  }
0x1c7: {  	v5 =	vadd.s32 v3, v5;
	v4 =	vld [tilespmem:s11+$0xB470];
	_ =	sdelay $0x2  }
0x1c8: {  	s22 =	simm.s32 $0x4  }
0x1c9: {  	s23 =	simm.s32 $0x200;
	s25 =	simm.s32 $0x400;
	v6 =	vmov s22  }
.LBB2_15:
0x1ca: {  	p1 =	sne.s32 s25, $0x3E00;
	s5 =	sshra.s32 s23, $0x2;
	v6 =	vand.u32 $0x7C, v6;
	[tilespmem:v5+s29+$0x0] =	vst.idx.msk $0xffff, v4;
	s23 =	smov.u32 s25  }
0x1cb: {  	v4 =	vld [tilespmem:s5+$0xA400];
	v5 =	vadd.s32 v0, v6;
	_ =	sdelay $0x4  }
0x1cc: {  	[tilespmem:v5+s29+$0x0] =	vst.idx.msk $0xffff, v4  }
0x1cd: {  	v5 =	vadd.s32 v1, v6;
	v4 =	vld [tilespmem:s5+$0xA410];
	_ =	sdelay $0x4  }
0x1ce: {  	[tilespmem:v5+s29+$0x0] =	vst.idx.msk $0xffff, v4  }
0x1cf: {  	v5 =	vadd.s32 v2, v6;
	v4 =	vld [tilespmem:s5+$0xB400];
	_ =	sdelay $0x4  }
0x1d0: {  	[tilespmem:v5+s29+$0x0] =	vst.idx.msk $0xffff, v4  }
0x1d1: {  	v5 =	vadd.s32 v3, v6;
	v4 =	vld [tilespmem:s5+$0xB410];
	_ =	sdelay $0x2  }
0x1d2: {  	s10 =	sadd.s32 $0x1, s22  }
0x1d3: {  	v6 =	vmov s10  }
0x1d4: {  	[tilespmem:v5+s29+$0x0] =	vst.idx.msk $0xffff, v4;
	v4 =	vand.u32 $0x7D, v6  }
0x1d5: {  	v5 =	vld [tilespmem:s5+$0xA420];
	v6 =	vadd.s32 v0, v4;
	_ =	sdelay $0x4  }
0x1d6: {  	[tilespmem:v6+s29+$0x0] =	vst.idx.msk $0xffff, v5  }
0x1d7: {  	v6 =	vadd.s32 v1, v4;
	v5 =	vld [tilespmem:s5+$0xA430];
	_ =	sdelay $0x4  }
0x1d8: {  	[tilespmem:v6+s29+$0x0] =	vst.idx.msk $0xffff, v5  }
0x1d9: {  	v6 =	vadd.s32 v2, v4;
	v5 =	vld [tilespmem:s5+$0xB420];
	_ =	sdelay $0x4  }
0x1da: {  	[tilespmem:v6+s29+$0x0] =	vst.idx.msk $0xffff, v5  }
0x1db: {  	v4 =	vadd.s32 v3, v4;
	v5 =	vld [tilespmem:s5+$0xB430];
	_ =	sdelay $0x2  }
0x1dc: {  	s10 =	sadd.s32 $0x2, s22  }
0x1dd: {  	v6 =	vmov s10  }
0x1de: {  	[tilespmem:v4+s29+$0x0] =	vst.idx.msk $0xffff, v5;
	v4 =	vand.u32 $0x7E, v6  }
0x1df: {  	v5 =	vld [tilespmem:s5+$0xA440];
	v6 =	vadd.s32 v0, v4;
	_ =	sdelay $0x4  }
0x1e0: {  	[tilespmem:v6+s29+$0x0] =	vst.idx.msk $0xffff, v5  }
0x1e1: {  	v6 =	vadd.s32 v1, v4;
	v5 =	vld [tilespmem:s5+$0xA450];
	_ =	sdelay $0x4  }
0x1e2: {  	[tilespmem:v6+s29+$0x0] =	vst.idx.msk $0xffff, v5  }
0x1e3: {  	v6 =	vadd.s32 v2, v4;
	v5 =	vld [tilespmem:s5+$0xB440];
	_ =	sdelay $0x4  }
0x1e4: {  	[tilespmem:v6+s29+$0x0] =	vst.idx.msk $0xffff, v5  }
0x1e5: {  	v4 =	vadd.s32 v3, v4;
	v5 =	vld [tilespmem:s5+$0xB450];
	_ =	sdelay $0x2  }
0x1e6: {  	s10 =	sadd.s32 $0x3, s22  }
0x1e7: {  	v6 =	vmov s10  }
0x1e8: {  	[tilespmem:v4+s29+$0x0] =	vst.idx.msk $0xffff, v5;
	v5 =	vand.u32 $0x7F, v6  }
0x1e9: {  	v4 =	vld [tilespmem:s5+$0xA460];
	v6 =	vadd.s32 v0, v5;
	_ =	sdelay $0x4  }
0x1ea: {  	[tilespmem:v6+s29+$0x0] =	vst.idx.msk $0xffff, v4  }
0x1eb: {  	v6 =	vadd.s32 v1, v5;
	v4 =	vld [tilespmem:s5+$0xA470];
	_ =	sdelay $0x4  }
0x1ec: {  	[tilespmem:v6+s29+$0x0] =	vst.idx.msk $0xffff, v4  }
0x1ed: {  	v6 =	vadd.s32 v2, v5;
	v4 =	vld [tilespmem:s5+$0xB460];
	_ =	sdelay $0x4  }
0x1ee: {  	[tilespmem:v6+s29+$0x0] =	vst.idx.msk $0xffff, v4  }
.Ltmp9:
0x1ef: {  	v5 =	vadd.s32 v3, v5;
	v4 =	vld [tilespmem:s5+$0xB470];
	(pc) =	sbr.rel @p1 .LBB2_15-.Ltmp9, $3  }
0x1f0: {  	_ =	sdelay $0x1  }
0x1f1: {  	s22 =	sadd.s32 $0x4, s22  }
0x1f2: {  	s25 =	sadd.s32 $0x200, s25;
	v6 =	vmov s22  }
0x1f3: {  	_ =	sdelay $0x3  }
0x1f4: {  	s5 =	sshra.s32 s23, $0x2;
	v6 =	vand.u32 $0x7C, v6;
	[tilespmem:v5+s29+$0x0] =	vst.idx.msk $0xffff, v4  }
0x1f5: {  	v4 =	vld [tilespmem:s5+$0xA400];
	v5 =	vadd.s32 v0, v6;
	_ =	sdelay $0x4  }
0x1f6: {  	[tilespmem:v5+s29+$0x0] =	vst.idx.msk $0xffff, v4  }
0x1f7: {  	v5 =	vadd.s32 v1, v6;
	v4 =	vld [tilespmem:s5+$0xA410];
	_ =	sdelay $0x4  }
0x1f8: {  	[tilespmem:v5+s29+$0x0] =	vst.idx.msk $0xffff, v4  }
0x1f9: {  	v5 =	vadd.s32 v2, v6;
	v4 =	vld [tilespmem:s5+$0xB400];
	_ =	sdelay $0x4  }
0x1fa: {  	[tilespmem:v5+s29+$0x0] =	vst.idx.msk $0xffff, v4  }
0x1fb: {  	v5 =	vadd.s32 v3, v6;
	v4 =	vld [tilespmem:s5+$0xB410];
	_ =	sdelay $0x2  }
0x1fc: {  	s10 =	sadd.s32 $0x1, s22  }
0x1fd: {  	v55 =	vmov s10  }
0x1fe: {  	[tilespmem:v5+s29+$0x0] =	vst.idx.msk $0xffff, v4;
	v4 =	vand.u32 $0x7D, v55  }
0x1ff: {  	v5 =	vld [tilespmem:s5+$0xA420];
	v6 =	vadd.s32 v0, v4;
	_ =	sdelay $0x4  }
0x200: {  	[tilespmem:v6+s29+$0x0] =	vst.idx.msk $0xffff, v5  }
0x201: {  	v56 =	vadd.s32 v1, v4;
	v5 =	vld [tilespmem:s5+$0xA430];
	_ =	sdelay $0x4  }
0x202: {  	[tilespmem:v56+s29+$0x0] =	vst.idx.msk $0xffff, v5  }
0x203: {  	v57 =	vadd.s32 v2, v4;
	v5 =	vld [tilespmem:s5+$0xB420];
	_ =	sdelay $0x4  }
0x204: {  	[tilespmem:v57+s29+$0x0] =	vst.idx.msk $0xffff, v5  }
0x205: {  	v4 =	vadd.s32 v3, v4;
	v5 =	vld [tilespmem:s5+$0xB430];
	_ =	sdelay $0x2  }
0x206: {  	s11 =	sadd.s32 $0x2, s22  }
0x207: {  	v58 =	vmov s11  }
0x208: {  	[tilespmem:v4+s29+$0x0] =	vst.idx.msk $0xffff, v5;
	v4 =	vand.u32 $0x7E, v58  }
0x209: {  	v5 =	vld [tilespmem:s5+$0xA440];
	v6 =	vadd.s32 v0, v4;
	_ =	sdelay $0x4  }
0x20a: {  	[tilespmem:v6+s29+$0x0] =	vst.idx.msk $0xffff, v5  }
0x20b: {  	v59 =	vadd.s32 v1, v4;
	v5 =	vld [tilespmem:s5+$0xA450];
	_ =	sdelay $0x4  }
0x20c: {  	[tilespmem:v59+s29+$0x0] =	vst.idx.msk $0xffff, v5  }
0x20d: {  	v60 =	vadd.s32 v2, v4;
	v5 =	vld [tilespmem:s5+$0xB440];
	_ =	sdelay $0x4  }
0x20e: {  	[tilespmem:v60+s29+$0x0] =	vst.idx.msk $0xffff, v5  }
0x20f: {  	v4 =	vadd.s32 v3, v4;
	v5 =	vld [tilespmem:s5+$0xB450];
	_ =	sdelay $0x2  }
0x210: {  	s23 =	sadd.s32 $0x3, s22  }
0x211: {  	v61 =	vmov s23  }
0x212: {  	[tilespmem:v4+s29+$0x0] =	vst.idx.msk $0xffff, v5;
	v4 =	vand.u32 $0x7F, v61  }
0x213: {  	v5 =	vld [tilespmem:s5+$0xA460];
	v6 =	vadd.s32 v0, v4;
	_ =	sdelay $0x4  }
0x214: {  	[tilespmem:v6+s29+$0x0] =	vst.idx.msk $0xffff, v5  }
0x215: {  	v62 =	vadd.s32 v1, v4;
	v5 =	vld [tilespmem:s5+$0xA470];
	_ =	sdelay $0x4  }
0x216: {  	[tilespmem:v62+s29+$0x0] =	vst.idx.msk $0xffff, v5  }
0x217: {  	v63 =	vadd.s32 v2, v4;
	v5 =	vld [tilespmem:s5+$0xB460];
	_ =	sdelay $0x4  }
0x218: {  	[tilespmem:v63+s29+$0x0] =	vst.idx.msk $0xffff, v5  }
0x219: {  	v4 =	vadd.s32 v3, v4;
	v5 =	vld [tilespmem:s5+$0xB470];
	_ =	sdelay $0x4  }
0x21a: {  	s25 =	simm.s32 $0xE400;
	s11 =	sadd.s32 s20, s8;
	[tilespmem:v4+s29+$0x0] =	vst.idx.msk $0xffff, v5  }
0x21b: {  	[hbm4b:s11+s3] =	stream.linear.scatter [tilespmem:s25], [sflag:$0x5], $0x80, $0x38;
	[tilespmem:$0x12800] =	vst v63  }
0x21c: {  	s10 =	simm.s32 $0xE488;
	s22 =	sadd.s32 $0x10, s11  }
0x21d: {  	[hbm4b:s22+s3] =	stream.linear.scatter [tilespmem:s10], [sflag:$0x5], $0x80, $0x38;
	[tilespmem:$0x12800] =	vst v63  }
0x21e: {  	s23 =	simm.s32 $0xE510;
	s25 =	sadd.s32 $0x20, s11  }
0x21f: {  	[hbm4b:s25+s3] =	stream.linear.scatter [tilespmem:s23], [sflag:$0x5], $0x80, $0x38;
	[tilespmem:$0x12800] =	vst v63  }
0x220: {  	s10 =	simm.s32 $0xE598;
	s22 =	sadd.s32 $0x30, s11  }
0x221: {  	[hbm4b:s22+s3] =	stream.linear.scatter [tilespmem:s10], [sflag:$0x5], $0x80, $0x38;
	[tilespmem:$0x12800] =	vst v63  }
0x222: {  	s23 =	simm.s32 $0xE620;
	s25 =	sadd.s32 $0x40, s11  }
0x223: {  	[hbm4b:s25+s3] =	stream.linear.scatter [tilespmem:s23], [sflag:$0x5], $0x80, $0x38;
	[tilespmem:$0x12800] =	vst v63  }
0x224: {  	s5 =	simm.s32 $0x440;
	s10 =	simm.s32 $0xE6A8;
	s22 =	sadd.s32 $0x50, s11  }
0x225: {  	[hbm4b:s22+s3] =	stream.linear.scatter [tilespmem:s10], [sflag:$0x5], $0x80, $0x38;
	[tilespmem:$0x12800] =	vst v63  }
0x226: {  	s23 =	simm.s32 $0xE730;
	s25 =	sadd.s32 $0x60, s11;
	s10 =	sadd.s32 $0x70, s11  }
0x227: {  	[hbm4b:s25+s3] =	stream.linear.scatter [tilespmem:s23], [sflag:$0x5], $0x80, $0x38;
	[tilespmem:$0x12800] =	vst v63  }
0x228: {  	s22 =	sadd.s32 $0x1000, s11;
	s23 =	simm.s32 $0x2200;
	s25 =	simm.s32 $0xE7B8  }
.LBB2_17:
0x229: {  	[hbm4b:s10+s3] =	stream.linear.scatter [tilespmem:s25], [sflag:$0x5], $0x80, $0x38;
	[tilespmem:$0x12800] =	vst v63  }
0x22a: {  	s10 =	smov.u32 s5;
	s5 =	smov.u32 s23  }
0x22b: {  	s11 =	sadd.s32 $0x1100, s23;
	s5 =	sshra.s32 s5, $0x2;
	s25 =	sadd.s32 $0xE400, s10  }
0x22c: {  	[hbm4b:s22+s3] =	stream.linear.scatter [tilespmem:s25], [sflag:$0x5], $0x80, $0x38;
	[tilespmem:$0x12800] =	vst v63  }
0x22d: {  	p1 =	sne.s32 s23, $0x7700;
	s23 =	sadd.s32 $0xE488, s10;
	s25 =	sadd.s32 $0x10, s22  }
0x22e: {  	[hbm4b:s25+s3] =	stream.linear.scatter [tilespmem:s23], [sflag:$0x5], $0x80, $0x38;
	[tilespmem:$0x12800] =	vst v63  }
0x22f: {  	s23 =	sadd.s32 $0xE510, s10;
	s25 =	sadd.s32 $0x20, s22  }
0x230: {  	[hbm4b:s25+s3] =	stream.linear.scatter [tilespmem:s23], [sflag:$0x5], $0x80, $0x38;
	[tilespmem:$0x12800] =	vst v63  }
0x231: {  	s23 =	sadd.s32 $0xE598, s10;
	s25 =	sadd.s32 $0x30, s22  }
0x232: {  	[hbm4b:s25+s3] =	stream.linear.scatter [tilespmem:s23], [sflag:$0x5], $0x80, $0x38;
	[tilespmem:$0x12800] =	vst v63  }
0x233: {  	s23 =	sadd.s32 $0xE620, s10;
	s25 =	sadd.s32 $0x40, s22  }
0x234: {  	[hbm4b:s25+s3] =	stream.linear.scatter [tilespmem:s23], [sflag:$0x5], $0x80, $0x38;
	[tilespmem:$0x12800] =	vst v63  }
0x235: {  	s23 =	sadd.s32 $0xE6A8, s10;
	s25 =	sadd.s32 $0x50, s22  }
0x236: {  	[hbm4b:s25+s3] =	stream.linear.scatter [tilespmem:s23], [sflag:$0x5], $0x80, $0x38;
	[tilespmem:$0x12800] =	vst v63  }
.Ltmp10:
0x237: {  	_ = 	snop;
	(pc) =	sbr.rel @p1 .LBB2_17-.Ltmp10, $4  }
0x238: {  	s23 =	sadd.s32 $0xE730, s10;
	s25 =	sadd.s32 $0x60, s22  }
0x239: {  	[hbm4b:s25+s3] =	stream.linear.scatter [tilespmem:s23], [sflag:$0x5], $0x80, $0x38;
	[tilespmem:$0x12800] =	vst v63  }
0x23a: {  	s25 =	sadd.s32 $0xE7B8, s10  }
0x23b: {  	s10 =	sadd.s32 $0x70, s22;
	s22 =	sadd.s32 $0x1000, s22;
	s23 =	smov.u32 s11  }
0x23c: {  	[hbm4b:s10+s3] =	stream.linear.scatter [tilespmem:s25], [sflag:$0x5], $0x80, $0x38;
	[tilespmem:$0x12800] =	vst v63  }
0x23d: {  	s23 =	sadd.s32 $0xE400, s5  }
0x23e: {  	[hbm4b:s22+s3] =	stream.linear.scatter [tilespmem:s23], [sflag:$0x5], $0x80, $0x38;
	[tilespmem:$0x12800] =	vst v63  }
0x23f: {  	s25 =	sadd.s32 $0xE488, s5;
	s11 =	sadd.s32 $0x10, s22  }
0x240: {  	[hbm4b:s11+s3] =	stream.linear.scatter [tilespmem:s25], [sflag:$0x5], $0x80, $0x38;
	[tilespmem:$0x12800] =	vst v63  }
0x241: {  	s23 =	sadd.s32 $0xE510, s5;
	s25 =	sadd.s32 $0x20, s22  }
0x242: {  	[hbm4b:s25+s3] =	stream.linear.scatter [tilespmem:s23], [sflag:$0x5], $0x80, $0x38;
	[tilespmem:$0x12800] =	vst v63  }
0x243: {  	s23 =	sadd.s32 $0xE598, s5;
	s25 =	sadd.s32 $0x30, s22  }
0x244: {  	[hbm4b:s25+s3] =	stream.linear.scatter [tilespmem:s23], [sflag:$0x5], $0x80, $0x38;
	[tilespmem:$0x12800] =	vst v63  }
0x245: {  	s23 =	sadd.s32 $0xE620, s5;
	s25 =	sadd.s32 $0x40, s22  }
0x246: {  	[hbm4b:s25+s3] =	stream.linear.scatter [tilespmem:s23], [sflag:$0x5], $0x80, $0x38;
	[tilespmem:$0x12800] =	vst v63  }
0x247: {  	s23 =	sadd.s32 $0xE6A8, s5;
	s25 =	sadd.s32 $0x50, s22  }
0x248: {  	[hbm4b:s25+s3] =	stream.linear.scatter [tilespmem:s23], [sflag:$0x5], $0x80, $0x38;
	[tilespmem:$0x12800] =	vst v63  }
0x249: {  	s23 =	sadd.s32 $0xE730, s5;
	s25 =	sadd.s32 $0x60, s22  }
0x24a: {  	[hbm4b:s25+s3] =	stream.linear.scatter [tilespmem:s23], [sflag:$0x5], $0x80, $0x38;
	[tilespmem:$0x12800] =	vst v63  }
0x24b: {  	s23 =	sadd.s32 $0xE7B8, s5;
	s25 =	sadd.s32 $0x70, s22  }
0x24c: {  	[hbm4b:s25+s3] =	stream.linear.scatter [tilespmem:s23], [sflag:$0x5], $0x80, $0x38;
	[tilespmem:$0x12800] =	vst v63  }
0x24d: {  	s10 =	simm.s32 @!p0 $0x80;
	s11 =	simm.s32 @!p0 $0xA400;
	s5 =	sadd.s32 @!p0 $0x600, s21  }
0x24e: {  	[tilespmem:s11], [sflag:$0x3] =	stream.indirect.gather @!p0 [hbm4b:s4+s10], $0x20, s5, s10, $0xb8;
	[tilespmem:$0x12800] =	vst v63  }
0x24f: {  	s5 =	sadd.s32 @!p0 $0x680, s21;
	s11 =	simm.s32 @!p0 $0xB400  }
0x250: {  	[tilespmem:s11], [sflag:$0x3] =	stream.indirect.gather @!p0 [hbm4b:s4+s10], $0x20, s5, s10, $0xb8;
	[tilespmem:$0x12800] =	vst v63  }
0x251: {  	_ =	swait.ge [sflag:s16], $0x2000  }
0x252: {  	[sflag:s16] =	ssyncset.done $0x0  }
0x253: {  	[sflag:s16] =	ssyncadd.s32 $0xFFFFE000  }
0x254: {  	s10 =	simm.s32 $0x0;
	_ =	swait.ge [sflag:s31], $0x2000  }
0x255: {  	v4 =	vmov s10;
	[sflag:s31] =	ssyncset.done $0x0  }
0x256: {  	s11 =	simm.s32 $0x0;
	v4 =	vand.u32 $0x7C, v4;
	[sflag:s31] =	ssyncadd.s32 $0xFFFFE000  }
0x257: {  	v6 =	vadd.s32 v0, v4;
	v5 =	vld [tilespmem:s11+$0xC400];
	_ =	sdelay $0x4  }
0x258: {  	[tilespmem:v6+s1+$0x0] =	vst.idx.msk $0xffff, v5  }
0x259: {  	v6 =	vadd.s32 v1, v4;
	v5 =	vld [tilespmem:s11+$0xC410];
	_ =	sdelay $0x4  }
0x25a: {  	[tilespmem:v6+s1+$0x0] =	vst.idx.msk $0xffff, v5  }
0x25b: {  	v6 =	vadd.s32 v2, v4;
	v5 =	vld [tilespmem:s11+$0xD400];
	_ =	sdelay $0x4  }
0x25c: {  	[tilespmem:v6+s1+$0x0] =	vst.idx.msk $0xffff, v5  }
0x25d: {  	v4 =	vadd.s32 v3, v4;
	v5 =	vld [tilespmem:s11+$0xD410];
	_ =	sdelay $0x2  }
0x25e: {  	s22 =	simm.s32 $0x1  }
0x25f: {  	v6 =	vmov s22  }
0x260: {  	[tilespmem:v4+s1+$0x0] =	vst.idx.msk $0xffff, v5;
	v4 =	vand.u32 $0x7D, v6  }
0x261: {  	v5 =	vld [tilespmem:s11+$0xC420];
	v6 =	vadd.s32 v0, v4;
	_ =	sdelay $0x4  }
0x262: {  	[tilespmem:v6+s1+$0x0] =	vst.idx.msk $0xffff, v5  }
0x263: {  	v6 =	vadd.s32 v1, v4;
	v5 =	vld [tilespmem:s11+$0xC430];
	_ =	sdelay $0x4  }
0x264: {  	[tilespmem:v6+s1+$0x0] =	vst.idx.msk $0xffff, v5  }
0x265: {  	v6 =	vadd.s32 v2, v4;
	v5 =	vld [tilespmem:s11+$0xD420];
	_ =	sdelay $0x4  }
0x266: {  	[tilespmem:v6+s1+$0x0] =	vst.idx.msk $0xffff, v5  }
0x267: {  	v4 =	vadd.s32 v3, v4;
	v5 =	vld [tilespmem:s11+$0xD430];
	_ =	sdelay $0x2  }
0x268: {  	s23 =	simm.s32 $0x2  }
0x269: {  	v6 =	vmov s23  }
0x26a: {  	[tilespmem:v4+s1+$0x0] =	vst.idx.msk $0xffff, v5;
	v4 =	vand.u32 $0x7E, v6  }
0x26b: {  	v5 =	vld [tilespmem:s11+$0xC440];
	v6 =	vadd.s32 v0, v4;
	_ =	sdelay $0x4  }
0x26c: {  	[tilespmem:v6+s1+$0x0] =	vst.idx.msk $0xffff, v5  }
0x26d: {  	v6 =	vadd.s32 v1, v4;
	v5 =	vld [tilespmem:s11+$0xC450];
	_ =	sdelay $0x4  }
0x26e: {  	[tilespmem:v6+s1+$0x0] =	vst.idx.msk $0xffff, v5  }
0x26f: {  	v6 =	vadd.s32 v2, v4;
	v5 =	vld [tilespmem:s11+$0xD440];
	_ =	sdelay $0x4  }
0x270: {  	[tilespmem:v6+s1+$0x0] =	vst.idx.msk $0xffff, v5  }
0x271: {  	v4 =	vadd.s32 v3, v4;
	v5 =	vld [tilespmem:s11+$0xD450];
	_ =	sdelay $0x2  }
0x272: {  	s25 =	simm.s32 $0x3  }
0x273: {  	v6 =	vmov s25  }
0x274: {  	[tilespmem:v4+s1+$0x0] =	vst.idx.msk $0xffff, v5;
	v5 =	vand.u32 $0x7F, v6  }
0x275: {  	v4 =	vld [tilespmem:s11+$0xC460];
	v6 =	vadd.s32 v0, v5;
	_ =	sdelay $0x4  }
0x276: {  	[tilespmem:v6+s1+$0x0] =	vst.idx.msk $0xffff, v4  }
0x277: {  	v6 =	vadd.s32 v1, v5;
	v4 =	vld [tilespmem:s11+$0xC470];
	_ =	sdelay $0x4  }
0x278: {  	[tilespmem:v6+s1+$0x0] =	vst.idx.msk $0xffff, v4  }
0x279: {  	v6 =	vadd.s32 v2, v5;
	v4 =	vld [tilespmem:s11+$0xD460];
	_ =	sdelay $0x4  }
0x27a: {  	[tilespmem:v6+s1+$0x0] =	vst.idx.msk $0xffff, v4  }
0x27b: {  	v5 =	vadd.s32 v3, v5;
	v4 =	vld [tilespmem:s11+$0xD470];
	_ =	sdelay $0x2  }
0x27c: {  	s21 =	simm.s32 $0x4  }
0x27d: {  	s22 =	simm.s32 $0x200;
	s23 =	simm.s32 $0x400;
	v6 =	vmov s21  }
.LBB2_19:
0x27e: {  	p1 =	sne.s32 s23, $0x3E00;
	s5 =	sshra.s32 s22, $0x2;
	v6 =	vand.u32 $0x7C, v6;
	[tilespmem:v5+s1+$0x0] =	vst.idx.msk $0xffff, v4;
	s22 =	smov.u32 s23  }
0x27f: {  	v4 =	vld [tilespmem:s5+$0xC400];
	v5 =	vadd.s32 v0, v6;
	_ =	sdelay $0x4  }
0x280: {  	[tilespmem:v5+s1+$0x0] =	vst.idx.msk $0xffff, v4  }
0x281: {  	v5 =	vadd.s32 v1, v6;
	v4 =	vld [tilespmem:s5+$0xC410];
	_ =	sdelay $0x4  }
0x282: {  	[tilespmem:v5+s1+$0x0] =	vst.idx.msk $0xffff, v4  }
0x283: {  	v5 =	vadd.s32 v2, v6;
	v4 =	vld [tilespmem:s5+$0xD400];
	_ =	sdelay $0x4  }
0x284: {  	[tilespmem:v5+s1+$0x0] =	vst.idx.msk $0xffff, v4  }
0x285: {  	v5 =	vadd.s32 v3, v6;
	v4 =	vld [tilespmem:s5+$0xD410];
	_ =	sdelay $0x2  }
0x286: {  	s10 =	sadd.s32 $0x1, s21  }
0x287: {  	v6 =	vmov s10  }
0x288: {  	[tilespmem:v5+s1+$0x0] =	vst.idx.msk $0xffff, v4;
	v4 =	vand.u32 $0x7D, v6  }
0x289: {  	v5 =	vld [tilespmem:s5+$0xC420];
	v6 =	vadd.s32 v0, v4;
	_ =	sdelay $0x4  }
0x28a: {  	[tilespmem:v6+s1+$0x0] =	vst.idx.msk $0xffff, v5  }
0x28b: {  	v6 =	vadd.s32 v1, v4;
	v5 =	vld [tilespmem:s5+$0xC430];
	_ =	sdelay $0x4  }
0x28c: {  	[tilespmem:v6+s1+$0x0] =	vst.idx.msk $0xffff, v5  }
0x28d: {  	v6 =	vadd.s32 v2, v4;
	v5 =	vld [tilespmem:s5+$0xD420];
	_ =	sdelay $0x4  }
0x28e: {  	[tilespmem:v6+s1+$0x0] =	vst.idx.msk $0xffff, v5  }
0x28f: {  	v4 =	vadd.s32 v3, v4;
	v5 =	vld [tilespmem:s5+$0xD430];
	_ =	sdelay $0x2  }
0x290: {  	s10 =	sadd.s32 $0x2, s21  }
0x291: {  	v6 =	vmov s10  }
0x292: {  	[tilespmem:v4+s1+$0x0] =	vst.idx.msk $0xffff, v5;
	v4 =	vand.u32 $0x7E, v6  }
0x293: {  	v5 =	vld [tilespmem:s5+$0xC440];
	v6 =	vadd.s32 v0, v4;
	_ =	sdelay $0x4  }
0x294: {  	[tilespmem:v6+s1+$0x0] =	vst.idx.msk $0xffff, v5  }
0x295: {  	v6 =	vadd.s32 v1, v4;
	v5 =	vld [tilespmem:s5+$0xC450];
	_ =	sdelay $0x4  }
0x296: {  	[tilespmem:v6+s1+$0x0] =	vst.idx.msk $0xffff, v5  }
0x297: {  	v6 =	vadd.s32 v2, v4;
	v5 =	vld [tilespmem:s5+$0xD440];
	_ =	sdelay $0x4  }
0x298: {  	[tilespmem:v6+s1+$0x0] =	vst.idx.msk $0xffff, v5  }
0x299: {  	v4 =	vadd.s32 v3, v4;
	v5 =	vld [tilespmem:s5+$0xD450];
	_ =	sdelay $0x2  }
0x29a: {  	s10 =	sadd.s32 $0x3, s21  }
0x29b: {  	v6 =	vmov s10  }
0x29c: {  	[tilespmem:v4+s1+$0x0] =	vst.idx.msk $0xffff, v5;
	v5 =	vand.u32 $0x7F, v6  }
0x29d: {  	v4 =	vld [tilespmem:s5+$0xC460];
	v6 =	vadd.s32 v0, v5;
	_ =	sdelay $0x4  }
0x29e: {  	[tilespmem:v6+s1+$0x0] =	vst.idx.msk $0xffff, v4  }
0x29f: {  	v6 =	vadd.s32 v1, v5;
	v4 =	vld [tilespmem:s5+$0xC470];
	_ =	sdelay $0x4  }
0x2a0: {  	[tilespmem:v6+s1+$0x0] =	vst.idx.msk $0xffff, v4  }
0x2a1: {  	v6 =	vadd.s32 v2, v5;
	v4 =	vld [tilespmem:s5+$0xD460];
	_ =	sdelay $0x4  }
0x2a2: {  	[tilespmem:v6+s1+$0x0] =	vst.idx.msk $0xffff, v4  }
.Ltmp11:
0x2a3: {  	v5 =	vadd.s32 v3, v5;
	v4 =	vld [tilespmem:s5+$0xD470];
	(pc) =	sbr.rel @p1 .LBB2_19-.Ltmp11, $3  }
0x2a4: {  	_ =	sdelay $0x1  }
0x2a5: {  	s21 =	sadd.s32 $0x4, s21  }
0x2a6: {  	s23 =	sadd.s32 $0x200, s23;
	v6 =	vmov s21  }
0x2a7: {  	_ =	sdelay $0x3  }
0x2a8: {  	s5 =	sshra.s32 s22, $0x2;
	v6 =	vand.u32 $0x7C, v6;
	[tilespmem:v5+s1+$0x0] =	vst.idx.msk $0xffff, v4  }
0x2a9: {  	v4 =	vld [tilespmem:s5+$0xC400];
	v5 =	vadd.s32 v0, v6;
	_ =	sdelay $0x4  }
0x2aa: {  	[tilespmem:v5+s1+$0x0] =	vst.idx.msk $0xffff, v4  }
0x2ab: {  	v5 =	vadd.s32 v1, v6;
	v4 =	vld [tilespmem:s5+$0xC410];
	_ =	sdelay $0x4  }
0x2ac: {  	[tilespmem:v5+s1+$0x0] =	vst.idx.msk $0xffff, v4  }
0x2ad: {  	v5 =	vadd.s32 v2, v6;
	v4 =	vld [tilespmem:s5+$0xD400];
	_ =	sdelay $0x4  }
0x2ae: {  	[tilespmem:v5+s1+$0x0] =	vst.idx.msk $0xffff, v4  }
0x2af: {  	v5 =	vadd.s32 v3, v6;
	v4 =	vld [tilespmem:s5+$0xD410];
	_ =	sdelay $0x2  }
0x2b0: {  	s10 =	sadd.s32 $0x1, s21  }
0x2b1: {  	v55 =	vmov s10  }
0x2b2: {  	[tilespmem:v5+s1+$0x0] =	vst.idx.msk $0xffff, v4;
	v4 =	vand.u32 $0x7D, v55  }
0x2b3: {  	v5 =	vld [tilespmem:s5+$0xC420];
	v6 =	vadd.s32 v0, v4;
	_ =	sdelay $0x4  }
0x2b4: {  	[tilespmem:v6+s1+$0x0] =	vst.idx.msk $0xffff, v5  }
0x2b5: {  	v56 =	vadd.s32 v1, v4;
	v5 =	vld [tilespmem:s5+$0xC430];
	_ =	sdelay $0x4  }
0x2b6: {  	[tilespmem:v56+s1+$0x0] =	vst.idx.msk $0xffff, v5  }
0x2b7: {  	v57 =	vadd.s32 v2, v4;
	v5 =	vld [tilespmem:s5+$0xD420];
	_ =	sdelay $0x4  }
0x2b8: {  	[tilespmem:v57+s1+$0x0] =	vst.idx.msk $0xffff, v5  }
0x2b9: {  	v4 =	vadd.s32 v3, v4;
	v5 =	vld [tilespmem:s5+$0xD430];
	_ =	sdelay $0x2  }
0x2ba: {  	s22 =	sadd.s32 $0x2, s21  }
0x2bb: {  	v58 =	vmov s22  }
0x2bc: {  	[tilespmem:v4+s1+$0x0] =	vst.idx.msk $0xffff, v5;
	v4 =	vand.u32 $0x7E, v58  }
0x2bd: {  	v5 =	vld [tilespmem:s5+$0xC440];
	v6 =	vadd.s32 v0, v4;
	_ =	sdelay $0x4  }
0x2be: {  	[tilespmem:v6+s1+$0x0] =	vst.idx.msk $0xffff, v5  }
0x2bf: {  	v59 =	vadd.s32 v1, v4;
	v5 =	vld [tilespmem:s5+$0xC450];
	_ =	sdelay $0x4  }
0x2c0: {  	[tilespmem:v59+s1+$0x0] =	vst.idx.msk $0xffff, v5  }
0x2c1: {  	v60 =	vadd.s32 v2, v4;
	v5 =	vld [tilespmem:s5+$0xD440];
	_ =	sdelay $0x4  }
0x2c2: {  	[tilespmem:v60+s1+$0x0] =	vst.idx.msk $0xffff, v5  }
0x2c3: {  	v4 =	vadd.s32 v3, v4;
	v5 =	vld [tilespmem:s5+$0xD450];
	_ =	sdelay $0x2  }
0x2c4: {  	s23 =	sadd.s32 $0x3, s21  }
0x2c5: {  	v61 =	vmov s23  }
0x2c6: {  	[tilespmem:v4+s1+$0x0] =	vst.idx.msk $0xffff, v5;
	v4 =	vand.u32 $0x7F, v61  }
0x2c7: {  	v5 =	vld [tilespmem:s5+$0xC460];
	v6 =	vadd.s32 v0, v4;
	_ =	sdelay $0x4  }
0x2c8: {  	[tilespmem:v6+s1+$0x0] =	vst.idx.msk $0xffff, v5  }
0x2c9: {  	v62 =	vadd.s32 v1, v4;
	v5 =	vld [tilespmem:s5+$0xC470];
	_ =	sdelay $0x4  }
0x2ca: {  	[tilespmem:v62+s1+$0x0] =	vst.idx.msk $0xffff, v5  }
0x2cb: {  	v63 =	vadd.s32 v2, v4;
	v5 =	vld [tilespmem:s5+$0xD460];
	_ =	sdelay $0x4  }
0x2cc: {  	[tilespmem:v63+s1+$0x0] =	vst.idx.msk $0xffff, v5  }
0x2cd: {  	v4 =	vadd.s32 v3, v4;
	v5 =	vld [tilespmem:s5+$0xD470];
	_ =	sdelay $0x4  }
0x2ce: {  	s11 =	sadd.s32 s20, s9;
	s25 =	simm.s32 $0x10600;
	[tilespmem:v4+s1+$0x0] =	vst.idx.msk $0xffff, v5  }
0x2cf: {  	[hbm4b:s11+s3] =	stream.linear.scatter [tilespmem:s25], [sflag:$0x6], $0x80, $0x38;
	[tilespmem:$0x12800] =	vst v63  }
0x2d0: {  	s10 =	simm.s32 $0x10688;
	s20 =	sadd.s32 $0x10, s11  }
0x2d1: {  	[hbm4b:s20+s3] =	stream.linear.scatter [tilespmem:s10], [sflag:$0x6], $0x80, $0x38;
	[tilespmem:$0x12800] =	vst v63  }
0x2d2: {  	s21 =	simm.s32 $0x10710;
	s22 =	sadd.s32 $0x20, s11;
	s23 =	simm.s32 $0x10798  }
0x2d3: {  	[hbm4b:s22+s3] =	stream.linear.scatter [tilespmem:s21], [sflag:$0x6], $0x80, $0x38;
	[tilespmem:$0x12800] =	vst v63  }
0x2d4: {  	s5 =	simm.s32 $0x440;
	s25 =	sadd.s32 $0x30, s11;
	s10 =	simm.s32 $0x10820  }
0x2d5: {  	[hbm4b:s25+s3] =	stream.linear.scatter [tilespmem:s23], [sflag:$0x6], $0x80, $0x38;
	[tilespmem:$0x12800] =	vst v63  }
0x2d6: {  	s20 =	sadd.s32 $0x40, s11;
	s21 =	simm.s32 $0x108A8;
	s22 =	sadd.s32 $0x50, s11  }
0x2d7: {  	[hbm4b:s20+s3] =	stream.linear.scatter [tilespmem:s10], [sflag:$0x6], $0x80, $0x38;
	[tilespmem:$0x12800] =	vst v63  }
0x2d8: {  	s23 =	simm.s32 $0x10930;
	s25 =	sadd.s32 $0x60, s11;
	s10 =	sadd.s32 $0x70, s11  }
0x2d9: {  	[hbm4b:s22+s3] =	stream.linear.scatter [tilespmem:s21], [sflag:$0x6], $0x80, $0x38;
	[tilespmem:$0x12800] =	vst v63  }
0x2da: {  	s20 =	sadd.s32 $0x1000, s11;
	s21 =	simm.s32 $0x2200;
	s22 =	simm.s32 $0x109B8  }
0x2db: {  	[hbm4b:s25+s3] =	stream.linear.scatter [tilespmem:s23], [sflag:$0x6], $0x80, $0x38;
	[tilespmem:$0x12800] =	vst v63  }
.LBB2_21:
0x2dc: {  	[hbm4b:s10+s3] =	stream.linear.scatter [tilespmem:s22], [sflag:$0x6], $0x80, $0x38;
	[tilespmem:$0x12800] =	vst v63  }
0x2dd: {  	s10 =	smov.u32 s5;
	s5 =	smov.u32 s21  }
0x2de: {  	s11 =	sadd.s32 $0x1100, s21;
	s5 =	sshra.s32 s5, $0x2;
	s22 =	sadd.s32 $0x10600, s10  }
0x2df: {  	[hbm4b:s20+s3] =	stream.linear.scatter [tilespmem:s22], [sflag:$0x6], $0x80, $0x38;
	[tilespmem:$0x12800] =	vst v63  }
0x2e0: {  	p1 =	sne.s32 s21, $0x7700;
	s21 =	sadd.s32 $0x10688, s10;
	s22 =	sadd.s32 $0x10, s20  }
0x2e1: {  	[hbm4b:s22+s3] =	stream.linear.scatter [tilespmem:s21], [sflag:$0x6], $0x80, $0x38;
	[tilespmem:$0x12800] =	vst v63  }
0x2e2: {  	s21 =	sadd.s32 $0x10710, s10;
	s22 =	sadd.s32 $0x20, s20  }
0x2e3: {  	[hbm4b:s22+s3] =	stream.linear.scatter [tilespmem:s21], [sflag:$0x6], $0x80, $0x38;
	[tilespmem:$0x12800] =	vst v63  }
0x2e4: {  	s21 =	sadd.s32 $0x10798, s10;
	s22 =	sadd.s32 $0x30, s20  }
0x2e5: {  	[hbm4b:s22+s3] =	stream.linear.scatter [tilespmem:s21], [sflag:$0x6], $0x80, $0x38;
	[tilespmem:$0x12800] =	vst v63  }
0x2e6: {  	s21 =	sadd.s32 $0x10820, s10;
	s22 =	sadd.s32 $0x40, s20  }
0x2e7: {  	[hbm4b:s22+s3] =	stream.linear.scatter [tilespmem:s21], [sflag:$0x6], $0x80, $0x38;
	[tilespmem:$0x12800] =	vst v63  }
0x2e8: {  	s21 =	sadd.s32 $0x108A8, s10;
	s22 =	sadd.s32 $0x50, s20  }
0x2e9: {  	[hbm4b:s22+s3] =	stream.linear.scatter [tilespmem:s21], [sflag:$0x6], $0x80, $0x38;
	[tilespmem:$0x12800] =	vst v63  }
.Ltmp12:
0x2ea: {  	_ = 	snop;
	(pc) =	sbr.rel @p1 .LBB2_21-.Ltmp12, $4  }
0x2eb: {  	s21 =	sadd.s32 $0x10930, s10;
	s22 =	sadd.s32 $0x60, s20  }
0x2ec: {  	[hbm4b:s22+s3] =	stream.linear.scatter [tilespmem:s21], [sflag:$0x6], $0x80, $0x38;
	[tilespmem:$0x12800] =	vst v63  }
0x2ed: {  	s22 =	sadd.s32 $0x109B8, s10  }
0x2ee: {  	s10 =	sadd.s32 $0x70, s20;
	s20 =	sadd.s32 $0x1000, s20;
	s21 =	smov.u32 s11  }
0x2ef: {  	[hbm4b:s10+s3] =	stream.linear.scatter [tilespmem:s22], [sflag:$0x6], $0x80, $0x38;
	[tilespmem:$0x12800] =	vst v63  }
0x2f0: {  	s23 =	sadd.s32 $0x10600, s5  }
0x2f1: {  	[hbm4b:s20+s3] =	stream.linear.scatter [tilespmem:s23], [sflag:$0x6], $0x80, $0x38;
	[tilespmem:$0x12800] =	vst v63  }
0x2f2: {  	s25 =	sadd.s32 $0x10688, s5;
	s11 =	sadd.s32 $0x10, s20  }
0x2f3: {  	[hbm4b:s11+s3] =	stream.linear.scatter [tilespmem:s25], [sflag:$0x6], $0x80, $0x38;
	[tilespmem:$0x12800] =	vst v63  }
0x2f4: {  	s21 =	sadd.s32 $0x10710, s5;
	s22 =	sadd.s32 $0x20, s20  }
0x2f5: {  	[hbm4b:s22+s3] =	stream.linear.scatter [tilespmem:s21], [sflag:$0x6], $0x80, $0x38;
	[tilespmem:$0x12800] =	vst v63  }
0x2f6: {  	s23 =	sadd.s32 $0x10798, s5;
	s25 =	sadd.s32 $0x30, s20  }
0x2f7: {  	[hbm4b:s25+s3] =	stream.linear.scatter [tilespmem:s23], [sflag:$0x6], $0x80, $0x38;
	[tilespmem:$0x12800] =	vst v63  }
0x2f8: {  	s21 =	sadd.s32 $0x10820, s5;
	s22 =	sadd.s32 $0x40, s20  }
0x2f9: {  	[hbm4b:s22+s3] =	stream.linear.scatter [tilespmem:s21], [sflag:$0x6], $0x80, $0x38;
	[tilespmem:$0x12800] =	vst v63  }
0x2fa: {  	s23 =	sadd.s32 $0x108A8, s5;
	s25 =	sadd.s32 $0x50, s20  }
0x2fb: {  	[hbm4b:s25+s3] =	stream.linear.scatter [tilespmem:s23], [sflag:$0x6], $0x80, $0x38;
	[tilespmem:$0x12800] =	vst v63  }
.Ltmp13:
0x2fc: {  	_ = 	snop;
	(pc) =	sbr.rel @p0 .LBB2_24-.Ltmp13, $4  }
0x2fd: {  	s21 =	sadd.s32 $0x10930, s5;
	s22 =	sadd.s32 $0x60, s20  }
0x2fe: {  	[hbm4b:s22+s3] =	stream.linear.scatter [tilespmem:s21], [sflag:$0x6], $0x80, $0x38;
	[tilespmem:$0x12800] =	vst v63  }
0x2ff: {  	s23 =	sadd.s32 $0x109B8, s5;
	s25 =	sadd.s32 $0x70, s20  }
0x300: {  	[hbm4b:s25+s3] =	stream.linear.scatter [tilespmem:s23], [sflag:$0x6], $0x80, $0x38;
	[tilespmem:$0x12800] =	vst v63  }
.Ltmp14:
0x301: {  	s5 =	sshrl.u32 s19, $0x2;
	(pc) =	sbr.rel .LBB2_2-.Ltmp14, $4  }
0x302: {  	s10 =	sadd.s32 $0x700, s5  }
0x303: {  	[tilespmem:s24], [sflag:$0x4] =	stream.indirect.gather [hbm4b:s4+s12], $0x20, s10, s12, $0xb8;
	[tilespmem:$0x12800] =	vst v63  }
0x304: {  	s18 =	sadd.s32 $0x1, s18;
	s5 =	sadd.s32 $0x780, s5  }
0x305: {  	[tilespmem:s26], [sflag:$0x4] =	stream.indirect.gather [hbm4b:s4+s12], $0x20, s5, s12, $0xb8;
	[tilespmem:$0x12800] =	vst v63  }
.LBB2_25:
0x306: {  	_ =	sfence.sel $0x180000  }
0x307: {  	[bflag:$0x0] =	sbarrier.arrive $0xFFFF  }
0x308: {  	_ =	strace $0x9000004A  }
0x309: {  	s0 =	stileid.u32;
	[bflag:$0x2] =	sbarrier.arrive $0xFFFF  }
0x30a: {  	p0 =	sne.s32 s0, $0x0;
	s0 =	rddreg [dreg:$0x2]  }
0x30b: {  	s0 =	sadd.s32 @!p0 $0x100000, s0  }
0x30c: {  	[sflag:s0] =	ssyncadd.tile.s32 @!p0 $0x1;
	_ =	shalt  }
.Lfunc_end2:
_tile_overlayer_lowered:
.L_overlay_start_2:
0x30d: {  	(tag) =	ssettag $0x2  }
0x30e: {  	s0 =	rddreg [dreg:$0x0];
	s2 =	stileid.u32  }
0x30f: {  	s1 =	rddreg [dreg:$0x1];
	p0 =	sne.s32 s2, $0x0  }
0x310: {  	s3 =	rddreg [dreg:$0x2];
	[bflag:$0x3] =	sbarrier.arrive $0xFFFF;
	s2 =	simm.s32 @!p0 $0x1C07  }
0x311: {  	[timem:s3], [sflag:s2] =	dma.local @!p0 [hbm:s0], s1  }
0x312: {  	s0 =	simm.s32 @!p0 $0x7  }
0x313: {  	_ =	swait.ge @!p0 [sflag:s0], s1  }
0x314: {  	s1 =	ssub.s32 @!p0 $0x0, s1;
	[sflag:s0] =	ssyncset.done @!p0 $0x0  }
0x315: {  	[sflag:s0] =	ssyncadd.s32 @!p0 s1  }
0x316: {  	[bflag:$0x3] =	sbarrier.arrive $0xFFFF  }
0x317: {  	_ =	shalt  }

</sc_bundles>
